<compile_context>
chip_gen: v7x
topology: tpu7x:2x2x1
jax: 0.10.2.dev20260603
libtpu: 0.0.44.dev20260713+nightly
codegen_flags: <defaults>
</compile_context>

<pallas_src>
import jax
import jax.numpy as jnp
from jax import lax
from jax.experimental import pallas as pl
from jax.experimental.pallas import tpu as pltpu
from jax.experimental.pallas import tpu_sc as plsc


def _take16(a, idx):
    return lax.gather(
        a, idx[:, None],
        dimension_numbers=lax.GatherDimensionNumbers(
            offset_dims=(), collapsed_slice_dims=(0,), start_index_map=(0,)),
        slice_sizes=(1,),
        mode=lax.GatherScatterMode.PROMISE_IN_BOUNDS)


M = 100000
D = 128
B = 16384
CAP = 3200
CAP_LAST = M - 31 * CAP
LISTPAD = 160
KSHIFT = 14
CROWS = 80
NVREG = B // 16


def _body(bimg, lab_r, rep_r, last_r, keys, vals, xs, ys, oimg,
          keys_v, vals_v, y_v, win_v, lab_v, rep_v, last_v, dl_v, vl_v,
          cbuf, sem_in, sem_in2, sem_cg, sem_cs, sem_g, sem_s):
    cid = lax.axis_index("c")
    sid = lax.axis_index("s")
    wid = sid * 2 + cid
    base = wid * CAP
    lanes = lax.iota(jnp.int32, 16)
    neg1 = jnp.full((16,), -1, jnp.int32)
    zero16 = jnp.zeros((16,), jnp.int32)

    def work(cap):
        nchunk = cap // CROWS
        scan_per = NVREG // nchunk
        scan_tail = NVREG - nchunk * scan_per

        with jax.named_scope("ph_pre"):
            kcp = pltpu.async_copy(keys, keys_v, sem_in)
            stage2 = [
                pltpu.async_copy(vals, vals_v, sem_in2),
                pltpu.async_copy(ys, y_v, sem_in2),
                pltpu.async_copy(lab_r.at[pl.ds(base, cap)],
                                 lab_v.at[pl.ds(0, cap)], sem_in2),
                pltpu.async_copy(rep_r.at[pl.ds(base, cap)],
                                 rep_v.at[pl.ds(0, cap)], sem_in2),
                pltpu.async_copy(last_r.at[pl.ds(base, cap)],
                                 last_v.at[pl.ds(0, cap)], sem_in2),
            ]
            pltpu.async_copy(bimg.at[pl.ds(base, CROWS)], cbuf.at[0], sem_cg)
            pltpu.async_copy(bimg.at[pl.ds(base + CROWS, CROWS)], cbuf.at[1],
                             sem_cg)
            kcp.wait()

            def init_body(j, c):
                win_v[pl.ds(j * 16, 16)] = neg1
                return c
            lax.fori_loop(0, cap // 16, init_body, 0)

        def scan_body(j, c):
            k = keys_v[pl.ds(j * 16, 16)]
            comb = (k << KSHIFT) | (lanes + j * 16)
            sc = lax.sort(comb, dimension=0)
            sk = sc >> KSHIFT
            sp = sc & ((1 << KSHIFT) - 1)
            nxt = _take16(sk, jnp.minimum(lanes + 1, 15))
            keep = (nxt != sk) | (lanes == 15)
            inr = (sk >= base) & (sk < base + cap)
            valid = keep & inr
            loc = jnp.where(valid, sk - base, 0)
            cur = plsc.load_gather(win_v, [loc])
            plsc.store_scatter(win_v, [loc], jnp.maximum(cur, sp), mask=valid)
            return c

        def _drain(sem):
            pltpu.make_async_copy(bimg.at[pl.ds(base, CROWS)],
                                  cbuf.at[0], sem).wait()

        def outer_body(s, c):
            def inner(t, c2):
                return scan_body(s * scan_per + t, c2)
            lax.fori_loop(0, scan_per, inner, 0)
            b = lax.rem(s, 4)
            _drain(sem_cg)
            pltpu.async_copy(cbuf.at[b], oimg.at[pl.ds(base + s * CROWS,
                                                       CROWS)], sem_cs)

            @pl.when(s + 2 < nchunk)
            def _():
                @pl.when(s >= 2)
                def _():
                    _drain(sem_cs)
                pltpu.async_copy(bimg.at[pl.ds(base + (s + 2) * CROWS,
                                               CROWS)],
                                 cbuf.at[lax.rem(s + 2, 4)], sem_cg)
            return c
        with jax.named_scope("ph_scan_copy"):
            lax.fori_loop(0, nchunk, outer_body, 0)

            def tail(t, c2):
                return scan_body(nchunk * scan_per + t, c2)
            lax.fori_loop(0, scan_tail, tail, 0)

        with jax.named_scope("ph_mid"):
            for c in stage2:
                c.wait()

        def comp_body(j, cnt):
            w = win_v[pl.ds(j * 16, 16)]
            m = w >= 0
            r = lanes + j * 16
            wsafe = jnp.where(m, w, 0)
            val = plsc.load_gather(vals_v, [wsafe])
            lab = plsc.load_gather(y_v, [jnp.where(m, val, 0)])
            plsc.store_scatter(lab_v, [r], lab, mask=m)
            plsc.store_scatter(rep_v, [r], zero16, mask=m)
            plsc.store_scatter(last_v, [r], zero16, mask=m)
            plsc.store_compressed(dl_v.at[pl.ds(cnt, 16)], r + base, mask=m)
            plsc.store_compressed(vl_v.at[pl.ds(cnt, 16)], val, mask=m)
            return cnt + jnp.sum(jnp.where(m, 1, 0))
        with jax.named_scope("ph_compact"):
            cnt = lax.fori_loop(0, cap // 16, comp_body, jnp.int32(0))

        @pl.when(cnt > 0)
        def _pad():
            zi = jnp.zeros((16,), jnp.int32)
            d0 = _take16(dl_v[pl.ds(0, 16)], zi)
            v0 = _take16(vl_v[pl.ds(0, 16)], zi)

            def pad_body(p, c):
                idxs = cnt + p * 16 + lanes
                plsc.store_scatter(dl_v, [idxs], d0)
                plsc.store_scatter(vl_v, [idxs], v0)
                return c
            lax.fori_loop(0, 8, pad_body, 0)

        _drain(sem_cs)
        _drain(sem_cs)
        _drain(sem_cs)
        _drain(sem_cs)

        nch4 = jnp.maximum((cnt + 63) // 64, 2) * 4

        def _rbuf(k):
            b = lax.rem(k, 16)
            return cbuf.at[b // 5, pl.ds(lax.rem(b, 5) * 16, 16)]

        def _fire_g(kk):
            vvec = vl_v[pl.ds(kk * 16, 16)]
            pltpu.async_copy(xs.at[vvec], _rbuf(kk), sem_g)

        def _drain_row(sem):
            pltpu.make_async_copy(xs.at[pl.ds(0, 16)], _rbuf(0), sem).wait()

        def chunk_body(kk, c):
            _drain_row(sem_g)
            dvec = dl_v[pl.ds(kk * 16, 16)]
            pltpu.async_copy(_rbuf(kk), oimg.at[dvec], sem_s)

            @pl.when(kk >= 8)
            def _():
                _drain_row(sem_s)

            @pl.when(kk + 8 < nch4)
            def _():
                _fire_g(kk + 8)
            return c

        with jax.named_scope("ph_rowdma"):
            @pl.when(cnt > 0)
            def _rowdma():
                for p in range(8):
                    _fire_g(p)
                lax.fori_loop(0, nch4, chunk_body, 0)
                for p in range(8):
                    _drain_row(sem_s)

        with jax.named_scope("ph_stage_out"):
            pltpu.sync_copy(lab_v.at[pl.ds(0, cap)],
                            lab_r.at[pl.ds(base, cap)])
            pltpu.sync_copy(rep_v.at[pl.ds(0, cap)],
                            rep_r.at[pl.ds(base, cap)])
            pltpu.sync_copy(last_v.at[pl.ds(0, cap)],
                            last_r.at[pl.ds(base, cap)])

    @pl.when(wid < 31)
    def _full():
        work(CAP)

    @pl.when(wid == 31)
    def _last():
        work(CAP_LAST)


_mesh = plsc.VectorSubcoreMesh(core_axis_name="c", subcore_axis_name="s")

_sc_overwrite = pl.kernel(
    _body,
    out_type=(jax.ShapeDtypeStruct((M, D), jnp.float32),),
    mesh=_mesh,
    compiler_params=pltpu.CompilerParams(needs_layout_passes=False),
    scratch_types=(
        pltpu.VMEM((B,), jnp.int32),
        pltpu.VMEM((B,), jnp.int32),
        pltpu.VMEM((B,), jnp.int32),
        pltpu.VMEM((CAP,), jnp.int32),
        pltpu.VMEM((CAP,), jnp.int32),
        pltpu.VMEM((CAP,), jnp.int32),
        pltpu.VMEM((CAP,), jnp.int32),
        pltpu.VMEM((CAP + LISTPAD,), jnp.int32),
        pltpu.VMEM((CAP + LISTPAD,), jnp.int32),
        pltpu.VMEM((4, CROWS, D), jnp.float32),
        pltpu.SemaphoreType.DMA,
        pltpu.SemaphoreType.DMA,
        pltpu.SemaphoreType.DMA,
        pltpu.SemaphoreType.DMA,
        pltpu.SemaphoreType.DMA,
        pltpu.SemaphoreType.DMA,
    ),
)


def kernel(buffer_img, buffer_label, buffer_replay_times, buffer_last_replay,
           idx_keys, idx_vals, x, y):
    lab_ref = jax.new_ref(buffer_label.astype(jnp.int32))
    rep_ref = jax.new_ref(buffer_replay_times.astype(jnp.int32))
    last_ref = jax.new_ref(buffer_last_replay.astype(jnp.int32))
    out_img, = _sc_overwrite(buffer_img, lab_ref, rep_ref, last_ref,
                             idx_keys.astype(jnp.int32),
                             idx_vals.astype(jnp.int32),
                             x,
                             y.astype(jnp.int32))
    return (out_img,
            jax.freeze(lab_ref).astype(buffer_label.dtype),
            jax.freeze(rep_ref).astype(buffer_replay_times.dtype),
            jax.freeze(last_ref).astype(buffer_last_replay.dtype))

# --- scband reference (transcript-rebuilt; emitter-appended) ---
"""Pipeline reference for scband-buffer-36696200577596 (READ-ONLY COPY).

The authoritative reference and input builder live on the scoring server;
editing this copy changes nothing except your own understanding.
"""

import jax, jax.numpy as jnp
import numpy as np


def setup_inputs(seed: int = 0) -> dict:
    key = jax.random.key(seed)
    ks = jax.random.split(key, 8)
    M, d, B = 100000, 128, 16384
    buffer_img = jax.random.normal(ks[0], (M, d), dtype=jnp.float32)
    buffer_label = jax.random.randint(ks[1], (M,), 0, 100, dtype=jnp.int64)
    buffer_replay_times = jax.random.randint(ks[2], (M,), 0, 50, dtype=jnp.int64)
    buffer_last_replay = jax.random.randint(ks[3], (M,), 0, 50, dtype=jnp.int64)
    idx_keys = jax.random.randint(ks[4], (B,), 0, M, dtype=jnp.int64)
    idx_vals = jax.random.randint(ks[5], (B,), 0, B, dtype=jnp.int64)
    x = jax.random.normal(ks[6], (B, d), dtype=jnp.float32)
    y = jax.random.randint(ks[7], (B,), 0, 100, dtype=jnp.int64)
    return {
        'buffer_img': buffer_img,
        'buffer_label': buffer_label,
        'buffer_replay_times': buffer_replay_times,
        'buffer_last_replay': buffer_last_replay,
        'idx_keys': idx_keys,
        'idx_vals': idx_vals,
        'x': x,
        'y': y,
    }


def reference(buffer_img, buffer_label, buffer_replay_times, buffer_last_replay,
              idx_keys, idx_vals, x, y):
    # Faithful translation of Buffer.overwrite(idx_map, x, y):
    #   for i in idx_map.keys():
    #       buffer_replay_times[i] = 0; buffer_last_replay[i] = 0
    #   buffer_img[keys]   = x[values]
    #   buffer_label[keys] = y[values]
    new_replay_times = buffer_replay_times.at[idx_keys].set(0)
    new_last_replay = buffer_last_replay.at[idx_keys].set(0)
    gathered_x = jnp.take(x, idx_vals, axis=0)
    gathered_y = jnp.take(y, idx_vals, axis=0)
    new_img = buffer_img.at[idx_keys].set(gathered_x)
    new_label = buffer_label.at[idx_keys].set(gathered_y)
    return (new_img, new_label, new_replay_times, new_last_replay)

if __name__ == "__main__":
    import jax
    _d = setup_inputs()
    print(jax.jit(kernel)(*tuple(_d.values())))

</pallas_src>

<mosaic_0001>
#map = affine_map<(d0, d1) -> (0, 0)>
#map1 = affine_map<(d0, d1) -> (0)>
module attributes {stable_mosaic.version = 14 : i64} {
  func.func @new_body(%arg0: i32, %arg1: i32, %arg2: memref<100000x128xf32, #tpu.memory_space<hbm>>, %arg3: memref<100000xi32, #tpu.memory_space<hbm>>, %arg4: memref<100000xi32, #tpu.memory_space<hbm>>, %arg5: memref<100000xi32, #tpu.memory_space<hbm>>, %arg6: memref<16384xi32, #tpu.memory_space<hbm>>, %arg7: memref<16384xi32, #tpu.memory_space<hbm>>, %arg8: memref<16384x128xf32, #tpu.memory_space<hbm>>, %arg9: memref<16384xi32, #tpu.memory_space<hbm>>, %arg10: memref<100000x128xf32, #tpu.memory_space<hbm>>, %arg11: memref<100000xi32, #tpu.memory_space<hbm>>, %arg12: memref<100000xi32, #tpu.memory_space<hbm>>, %arg13: memref<100000xi32, #tpu.memory_space<hbm>>, %arg14: memref<16384xi32, #tpu.memory_space<vmem>>, %arg15: memref<16384xi32, #tpu.memory_space<vmem>>, %arg16: memref<16384xi32, #tpu.memory_space<vmem>>, %arg17: memref<3200xi32, #tpu.memory_space<vmem>>, %arg18: memref<3200xi32, #tpu.memory_space<vmem>>, %arg19: memref<3200xi32, #tpu.memory_space<vmem>>, %arg20: memref<3200xi32, #tpu.memory_space<vmem>>, %arg21: memref<3360xi32, #tpu.memory_space<vmem>>, %arg22: memref<3360xi32, #tpu.memory_space<vmem>>, %arg23: memref<4x80x128xf32, #tpu.memory_space<vmem>>, %arg24: memref<!tpu.dma_semaphore, #tpu.memory_space<semaphore_mem>>, %arg25: memref<!tpu.dma_semaphore, #tpu.memory_space<semaphore_mem>>, %arg26: memref<!tpu.dma_semaphore, #tpu.memory_space<semaphore_mem>>, %arg27: memref<!tpu.dma_semaphore, #tpu.memory_space<semaphore_mem>>, %arg28: memref<!tpu.dma_semaphore, #tpu.memory_space<semaphore_mem>>, %arg29: memref<!tpu.dma_semaphore, #tpu.memory_space<semaphore_mem>>) attributes {dimension_semantics = [#tpu.dimension_semantics<core_parallel>, #tpu.dimension_semantics<subcore_parallel>], iteration_bounds = array<i64: 2, 16>, scalar_prefetch = 0 : i64, scratch_operands = 16 : i64, tpu.core_type = #tpu.core_type<sc_vector_subcore>, window_params = [{transform_indices = #map}, {transform_indices = #map1}, {transform_indices = #map1}, {transform_indices = #map1}, {transform_indices = #map1}, {transform_indices = #map1}, {transform_indices = #map}, {transform_indices = #map1}, {transform_indices = #map}, {transform_indices = #map1}, {transform_indices = #map1}, {transform_indices = #map1}]} {
    %mul3A = arith.constant 2 : i32
    %mul3A_0 = arith.muli %arg1, %mul3A : i32
    %add3A = arith.addi %mul3A_0, %arg0 : i32
    %mul3A_1 = arith.constant 3200 : i32
    %mul3A_2 = arith.muli %add3A, %mul3A_1 : i32
    %iota3A = tpu.iota {dimensions = array<i32: 0>} : vector<16xi32>
    %broadcast_in_dim3A = arith.constant -1 : i32
    %broadcast_in_dim3A_3 = vector.broadcast %broadcast_in_dim3A : i32 to vector<16xi32>
    %broadcast_in_dim3A_4 = arith.constant 0 : i32
    %broadcast_in_dim3A_5 = vector.broadcast %broadcast_in_dim3A_4 : i32 to vector<16xi32>
    %lt3A = arith.constant 31 : i32
    %lt3A_6 = arith.cmpi slt, %add3A, %lt3A : i32
    %convert_element_type3A = arith.extui %lt3A_6 : i1 to i32
    %cond3A = arith.constant 0 : i32
    %cond3A_7 = arith.cmpi ne, %convert_element_type3A, %cond3A : i32
    scf.if %cond3A_7 {
      "tpu.trace_start"() <{level = 10 : i32, message = "ph_pre"}> : () -> ()
      tpu.enqueue_dma source(%arg6 : memref<16384xi32, #tpu.memory_space<hbm>>) target(%arg14 : memref<16384xi32, #tpu.memory_space<vmem>>) target_semaphore(%arg24 : memref<!tpu.dma_semaphore, #tpu.memory_space<semaphore_mem>>)
      tpu.enqueue_dma source(%arg7 : memref<16384xi32, #tpu.memory_space<hbm>>) target(%arg15 : memref<16384xi32, #tpu.memory_space<vmem>>) target_semaphore(%arg25 : memref<!tpu.dma_semaphore, #tpu.memory_space<semaphore_mem>>)
      tpu.enqueue_dma source(%arg9 : memref<16384xi32, #tpu.memory_space<hbm>>) target(%arg16 : memref<16384xi32, #tpu.memory_space<vmem>>) target_semaphore(%arg25 : memref<!tpu.dma_semaphore, #tpu.memory_space<semaphore_mem>>)
      %dma_start3A = arith.constant 0 : i32
      %dma_start3A_12 = tpu.memref_slice %arg18[%dma_start3A] : memref<3200xi32, #tpu.memory_space<vmem>> -> memref<3200xi32, #tpu.memory_space<vmem>>
      %dma_start3A_13 = tpu.memref_slice %arg3[%mul3A_2] : memref<100000xi32, #tpu.memory_space<hbm>> -> memref<3200xi32, #tpu.memory_space<hbm>>
      %dma_start3A_14 = arith.constant 0 : i32
      %dma_start3A_15 = tpu.memref_slice %arg18[%dma_start3A_14] : memref<3200xi32, #tpu.memory_space<vmem>> -> memref<3200xi32, #tpu.memory_space<vmem>>
      %dma_start3A_16 = tpu.memref_slice %arg3[%mul3A_2] : memref<100000xi32, #tpu.memory_space<hbm>> -> memref<3200xi32, #tpu.memory_space<hbm>>
      tpu.enqueue_dma source(%dma_start3A_16 : memref<3200xi32, #tpu.memory_space<hbm>>) target(%dma_start3A_15 : memref<3200xi32, #tpu.memory_space<vmem>>) target_semaphore(%arg25 : memref<!tpu.dma_semaphore, #tpu.memory_space<semaphore_mem>>)
      %dma_start3A_17 = arith.constant 0 : i32
      %dma_start3A_18 = tpu.memref_slice %arg19[%dma_start3A_17] : memref<3200xi32, #tpu.memory_space<vmem>> -> memref<3200xi32, #tpu.memory_space<vmem>>
      %dma_start3A_19 = tpu.memref_slice %arg4[%mul3A_2] : memref<100000xi32, #tpu.memory_space<hbm>> -> memref<3200xi32, #tpu.memory_space<hbm>>
      %dma_start3A_20 = arith.constant 0 : i32
      %dma_start3A_21 = tpu.memref_slice %arg19[%dma_start3A_20] : memref<3200xi32, #tpu.memory_space<vmem>> -> memref<3200xi32, #tpu.memory_space<vmem>>
      %dma_start3A_22 = tpu.memref_slice %arg4[%mul3A_2] : memref<100000xi32, #tpu.memory_space<hbm>> -> memref<3200xi32, #tpu.memory_space<hbm>>
      tpu.enqueue_dma source(%dma_start3A_22 : memref<3200xi32, #tpu.memory_space<hbm>>) target(%dma_start3A_21 : memref<3200xi32, #tpu.memory_space<vmem>>) target_semaphore(%arg25 : memref<!tpu.dma_semaphore, #tpu.memory_space<semaphore_mem>>)
      %dma_start3A_23 = arith.constant 0 : i32
      %dma_start3A_24 = tpu.memref_slice %arg20[%dma_start3A_23] : memref<3200xi32, #tpu.memory_space<vmem>> -> memref<3200xi32, #tpu.memory_space<vmem>>
      %dma_start3A_25 = tpu.memref_slice %arg5[%mul3A_2] : memref<100000xi32, #tpu.memory_space<hbm>> -> memref<3200xi32, #tpu.memory_space<hbm>>
      %dma_start3A_26 = arith.constant 0 : i32
      %dma_start3A_27 = tpu.memref_slice %arg20[%dma_start3A_26] : memref<3200xi32, #tpu.memory_space<vmem>> -> memref<3200xi32, #tpu.memory_space<vmem>>
      %dma_start3A_28 = tpu.memref_slice %arg5[%mul3A_2] : memref<100000xi32, #tpu.memory_space<hbm>> -> memref<3200xi32, #tpu.memory_space<hbm>>
      tpu.enqueue_dma source(%dma_start3A_28 : memref<3200xi32, #tpu.memory_space<hbm>>) target(%dma_start3A_27 : memref<3200xi32, #tpu.memory_space<vmem>>) target_semaphore(%arg25 : memref<!tpu.dma_semaphore, #tpu.memory_space<semaphore_mem>>)
      %dma_start3A_29 = arith.constant 0 : i32
      %dma_start3A_30 = arith.constant 0 : i32
      %dma_start3A_31 = arith.constant 0 : i32
      %dma_start3A_32 = tpu.memref_slice %arg23[%dma_start3A_29, %dma_start3A_30, %dma_start3A_31] : memref<4x80x128xf32, #tpu.memory_space<vmem>> -> memref<1x80x128xf32, #tpu.memory_space<vmem>>
      %dma_start3A_33 = tpu.memref_squeeze %dma_start3A_32 : memref<1x80x128xf32, #tpu.memory_space<vmem>> -> memref<80x128xf32, #tpu.memory_space<vmem>>
      %dma_start3A_34 = arith.constant 0 : i32
      %dma_start3A_35 = tpu.memref_slice %arg2[%mul3A_2, %dma_start3A_34] : memref<100000x128xf32, #tpu.memory_space<hbm>> -> memref<80x128xf32, #tpu.memory_space<hbm>>
      %dma_start3A_36 = arith.constant 0 : i32
      %dma_start3A_37 = arith.constant 0 : i32
      %dma_start3A_38 = tpu.memref_slice %arg23[%dma_start3A_29, %dma_start3A_36, %dma_start3A_37] : memref<4x80x128xf32, #tpu.memory_space<vmem>> -> memref<1x80x128xf32, #tpu.memory_space<vmem>>
      %dma_start3A_39 = tpu.memref_squeeze %dma_start3A_38 : memref<1x80x128xf32, #tpu.memory_space<vmem>> -> memref<80x128xf32, #tpu.memory_space<vmem>>
      %dma_start3A_40 = arith.constant 0 : i32
      %dma_start3A_41 = tpu.memref_slice %arg2[%mul3A_2, %dma_start3A_40] : memref<100000x128xf32, #tpu.memory_space<hbm>> -> memref<80x128xf32, #tpu.memory_space<hbm>>
      tpu.enqueue_dma source(%dma_start3A_41 : memref<80x128xf32, #tpu.memory_space<hbm>>) target(%dma_start3A_39 : memref<80x128xf32, #tpu.memory_space<vmem>>) target_semaphore(%arg26 : memref<!tpu.dma_semaphore, #tpu.memory_space<semaphore_mem>>)
      %add3A_42 = arith.constant 80 : i32
      %add3A_43 = arith.addi %mul3A_2, %add3A_42 : i32
      %dma_start3A_44 = arith.constant 1 : i32
      %dma_start3A_45 = arith.constant 0 : i32
      %dma_start3A_46 = arith.constant 0 : i32
      %dma_start3A_47 = tpu.memref_slice %arg23[%dma_start3A_44, %dma_start3A_45, %dma_start3A_46] : memref<4x80x128xf32, #tpu.memory_space<vmem>> -> memref<1x80x128xf32, #tpu.memory_space<vmem>>
      %dma_start3A_48 = tpu.memref_squeeze %dma_start3A_47 : memref<1x80x128xf32, #tpu.memory_space<vmem>> -> memref<80x128xf32, #tpu.memory_space<vmem>>
      %dma_start3A_49 = arith.constant 0 : i32
      %dma_start3A_50 = tpu.memref_slice %arg2[%add3A_43, %dma_start3A_49] : memref<100000x128xf32, #tpu.memory_space<hbm>> -> memref<80x128xf32, #tpu.memory_space<hbm>>
      %dma_start3A_51 = arith.constant 0 : i32
      %dma_start3A_52 = arith.constant 0 : i32
      %dma_start3A_53 = tpu.memref_slice %arg23[%dma_start3A_44, %dma_start3A_51, %dma_start3A_52] : memref<4x80x128xf32, #tpu.memory_space<vmem>> -> memref<1x80x128xf32, #tpu.memory_space<vmem>>
      %dma_start3A_54 = tpu.memref_squeeze %dma_start3A_53 : memref<1x80x128xf32, #tpu.memory_space<vmem>> -> memref<80x128xf32, #tpu.memory_space<vmem>>
      %dma_start3A_55 = arith.constant 0 : i32
      %dma_start3A_56 = tpu.memref_slice %arg2[%add3A_43, %dma_start3A_55] : memref<100000x128xf32, #tpu.memory_space<hbm>> -> memref<80x128xf32, #tpu.memory_space<hbm>>
      tpu.enqueue_dma source(%dma_start3A_56 : memref<80x128xf32, #tpu.memory_space<hbm>>) target(%dma_start3A_54 : memref<80x128xf32, #tpu.memory_space<vmem>>) target_semaphore(%arg26 : memref<!tpu.dma_semaphore, #tpu.memory_space<semaphore_mem>>)
      tpu.wait_dma2 semaphore(%arg24 : memref<!tpu.dma_semaphore, #tpu.memory_space<semaphore_mem>>) src(%arg6 : memref<16384xi32, #tpu.memory_space<hbm>>) dst(%arg14 : memref<16384xi32, #tpu.memory_space<vmem>>)
      %scan3A = arith.constant 0 : i32
      %scan3A_57 = arith.constant 0 : i32
      %scan3A_58 = arith.constant 200 : i32
      %scan3A_59 = arith.addi %scan3A_57, %scan3A_58 : i32
      %scan3A_60 = arith.constant 1 : i32
      scf.for %scan3A_180 = %scan3A_57 to %scan3A_59 step %scan3A_60  : i32 {
        %mul3A_181 = arith.constant 16 : i32
        %mul3A_182 = arith.muli %scan3A_180, %mul3A_181 : i32
        %swap3A = arith.index_cast %mul3A_182 : i32 to index
        %swap3A_183 = tpu.vector_load %arg17[%swap3A] {strides = array<i32>} : memref<3200xi32, #tpu.memory_space<vmem>>, vector<16xi32>,
        tpu.vector_store %arg17[%swap3A], %broadcast_in_dim3A_3 {strides = array<i32>} : memref<3200xi32, #tpu.memory_space<vmem>>, vector<16xi32>,
      }
      %scan3A_61 = arith.constant 200 : i32
      "tpu.trace_stop"() : () -> ()
      "tpu.trace_start"() <{level = 10 : i32, message = "ph_scan_copy"}> : () -> ()
      %scan3A_62 = arith.constant 0 : i32
      %scan3A_63 = arith.constant 0 : i32
      %scan3A_64 = arith.constant 40 : i32
      %scan3A_65 = arith.addi %scan3A_63, %scan3A_64 : i32
      %scan3A_66 = arith.constant 1 : i32
      scf.for %scan3A_180 = %scan3A_63 to %scan3A_65 step %scan3A_66  : i32 {
        %scan3A_181 = arith.constant 0 : i32
        %scan3A_182 = arith.constant 0 : i32
        %scan3A_183 = arith.constant 25 : i32
        %scan3A_184 = arith.addi %scan3A_182, %scan3A_183 : i32
        %scan3A_185 = arith.constant 1 : i32
        scf.for %scan3A_224 = %scan3A_182 to %scan3A_184 step %scan3A_185  : i32 {
          %mul3A_225 = arith.constant 25 : i32
          %mul3A_226 = arith.muli %scan3A_180, %mul3A_225 : i32
          %add3A_227 = arith.addi %mul3A_226, %scan3A_224 : i32
          %mul3A_228 = arith.constant 16 : i32
          %mul3A_229 = arith.muli %add3A_227, %mul3A_228 : i32
          %get3A = arith.index_cast %mul3A_229 : i32 to index
          %get3A_230 = tpu.vector_load %arg14[%get3A] {strides = array<i32>} : memref<16384xi32, #tpu.memory_space<vmem>>, vector<16xi32>,
          %shift_left3A = arith.constant 14 : i32
          %shift_left3A_231 = vector.broadcast %shift_left3A : i32 to vector<16xi32>
          %shift_left3A_232 = arith.shli %get3A_230, %shift_left3A_231 : vector<16xi32>
          %mul3A_233 = arith.constant 16 : i32
          %mul3A_234 = arith.muli %add3A_227, %mul3A_233 : i32
          %add3A_235 = vector.broadcast %mul3A_234 : i32 to vector<16xi32>
          %add3A_236 = arith.addi %iota3A, %add3A_235 : vector<16xi32>
          %or3A = arith.ori %shift_left3A_232, %add3A_236 : vector<16xi32>
          %sort3A = arith.constant dense<true> : vector<16xi1>
          %sort3A_237, %sort3A_238, %sort3A_239 = tpu.sort %or3A, %or3A masked %sort3A : (vector<16xi32>, vector<16xi32>, vector<16xi1>) -> (vector<16xi1>, vector<16xi32>, vector<16xi32>)
          %shift_right_arithmetic3A = arith.constant 14 : i32
          %shift_right_arithmetic3A_240 = vector.broadcast %shift_right_arithmetic3A : i32 to vector<16xi32>
          %shift_right_arithmetic3A_241 = arith.shrsi %sort3A_238, %shift_right_arithmetic3A_240 : vector<16xi32>
          %and3A_242 = arith.constant 16383 : i32
          %and3A_243 = vector.broadcast %and3A_242 : i32 to vector<16xi32>
          %and3A_244 = arith.andi %sort3A_238, %and3A_243 : vector<16xi32>
          %add3A_245 = arith.constant 1 : i32
          %add3A_246 = vector.broadcast %add3A_245 : i32 to vector<16xi32>
          %add3A_247 = arith.addi %iota3A, %add3A_246 : vector<16xi32>
          %min3A = arith.constant 15 : i32
          %min3A_248 = vector.broadcast %min3A : i32 to vector<16xi32>
          %min3A_249 = arith.minsi %add3A_247, %min3A_248 : vector<16xi32>
          %broadcast_in_dim3A_250 = vector.shape_cast %min3A_249 : vector<16xi32> to vector<16x1xi32>
          %gather3A = vector.shape_cast %broadcast_in_dim3A_250 : vector<16x1xi32> to vector<16xi32>
          %gather3A_251 = tpu.dynamic_gather %shift_right_arithmetic3A_241[%gather3A] in [0] : vector<16xi32>, vector<16xi32> -> vector<16xi32>
          %ne3A_252 = arith.cmpi ne, %gather3A_251, %shift_right_arithmetic3A_241 : vector<16xi32>
          %eq3A_253 = arith.constant 15 : i32
          %eq3A_254 = vector.broadcast %eq3A_253 : i32 to vector<16xi32>
          %eq3A_255 = arith.cmpi eq, %iota3A, %eq3A_254 : vector<16xi32>
          %or3A_256 = arith.ori %ne3A_252, %eq3A_255 : vector<16xi1>
          %ge3A = vector.broadcast %mul3A_2 : i32 to vector<16xi32>
          %ge3A_257 = arith.cmpi sge, %shift_right_arithmetic3A_241, %ge3A : vector<16xi32>
          %add3A_258 = arith.constant 3200 : i32
          %add3A_259 = arith.addi %mul3A_2, %add3A_258 : i32
          %lt3A_260 = vector.broadcast %add3A_259 : i32 to vector<16xi32>
          %lt3A_261 = arith.cmpi slt, %shift_right_arithmetic3A_241, %lt3A_260 : vector<16xi32>
          %and3A_262 = arith.andi %ge3A_257, %lt3A_261 : vector<16xi1>
          %and3A_263 = arith.andi %or3A_256, %and3A_262 : vector<16xi1>
          %sub3A_264 = vector.broadcast %mul3A_2 : i32 to vector<16xi32>
          %sub3A_265 = arith.subi %shift_right_arithmetic3A_241, %sub3A_264 : vector<16xi32>
          %jit3A_266 = arith.constant 0 : i32
          %broadcast_in_dim3A_267 = vector.broadcast %jit3A_266 : i32 to vector<16xi32>
          %select_n3A_268 = arith.select %and3A_263, %sub3A_265, %broadcast_in_dim3A_267 : vector<16xi1>, vector<16xi32>
          %gather3A_269 = tpu.vector_load_idx %arg17[%select_n3A_268] : memref<3200xi32, #tpu.memory_space<vmem>>[vector<16xi32>], vector<16xi32>,
          %max3A_270 = arith.maxsi %gather3A_269, %and3A_244 : vector<16xi32>
          tpu.vector_store_idx %arg17[%select_n3A_268], %max3A_270 masked %and3A_263 : memref<3200xi32, #tpu.memory_space<vmem>>[vector<16xi32>], vector<16xi32>, vector<16xi1>
        }
        %scan3A_186 = arith.constant 25 : i32
        %rem3A_187 = arith.constant 4 : i32
        %rem3A_188 = arith.remsi %scan3A_180, %rem3A_187 : i32
        %dma_wait3A_189 = arith.constant 0 : i32
        %dma_wait3A_190 = arith.constant 0 : i32
        %dma_wait3A_191 = arith.constant 0 : i32
        %dma_wait3A_192 = tpu.memref_slice %arg23[%dma_wait3A_189, %dma_wait3A_190, %dma_wait3A_191] : memref<4x80x128xf32, #tpu.memory_space<vmem>> -> memref<1x80x128xf32, #tpu.memory_space<vmem>>
        %dma_wait3A_193 = tpu.memref_squeeze %dma_wait3A_192 : memref<1x80x128xf32, #tpu.memory_space<vmem>> -> memref<80x128xf32, #tpu.memory_space<vmem>>
        %dma_wait3A_194 = arith.constant 0 : i32
        %dma_wait3A_195 = tpu.memref_slice %arg2[%mul3A_2, %dma_wait3A_194] : memref<100000x128xf32, #tpu.memory_space<hbm>> -> memref<80x128xf32, #tpu.memory_space<hbm>>
        %dma_wait3A_196 = arith.constant 0 : i32
        %dma_wait3A_197 = arith.constant 0 : i32
        %dma_wait3A_198 = tpu.memref_slice %arg23[%dma_wait3A_189, %dma_wait3A_196, %dma_wait3A_197] : memref<4x80x128xf32, #tpu.memory_space<vmem>> -> memref<1x80x128xf32, #tpu.memory_space<vmem>>
        %dma_wait3A_199 = tpu.memref_squeeze %dma_wait3A_198 : memref<1x80x128xf32, #tpu.memory_space<vmem>> -> memref<80x128xf32, #tpu.memory_space<vmem>>
        %dma_wait3A_200 = arith.constant 0 : i32
        %dma_wait3A_201 = tpu.memref_slice %arg2[%mul3A_2, %dma_wait3A_200] : memref<100000x128xf32, #tpu.memory_space<hbm>> -> memref<80x128xf32, #tpu.memory_space<hbm>>
        tpu.wait_dma2 semaphore(%arg26 : memref<!tpu.dma_semaphore, #tpu.memory_space<semaphore_mem>>) src(%dma_wait3A_201 : memref<80x128xf32, #tpu.memory_space<hbm>>) dst(%dma_wait3A_199 : memref<80x128xf32, #tpu.memory_space<vmem>>)
        %mul3A_202 = arith.constant 80 : i32
        %mul3A_203 = arith.muli %scan3A_180, %mul3A_202 : i32
        %add3A_204 = arith.addi %mul3A_2, %mul3A_203 : i32
        %dma_start3A_205 = arith.constant 0 : i32
        %dma_start3A_206 = arith.constant 0 : i32
        %dma_start3A_207 = tpu.memref_slice %arg23[%rem3A_188, %dma_start3A_205, %dma_start3A_206] : memref<4x80x128xf32, #tpu.memory_space<vmem>> -> memref<1x80x128xf32, #tpu.memory_space<vmem>>
        %dma_start3A_208 = tpu.memref_squeeze %dma_start3A_207 : memref<1x80x128xf32, #tpu.memory_space<vmem>> -> memref<80x128xf32, #tpu.memory_space<vmem>>
        %dma_start3A_209 = arith.constant 0 : i32
        %dma_start3A_210 = tpu.memref_slice %arg10[%add3A_204, %dma_start3A_209] : memref<100000x128xf32, #tpu.memory_space<hbm>> -> memref<80x128xf32, #tpu.memory_space<hbm>>
        %dma_start3A_211 = arith.constant 0 : i32
        %dma_start3A_212 = tpu.memref_slice %arg10[%add3A_204, %dma_start3A_211] : memref<100000x128xf32, #tpu.memory_space<hbm>> -> memref<80x128xf32, #tpu.memory_space<hbm>>
        %dma_start3A_213 = arith.constant 0 : i32
        %dma_start3A_214 = arith.constant 0 : i32
        %dma_start3A_215 = tpu.memref_slice %arg23[%rem3A_188, %dma_start3A_213, %dma_start3A_214] : memref<4x80x128xf32, #tpu.memory_space<vmem>> -> memref<1x80x128xf32, #tpu.memory_space<vmem>>
        %dma_start3A_216 = tpu.memref_squeeze %dma_start3A_215 : memref<1x80x128xf32, #tpu.memory_space<vmem>> -> memref<80x128xf32, #tpu.memory_space<vmem>>
        tpu.enqueue_dma source(%dma_start3A_216 : memref<80x128xf32, #tpu.memory_space<vmem>>) target(%dma_start3A_212 : memref<80x128xf32, #tpu.memory_space<hbm>>) target_semaphore(%arg27 : memref<!tpu.dma_semaphore, #tpu.memory_space<semaphore_mem>>)
        %add3A_217 = arith.constant 2 : i32
        %add3A_218 = arith.addi %scan3A_180, %add3A_217 : i32
        %lt3A_219 = arith.constant 40 : i32
        %lt3A_220 = arith.cmpi slt, %add3A_218, %lt3A_219 : i32
        %convert_element_type3A_221 = arith.extui %lt3A_220 : i1 to i32
        %cond3A_222 = arith.constant 0 : i32
        %cond3A_223 = arith.cmpi ne, %convert_element_type3A_221, %cond3A_222 : i32
        scf.if %cond3A_223 {
          %ge3A = arith.constant 2 : i32
          %ge3A_224 = arith.cmpi sge, %scan3A_180, %ge3A : i32
          %convert_element_type3A_225 = arith.extui %ge3A_224 : i1 to i32
          %cond3A_226 = arith.constant 0 : i32
          %cond3A_227 = arith.cmpi ne, %convert_element_type3A_225, %cond3A_226 : i32
          scf.if %cond3A_227 {
            %dma_wait3A_249 = arith.constant 0 : i32
            %dma_wait3A_250 = arith.constant 0 : i32
            %dma_wait3A_251 = arith.constant 0 : i32
            %dma_wait3A_252 = tpu.memref_slice %arg23[%dma_wait3A_249, %dma_wait3A_250, %dma_wait3A_251] : memref<4x80x128xf32, #tpu.memory_space<vmem>> -> memref<1x80x128xf32, #tpu.memory_space<vmem>>
            %dma_wait3A_253 = tpu.memref_squeeze %dma_wait3A_252 : memref<1x80x128xf32, #tpu.memory_space<vmem>> -> memref<80x128xf32, #tpu.memory_space<vmem>>
            %dma_wait3A_254 = arith.constant 0 : i32
            %dma_wait3A_255 = tpu.memref_slice %arg2[%mul3A_2, %dma_wait3A_254] : memref<100000x128xf32, #tpu.memory_space<hbm>> -> memref<80x128xf32, #tpu.memory_space<hbm>>
            %dma_wait3A_256 = arith.constant 0 : i32
            %dma_wait3A_257 = arith.constant 0 : i32
            %dma_wait3A_258 = tpu.memref_slice %arg23[%dma_wait3A_249, %dma_wait3A_256, %dma_wait3A_257] : memref<4x80x128xf32, #tpu.memory_space<vmem>> -> memref<1x80x128xf32, #tpu.memory_space<vmem>>
            %dma_wait3A_259 = tpu.memref_squeeze %dma_wait3A_258 : memref<1x80x128xf32, #tpu.memory_space<vmem>> -> memref<80x128xf32, #tpu.memory_space<vmem>>
            %dma_wait3A_260 = arith.constant 0 : i32
            %dma_wait3A_261 = tpu.memref_slice %arg2[%mul3A_2, %dma_wait3A_260] : memref<100000x128xf32, #tpu.memory_space<hbm>> -> memref<80x128xf32, #tpu.memory_space<hbm>>
            tpu.wait_dma2 semaphore(%arg27 : memref<!tpu.dma_semaphore, #tpu.memory_space<semaphore_mem>>) src(%dma_wait3A_261 : memref<80x128xf32, #tpu.memory_space<hbm>>) dst(%dma_wait3A_259 : memref<80x128xf32, #tpu.memory_space<vmem>>)
          } else {
          }
          %add3A_228 = arith.constant 2 : i32
          %add3A_229 = arith.addi %scan3A_180, %add3A_228 : i32
          %mul3A_230 = arith.constant 80 : i32
          %mul3A_231 = arith.muli %add3A_229, %mul3A_230 : i32
          %add3A_232 = arith.addi %mul3A_2, %mul3A_231 : i32
          %add3A_233 = arith.constant 2 : i32
          %add3A_234 = arith.addi %scan3A_180, %add3A_233 : i32
          %rem3A_235 = arith.constant 4 : i32
          %rem3A_236 = arith.remsi %add3A_234, %rem3A_235 : i32
          %dma_start3A_237 = arith.constant 0 : i32
          %dma_start3A_238 = arith.constant 0 : i32
          %dma_start3A_239 = tpu.memref_slice %arg23[%rem3A_236, %dma_start3A_237, %dma_start3A_238] : memref<4x80x128xf32, #tpu.memory_space<vmem>> -> memref<1x80x128xf32, #tpu.memory_space<vmem>>
          %dma_start3A_240 = tpu.memref_squeeze %dma_start3A_239 : memref<1x80x128xf32, #tpu.memory_space<vmem>> -> memref<80x128xf32, #tpu.memory_space<vmem>>
          %dma_start3A_241 = arith.constant 0 : i32
          %dma_start3A_242 = tpu.memref_slice %arg2[%add3A_232, %dma_start3A_241] : memref<100000x128xf32, #tpu.memory_space<hbm>> -> memref<80x128xf32, #tpu.memory_space<hbm>>
          %dma_start3A_243 = arith.constant 0 : i32
          %dma_start3A_244 = arith.constant 0 : i32
          %dma_start3A_245 = tpu.memref_slice %arg23[%rem3A_236, %dma_start3A_243, %dma_start3A_244] : memref<4x80x128xf32, #tpu.memory_space<vmem>> -> memref<1x80x128xf32, #tpu.memory_space<vmem>>
          %dma_start3A_246 = tpu.memref_squeeze %dma_start3A_245 : memref<1x80x128xf32, #tpu.memory_space<vmem>> -> memref<80x128xf32, #tpu.memory_space<vmem>>
          %dma_start3A_247 = arith.constant 0 : i32
          %dma_start3A_248 = tpu.memref_slice %arg2[%add3A_232, %dma_start3A_247] : memref<100000x128xf32, #tpu.memory_space<hbm>> -> memref<80x128xf32, #tpu.memory_space<hbm>>
          tpu.enqueue_dma source(%dma_start3A_248 : memref<80x128xf32, #tpu.memory_space<hbm>>) target(%dma_start3A_246 : memref<80x128xf32, #tpu.memory_space<vmem>>) target_semaphore(%arg26 : memref<!tpu.dma_semaphore, #tpu.memory_space<semaphore_mem>>)
        } else {
        }
      }
      %scan3A_67 = arith.constant 40 : i32
      %scan3A_68 = arith.constant 0 : i32
      %scan3A_69 = arith.constant 0 : i32
      %scan3A_70 = arith.constant 24 : i32
      %scan3A_71 = arith.addi %scan3A_69, %scan3A_70 : i32
      %scan3A_72 = arith.constant 1 : i32
      scf.for %scan3A_180 = %scan3A_69 to %scan3A_71 step %scan3A_72  : i32 {
        %add3A_181 = arith.constant 1000 : i32
        %add3A_182 = arith.addi %add3A_181, %scan3A_180 : i32
        %mul3A_183 = arith.constant 16 : i32
        %mul3A_184 = arith.muli %add3A_182, %mul3A_183 : i32
        %get3A = arith.index_cast %mul3A_184 : i32 to index
        %get3A_185 = tpu.vector_load %arg14[%get3A] {strides = array<i32>} : memref<16384xi32, #tpu.memory_space<vmem>>, vector<16xi32>,
        %shift_left3A = arith.constant 14 : i32
        %shift_left3A_186 = vector.broadcast %shift_left3A : i32 to vector<16xi32>
        %shift_left3A_187 = arith.shli %get3A_185, %shift_left3A_186 : vector<16xi32>
        %mul3A_188 = arith.constant 16 : i32
        %mul3A_189 = arith.muli %add3A_182, %mul3A_188 : i32
        %add3A_190 = vector.broadcast %mul3A_189 : i32 to vector<16xi32>
        %add3A_191 = arith.addi %iota3A, %add3A_190 : vector<16xi32>
        %or3A = arith.ori %shift_left3A_187, %add3A_191 : vector<16xi32>
        %sort3A = arith.constant dense<true> : vector<16xi1>
        %sort3A_192, %sort3A_193, %sort3A_194 = tpu.sort %or3A, %or3A masked %sort3A : (vector<16xi32>, vector<16xi32>, vector<16xi1>) -> (vector<16xi1>, vector<16xi32>, vector<16xi32>)
        %shift_right_arithmetic3A = arith.constant 14 : i32
        %shift_right_arithmetic3A_195 = vector.broadcast %shift_right_arithmetic3A : i32 to vector<16xi32>
        %shift_right_arithmetic3A_196 = arith.shrsi %sort3A_193, %shift_right_arithmetic3A_195 : vector<16xi32>
        %and3A_197 = arith.constant 16383 : i32
        %and3A_198 = vector.broadcast %and3A_197 : i32 to vector<16xi32>
        %and3A_199 = arith.andi %sort3A_193, %and3A_198 : vector<16xi32>
        %add3A_200 = arith.constant 1 : i32
        %add3A_201 = vector.broadcast %add3A_200 : i32 to vector<16xi32>
        %add3A_202 = arith.addi %iota3A, %add3A_201 : vector<16xi32>
        %min3A = arith.constant 15 : i32
        %min3A_203 = vector.broadcast %min3A : i32 to vector<16xi32>
        %min3A_204 = arith.minsi %add3A_202, %min3A_203 : vector<16xi32>
        %broadcast_in_dim3A_205 = vector.shape_cast %min3A_204 : vector<16xi32> to vector<16x1xi32>
        %gather3A = vector.shape_cast %broadcast_in_dim3A_205 : vector<16x1xi32> to vector<16xi32>
        %gather3A_206 = tpu.dynamic_gather %shift_right_arithmetic3A_196[%gather3A] in [0] : vector<16xi32>, vector<16xi32> -> vector<16xi32>
        %ne3A_207 = arith.cmpi ne, %gather3A_206, %shift_right_arithmetic3A_196 : vector<16xi32>
        %eq3A_208 = arith.constant 15 : i32
        %eq3A_209 = vector.broadcast %eq3A_208 : i32 to vector<16xi32>
        %eq3A_210 = arith.cmpi eq, %iota3A, %eq3A_209 : vector<16xi32>
        %or3A_211 = arith.ori %ne3A_207, %eq3A_210 : vector<16xi1>
        %ge3A = vector.broadcast %mul3A_2 : i32 to vector<16xi32>
        %ge3A_212 = arith.cmpi sge, %shift_right_arithmetic3A_196, %ge3A : vector<16xi32>
        %add3A_213 = arith.constant 3200 : i32
        %add3A_214 = arith.addi %mul3A_2, %add3A_213 : i32
        %lt3A_215 = vector.broadcast %add3A_214 : i32 to vector<16xi32>
        %lt3A_216 = arith.cmpi slt, %shift_right_arithmetic3A_196, %lt3A_215 : vector<16xi32>
        %and3A_217 = arith.andi %ge3A_212, %lt3A_216 : vector<16xi1>
        %and3A_218 = arith.andi %or3A_211, %and3A_217 : vector<16xi1>
        %sub3A_219 = vector.broadcast %mul3A_2 : i32 to vector<16xi32>
        %sub3A_220 = arith.subi %shift_right_arithmetic3A_196, %sub3A_219 : vector<16xi32>
        %jit3A_221 = arith.constant 0 : i32
        %broadcast_in_dim3A_222 = vector.broadcast %jit3A_221 : i32 to vector<16xi32>
        %select_n3A_223 = arith.select %and3A_218, %sub3A_220, %broadcast_in_dim3A_222 : vector<16xi1>, vector<16xi32>
        %gather3A_224 = tpu.vector_load_idx %arg17[%select_n3A_223] : memref<3200xi32, #tpu.memory_space<vmem>>[vector<16xi32>], vector<16xi32>,
        %max3A_225 = arith.maxsi %gather3A_224, %and3A_199 : vector<16xi32>
        tpu.vector_store_idx %arg17[%select_n3A_223], %max3A_225 masked %and3A_218 : memref<3200xi32, #tpu.memory_space<vmem>>[vector<16xi32>], vector<16xi32>, vector<16xi1>
      }
      %scan3A_73 = arith.constant 24 : i32
      "tpu.trace_stop"() : () -> ()
      "tpu.trace_start"() <{level = 10 : i32, message = "ph_mid"}> : () -> ()
      tpu.wait_dma2 semaphore(%arg25 : memref<!tpu.dma_semaphore, #tpu.memory_space<semaphore_mem>>) src(%arg7 : memref<16384xi32, #tpu.memory_space<hbm>>) dst(%arg15 : memref<16384xi32, #tpu.memory_space<vmem>>)
      tpu.wait_dma2 semaphore(%arg25 : memref<!tpu.dma_semaphore, #tpu.memory_space<semaphore_mem>>) src(%arg9 : memref<16384xi32, #tpu.memory_space<hbm>>) dst(%arg16 : memref<16384xi32, #tpu.memory_space<vmem>>)
      %dma_wait3A = arith.constant 0 : i32
      %dma_wait3A_74 = tpu.memref_slice %arg18[%dma_wait3A] : memref<3200xi32, #tpu.memory_space<vmem>> -> memref<3200xi32, #tpu.memory_space<vmem>>
      %dma_wait3A_75 = tpu.memref_slice %arg3[%mul3A_2] : memref<100000xi32, #tpu.memory_space<hbm>> -> memref<3200xi32, #tpu.memory_space<hbm>>
      %dma_wait3A_76 = arith.constant 0 : i32
      %dma_wait3A_77 = tpu.memref_slice %arg18[%dma_wait3A_76] : memref<3200xi32, #tpu.memory_space<vmem>> -> memref<3200xi32, #tpu.memory_space<vmem>>
      %dma_wait3A_78 = tpu.memref_slice %arg3[%mul3A_2] : memref<100000xi32, #tpu.memory_space<hbm>> -> memref<3200xi32, #tpu.memory_space<hbm>>
      tpu.wait_dma2 semaphore(%arg25 : memref<!tpu.dma_semaphore, #tpu.memory_space<semaphore_mem>>) src(%dma_wait3A_78 : memref<3200xi32, #tpu.memory_space<hbm>>) dst(%dma_wait3A_77 : memref<3200xi32, #tpu.memory_space<vmem>>)
      %dma_wait3A_79 = arith.constant 0 : i32
      %dma_wait3A_80 = tpu.memref_slice %arg19[%dma_wait3A_79] : memref<3200xi32, #tpu.memory_space<vmem>> -> memref<3200xi32, #tpu.memory_space<vmem>>
      %dma_wait3A_81 = tpu.memref_slice %arg4[%mul3A_2] : memref<100000xi32, #tpu.memory_space<hbm>> -> memref<3200xi32, #tpu.memory_space<hbm>>
      %dma_wait3A_82 = arith.constant 0 : i32
      %dma_wait3A_83 = tpu.memref_slice %arg19[%dma_wait3A_82] : memref<3200xi32, #tpu.memory_space<vmem>> -> memref<3200xi32, #tpu.memory_space<vmem>>
      %dma_wait3A_84 = tpu.memref_slice %arg4[%mul3A_2] : memref<100000xi32, #tpu.memory_space<hbm>> -> memref<3200xi32, #tpu.memory_space<hbm>>
      tpu.wait_dma2 semaphore(%arg25 : memref<!tpu.dma_semaphore, #tpu.memory_space<semaphore_mem>>) src(%dma_wait3A_84 : memref<3200xi32, #tpu.memory_space<hbm>>) dst(%dma_wait3A_83 : memref<3200xi32, #tpu.memory_space<vmem>>)
      %dma_wait3A_85 = arith.constant 0 : i32
      %dma_wait3A_86 = tpu.memref_slice %arg20[%dma_wait3A_85] : memref<3200xi32, #tpu.memory_space<vmem>> -> memref<3200xi32, #tpu.memory_space<vmem>>
      %dma_wait3A_87 = tpu.memref_slice %arg5[%mul3A_2] : memref<100000xi32, #tpu.memory_space<hbm>> -> memref<3200xi32, #tpu.memory_space<hbm>>
      %dma_wait3A_88 = arith.constant 0 : i32
      %dma_wait3A_89 = tpu.memref_slice %arg20[%dma_wait3A_88] : memref<3200xi32, #tpu.memory_space<vmem>> -> memref<3200xi32, #tpu.memory_space<vmem>>
      %dma_wait3A_90 = tpu.memref_slice %arg5[%mul3A_2] : memref<100000xi32, #tpu.memory_space<hbm>> -> memref<3200xi32, #tpu.memory_space<hbm>>
      tpu.wait_dma2 semaphore(%arg25 : memref<!tpu.dma_semaphore, #tpu.memory_space<semaphore_mem>>) src(%dma_wait3A_90 : memref<3200xi32, #tpu.memory_space<hbm>>) dst(%dma_wait3A_89 : memref<3200xi32, #tpu.memory_space<vmem>>)
      "tpu.trace_stop"() : () -> ()
      "tpu.trace_start"() <{level = 10 : i32, message = "ph_compact"}> : () -> ()
      %scan3A_91 = arith.constant 0 : i32
      %scan3A_92 = arith.constant 0 : i32
      %scan3A_93 = arith.constant 200 : i32
      %scan3A_94 = arith.addi %scan3A_92, %scan3A_93 : i32
      %scan3A_95 = arith.constant 1 : i32
      %scan3A_96 = scf.for %scan3A_180 = %scan3A_92 to %scan3A_94 step %scan3A_95 iter_args(%scan3A_181 = %scan3A_91) -> (i32)  : i32 {
        %mul3A_182 = arith.constant 16 : i32
        %mul3A_183 = arith.muli %scan3A_180, %mul3A_182 : i32
        %get3A = arith.index_cast %mul3A_183 : i32 to index
        %get3A_184 = tpu.vector_load %arg17[%get3A] {strides = array<i32>} : memref<3200xi32, #tpu.memory_space<vmem>>, vector<16xi32>,
        %ge3A = arith.constant 0 : i32
        %ge3A_185 = vector.broadcast %ge3A : i32 to vector<16xi32>
        %ge3A_186 = arith.cmpi sge, %get3A_184, %ge3A_185 : vector<16xi32>
        %mul3A_187 = arith.constant 16 : i32
        %mul3A_188 = arith.muli %scan3A_180, %mul3A_187 : i32
        %add3A_189 = vector.broadcast %mul3A_188 : i32 to vector<16xi32>
        %add3A_190 = arith.addi %iota3A, %add3A_189 : vector<16xi32>
        %jit3A_191 = arith.constant 0 : i32
        %broadcast_in_dim3A_192 = vector.broadcast %jit3A_191 : i32 to vector<16xi32>
        %select_n3A_193 = arith.select %ge3A_186, %get3A_184, %broadcast_in_dim3A_192 : vector<16xi1>, vector<16xi32>
        %gather3A = tpu.vector_load_idx %arg15[%select_n3A_193] : memref<16384xi32, #tpu.memory_space<vmem>>[vector<16xi32>], vector<16xi32>,
        %jit3A_194 = arith.constant 0 : i32
        %broadcast_in_dim3A_195 = vector.broadcast %jit3A_194 : i32 to vector<16xi32>
        %select_n3A_196 = arith.select %ge3A_186, %gather3A, %broadcast_in_dim3A_195 : vector<16xi1>, vector<16xi32>
        %gather3A_197 = tpu.vector_load_idx %arg16[%select_n3A_196] : memref<16384xi32, #tpu.memory_space<vmem>>[vector<16xi32>], vector<16xi32>,
        tpu.vector_store_idx %arg18[%add3A_190], %gather3A_197 masked %ge3A_186 : memref<3200xi32, #tpu.memory_space<vmem>>[vector<16xi32>], vector<16xi32>, vector<16xi1>
        tpu.vector_store_idx %arg19[%add3A_190], %broadcast_in_dim3A_5 masked %ge3A_186 : memref<3200xi32, #tpu.memory_space<vmem>>[vector<16xi32>], vector<16xi32>, vector<16xi1>
        tpu.vector_store_idx %arg20[%add3A_190], %broadcast_in_dim3A_5 masked %ge3A_186 : memref<3200xi32, #tpu.memory_space<vmem>>[vector<16xi32>], vector<16xi32>, vector<16xi1>
        %add3A_198 = vector.broadcast %mul3A_2 : i32 to vector<16xi32>
        %add3A_199 = arith.addi %add3A_190, %add3A_198 : vector<16xi32>
        %swap3A = arith.index_cast %scan3A_181 : i32 to index
        %swap3A_200 = tpu.vector_load %arg21[%swap3A] masked %ge3A_186 {strides = array<i32>} : memref<3360xi32, #tpu.memory_space<vmem>>, vector<16xi32>, vector<16xi1>
        tpu.vector_store %arg21[%swap3A], %add3A_199 masked %ge3A_186 {strides = array<i32>} : memref<3360xi32, #tpu.memory_space<vmem>>, vector<16xi32>, vector<16xi1>
        %swap3A_201 = arith.index_cast %scan3A_181 : i32 to index
        %swap3A_202 = tpu.vector_load %arg22[%swap3A_201] masked %ge3A_186 {strides = array<i32>} : memref<3360xi32, #tpu.memory_space<vmem>>, vector<16xi32>, vector<16xi1>
        tpu.vector_store %arg22[%swap3A_201], %gather3A masked %ge3A_186 {strides = array<i32>} : memref<3360xi32, #tpu.memory_space<vmem>>, vector<16xi32>, vector<16xi1>
        %jit3A_203 = arith.constant 1 : i32
        %jit3A_204 = arith.constant 0 : i32
        %broadcast_in_dim3A_205 = vector.broadcast %jit3A_203 : i32 to vector<16xi32>
        %broadcast_in_dim3A_206 = vector.broadcast %jit3A_204 : i32 to vector<16xi32>
        %select_n3A_207 = arith.select %ge3A_186, %broadcast_in_dim3A_205, %broadcast_in_dim3A_206 : vector<16xi1>, vector<16xi32>
        %reduce_sum3A = arith.constant true
        %reduce_sum3A_208 = vector.broadcast %reduce_sum3A : i1 to vector<16xi1>
        %reduce_sum3A_209 = tpu.scan <sum>, %select_n3A_207 masked %reduce_sum3A_208 : vector<16xi32>, vector<16xi1> -> vector<16xi32>
        %reduce_sum3A_210 = vector.extract %reduce_sum3A_209[15] : i32 from vector<16xi32>
        %add3A_211 = arith.addi %scan3A_181, %reduce_sum3A_210 : i32
        scf.yield %add3A_211 : i32
      }
      %scan3A_97 = arith.constant 200 : i32
      %gt3A = arith.constant 0 : i32
      "tpu.trace_stop"() : () -> ()
      %gt3A_98 = arith.cmpi sgt, %scan3A_96, %gt3A : i32
      %convert_element_type3A_99 = arith.extui %gt3A_98 : i1 to i32
      %cond3A_100 = arith.constant 0 : i32
      %cond3A_101 = arith.cmpi ne, %convert_element_type3A_99, %cond3A_100 : i32
      scf.if %cond3A_101 {
        %broadcast_in_dim3A_180 = arith.constant 0 : i32
        %broadcast_in_dim3A_181 = vector.broadcast %broadcast_in_dim3A_180 : i32 to vector<16xi32>
        %get3A = arith.constant 0 : index
        %get3A_182 = tpu.vector_load %arg21[%get3A] {strides = array<i32>} : memref<3360xi32, #tpu.memory_space<vmem>>, vector<16xi32>,
        %broadcast_in_dim3A_183 = vector.shape_cast %broadcast_in_dim3A_181 : vector<16xi32> to vector<16x1xi32>
        %gather3A = vector.shape_cast %broadcast_in_dim3A_183 : vector<16x1xi32> to vector<16xi32>
        %gather3A_184 = tpu.dynamic_gather %get3A_182[%gather3A] in [0] : vector<16xi32>, vector<16xi32> -> vector<16xi32>
        %get3A_185 = arith.constant 0 : index
        %get3A_186 = tpu.vector_load %arg22[%get3A_185] {strides = array<i32>} : memref<3360xi32, #tpu.memory_space<vmem>>, vector<16xi32>,
        %broadcast_in_dim3A_187 = vector.shape_cast %broadcast_in_dim3A_181 : vector<16xi32> to vector<16x1xi32>
        %gather3A_188 = vector.shape_cast %broadcast_in_dim3A_187 : vector<16x1xi32> to vector<16xi32>
        %gather3A_189 = tpu.dynamic_gather %get3A_186[%gather3A_188] in [0] : vector<16xi32>, vector<16xi32> -> vector<16xi32>
        %scan3A_190 = arith.constant 0 : i32
        %scan3A_191 = arith.constant 0 : i32
        %scan3A_192 = arith.constant 8 : i32
        %scan3A_193 = arith.addi %scan3A_191, %scan3A_192 : i32
        %scan3A_194 = arith.constant 1 : i32
        scf.for %scan3A_196 = %scan3A_191 to %scan3A_193 step %scan3A_194  : i32 {
          %mul3A_197 = arith.constant 16 : i32
          %mul3A_198 = arith.muli %scan3A_196, %mul3A_197 : i32
          %add3A_199 = arith.addi %scan3A_96, %mul3A_198 : i32
          %add3A_200 = vector.broadcast %add3A_199 : i32 to vector<16xi32>
          %add3A_201 = arith.addi %add3A_200, %iota3A : vector<16xi32>
          tpu.vector_store_idx %arg21[%add3A_201], %gather3A_184 : memref<3360xi32, #tpu.memory_space<vmem>>[vector<16xi32>], vector<16xi32>,
          tpu.vector_store_idx %arg22[%add3A_201], %gather3A_189 : memref<3360xi32, #tpu.memory_space<vmem>>[vector<16xi32>], vector<16xi32>,
        }
        %scan3A_195 = arith.constant 8 : i32
      } else {
      }
      %dma_wait3A_102 = arith.constant 0 : i32
      %dma_wait3A_103 = arith.constant 0 : i32
      %dma_wait3A_104 = arith.constant 0 : i32
      %dma_wait3A_105 = tpu.memref_slice %arg23[%dma_wait3A_102, %dma_wait3A_103, %dma_wait3A_104] : memref<4x80x128xf32, #tpu.memory_space<vmem>> -> memref<1x80x128xf32, #tpu.memory_space<vmem>>
      %dma_wait3A_106 = tpu.memref_squeeze %dma_wait3A_105 : memref<1x80x128xf32, #tpu.memory_space<vmem>> -> memref<80x128xf32, #tpu.memory_space<vmem>>
      %dma_wait3A_107 = arith.constant 0 : i32
      %dma_wait3A_108 = tpu.memref_slice %arg2[%mul3A_2, %dma_wait3A_107] : memref<100000x128xf32, #tpu.memory_space<hbm>> -> memref<80x128xf32, #tpu.memory_space<hbm>>
      %dma_wait3A_109 = arith.constant 0 : i32
      %dma_wait3A_110 = arith.constant 0 : i32
      %dma_wait3A_111 = tpu.memref_slice %arg23[%dma_wait3A_102, %dma_wait3A_109, %dma_wait3A_110] : memref<4x80x128xf32, #tpu.memory_space<vmem>> -> memref<1x80x128xf32, #tpu.memory_space<vmem>>
      %dma_wait3A_112 = tpu.memref_squeeze %dma_wait3A_111 : memref<1x80x128xf32, #tpu.memory_space<vmem>> -> memref<80x128xf32, #tpu.memory_space<vmem>>
      %dma_wait3A_113 = arith.constant 0 : i32
      %dma_wait3A_114 = tpu.memref_slice %arg2[%mul3A_2, %dma_wait3A_113] : memref<100000x128xf32, #tpu.memory_space<hbm>> -> memref<80x128xf32, #tpu.memory_space<hbm>>
      tpu.wait_dma2 semaphore(%arg27 : memref<!tpu.dma_semaphore, #tpu.memory_space<semaphore_mem>>) src(%dma_wait3A_114 : memref<80x128xf32, #tpu.memory_space<hbm>>) dst(%dma_wait3A_112 : memref<80x128xf32, #tpu.memory_space<vmem>>)
      %dma_wait3A_115 = arith.constant 0 : i32
      %dma_wait3A_116 = arith.constant 0 : i32
      %dma_wait3A_117 = arith.constant 0 : i32
      %dma_wait3A_118 = tpu.memref_slice %arg23[%dma_wait3A_115, %dma_wait3A_116, %dma_wait3A_117] : memref<4x80x128xf32, #tpu.memory_space<vmem>> -> memref<1x80x128xf32, #tpu.memory_space<vmem>>
      %dma_wait3A_119 = tpu.memref_squeeze %dma_wait3A_118 : memref<1x80x128xf32, #tpu.memory_space<vmem>> -> memref<80x128xf32, #tpu.memory_space<vmem>>
      %dma_wait3A_120 = arith.constant 0 : i32
      %dma_wait3A_121 = tpu.memref_slice %arg2[%mul3A_2, %dma_wait3A_120] : memref<100000x128xf32, #tpu.memory_space<hbm>> -> memref<80x128xf32, #tpu.memory_space<hbm>>
      %dma_wait3A_122 = arith.constant 0 : i32
      %dma_wait3A_123 = arith.constant 0 : i32
      %dma_wait3A_124 = tpu.memref_slice %arg23[%dma_wait3A_115, %dma_wait3A_122, %dma_wait3A_123] : memref<4x80x128xf32, #tpu.memory_space<vmem>> -> memref<1x80x128xf32, #tpu.memory_space<vmem>>
      %dma_wait3A_125 = tpu.memref_squeeze %dma_wait3A_124 : memref<1x80x128xf32, #tpu.memory_space<vmem>> -> memref<80x128xf32, #tpu.memory_space<vmem>>
      %dma_wait3A_126 = arith.constant 0 : i32
      %dma_wait3A_127 = tpu.memref_slice %arg2[%mul3A_2, %dma_wait3A_126] : memref<100000x128xf32, #tpu.memory_space<hbm>> -> memref<80x128xf32, #tpu.memory_space<hbm>>
      tpu.wait_dma2 semaphore(%arg27 : memref<!tpu.dma_semaphore, #tpu.memory_space<semaphore_mem>>) src(%dma_wait3A_127 : memref<80x128xf32, #tpu.memory_space<hbm>>) dst(%dma_wait3A_125 : memref<80x128xf32, #tpu.memory_space<vmem>>)
      %dma_wait3A_128 = arith.constant 0 : i32
      %dma_wait3A_129 = arith.constant 0 : i32
      %dma_wait3A_130 = arith.constant 0 : i32
      %dma_wait3A_131 = tpu.memref_slice %arg23[%dma_wait3A_128, %dma_wait3A_129, %dma_wait3A_130] : memref<4x80x128xf32, #tpu.memory_space<vmem>> -> memref<1x80x128xf32, #tpu.memory_space<vmem>>
      %dma_wait3A_132 = tpu.memref_squeeze %dma_wait3A_131 : memref<1x80x128xf32, #tpu.memory_space<vmem>> -> memref<80x128xf32, #tpu.memory_space<vmem>>
      %dma_wait3A_133 = arith.constant 0 : i32
      %dma_wait3A_134 = tpu.memref_slice %arg2[%mul3A_2, %dma_wait3A_133] : memref<100000x128xf32, #tpu.memory_space<hbm>> -> memref<80x128xf32, #tpu.memory_space<hbm>>
      %dma_wait3A_135 = arith.constant 0 : i32
      %dma_wait3A_136 = arith.constant 0 : i32
      %dma_wait3A_137 = tpu.memref_slice %arg23[%dma_wait3A_128, %dma_wait3A_135, %dma_wait3A_136] : memref<4x80x128xf32, #tpu.memory_space<vmem>> -> memref<1x80x128xf32, #tpu.memory_space<vmem>>
      %dma_wait3A_138 = tpu.memref_squeeze %dma_wait3A_137 : memref<1x80x128xf32, #tpu.memory_space<vmem>> -> memref<80x128xf32, #tpu.memory_space<vmem>>
      %dma_wait3A_139 = arith.constant 0 : i32
      %dma_wait3A_140 = tpu.memref_slice %arg2[%mul3A_2, %dma_wait3A_139] : memref<100000x128xf32, #tpu.memory_space<hbm>> -> memref<80x128xf32, #tpu.memory_space<hbm>>
      tpu.wait_dma2 semaphore(%arg27 : memref<!tpu.dma_semaphore, #tpu.memory_space<semaphore_mem>>) src(%dma_wait3A_140 : memref<80x128xf32, #tpu.memory_space<hbm>>) dst(%dma_wait3A_138 : memref<80x128xf32, #tpu.memory_space<vmem>>)
      %dma_wait3A_141 = arith.constant 0 : i32
      %dma_wait3A_142 = arith.constant 0 : i32
      %dma_wait3A_143 = arith.constant 0 : i32
      %dma_wait3A_144 = tpu.memref_slice %arg23[%dma_wait3A_141, %dma_wait3A_142, %dma_wait3A_143] : memref<4x80x128xf32, #tpu.memory_space<vmem>> -> memref<1x80x128xf32, #tpu.memory_space<vmem>>
      %dma_wait3A_145 = tpu.memref_squeeze %dma_wait3A_144 : memref<1x80x128xf32, #tpu.memory_space<vmem>> -> memref<80x128xf32, #tpu.memory_space<vmem>>
      %dma_wait3A_146 = arith.constant 0 : i32
      %dma_wait3A_147 = tpu.memref_slice %arg2[%mul3A_2, %dma_wait3A_146] : memref<100000x128xf32, #tpu.memory_space<hbm>> -> memref<80x128xf32, #tpu.memory_space<hbm>>
      %dma_wait3A_148 = arith.constant 0 : i32
      %dma_wait3A_149 = arith.constant 0 : i32
      %dma_wait3A_150 = tpu.memref_slice %arg23[%dma_wait3A_141, %dma_wait3A_148, %dma_wait3A_149] : memref<4x80x128xf32, #tpu.memory_space<vmem>> -> memref<1x80x128xf32, #tpu.memory_space<vmem>>
      %dma_wait3A_151 = tpu.memref_squeeze %dma_wait3A_150 : memref<1x80x128xf32, #tpu.memory_space<vmem>> -> memref<80x128xf32, #tpu.memory_space<vmem>>
      %dma_wait3A_152 = arith.constant 0 : i32
      %dma_wait3A_153 = tpu.memref_slice %arg2[%mul3A_2, %dma_wait3A_152] : memref<100000x128xf32, #tpu.memory_space<hbm>> -> memref<80x128xf32, #tpu.memory_space<hbm>>
      tpu.wait_dma2 semaphore(%arg27 : memref<!tpu.dma_semaphore, #tpu.memory_space<semaphore_mem>>) src(%dma_wait3A_153 : memref<80x128xf32, #tpu.memory_space<hbm>>) dst(%dma_wait3A_151 : memref<80x128xf32, #tpu.memory_space<vmem>>)
      %add3A_154 = arith.constant 63 : i32
      %add3A_155 = arith.addi %scan3A_96, %add3A_154 : i32
      %jit3A = arith.constant 64 : i32
      %div3A = arith.divsi %add3A_155, %jit3A : i32
      %sign3A = arith.constant 0 : i32
      %sign3A_156 = arith.cmpi sgt, %add3A_155, %sign3A : i32
      %sign3A_157 = arith.extui %sign3A_156 : i1 to i32
      %sign3A_158 = arith.constant 0 : i32
      %sign3A_159 = arith.cmpi slt, %add3A_155, %sign3A_158 : i32
      %sign3A_160 = arith.extui %sign3A_159 : i1 to i32
      %sign3A_161 = arith.subi %sign3A_157, %sign3A_160 : i32
      %sign3A_162 = arith.constant 0 : i32
      %sign3A_163 = arith.cmpi sgt, %jit3A, %sign3A_162 : i32
      %sign3A_164 = arith.extui %sign3A_163 : i1 to i32
      %sign3A_165 = arith.constant 0 : i32
      %sign3A_166 = arith.cmpi slt, %jit3A, %sign3A_165 : i32
      %sign3A_167 = arith.extui %sign3A_166 : i1 to i32
      %sign3A_168 = arith.subi %sign3A_164, %sign3A_167 : i32
      %ne3A = arith.cmpi ne, %sign3A_161, %sign3A_168 : i32
      %rem3A = arith.remsi %add3A_155, %jit3A : i32
      %ne3A_169 = arith.constant 0 : i32
      %ne3A_170 = arith.cmpi ne, %rem3A, %ne3A_169 : i32
      %and3A = arith.andi %ne3A, %ne3A_170 : i1
      %sub3A = arith.constant 1 : i32
      %sub3A_171 = arith.subi %div3A, %sub3A : i32
      %select_n3A = arith.select %and3A, %sub3A_171, %div3A : i32
      %max3A = arith.constant 2 : i32
      %max3A_172 = arith.maxsi %select_n3A, %max3A : i32
      %mul3A_173 = arith.constant 4 : i32
      %mul3A_174 = arith.muli %max3A_172, %mul3A_173 : i32
      %gt3A_175 = arith.constant 0 : i32
      "tpu.trace_start"() <{level = 10 : i32, message = "ph_rowdma"}> : () -> ()
      %gt3A_176 = arith.cmpi sgt, %scan3A_96, %gt3A_175 : i32
      %convert_element_type3A_177 = arith.extui %gt3A_176 : i1 to i32
      %cond3A_178 = arith.constant 0 : i32
      %cond3A_179 = arith.cmpi ne, %convert_element_type3A_177, %cond3A_178 : i32
      scf.if %cond3A_179 {
        %get3A = arith.constant 0 : index
        %get3A_180 = tpu.vector_load %arg22[%get3A] {strides = array<i32>} : memref<3360xi32, #tpu.memory_space<vmem>>, vector<16xi32>,
        %rem3A_181 = arith.constant 0 : i32
        %rem3A_182 = arith.constant 16 : i32
        %rem3A_183 = arith.remsi %rem3A_181, %rem3A_182 : i32
        %jit3A_184 = arith.constant 5 : i32
        %div3A_185 = arith.divsi %rem3A_183, %jit3A_184 : i32
        %sign3A_186 = arith.constant 0 : i32
        %sign3A_187 = arith.cmpi sgt, %rem3A_183, %sign3A_186 : i32
        %sign3A_188 = arith.extui %sign3A_187 : i1 to i32
        %sign3A_189 = arith.constant 0 : i32
        %sign3A_190 = arith.cmpi slt, %rem3A_183, %sign3A_189 : i32
        %sign3A_191 = arith.extui %sign3A_190 : i1 to i32
        %sign3A_192 = arith.subi %sign3A_188, %sign3A_191 : i32
        %sign3A_193 = arith.constant 0 : i32
        %sign3A_194 = arith.cmpi sgt, %jit3A_184, %sign3A_193 : i32
        %sign3A_195 = arith.extui %sign3A_194 : i1 to i32
        %sign3A_196 = arith.constant 0 : i32
        %sign3A_197 = arith.cmpi slt, %jit3A_184, %sign3A_196 : i32
        %sign3A_198 = arith.extui %sign3A_197 : i1 to i32
        %sign3A_199 = arith.subi %sign3A_195, %sign3A_198 : i32
        %ne3A_200 = arith.cmpi ne, %sign3A_192, %sign3A_199 : i32
        %rem3A_201 = arith.remsi %rem3A_183, %jit3A_184 : i32
        %ne3A_202 = arith.constant 0 : i32
        %ne3A_203 = arith.cmpi ne, %rem3A_201, %ne3A_202 : i32
        %and3A_204 = arith.andi %ne3A_200, %ne3A_203 : i1
        %sub3A_205 = arith.constant 1 : i32
        %sub3A_206 = arith.subi %div3A_185, %sub3A_205 : i32
        %select_n3A_207 = arith.select %and3A_204, %sub3A_206, %div3A_185 : i32
        %rem3A_208 = arith.constant 5 : i32
        %rem3A_209 = arith.remsi %rem3A_183, %rem3A_208 : i32
        %mul3A_210 = arith.constant 16 : i32
        %mul3A_211 = arith.muli %rem3A_209, %mul3A_210 : i32
        %dma_start3A_212 = arith.constant 0 : i32
        %dma_start3A_213 = tpu.memref_slice %arg23[%select_n3A_207, %mul3A_211, %dma_start3A_212] : memref<4x80x128xf32, #tpu.memory_space<vmem>> -> memref<1x16x128xf32, #tpu.memory_space<vmem>>
        %dma_start3A_214 = tpu.memref_squeeze %dma_start3A_213 : memref<1x16x128xf32, #tpu.memory_space<vmem>> -> memref<16x128xf32, #tpu.memory_space<vmem>>
        %dma_start3A_215 = arith.constant 0 : i32
        %dma_start3A_216 = arith.constant 0 : i32
        %dma_start3A_217 = tpu.memref_slice %arg8[%dma_start3A_215, %dma_start3A_216] : memref<16384x128xf32, #tpu.memory_space<hbm>> -> memref<16384x128xf32, #tpu.memory_space<hbm>>
        tpu.enqueue_indirect_dma source(%dma_start3A_217 : memref<16384x128xf32, #tpu.memory_space<hbm>>) target(%dma_start3A_214 : memref<16x128xf32, #tpu.memory_space<vmem>>) offsets(%get3A_180 : vector<16xi32>) semaphore(%arg28 : memref<!tpu.dma_semaphore, #tpu.memory_space<semaphore_mem>>)
        %get3A_218 = arith.constant 16 : index
        %get3A_219 = tpu.vector_load %arg22[%get3A_218] {strides = array<i32>} : memref<3360xi32, #tpu.memory_space<vmem>>, vector<16xi32>,
        %rem3A_220 = arith.constant 1 : i32
        %rem3A_221 = arith.constant 16 : i32
        %rem3A_222 = arith.remsi %rem3A_220, %rem3A_221 : i32
        %jit3A_223 = arith.constant 5 : i32
        %div3A_224 = arith.divsi %rem3A_222, %jit3A_223 : i32
        %sign3A_225 = arith.constant 0 : i32
        %sign3A_226 = arith.cmpi sgt, %rem3A_222, %sign3A_225 : i32
        %sign3A_227 = arith.extui %sign3A_226 : i1 to i32
        %sign3A_228 = arith.constant 0 : i32
        %sign3A_229 = arith.cmpi slt, %rem3A_222, %sign3A_228 : i32
        %sign3A_230 = arith.extui %sign3A_229 : i1 to i32
        %sign3A_231 = arith.subi %sign3A_227, %sign3A_230 : i32
        %sign3A_232 = arith.constant 0 : i32
        %sign3A_233 = arith.cmpi sgt, %jit3A_223, %sign3A_232 : i32
        %sign3A_234 = arith.extui %sign3A_233 : i1 to i32
        %sign3A_235 = arith.constant 0 : i32
        %sign3A_236 = arith.cmpi slt, %jit3A_223, %sign3A_235 : i32
        %sign3A_237 = arith.extui %sign3A_236 : i1 to i32
        %sign3A_238 = arith.subi %sign3A_234, %sign3A_237 : i32
        %ne3A_239 = arith.cmpi ne, %sign3A_231, %sign3A_238 : i32
        %rem3A_240 = arith.remsi %rem3A_222, %jit3A_223 : i32
        %ne3A_241 = arith.constant 0 : i32
        %ne3A_242 = arith.cmpi ne, %rem3A_240, %ne3A_241 : i32
        %and3A_243 = arith.andi %ne3A_239, %ne3A_242 : i1
        %sub3A_244 = arith.constant 1 : i32
        %sub3A_245 = arith.subi %div3A_224, %sub3A_244 : i32
        %select_n3A_246 = arith.select %and3A_243, %sub3A_245, %div3A_224 : i32
        %rem3A_247 = arith.constant 5 : i32
        %rem3A_248 = arith.remsi %rem3A_222, %rem3A_247 : i32
        %mul3A_249 = arith.constant 16 : i32
        %mul3A_250 = arith.muli %rem3A_248, %mul3A_249 : i32
        %dma_start3A_251 = arith.constant 0 : i32
        %dma_start3A_252 = tpu.memref_slice %arg23[%select_n3A_246, %mul3A_250, %dma_start3A_251] : memref<4x80x128xf32, #tpu.memory_space<vmem>> -> memref<1x16x128xf32, #tpu.memory_space<vmem>>
        %dma_start3A_253 = tpu.memref_squeeze %dma_start3A_252 : memref<1x16x128xf32, #tpu.memory_space<vmem>> -> memref<16x128xf32, #tpu.memory_space<vmem>>
        %dma_start3A_254 = arith.constant 0 : i32
        %dma_start3A_255 = arith.constant 0 : i32
        %dma_start3A_256 = tpu.memref_slice %arg8[%dma_start3A_254, %dma_start3A_255] : memref<16384x128xf32, #tpu.memory_space<hbm>> -> memref<16384x128xf32, #tpu.memory_space<hbm>>
        tpu.enqueue_indirect_dma source(%dma_start3A_256 : memref<16384x128xf32, #tpu.memory_space<hbm>>) target(%dma_start3A_253 : memref<16x128xf32, #tpu.memory_space<vmem>>) offsets(%get3A_219 : vector<16xi32>) semaphore(%arg28 : memref<!tpu.dma_semaphore, #tpu.memory_space<semaphore_mem>>)
        %get3A_257 = arith.constant 32 : index
        %get3A_258 = tpu.vector_load %arg22[%get3A_257] {strides = array<i32>} : memref<3360xi32, #tpu.memory_space<vmem>>, vector<16xi32>,
        %rem3A_259 = arith.constant 2 : i32
        %rem3A_260 = arith.constant 16 : i32
        %rem3A_261 = arith.remsi %rem3A_259, %rem3A_260 : i32
        %jit3A_262 = arith.constant 5 : i32
        %div3A_263 = arith.divsi %rem3A_261, %jit3A_262 : i32
        %sign3A_264 = arith.constant 0 : i32
        %sign3A_265 = arith.cmpi sgt, %rem3A_261, %sign3A_264 : i32
        %sign3A_266 = arith.extui %sign3A_265 : i1 to i32
        %sign3A_267 = arith.constant 0 : i32
        %sign3A_268 = arith.cmpi slt, %rem3A_261, %sign3A_267 : i32
        %sign3A_269 = arith.extui %sign3A_268 : i1 to i32
        %sign3A_270 = arith.subi %sign3A_266, %sign3A_269 : i32
        %sign3A_271 = arith.constant 0 : i32
        %sign3A_272 = arith.cmpi sgt, %jit3A_262, %sign3A_271 : i32
        %sign3A_273 = arith.extui %sign3A_272 : i1 to i32
        %sign3A_274 = arith.constant 0 : i32
        %sign3A_275 = arith.cmpi slt, %jit3A_262, %sign3A_274 : i32
        %sign3A_276 = arith.extui %sign3A_275 : i1 to i32
        %sign3A_277 = arith.subi %sign3A_273, %sign3A_276 : i32
        %ne3A_278 = arith.cmpi ne, %sign3A_270, %sign3A_277 : i32
        %rem3A_279 = arith.remsi %rem3A_261, %jit3A_262 : i32
        %ne3A_280 = arith.constant 0 : i32
        %ne3A_281 = arith.cmpi ne, %rem3A_279, %ne3A_280 : i32
        %and3A_282 = arith.andi %ne3A_278, %ne3A_281 : i1
        %sub3A_283 = arith.constant 1 : i32
        %sub3A_284 = arith.subi %div3A_263, %sub3A_283 : i32
        %select_n3A_285 = arith.select %and3A_282, %sub3A_284, %div3A_263 : i32
        %rem3A_286 = arith.constant 5 : i32
        %rem3A_287 = arith.remsi %rem3A_261, %rem3A_286 : i32
        %mul3A_288 = arith.constant 16 : i32
        %mul3A_289 = arith.muli %rem3A_287, %mul3A_288 : i32
        %dma_start3A_290 = arith.constant 0 : i32
        %dma_start3A_291 = tpu.memref_slice %arg23[%select_n3A_285, %mul3A_289, %dma_start3A_290] : memref<4x80x128xf32, #tpu.memory_space<vmem>> -> memref<1x16x128xf32, #tpu.memory_space<vmem>>
        %dma_start3A_292 = tpu.memref_squeeze %dma_start3A_291 : memref<1x16x128xf32, #tpu.memory_space<vmem>> -> memref<16x128xf32, #tpu.memory_space<vmem>>
        %dma_start3A_293 = arith.constant 0 : i32
        %dma_start3A_294 = arith.constant 0 : i32
        %dma_start3A_295 = tpu.memref_slice %arg8[%dma_start3A_293, %dma_start3A_294] : memref<16384x128xf32, #tpu.memory_space<hbm>> -> memref<16384x128xf32, #tpu.memory_space<hbm>>
        tpu.enqueue_indirect_dma source(%dma_start3A_295 : memref<16384x128xf32, #tpu.memory_space<hbm>>) target(%dma_start3A_292 : memref<16x128xf32, #tpu.memory_space<vmem>>) offsets(%get3A_258 : vector<16xi32>) semaphore(%arg28 : memref<!tpu.dma_semaphore, #tpu.memory_space<semaphore_mem>>)
        %get3A_296 = arith.constant 48 : index
        %get3A_297 = tpu.vector_load %arg22[%get3A_296] {strides = array<i32>} : memref<3360xi32, #tpu.memory_space<vmem>>, vector<16xi32>,
        %rem3A_298 = arith.constant 3 : i32
        %rem3A_299 = arith.constant 16 : i32
        %rem3A_300 = arith.remsi %rem3A_298, %rem3A_299 : i32
        %jit3A_301 = arith.constant 5 : i32
        %div3A_302 = arith.divsi %rem3A_300, %jit3A_301 : i32
        %sign3A_303 = arith.constant 0 : i32
        %sign3A_304 = arith.cmpi sgt, %rem3A_300, %sign3A_303 : i32
        %sign3A_305 = arith.extui %sign3A_304 : i1 to i32
        %sign3A_306 = arith.constant 0 : i32
        %sign3A_307 = arith.cmpi slt, %rem3A_300, %sign3A_306 : i32
        %sign3A_308 = arith.extui %sign3A_307 : i1 to i32
        %sign3A_309 = arith.subi %sign3A_305, %sign3A_308 : i32
        %sign3A_310 = arith.constant 0 : i32
        %sign3A_311 = arith.cmpi sgt, %jit3A_301, %sign3A_310 : i32
        %sign3A_312 = arith.extui %sign3A_311 : i1 to i32
        %sign3A_313 = arith.constant 0 : i32
        %sign3A_314 = arith.cmpi slt, %jit3A_301, %sign3A_313 : i32
        %sign3A_315 = arith.extui %sign3A_314 : i1 to i32
        %sign3A_316 = arith.subi %sign3A_312, %sign3A_315 : i32
        %ne3A_317 = arith.cmpi ne, %sign3A_309, %sign3A_316 : i32
        %rem3A_318 = arith.remsi %rem3A_300, %jit3A_301 : i32
        %ne3A_319 = arith.constant 0 : i32
        %ne3A_320 = arith.cmpi ne, %rem3A_318, %ne3A_319 : i32
        %and3A_321 = arith.andi %ne3A_317, %ne3A_320 : i1
        %sub3A_322 = arith.constant 1 : i32
        %sub3A_323 = arith.subi %div3A_302, %sub3A_322 : i32
        %select_n3A_324 = arith.select %and3A_321, %sub3A_323, %div3A_302 : i32
        %rem3A_325 = arith.constant 5 : i32
        %rem3A_326 = arith.remsi %rem3A_300, %rem3A_325 : i32
        %mul3A_327 = arith.constant 16 : i32
        %mul3A_328 = arith.muli %rem3A_326, %mul3A_327 : i32
        %dma_start3A_329 = arith.constant 0 : i32
        %dma_start3A_330 = tpu.memref_slice %arg23[%select_n3A_324, %mul3A_328, %dma_start3A_329] : memref<4x80x128xf32, #tpu.memory_space<vmem>> -> memref<1x16x128xf32, #tpu.memory_space<vmem>>
        %dma_start3A_331 = tpu.memref_squeeze %dma_start3A_330 : memref<1x16x128xf32, #tpu.memory_space<vmem>> -> memref<16x128xf32, #tpu.memory_space<vmem>>
        %dma_start3A_332 = arith.constant 0 : i32
        %dma_start3A_333 = arith.constant 0 : i32
        %dma_start3A_334 = tpu.memref_slice %arg8[%dma_start3A_332, %dma_start3A_333] : memref<16384x128xf32, #tpu.memory_space<hbm>> -> memref<16384x128xf32, #tpu.memory_space<hbm>>
        tpu.enqueue_indirect_dma source(%dma_start3A_334 : memref<16384x128xf32, #tpu.memory_space<hbm>>) target(%dma_start3A_331 : memref<16x128xf32, #tpu.memory_space<vmem>>) offsets(%get3A_297 : vector<16xi32>) semaphore(%arg28 : memref<!tpu.dma_semaphore, #tpu.memory_space<semaphore_mem>>)
        %get3A_335 = arith.constant 64 : index
        %get3A_336 = tpu.vector_load %arg22[%get3A_335] {strides = array<i32>} : memref<3360xi32, #tpu.memory_space<vmem>>, vector<16xi32>,
        %rem3A_337 = arith.constant 4 : i32
        %rem3A_338 = arith.constant 16 : i32
        %rem3A_339 = arith.remsi %rem3A_337, %rem3A_338 : i32
        %jit3A_340 = arith.constant 5 : i32
        %div3A_341 = arith.divsi %rem3A_339, %jit3A_340 : i32
        %sign3A_342 = arith.constant 0 : i32
        %sign3A_343 = arith.cmpi sgt, %rem3A_339, %sign3A_342 : i32
        %sign3A_344 = arith.extui %sign3A_343 : i1 to i32
        %sign3A_345 = arith.constant 0 : i32
        %sign3A_346 = arith.cmpi slt, %rem3A_339, %sign3A_345 : i32
        %sign3A_347 = arith.extui %sign3A_346 : i1 to i32
        %sign3A_348 = arith.subi %sign3A_344, %sign3A_347 : i32
        %sign3A_349 = arith.constant 0 : i32
        %sign3A_350 = arith.cmpi sgt, %jit3A_340, %sign3A_349 : i32
        %sign3A_351 = arith.extui %sign3A_350 : i1 to i32
        %sign3A_352 = arith.constant 0 : i32
        %sign3A_353 = arith.cmpi slt, %jit3A_340, %sign3A_352 : i32
        %sign3A_354 = arith.extui %sign3A_353 : i1 to i32
        %sign3A_355 = arith.subi %sign3A_351, %sign3A_354 : i32
        %ne3A_356 = arith.cmpi ne, %sign3A_348, %sign3A_355 : i32
        %rem3A_357 = arith.remsi %rem3A_339, %jit3A_340 : i32
        %ne3A_358 = arith.constant 0 : i32
        %ne3A_359 = arith.cmpi ne, %rem3A_357, %ne3A_358 : i32
        %and3A_360 = arith.andi %ne3A_356, %ne3A_359 : i1
        %sub3A_361 = arith.constant 1 : i32
        %sub3A_362 = arith.subi %div3A_341, %sub3A_361 : i32
        %select_n3A_363 = arith.select %and3A_360, %sub3A_362, %div3A_341 : i32
        %rem3A_364 = arith.constant 5 : i32
        %rem3A_365 = arith.remsi %rem3A_339, %rem3A_364 : i32
        %mul3A_366 = arith.constant 16 : i32
        %mul3A_367 = arith.muli %rem3A_365, %mul3A_366 : i32
        %dma_start3A_368 = arith.constant 0 : i32
        %dma_start3A_369 = tpu.memref_slice %arg23[%select_n3A_363, %mul3A_367, %dma_start3A_368] : memref<4x80x128xf32, #tpu.memory_space<vmem>> -> memref<1x16x128xf32, #tpu.memory_space<vmem>>
        %dma_start3A_370 = tpu.memref_squeeze %dma_start3A_369 : memref<1x16x128xf32, #tpu.memory_space<vmem>> -> memref<16x128xf32, #tpu.memory_space<vmem>>
        %dma_start3A_371 = arith.constant 0 : i32
        %dma_start3A_372 = arith.constant 0 : i32
        %dma_start3A_373 = tpu.memref_slice %arg8[%dma_start3A_371, %dma_start3A_372] : memref<16384x128xf32, #tpu.memory_space<hbm>> -> memref<16384x128xf32, #tpu.memory_space<hbm>>
        tpu.enqueue_indirect_dma source(%dma_start3A_373 : memref<16384x128xf32, #tpu.memory_space<hbm>>) target(%dma_start3A_370 : memref<16x128xf32, #tpu.memory_space<vmem>>) offsets(%get3A_336 : vector<16xi32>) semaphore(%arg28 : memref<!tpu.dma_semaphore, #tpu.memory_space<semaphore_mem>>)
        %get3A_374 = arith.constant 80 : index
        %get3A_375 = tpu.vector_load %arg22[%get3A_374] {strides = array<i32>} : memref<3360xi32, #tpu.memory_space<vmem>>, vector<16xi32>,
        %rem3A_376 = arith.constant 5 : i32
        %rem3A_377 = arith.constant 16 : i32
        %rem3A_378 = arith.remsi %rem3A_376, %rem3A_377 : i32
        %jit3A_379 = arith.constant 5 : i32
        %div3A_380 = arith.divsi %rem3A_378, %jit3A_379 : i32
        %sign3A_381 = arith.constant 0 : i32
        %sign3A_382 = arith.cmpi sgt, %rem3A_378, %sign3A_381 : i32
        %sign3A_383 = arith.extui %sign3A_382 : i1 to i32
        %sign3A_384 = arith.constant 0 : i32
        %sign3A_385 = arith.cmpi slt, %rem3A_378, %sign3A_384 : i32
        %sign3A_386 = arith.extui %sign3A_385 : i1 to i32
        %sign3A_387 = arith.subi %sign3A_383, %sign3A_386 : i32
        %sign3A_388 = arith.constant 0 : i32
        %sign3A_389 = arith.cmpi sgt, %jit3A_379, %sign3A_388 : i32
        %sign3A_390 = arith.extui %sign3A_389 : i1 to i32
        %sign3A_391 = arith.constant 0 : i32
        %sign3A_392 = arith.cmpi slt, %jit3A_379, %sign3A_391 : i32
        %sign3A_393 = arith.extui %sign3A_392 : i1 to i32
        %sign3A_394 = arith.subi %sign3A_390, %sign3A_393 : i32
        %ne3A_395 = arith.cmpi ne, %sign3A_387, %sign3A_394 : i32
        %rem3A_396 = arith.remsi %rem3A_378, %jit3A_379 : i32
        %ne3A_397 = arith.constant 0 : i32
        %ne3A_398 = arith.cmpi ne, %rem3A_396, %ne3A_397 : i32
        %and3A_399 = arith.andi %ne3A_395, %ne3A_398 : i1
        %sub3A_400 = arith.constant 1 : i32
        %sub3A_401 = arith.subi %div3A_380, %sub3A_400 : i32
        %select_n3A_402 = arith.select %and3A_399, %sub3A_401, %div3A_380 : i32
        %rem3A_403 = arith.constant 5 : i32
        %rem3A_404 = arith.remsi %rem3A_378, %rem3A_403 : i32
        %mul3A_405 = arith.constant 16 : i32
        %mul3A_406 = arith.muli %rem3A_404, %mul3A_405 : i32
        %dma_start3A_407 = arith.constant 0 : i32
        %dma_start3A_408 = tpu.memref_slice %arg23[%select_n3A_402, %mul3A_406, %dma_start3A_407] : memref<4x80x128xf32, #tpu.memory_space<vmem>> -> memref<1x16x128xf32, #tpu.memory_space<vmem>>
        %dma_start3A_409 = tpu.memref_squeeze %dma_start3A_408 : memref<1x16x128xf32, #tpu.memory_space<vmem>> -> memref<16x128xf32, #tpu.memory_space<vmem>>
        %dma_start3A_410 = arith.constant 0 : i32
        %dma_start3A_411 = arith.constant 0 : i32
        %dma_start3A_412 = tpu.memref_slice %arg8[%dma_start3A_410, %dma_start3A_411] : memref<16384x128xf32, #tpu.memory_space<hbm>> -> memref<16384x128xf32, #tpu.memory_space<hbm>>
        tpu.enqueue_indirect_dma source(%dma_start3A_412 : memref<16384x128xf32, #tpu.memory_space<hbm>>) target(%dma_start3A_409 : memref<16x128xf32, #tpu.memory_space<vmem>>) offsets(%get3A_375 : vector<16xi32>) semaphore(%arg28 : memref<!tpu.dma_semaphore, #tpu.memory_space<semaphore_mem>>)
        %get3A_413 = arith.constant 96 : index
        %get3A_414 = tpu.vector_load %arg22[%get3A_413] {strides = array<i32>} : memref<3360xi32, #tpu.memory_space<vmem>>, vector<16xi32>,
        %rem3A_415 = arith.constant 6 : i32
        %rem3A_416 = arith.constant 16 : i32
        %rem3A_417 = arith.remsi %rem3A_415, %rem3A_416 : i32
        %jit3A_418 = arith.constant 5 : i32
        %div3A_419 = arith.divsi %rem3A_417, %jit3A_418 : i32
        %sign3A_420 = arith.constant 0 : i32
        %sign3A_421 = arith.cmpi sgt, %rem3A_417, %sign3A_420 : i32
        %sign3A_422 = arith.extui %sign3A_421 : i1 to i32
        %sign3A_423 = arith.constant 0 : i32
        %sign3A_424 = arith.cmpi slt, %rem3A_417, %sign3A_423 : i32
        %sign3A_425 = arith.extui %sign3A_424 : i1 to i32
        %sign3A_426 = arith.subi %sign3A_422, %sign3A_425 : i32
        %sign3A_427 = arith.constant 0 : i32
        %sign3A_428 = arith.cmpi sgt, %jit3A_418, %sign3A_427 : i32
        %sign3A_429 = arith.extui %sign3A_428 : i1 to i32
        %sign3A_430 = arith.constant 0 : i32
        %sign3A_431 = arith.cmpi slt, %jit3A_418, %sign3A_430 : i32
        %sign3A_432 = arith.extui %sign3A_431 : i1 to i32
        %sign3A_433 = arith.subi %sign3A_429, %sign3A_432 : i32
        %ne3A_434 = arith.cmpi ne, %sign3A_426, %sign3A_433 : i32
        %rem3A_435 = arith.remsi %rem3A_417, %jit3A_418 : i32
        %ne3A_436 = arith.constant 0 : i32
        %ne3A_437 = arith.cmpi ne, %rem3A_435, %ne3A_436 : i32
        %and3A_438 = arith.andi %ne3A_434, %ne3A_437 : i1
        %sub3A_439 = arith.constant 1 : i32
        %sub3A_440 = arith.subi %div3A_419, %sub3A_439 : i32
        %select_n3A_441 = arith.select %and3A_438, %sub3A_440, %div3A_419 : i32
        %rem3A_442 = arith.constant 5 : i32
        %rem3A_443 = arith.remsi %rem3A_417, %rem3A_442 : i32
        %mul3A_444 = arith.constant 16 : i32
        %mul3A_445 = arith.muli %rem3A_443, %mul3A_444 : i32
        %dma_start3A_446 = arith.constant 0 : i32
        %dma_start3A_447 = tpu.memref_slice %arg23[%select_n3A_441, %mul3A_445, %dma_start3A_446] : memref<4x80x128xf32, #tpu.memory_space<vmem>> -> memref<1x16x128xf32, #tpu.memory_space<vmem>>
        %dma_start3A_448 = tpu.memref_squeeze %dma_start3A_447 : memref<1x16x128xf32, #tpu.memory_space<vmem>> -> memref<16x128xf32, #tpu.memory_space<vmem>>
        %dma_start3A_449 = arith.constant 0 : i32
        %dma_start3A_450 = arith.constant 0 : i32
        %dma_start3A_451 = tpu.memref_slice %arg8[%dma_start3A_449, %dma_start3A_450] : memref<16384x128xf32, #tpu.memory_space<hbm>> -> memref<16384x128xf32, #tpu.memory_space<hbm>>
        tpu.enqueue_indirect_dma source(%dma_start3A_451 : memref<16384x128xf32, #tpu.memory_space<hbm>>) target(%dma_start3A_448 : memref<16x128xf32, #tpu.memory_space<vmem>>) offsets(%get3A_414 : vector<16xi32>) semaphore(%arg28 : memref<!tpu.dma_semaphore, #tpu.memory_space<semaphore_mem>>)
        %get3A_452 = arith.constant 112 : index
        %get3A_453 = tpu.vector_load %arg22[%get3A_452] {strides = array<i32>} : memref<3360xi32, #tpu.memory_space<vmem>>, vector<16xi32>,
        %rem3A_454 = arith.constant 7 : i32
        %rem3A_455 = arith.constant 16 : i32
        %rem3A_456 = arith.remsi %rem3A_454, %rem3A_455 : i32
        %jit3A_457 = arith.constant 5 : i32
        %div3A_458 = arith.divsi %rem3A_456, %jit3A_457 : i32
        %sign3A_459 = arith.constant 0 : i32
        %sign3A_460 = arith.cmpi sgt, %rem3A_456, %sign3A_459 : i32
        %sign3A_461 = arith.extui %sign3A_460 : i1 to i32
        %sign3A_462 = arith.constant 0 : i32
        %sign3A_463 = arith.cmpi slt, %rem3A_456, %sign3A_462 : i32
        %sign3A_464 = arith.extui %sign3A_463 : i1 to i32
        %sign3A_465 = arith.subi %sign3A_461, %sign3A_464 : i32
        %sign3A_466 = arith.constant 0 : i32
        %sign3A_467 = arith.cmpi sgt, %jit3A_457, %sign3A_466 : i32
        %sign3A_468 = arith.extui %sign3A_467 : i1 to i32
        %sign3A_469 = arith.constant 0 : i32
        %sign3A_470 = arith.cmpi slt, %jit3A_457, %sign3A_469 : i32
        %sign3A_471 = arith.extui %sign3A_470 : i1 to i32
        %sign3A_472 = arith.subi %sign3A_468, %sign3A_471 : i32
        %ne3A_473 = arith.cmpi ne, %sign3A_465, %sign3A_472 : i32
        %rem3A_474 = arith.remsi %rem3A_456, %jit3A_457 : i32
        %ne3A_475 = arith.constant 0 : i32
        %ne3A_476 = arith.cmpi ne, %rem3A_474, %ne3A_475 : i32
        %and3A_477 = arith.andi %ne3A_473, %ne3A_476 : i1
        %sub3A_478 = arith.constant 1 : i32
        %sub3A_479 = arith.subi %div3A_458, %sub3A_478 : i32
        %select_n3A_480 = arith.select %and3A_477, %sub3A_479, %div3A_458 : i32
        %rem3A_481 = arith.constant 5 : i32
        %rem3A_482 = arith.remsi %rem3A_456, %rem3A_481 : i32
        %mul3A_483 = arith.constant 16 : i32
        %mul3A_484 = arith.muli %rem3A_482, %mul3A_483 : i32
        %dma_start3A_485 = arith.constant 0 : i32
        %dma_start3A_486 = tpu.memref_slice %arg23[%select_n3A_480, %mul3A_484, %dma_start3A_485] : memref<4x80x128xf32, #tpu.memory_space<vmem>> -> memref<1x16x128xf32, #tpu.memory_space<vmem>>
        %dma_start3A_487 = tpu.memref_squeeze %dma_start3A_486 : memref<1x16x128xf32, #tpu.memory_space<vmem>> -> memref<16x128xf32, #tpu.memory_space<vmem>>
        %dma_start3A_488 = arith.constant 0 : i32
        %dma_start3A_489 = arith.constant 0 : i32
        %dma_start3A_490 = tpu.memref_slice %arg8[%dma_start3A_488, %dma_start3A_489] : memref<16384x128xf32, #tpu.memory_space<hbm>> -> memref<16384x128xf32, #tpu.memory_space<hbm>>
        tpu.enqueue_indirect_dma source(%dma_start3A_490 : memref<16384x128xf32, #tpu.memory_space<hbm>>) target(%dma_start3A_487 : memref<16x128xf32, #tpu.memory_space<vmem>>) offsets(%get3A_453 : vector<16xi32>) semaphore(%arg28 : memref<!tpu.dma_semaphore, #tpu.memory_space<semaphore_mem>>)
        %while3A = arith.constant 0 : i32
        %while3A_491 = arith.constant 0 : i32
        %while3A_492 = arith.subi %mul3A_174, %while3A_491 : i32
        %while3A_493 = arith.addi %while3A_491, %while3A_492 : i32
        %while3A_494 = arith.constant 1 : i32
        %while3A_495 = arith.divsi %while3A_492, %while3A_494 : i32
        %while3A_496 = arith.muli %while3A_495, %while3A_494 : i32
        %while3A_497 = arith.addi %while3A_491, %while3A_496 : i32
        %while3A_498 = arith.constant 1 : i32
        scf.for %while3A_844 = %while3A_491 to %while3A_497 step %while3A_498  : i32 {
          %rem3A_845 = arith.constant 0 : i32
          %rem3A_846 = arith.constant 16 : i32
          %rem3A_847 = arith.remsi %rem3A_845, %rem3A_846 : i32
          %jit3A_848 = arith.constant 5 : i32
          %div3A_849 = arith.divsi %rem3A_847, %jit3A_848 : i32
          %sign3A_850 = arith.constant 0 : i32
          %sign3A_851 = arith.cmpi sgt, %rem3A_847, %sign3A_850 : i32
          %sign3A_852 = arith.extui %sign3A_851 : i1 to i32
          %sign3A_853 = arith.constant 0 : i32
          %sign3A_854 = arith.cmpi slt, %rem3A_847, %sign3A_853 : i32
          %sign3A_855 = arith.extui %sign3A_854 : i1 to i32
          %sign3A_856 = arith.subi %sign3A_852, %sign3A_855 : i32
          %sign3A_857 = arith.constant 0 : i32
          %sign3A_858 = arith.cmpi sgt, %jit3A_848, %sign3A_857 : i32
          %sign3A_859 = arith.extui %sign3A_858 : i1 to i32
          %sign3A_860 = arith.constant 0 : i32
          %sign3A_861 = arith.cmpi slt, %jit3A_848, %sign3A_860 : i32
          %sign3A_862 = arith.extui %sign3A_861 : i1 to i32
          %sign3A_863 = arith.subi %sign3A_859, %sign3A_862 : i32
          %ne3A_864 = arith.cmpi ne, %sign3A_856, %sign3A_863 : i32
          %rem3A_865 = arith.remsi %rem3A_847, %jit3A_848 : i32
          %ne3A_866 = arith.constant 0 : i32
          %ne3A_867 = arith.cmpi ne, %rem3A_865, %ne3A_866 : i32
          %and3A_868 = arith.andi %ne3A_864, %ne3A_867 : i1
          %sub3A_869 = arith.constant 1 : i32
          %sub3A_870 = arith.subi %div3A_849, %sub3A_869 : i32
          %select_n3A_871 = arith.select %and3A_868, %sub3A_870, %div3A_849 : i32
          %rem3A_872 = arith.constant 5 : i32
          %rem3A_873 = arith.remsi %rem3A_847, %rem3A_872 : i32
          %mul3A_874 = arith.constant 16 : i32
          %mul3A_875 = arith.muli %rem3A_873, %mul3A_874 : i32
          %dma_wait3A_876 = arith.constant 0 : i32
          %dma_wait3A_877 = tpu.memref_slice %arg23[%select_n3A_871, %mul3A_875, %dma_wait3A_876] : memref<4x80x128xf32, #tpu.memory_space<vmem>> -> memref<1x16x128xf32, #tpu.memory_space<vmem>>
          %dma_wait3A_878 = tpu.memref_squeeze %dma_wait3A_877 : memref<1x16x128xf32, #tpu.memory_space<vmem>> -> memref<16x128xf32, #tpu.memory_space<vmem>>
          %dma_wait3A_879 = arith.constant 0 : i32
          %dma_wait3A_880 = arith.constant 0 : i32
          %dma_wait3A_881 = tpu.memref_slice %arg8[%dma_wait3A_879, %dma_wait3A_880] : memref<16384x128xf32, #tpu.memory_space<hbm>> -> memref<16x128xf32, #tpu.memory_space<hbm>>
          %dma_wait3A_882 = arith.constant 0 : i32
          %dma_wait3A_883 = tpu.memref_slice %arg23[%select_n3A_871, %mul3A_875, %dma_wait3A_882] : memref<4x80x128xf32, #tpu.memory_space<vmem>> -> memref<1x16x128xf32, #tpu.memory_space<vmem>>
          %dma_wait3A_884 = tpu.memref_squeeze %dma_wait3A_883 : memref<1x16x128xf32, #tpu.memory_space<vmem>> -> memref<16x128xf32, #tpu.memory_space<vmem>>
          %dma_wait3A_885 = arith.constant 0 : i32
          %dma_wait3A_886 = arith.constant 0 : i32
          %dma_wait3A_887 = tpu.memref_slice %arg8[%dma_wait3A_885, %dma_wait3A_886] : memref<16384x128xf32, #tpu.memory_space<hbm>> -> memref<16x128xf32, #tpu.memory_space<hbm>>
          tpu.wait_dma2 semaphore(%arg28 : memref<!tpu.dma_semaphore, #tpu.memory_space<semaphore_mem>>) src(%dma_wait3A_887 : memref<16x128xf32, #tpu.memory_space<hbm>>) dst(%dma_wait3A_884 : memref<16x128xf32, #tpu.memory_space<vmem>>)
          %mul3A_888 = arith.constant 16 : i32
          %mul3A_889 = arith.muli %while3A_844, %mul3A_888 : i32
          %get3A_890 = arith.index_cast %mul3A_889 : i32 to index
          %get3A_891 = tpu.vector_load %arg21[%get3A_890] {strides = array<i32>} : memref<3360xi32, #tpu.memory_space<vmem>>, vector<16xi32>,
          %rem3A_892 = arith.constant 16 : i32
          %rem3A_893 = arith.remsi %while3A_844, %rem3A_892 : i32
          %jit3A_894 = arith.constant 5 : i32
          %div3A_895 = arith.divsi %rem3A_893, %jit3A_894 : i32
          %sign3A_896 = arith.constant 0 : i32
          %sign3A_897 = arith.cmpi sgt, %rem3A_893, %sign3A_896 : i32
          %sign3A_898 = arith.extui %sign3A_897 : i1 to i32
          %sign3A_899 = arith.constant 0 : i32
          %sign3A_900 = arith.cmpi slt, %rem3A_893, %sign3A_899 : i32
          %sign3A_901 = arith.extui %sign3A_900 : i1 to i32
          %sign3A_902 = arith.subi %sign3A_898, %sign3A_901 : i32
          %sign3A_903 = arith.constant 0 : i32
          %sign3A_904 = arith.cmpi sgt, %jit3A_894, %sign3A_903 : i32
          %sign3A_905 = arith.extui %sign3A_904 : i1 to i32
          %sign3A_906 = arith.constant 0 : i32
          %sign3A_907 = arith.cmpi slt, %jit3A_894, %sign3A_906 : i32
          %sign3A_908 = arith.extui %sign3A_907 : i1 to i32
          %sign3A_909 = arith.subi %sign3A_905, %sign3A_908 : i32
          %ne3A_910 = arith.cmpi ne, %sign3A_902, %sign3A_909 : i32
          %rem3A_911 = arith.remsi %rem3A_893, %jit3A_894 : i32
          %ne3A_912 = arith.constant 0 : i32
          %ne3A_913 = arith.cmpi ne, %rem3A_911, %ne3A_912 : i32
          %and3A_914 = arith.andi %ne3A_910, %ne3A_913 : i1
          %sub3A_915 = arith.constant 1 : i32
          %sub3A_916 = arith.subi %div3A_895, %sub3A_915 : i32
          %select_n3A_917 = arith.select %and3A_914, %sub3A_916, %div3A_895 : i32
          %rem3A_918 = arith.constant 5 : i32
          %rem3A_919 = arith.remsi %rem3A_893, %rem3A_918 : i32
          %mul3A_920 = arith.constant 16 : i32
          %mul3A_921 = arith.muli %rem3A_919, %mul3A_920 : i32
          %dma_start3A_922 = arith.constant 0 : i32
          %dma_start3A_923 = tpu.memref_slice %arg23[%select_n3A_917, %mul3A_921, %dma_start3A_922] : memref<4x80x128xf32, #tpu.memory_space<vmem>> -> memref<1x16x128xf32, #tpu.memory_space<vmem>>
          %dma_start3A_924 = tpu.memref_squeeze %dma_start3A_923 : memref<1x16x128xf32, #tpu.memory_space<vmem>> -> memref<16x128xf32, #tpu.memory_space<vmem>>
          %dma_start3A_925 = arith.constant 0 : i32
          %dma_start3A_926 = arith.constant 0 : i32
          %dma_start3A_927 = tpu.memref_slice %arg10[%dma_start3A_925, %dma_start3A_926] : memref<100000x128xf32, #tpu.memory_space<hbm>> -> memref<100000x128xf32, #tpu.memory_space<hbm>>
          tpu.enqueue_indirect_dma source(%dma_start3A_924 : memref<16x128xf32, #tpu.memory_space<vmem>>) target(%dma_start3A_927 : memref<100000x128xf32, #tpu.memory_space<hbm>>) offsets(%get3A_891 : vector<16xi32>) semaphore(%arg29 : memref<!tpu.dma_semaphore, #tpu.memory_space<semaphore_mem>>)
          %ge3A = arith.constant 8 : i32
          %ge3A_928 = arith.cmpi sge, %while3A_844, %ge3A : i32
          %convert_element_type3A_929 = arith.extui %ge3A_928 : i1 to i32
          %cond3A_930 = arith.constant 0 : i32
          %cond3A_931 = arith.cmpi ne, %convert_element_type3A_929, %cond3A_930 : i32
          scf.if %cond3A_931 {
            %rem3A_938 = arith.constant 0 : i32
            %rem3A_939 = arith.constant 16 : i32
            %rem3A_940 = arith.remsi %rem3A_938, %rem3A_939 : i32
            %jit3A_941 = arith.constant 5 : i32
            %div3A_942 = arith.divsi %rem3A_940, %jit3A_941 : i32
            %sign3A_943 = arith.constant 0 : i32
            %sign3A_944 = arith.cmpi sgt, %rem3A_940, %sign3A_943 : i32
            %sign3A_945 = arith.extui %sign3A_944 : i1 to i32
            %sign3A_946 = arith.constant 0 : i32
            %sign3A_947 = arith.cmpi slt, %rem3A_940, %sign3A_946 : i32
            %sign3A_948 = arith.extui %sign3A_947 : i1 to i32
            %sign3A_949 = arith.subi %sign3A_945, %sign3A_948 : i32
            %sign3A_950 = arith.constant 0 : i32
            %sign3A_951 = arith.cmpi sgt, %jit3A_941, %sign3A_950 : i32
            %sign3A_952 = arith.extui %sign3A_951 : i1 to i32
            %sign3A_953 = arith.constant 0 : i32
            %sign3A_954 = arith.cmpi slt, %jit3A_941, %sign3A_953 : i32
            %sign3A_955 = arith.extui %sign3A_954 : i1 to i32
            %sign3A_956 = arith.subi %sign3A_952, %sign3A_955 : i32
            %ne3A_957 = arith.cmpi ne, %sign3A_949, %sign3A_956 : i32
            %rem3A_958 = arith.remsi %rem3A_940, %jit3A_941 : i32
            %ne3A_959 = arith.constant 0 : i32
            %ne3A_960 = arith.cmpi ne, %rem3A_958, %ne3A_959 : i32
            %and3A_961 = arith.andi %ne3A_957, %ne3A_960 : i1
            %sub3A_962 = arith.constant 1 : i32
            %sub3A_963 = arith.subi %div3A_942, %sub3A_962 : i32
            %select_n3A_964 = arith.select %and3A_961, %sub3A_963, %div3A_942 : i32
            %rem3A_965 = arith.constant 5 : i32
            %rem3A_966 = arith.remsi %rem3A_940, %rem3A_965 : i32
            %mul3A_967 = arith.constant 16 : i32
            %mul3A_968 = arith.muli %rem3A_966, %mul3A_967 : i32
            %dma_wait3A_969 = arith.constant 0 : i32
            %dma_wait3A_970 = tpu.memref_slice %arg23[%select_n3A_964, %mul3A_968, %dma_wait3A_969] : memref<4x80x128xf32, #tpu.memory_space<vmem>> -> memref<1x16x128xf32, #tpu.memory_space<vmem>>
            %dma_wait3A_971 = tpu.memref_squeeze %dma_wait3A_970 : memref<1x16x128xf32, #tpu.memory_space<vmem>> -> memref<16x128xf32, #tpu.memory_space<vmem>>
            %dma_wait3A_972 = arith.constant 0 : i32
            %dma_wait3A_973 = arith.constant 0 : i32
            %dma_wait3A_974 = tpu.memref_slice %arg8[%dma_wait3A_972, %dma_wait3A_973] : memref<16384x128xf32, #tpu.memory_space<hbm>> -> memref<16x128xf32, #tpu.memory_space<hbm>>
            %dma_wait3A_975 = arith.constant 0 : i32
            %dma_wait3A_976 = tpu.memref_slice %arg23[%select_n3A_964, %mul3A_968, %dma_wait3A_975] : memref<4x80x128xf32, #tpu.memory_space<vmem>> -> memref<1x16x128xf32, #tpu.memory_space<vmem>>
            %dma_wait3A_977 = tpu.memref_squeeze %dma_wait3A_976 : memref<1x16x128xf32, #tpu.memory_space<vmem>> -> memref<16x128xf32, #tpu.memory_space<vmem>>
            %dma_wait3A_978 = arith.constant 0 : i32
            %dma_wait3A_979 = arith.constant 0 : i32
            %dma_wait3A_980 = tpu.memref_slice %arg8[%dma_wait3A_978, %dma_wait3A_979] : memref<16384x128xf32, #tpu.memory_space<hbm>> -> memref<16x128xf32, #tpu.memory_space<hbm>>
            tpu.wait_dma2 semaphore(%arg29 : memref<!tpu.dma_semaphore, #tpu.memory_space<semaphore_mem>>) src(%dma_wait3A_980 : memref<16x128xf32, #tpu.memory_space<hbm>>) dst(%dma_wait3A_977 : memref<16x128xf32, #tpu.memory_space<vmem>>)
          } else {
          }
          %add3A_932 = arith.constant 8 : i32
          %add3A_933 = arith.addi %while3A_844, %add3A_932 : i32
          %lt3A_934 = arith.cmpi slt, %add3A_933, %mul3A_174 : i32
          %convert_element_type3A_935 = arith.extui %lt3A_934 : i1 to i32
          %cond3A_936 = arith.constant 0 : i32
          %cond3A_937 = arith.cmpi ne, %convert_element_type3A_935, %cond3A_936 : i32
          scf.if %cond3A_937 {
            %add3A_938 = arith.constant 8 : i32
            %add3A_939 = arith.addi %while3A_844, %add3A_938 : i32
            %mul3A_940 = arith.constant 16 : i32
            %mul3A_941 = arith.muli %add3A_939, %mul3A_940 : i32
            %get3A_942 = arith.index_cast %mul3A_941 : i32 to index
            %get3A_943 = tpu.vector_load %arg22[%get3A_942] {strides = array<i32>} : memref<3360xi32, #tpu.memory_space<vmem>>, vector<16xi32>,
            %rem3A_944 = arith.constant 16 : i32
            %rem3A_945 = arith.remsi %add3A_939, %rem3A_944 : i32
            %jit3A_946 = arith.constant 5 : i32
            %div3A_947 = arith.divsi %rem3A_945, %jit3A_946 : i32
            %sign3A_948 = arith.constant 0 : i32
            %sign3A_949 = arith.cmpi sgt, %rem3A_945, %sign3A_948 : i32
            %sign3A_950 = arith.extui %sign3A_949 : i1 to i32
            %sign3A_951 = arith.constant 0 : i32
            %sign3A_952 = arith.cmpi slt, %rem3A_945, %sign3A_951 : i32
            %sign3A_953 = arith.extui %sign3A_952 : i1 to i32
            %sign3A_954 = arith.subi %sign3A_950, %sign3A_953 : i32
            %sign3A_955 = arith.constant 0 : i32
            %sign3A_956 = arith.cmpi sgt, %jit3A_946, %sign3A_955 : i32
            %sign3A_957 = arith.extui %sign3A_956 : i1 to i32
            %sign3A_958 = arith.constant 0 : i32
            %sign3A_959 = arith.cmpi slt, %jit3A_946, %sign3A_958 : i32
            %sign3A_960 = arith.extui %sign3A_959 : i1 to i32
            %sign3A_961 = arith.subi %sign3A_957, %sign3A_960 : i32
            %ne3A_962 = arith.cmpi ne, %sign3A_954, %sign3A_961 : i32
            %rem3A_963 = arith.remsi %rem3A_945, %jit3A_946 : i32
            %ne3A_964 = arith.constant 0 : i32
            %ne3A_965 = arith.cmpi ne, %rem3A_963, %ne3A_964 : i32
            %and3A_966 = arith.andi %ne3A_962, %ne3A_965 : i1
            %sub3A_967 = arith.constant 1 : i32
            %sub3A_968 = arith.subi %div3A_947, %sub3A_967 : i32
            %select_n3A_969 = arith.select %and3A_966, %sub3A_968, %div3A_947 : i32
            %rem3A_970 = arith.constant 5 : i32
            %rem3A_971 = arith.remsi %rem3A_945, %rem3A_970 : i32
            %mul3A_972 = arith.constant 16 : i32
            %mul3A_973 = arith.muli %rem3A_971, %mul3A_972 : i32
            %dma_start3A_974 = arith.constant 0 : i32
            %dma_start3A_975 = tpu.memref_slice %arg23[%select_n3A_969, %mul3A_973, %dma_start3A_974] : memref<4x80x128xf32, #tpu.memory_space<vmem>> -> memref<1x16x128xf32, #tpu.memory_space<vmem>>
            %dma_start3A_976 = tpu.memref_squeeze %dma_start3A_975 : memref<1x16x128xf32, #tpu.memory_space<vmem>> -> memref<16x128xf32, #tpu.memory_space<vmem>>
            %dma_start3A_977 = arith.constant 0 : i32
            %dma_start3A_978 = arith.constant 0 : i32
            %dma_start3A_979 = tpu.memref_slice %arg8[%dma_start3A_977, %dma_start3A_978] : memref<16384x128xf32, #tpu.memory_space<hbm>> -> memref<16384x128xf32, #tpu.memory_space<hbm>>
            tpu.enqueue_indirect_dma source(%dma_start3A_979 : memref<16384x128xf32, #tpu.memory_space<hbm>>) target(%dma_start3A_976 : memref<16x128xf32, #tpu.memory_space<vmem>>) offsets(%get3A_943 : vector<16xi32>) semaphore(%arg28 : memref<!tpu.dma_semaphore, #tpu.memory_space<semaphore_mem>>)
          } else {
          }
        }
        %while3A_499 = arith.constant 1 : i32
        scf.for %while3A_844 = %while3A_497 to %while3A_493 step %while3A_499  : i32 {
          %rem3A_845 = arith.constant 0 : i32
          %rem3A_846 = arith.constant 16 : i32
          %rem3A_847 = arith.remsi %rem3A_845, %rem3A_846 : i32
          %jit3A_848 = arith.constant 5 : i32
          %div3A_849 = arith.divsi %rem3A_847, %jit3A_848 : i32
          %sign3A_850 = arith.constant 0 : i32
          %sign3A_851 = arith.cmpi sgt, %rem3A_847, %sign3A_850 : i32
          %sign3A_852 = arith.extui %sign3A_851 : i1 to i32
          %sign3A_853 = arith.constant 0 : i32
          %sign3A_854 = arith.cmpi slt, %rem3A_847, %sign3A_853 : i32
          %sign3A_855 = arith.extui %sign3A_854 : i1 to i32
          %sign3A_856 = arith.subi %sign3A_852, %sign3A_855 : i32
          %sign3A_857 = arith.constant 0 : i32
          %sign3A_858 = arith.cmpi sgt, %jit3A_848, %sign3A_857 : i32
          %sign3A_859 = arith.extui %sign3A_858 : i1 to i32
          %sign3A_860 = arith.constant 0 : i32
          %sign3A_861 = arith.cmpi slt, %jit3A_848, %sign3A_860 : i32
          %sign3A_862 = arith.extui %sign3A_861 : i1 to i32
          %sign3A_863 = arith.subi %sign3A_859, %sign3A_862 : i32
          %ne3A_864 = arith.cmpi ne, %sign3A_856, %sign3A_863 : i32
          %rem3A_865 = arith.remsi %rem3A_847, %jit3A_848 : i32
          %ne3A_866 = arith.constant 0 : i32
          %ne3A_867 = arith.cmpi ne, %rem3A_865, %ne3A_866 : i32
          %and3A_868 = arith.andi %ne3A_864, %ne3A_867 : i1
          %sub3A_869 = arith.constant 1 : i32
          %sub3A_870 = arith.subi %div3A_849, %sub3A_869 : i32
          %select_n3A_871 = arith.select %and3A_868, %sub3A_870, %div3A_849 : i32
          %rem3A_872 = arith.constant 5 : i32
          %rem3A_873 = arith.remsi %rem3A_847, %rem3A_872 : i32
          %mul3A_874 = arith.constant 16 : i32
          %mul3A_875 = arith.muli %rem3A_873, %mul3A_874 : i32
          %dma_wait3A_876 = arith.constant 0 : i32
          %dma_wait3A_877 = tpu.memref_slice %arg23[%select_n3A_871, %mul3A_875, %dma_wait3A_876] : memref<4x80x128xf32, #tpu.memory_space<vmem>> -> memref<1x16x128xf32, #tpu.memory_space<vmem>>
          %dma_wait3A_878 = tpu.memref_squeeze %dma_wait3A_877 : memref<1x16x128xf32, #tpu.memory_space<vmem>> -> memref<16x128xf32, #tpu.memory_space<vmem>>
          %dma_wait3A_879 = arith.constant 0 : i32
          %dma_wait3A_880 = arith.constant 0 : i32
          %dma_wait3A_881 = tpu.memref_slice %arg8[%dma_wait3A_879, %dma_wait3A_880] : memref<16384x128xf32, #tpu.memory_space<hbm>> -> memref<16x128xf32, #tpu.memory_space<hbm>>
          %dma_wait3A_882 = arith.constant 0 : i32
          %dma_wait3A_883 = tpu.memref_slice %arg23[%select_n3A_871, %mul3A_875, %dma_wait3A_882] : memref<4x80x128xf32, #tpu.memory_space<vmem>> -> memref<1x16x128xf32, #tpu.memory_space<vmem>>
          %dma_wait3A_884 = tpu.memref_squeeze %dma_wait3A_883 : memref<1x16x128xf32, #tpu.memory_space<vmem>> -> memref<16x128xf32, #tpu.memory_space<vmem>>
          %dma_wait3A_885 = arith.constant 0 : i32
          %dma_wait3A_886 = arith.constant 0 : i32
          %dma_wait3A_887 = tpu.memref_slice %arg8[%dma_wait3A_885, %dma_wait3A_886] : memref<16384x128xf32, #tpu.memory_space<hbm>> -> memref<16x128xf32, #tpu.memory_space<hbm>>
          tpu.wait_dma2 semaphore(%arg28 : memref<!tpu.dma_semaphore, #tpu.memory_space<semaphore_mem>>) src(%dma_wait3A_887 : memref<16x128xf32, #tpu.memory_space<hbm>>) dst(%dma_wait3A_884 : memref<16x128xf32, #tpu.memory_space<vmem>>)
          %mul3A_888 = arith.constant 16 : i32
          %mul3A_889 = arith.muli %while3A_844, %mul3A_888 : i32
          %get3A_890 = arith.index_cast %mul3A_889 : i32 to index
          %get3A_891 = tpu.vector_load %arg21[%get3A_890] {strides = array<i32>} : memref<3360xi32, #tpu.memory_space<vmem>>, vector<16xi32>,
          %rem3A_892 = arith.constant 16 : i32
          %rem3A_893 = arith.remsi %while3A_844, %rem3A_892 : i32
          %jit3A_894 = arith.constant 5 : i32
          %div3A_895 = arith.divsi %rem3A_893, %jit3A_894 : i32
          %sign3A_896 = arith.constant 0 : i32
          %sign3A_897 = arith.cmpi sgt, %rem3A_893, %sign3A_896 : i32
          %sign3A_898 = arith.extui %sign3A_897 : i1 to i32
          %sign3A_899 = arith.constant 0 : i32
          %sign3A_900 = arith.cmpi slt, %rem3A_893, %sign3A_899 : i32
          %sign3A_901 = arith.extui %sign3A_900 : i1 to i32
          %sign3A_902 = arith.subi %sign3A_898, %sign3A_901 : i32
          %sign3A_903 = arith.constant 0 : i32
          %sign3A_904 = arith.cmpi sgt, %jit3A_894, %sign3A_903 : i32
          %sign3A_905 = arith.extui %sign3A_904 : i1 to i32
          %sign3A_906 = arith.constant 0 : i32
          %sign3A_907 = arith.cmpi slt, %jit3A_894, %sign3A_906 : i32
          %sign3A_908 = arith.extui %sign3A_907 : i1 to i32
          %sign3A_909 = arith.subi %sign3A_905, %sign3A_908 : i32
          %ne3A_910 = arith.cmpi ne, %sign3A_902, %sign3A_909 : i32
          %rem3A_911 = arith.remsi %rem3A_893, %jit3A_894 : i32
          %ne3A_912 = arith.constant 0 : i32
          %ne3A_913 = arith.cmpi ne, %rem3A_911, %ne3A_912 : i32
          %and3A_914 = arith.andi %ne3A_910, %ne3A_913 : i1
          %sub3A_915 = arith.constant 1 : i32
          %sub3A_916 = arith.subi %div3A_895, %sub3A_915 : i32
          %select_n3A_917 = arith.select %and3A_914, %sub3A_916, %div3A_895 : i32
          %rem3A_918 = arith.constant 5 : i32
          %rem3A_919 = arith.remsi %rem3A_893, %rem3A_918 : i32
          %mul3A_920 = arith.constant 16 : i32
          %mul3A_921 = arith.muli %rem3A_919, %mul3A_920 : i32
          %dma_start3A_922 = arith.constant 0 : i32
          %dma_start3A_923 = tpu.memref_slice %arg23[%select_n3A_917, %mul3A_921, %dma_start3A_922] : memref<4x80x128xf32, #tpu.memory_space<vmem>> -> memref<1x16x128xf32, #tpu.memory_space<vmem>>
          %dma_start3A_924 = tpu.memref_squeeze %dma_start3A_923 : memref<1x16x128xf32, #tpu.memory_space<vmem>> -> memref<16x128xf32, #tpu.memory_space<vmem>>
          %dma_start3A_925 = arith.constant 0 : i32
          %dma_start3A_926 = arith.constant 0 : i32
          %dma_start3A_927 = tpu.memref_slice %arg10[%dma_start3A_925, %dma_start3A_926] : memref<100000x128xf32, #tpu.memory_space<hbm>> -> memref<100000x128xf32, #tpu.memory_space<hbm>>
          tpu.enqueue_indirect_dma source(%dma_start3A_924 : memref<16x128xf32, #tpu.memory_space<vmem>>) target(%dma_start3A_927 : memref<100000x128xf32, #tpu.memory_space<hbm>>) offsets(%get3A_891 : vector<16xi32>) semaphore(%arg29 : memref<!tpu.dma_semaphore, #tpu.memory_space<semaphore_mem>>)
          %ge3A = arith.constant 8 : i32
          %ge3A_928 = arith.cmpi sge, %while3A_844, %ge3A : i32
          %convert_element_type3A_929 = arith.extui %ge3A_928 : i1 to i32
          %cond3A_930 = arith.constant 0 : i32
          %cond3A_931 = arith.cmpi ne, %convert_element_type3A_929, %cond3A_930 : i32
          scf.if %cond3A_931 {
            %rem3A_938 = arith.constant 0 : i32
            %rem3A_939 = arith.constant 16 : i32
            %rem3A_940 = arith.remsi %rem3A_938, %rem3A_939 : i32
            %jit3A_941 = arith.constant 5 : i32
            %div3A_942 = arith.divsi %rem3A_940, %jit3A_941 : i32
            %sign3A_943 = arith.constant 0 : i32
            %sign3A_944 = arith.cmpi sgt, %rem3A_940, %sign3A_943 : i32
            %sign3A_945 = arith.extui %sign3A_944 : i1 to i32
            %sign3A_946 = arith.constant 0 : i32
            %sign3A_947 = arith.cmpi slt, %rem3A_940, %sign3A_946 : i32
            %sign3A_948 = arith.extui %sign3A_947 : i1 to i32
            %sign3A_949 = arith.subi %sign3A_945, %sign3A_948 : i32
            %sign3A_950 = arith.constant 0 : i32
            %sign3A_951 = arith.cmpi sgt, %jit3A_941, %sign3A_950 : i32
            %sign3A_952 = arith.extui %sign3A_951 : i1 to i32
            %sign3A_953 = arith.constant 0 : i32
            %sign3A_954 = arith.cmpi slt, %jit3A_941, %sign3A_953 : i32
            %sign3A_955 = arith.extui %sign3A_954 : i1 to i32
            %sign3A_956 = arith.subi %sign3A_952, %sign3A_955 : i32
            %ne3A_957 = arith.cmpi ne, %sign3A_949, %sign3A_956 : i32
            %rem3A_958 = arith.remsi %rem3A_940, %jit3A_941 : i32
            %ne3A_959 = arith.constant 0 : i32
            %ne3A_960 = arith.cmpi ne, %rem3A_958, %ne3A_959 : i32
            %and3A_961 = arith.andi %ne3A_957, %ne3A_960 : i1
            %sub3A_962 = arith.constant 1 : i32
            %sub3A_963 = arith.subi %div3A_942, %sub3A_962 : i32
            %select_n3A_964 = arith.select %and3A_961, %sub3A_963, %div3A_942 : i32
            %rem3A_965 = arith.constant 5 : i32
            %rem3A_966 = arith.remsi %rem3A_940, %rem3A_965 : i32
            %mul3A_967 = arith.constant 16 : i32
            %mul3A_968 = arith.muli %rem3A_966, %mul3A_967 : i32
            %dma_wait3A_969 = arith.constant 0 : i32
            %dma_wait3A_970 = tpu.memref_slice %arg23[%select_n3A_964, %mul3A_968, %dma_wait3A_969] : memref<4x80x128xf32, #tpu.memory_space<vmem>> -> memref<1x16x128xf32, #tpu.memory_space<vmem>>
            %dma_wait3A_971 = tpu.memref_squeeze %dma_wait3A_970 : memref<1x16x128xf32, #tpu.memory_space<vmem>> -> memref<16x128xf32, #tpu.memory_space<vmem>>
            %dma_wait3A_972 = arith.constant 0 : i32
            %dma_wait3A_973 = arith.constant 0 : i32
            %dma_wait3A_974 = tpu.memref_slice %arg8[%dma_wait3A_972, %dma_wait3A_973] : memref<16384x128xf32, #tpu.memory_space<hbm>> -> memref<16x128xf32, #tpu.memory_space<hbm>>
            %dma_wait3A_975 = arith.constant 0 : i32
            %dma_wait3A_976 = tpu.memref_slice %arg23[%select_n3A_964, %mul3A_968, %dma_wait3A_975] : memref<4x80x128xf32, #tpu.memory_space<vmem>> -> memref<1x16x128xf32, #tpu.memory_space<vmem>>
            %dma_wait3A_977 = tpu.memref_squeeze %dma_wait3A_976 : memref<1x16x128xf32, #tpu.memory_space<vmem>> -> memref<16x128xf32, #tpu.memory_space<vmem>>
            %dma_wait3A_978 = arith.constant 0 : i32
            %dma_wait3A_979 = arith.constant 0 : i32
            %dma_wait3A_980 = tpu.memref_slice %arg8[%dma_wait3A_978, %dma_wait3A_979] : memref<16384x128xf32, #tpu.memory_space<hbm>> -> memref<16x128xf32, #tpu.memory_space<hbm>>
            tpu.wait_dma2 semaphore(%arg29 : memref<!tpu.dma_semaphore, #tpu.memory_space<semaphore_mem>>) src(%dma_wait3A_980 : memref<16x128xf32, #tpu.memory_space<hbm>>) dst(%dma_wait3A_977 : memref<16x128xf32, #tpu.memory_space<vmem>>)
          } else {
          }
          %add3A_932 = arith.constant 8 : i32
          %add3A_933 = arith.addi %while3A_844, %add3A_932 : i32
          %lt3A_934 = arith.cmpi slt, %add3A_933, %mul3A_174 : i32
          %convert_element_type3A_935 = arith.extui %lt3A_934 : i1 to i32
          %cond3A_936 = arith.constant 0 : i32
          %cond3A_937 = arith.cmpi ne, %convert_element_type3A_935, %cond3A_936 : i32
          scf.if %cond3A_937 {
            %add3A_938 = arith.constant 8 : i32
            %add3A_939 = arith.addi %while3A_844, %add3A_938 : i32
            %mul3A_940 = arith.constant 16 : i32
            %mul3A_941 = arith.muli %add3A_939, %mul3A_940 : i32
            %get3A_942 = arith.index_cast %mul3A_941 : i32 to index
            %get3A_943 = tpu.vector_load %arg22[%get3A_942] {strides = array<i32>} : memref<3360xi32, #tpu.memory_space<vmem>>, vector<16xi32>,
            %rem3A_944 = arith.constant 16 : i32
            %rem3A_945 = arith.remsi %add3A_939, %rem3A_944 : i32
            %jit3A_946 = arith.constant 5 : i32
            %div3A_947 = arith.divsi %rem3A_945, %jit3A_946 : i32
            %sign3A_948 = arith.constant 0 : i32
            %sign3A_949 = arith.cmpi sgt, %rem3A_945, %sign3A_948 : i32
            %sign3A_950 = arith.extui %sign3A_949 : i1 to i32
            %sign3A_951 = arith.constant 0 : i32
            %sign3A_952 = arith.cmpi slt, %rem3A_945, %sign3A_951 : i32
            %sign3A_953 = arith.extui %sign3A_952 : i1 to i32
            %sign3A_954 = arith.subi %sign3A_950, %sign3A_953 : i32
            %sign3A_955 = arith.constant 0 : i32
            %sign3A_956 = arith.cmpi sgt, %jit3A_946, %sign3A_955 : i32
            %sign3A_957 = arith.extui %sign3A_956 : i1 to i32
            %sign3A_958 = arith.constant 0 : i32
            %sign3A_959 = arith.cmpi slt, %jit3A_946, %sign3A_958 : i32
            %sign3A_960 = arith.extui %sign3A_959 : i1 to i32
            %sign3A_961 = arith.subi %sign3A_957, %sign3A_960 : i32
            %ne3A_962 = arith.cmpi ne, %sign3A_954, %sign3A_961 : i32
            %rem3A_963 = arith.remsi %rem3A_945, %jit3A_946 : i32
            %ne3A_964 = arith.constant 0 : i32
            %ne3A_965 = arith.cmpi ne, %rem3A_963, %ne3A_964 : i32
            %and3A_966 = arith.andi %ne3A_962, %ne3A_965 : i1
            %sub3A_967 = arith.constant 1 : i32
            %sub3A_968 = arith.subi %div3A_947, %sub3A_967 : i32
            %select_n3A_969 = arith.select %and3A_966, %sub3A_968, %div3A_947 : i32
            %rem3A_970 = arith.constant 5 : i32
            %rem3A_971 = arith.remsi %rem3A_945, %rem3A_970 : i32
            %mul3A_972 = arith.constant 16 : i32
            %mul3A_973 = arith.muli %rem3A_971, %mul3A_972 : i32
            %dma_start3A_974 = arith.constant 0 : i32
            %dma_start3A_975 = tpu.memref_slice %arg23[%select_n3A_969, %mul3A_973, %dma_start3A_974] : memref<4x80x128xf32, #tpu.memory_space<vmem>> -> memref<1x16x128xf32, #tpu.memory_space<vmem>>
            %dma_start3A_976 = tpu.memref_squeeze %dma_start3A_975 : memref<1x16x128xf32, #tpu.memory_space<vmem>> -> memref<16x128xf32, #tpu.memory_space<vmem>>
            %dma_start3A_977 = arith.constant 0 : i32
            %dma_start3A_978 = arith.constant 0 : i32
            %dma_start3A_979 = tpu.memref_slice %arg8[%dma_start3A_977, %dma_start3A_978] : memref<16384x128xf32, #tpu.memory_space<hbm>> -> memref<16384x128xf32, #tpu.memory_space<hbm>>
            tpu.enqueue_indirect_dma source(%dma_start3A_979 : memref<16384x128xf32, #tpu.memory_space<hbm>>) target(%dma_start3A_976 : memref<16x128xf32, #tpu.memory_space<vmem>>) offsets(%get3A_943 : vector<16xi32>) semaphore(%arg28 : memref<!tpu.dma_semaphore, #tpu.memory_space<semaphore_mem>>)
          } else {
          }
        }
        %rem3A_500 = arith.constant 0 : i32
        %rem3A_501 = arith.constant 16 : i32
        %rem3A_502 = arith.remsi %rem3A_500, %rem3A_501 : i32
        %jit3A_503 = arith.constant 5 : i32
        %div3A_504 = arith.divsi %rem3A_502, %jit3A_503 : i32
        %sign3A_505 = arith.constant 0 : i32
        %sign3A_506 = arith.cmpi sgt, %rem3A_502, %sign3A_505 : i32
        %sign3A_507 = arith.extui %sign3A_506 : i1 to i32
        %sign3A_508 = arith.constant 0 : i32
        %sign3A_509 = arith.cmpi slt, %rem3A_502, %sign3A_508 : i32
        %sign3A_510 = arith.extui %sign3A_509 : i1 to i32
        %sign3A_511 = arith.subi %sign3A_507, %sign3A_510 : i32
        %sign3A_512 = arith.constant 0 : i32
        %sign3A_513 = arith.cmpi sgt, %jit3A_503, %sign3A_512 : i32
        %sign3A_514 = arith.extui %sign3A_513 : i1 to i32
        %sign3A_515 = arith.constant 0 : i32
        %sign3A_516 = arith.cmpi slt, %jit3A_503, %sign3A_515 : i32
        %sign3A_517 = arith.extui %sign3A_516 : i1 to i32
        %sign3A_518 = arith.subi %sign3A_514, %sign3A_517 : i32
        %ne3A_519 = arith.cmpi ne, %sign3A_511, %sign3A_518 : i32
        %rem3A_520 = arith.remsi %rem3A_502, %jit3A_503 : i32
        %ne3A_521 = arith.constant 0 : i32
        %ne3A_522 = arith.cmpi ne, %rem3A_520, %ne3A_521 : i32
        %and3A_523 = arith.andi %ne3A_519, %ne3A_522 : i1
        %sub3A_524 = arith.constant 1 : i32
        %sub3A_525 = arith.subi %div3A_504, %sub3A_524 : i32
        %select_n3A_526 = arith.select %and3A_523, %sub3A_525, %div3A_504 : i32
        %rem3A_527 = arith.constant 5 : i32
        %rem3A_528 = arith.remsi %rem3A_502, %rem3A_527 : i32
        %mul3A_529 = arith.constant 16 : i32
        %mul3A_530 = arith.muli %rem3A_528, %mul3A_529 : i32
        %dma_wait3A_531 = arith.constant 0 : i32
        %dma_wait3A_532 = tpu.memref_slice %arg23[%select_n3A_526, %mul3A_530, %dma_wait3A_531] : memref<4x80x128xf32, #tpu.memory_space<vmem>> -> memref<1x16x128xf32, #tpu.memory_space<vmem>>
        %dma_wait3A_533 = tpu.memref_squeeze %dma_wait3A_532 : memref<1x16x128xf32, #tpu.memory_space<vmem>> -> memref<16x128xf32, #tpu.memory_space<vmem>>
        %dma_wait3A_534 = arith.constant 0 : i32
        %dma_wait3A_535 = arith.constant 0 : i32
        %dma_wait3A_536 = tpu.memref_slice %arg8[%dma_wait3A_534, %dma_wait3A_535] : memref<16384x128xf32, #tpu.memory_space<hbm>> -> memref<16x128xf32, #tpu.memory_space<hbm>>
        %dma_wait3A_537 = arith.constant 0 : i32
        %dma_wait3A_538 = tpu.memref_slice %arg23[%select_n3A_526, %mul3A_530, %dma_wait3A_537] : memref<4x80x128xf32, #tpu.memory_space<vmem>> -> memref<1x16x128xf32, #tpu.memory_space<vmem>>
        %dma_wait3A_539 = tpu.memref_squeeze %dma_wait3A_538 : memref<1x16x128xf32, #tpu.memory_space<vmem>> -> memref<16x128xf32, #tpu.memory_space<vmem>>
        %dma_wait3A_540 = arith.constant 0 : i32
        %dma_wait3A_541 = arith.constant 0 : i32
        %dma_wait3A_542 = tpu.memref_slice %arg8[%dma_wait3A_540, %dma_wait3A_541] : memref<16384x128xf32, #tpu.memory_space<hbm>> -> memref<16x128xf32, #tpu.memory_space<hbm>>
        tpu.wait_dma2 semaphore(%arg29 : memref<!tpu.dma_semaphore, #tpu.memory_space<semaphore_mem>>) src(%dma_wait3A_542 : memref<16x128xf32, #tpu.memory_space<hbm>>) dst(%dma_wait3A_539 : memref<16x128xf32, #tpu.memory_space<vmem>>)
        %rem3A_543 = arith.constant 0 : i32
        %rem3A_544 = arith.constant 16 : i32
        %rem3A_545 = arith.remsi %rem3A_543, %rem3A_544 : i32
        %jit3A_546 = arith.constant 5 : i32
        %div3A_547 = arith.divsi %rem3A_545, %jit3A_546 : i32
        %sign3A_548 = arith.constant 0 : i32
        %sign3A_549 = arith.cmpi sgt, %rem3A_545, %sign3A_548 : i32
        %sign3A_550 = arith.extui %sign3A_549 : i1 to i32
        %sign3A_551 = arith.constant 0 : i32
        %sign3A_552 = arith.cmpi slt, %rem3A_545, %sign3A_551 : i32
        %sign3A_553 = arith.extui %sign3A_552 : i1 to i32
        %sign3A_554 = arith.subi %sign3A_550, %sign3A_553 : i32
        %sign3A_555 = arith.constant 0 : i32
        %sign3A_556 = arith.cmpi sgt, %jit3A_546, %sign3A_555 : i32
        %sign3A_557 = arith.extui %sign3A_556 : i1 to i32
        %sign3A_558 = arith.constant 0 : i32
        %sign3A_559 = arith.cmpi slt, %jit3A_546, %sign3A_558 : i32
        %sign3A_560 = arith.extui %sign3A_559 : i1 to i32
        %sign3A_561 = arith.subi %sign3A_557, %sign3A_560 : i32
        %ne3A_562 = arith.cmpi ne, %sign3A_554, %sign3A_561 : i32
        %rem3A_563 = arith.remsi %rem3A_545, %jit3A_546 : i32
        %ne3A_564 = arith.constant 0 : i32
        %ne3A_565 = arith.cmpi ne, %rem3A_563, %ne3A_564 : i32
        %and3A_566 = arith.andi %ne3A_562, %ne3A_565 : i1
        %sub3A_567 = arith.constant 1 : i32
        %sub3A_568 = arith.subi %div3A_547, %sub3A_567 : i32
        %select_n3A_569 = arith.select %and3A_566, %sub3A_568, %div3A_547 : i32
        %rem3A_570 = arith.constant 5 : i32
        %rem3A_571 = arith.remsi %rem3A_545, %rem3A_570 : i32
        %mul3A_572 = arith.constant 16 : i32
        %mul3A_573 = arith.muli %rem3A_571, %mul3A_572 : i32
        %dma_wait3A_574 = arith.constant 0 : i32
        %dma_wait3A_575 = tpu.memref_slice %arg23[%select_n3A_569, %mul3A_573, %dma_wait3A_574] : memref<4x80x128xf32, #tpu.memory_space<vmem>> -> memref<1x16x128xf32, #tpu.memory_space<vmem>>
        %dma_wait3A_576 = tpu.memref_squeeze %dma_wait3A_575 : memref<1x16x128xf32, #tpu.memory_space<vmem>> -> memref<16x128xf32, #tpu.memory_space<vmem>>
        %dma_wait3A_577 = arith.constant 0 : i32
        %dma_wait3A_578 = arith.constant 0 : i32
        %dma_wait3A_579 = tpu.memref_slice %arg8[%dma_wait3A_577, %dma_wait3A_578] : memref<16384x128xf32, #tpu.memory_space<hbm>> -> memref<16x128xf32, #tpu.memory_space<hbm>>
        %dma_wait3A_580 = arith.constant 0 : i32
        %dma_wait3A_581 = tpu.memref_slice %arg23[%select_n3A_569, %mul3A_573, %dma_wait3A_580] : memref<4x80x128xf32, #tpu.memory_space<vmem>> -> memref<1x16x128xf32, #tpu.memory_space<vmem>>
        %dma_wait3A_582 = tpu.memref_squeeze %dma_wait3A_581 : memref<1x16x128xf32, #tpu.memory_space<vmem>> -> memref<16x128xf32, #tpu.memory_space<vmem>>
        %dma_wait3A_583 = arith.constant 0 : i32
        %dma_wait3A_584 = arith.constant 0 : i32
        %dma_wait3A_585 = tpu.memref_slice %arg8[%dma_wait3A_583, %dma_wait3A_584] : memref<16384x128xf32, #tpu.memory_space<hbm>> -> memref<16x128xf32, #tpu.memory_space<hbm>>
        tpu.wait_dma2 semaphore(%arg29 : memref<!tpu.dma_semaphore, #tpu.memory_space<semaphore_mem>>) src(%dma_wait3A_585 : memref<16x128xf32, #tpu.memory_space<hbm>>) dst(%dma_wait3A_582 : memref<16x128xf32, #tpu.memory_space<vmem>>)
        %rem3A_586 = arith.constant 0 : i32
        %rem3A_587 = arith.constant 16 : i32
        %rem3A_588 = arith.remsi %rem3A_586, %rem3A_587 : i32
        %jit3A_589 = arith.constant 5 : i32
        %div3A_590 = arith.divsi %rem3A_588, %jit3A_589 : i32
        %sign3A_591 = arith.constant 0 : i32
        %sign3A_592 = arith.cmpi sgt, %rem3A_588, %sign3A_591 : i32
        %sign3A_593 = arith.extui %sign3A_592 : i1 to i32
        %sign3A_594 = arith.constant 0 : i32
        %sign3A_595 = arith.cmpi slt, %rem3A_588, %sign3A_594 : i32
        %sign3A_596 = arith.extui %sign3A_595 : i1 to i32
        %sign3A_597 = arith.subi %sign3A_593, %sign3A_596 : i32
        %sign3A_598 = arith.constant 0 : i32
        %sign3A_599 = arith.cmpi sgt, %jit3A_589, %sign3A_598 : i32
        %sign3A_600 = arith.extui %sign3A_599 : i1 to i32
        %sign3A_601 = arith.constant 0 : i32
        %sign3A_602 = arith.cmpi slt, %jit3A_589, %sign3A_601 : i32
        %sign3A_603 = arith.extui %sign3A_602 : i1 to i32
        %sign3A_604 = arith.subi %sign3A_600, %sign3A_603 : i32
        %ne3A_605 = arith.cmpi ne, %sign3A_597, %sign3A_604 : i32
        %rem3A_606 = arith.remsi %rem3A_588, %jit3A_589 : i32
        %ne3A_607 = arith.constant 0 : i32
        %ne3A_608 = arith.cmpi ne, %rem3A_606, %ne3A_607 : i32
        %and3A_609 = arith.andi %ne3A_605, %ne3A_608 : i1
        %sub3A_610 = arith.constant 1 : i32
        %sub3A_611 = arith.subi %div3A_590, %sub3A_610 : i32
        %select_n3A_612 = arith.select %and3A_609, %sub3A_611, %div3A_590 : i32
        %rem3A_613 = arith.constant 5 : i32
        %rem3A_614 = arith.remsi %rem3A_588, %rem3A_613 : i32
        %mul3A_615 = arith.constant 16 : i32
        %mul3A_616 = arith.muli %rem3A_614, %mul3A_615 : i32
        %dma_wait3A_617 = arith.constant 0 : i32
        %dma_wait3A_618 = tpu.memref_slice %arg23[%select_n3A_612, %mul3A_616, %dma_wait3A_617] : memref<4x80x128xf32, #tpu.memory_space<vmem>> -> memref<1x16x128xf32, #tpu.memory_space<vmem>>
        %dma_wait3A_619 = tpu.memref_squeeze %dma_wait3A_618 : memref<1x16x128xf32, #tpu.memory_space<vmem>> -> memref<16x128xf32, #tpu.memory_space<vmem>>
        %dma_wait3A_620 = arith.constant 0 : i32
        %dma_wait3A_621 = arith.constant 0 : i32
        %dma_wait3A_622 = tpu.memref_slice %arg8[%dma_wait3A_620, %dma_wait3A_621] : memref<16384x128xf32, #tpu.memory_space<hbm>> -> memref<16x128xf32, #tpu.memory_space<hbm>>
        %dma_wait3A_623 = arith.constant 0 : i32
        %dma_wait3A_624 = tpu.memref_slice %arg23[%select_n3A_612, %mul3A_616, %dma_wait3A_623] : memref<4x80x128xf32, #tpu.memory_space<vmem>> -> memref<1x16x128xf32, #tpu.memory_space<vmem>>
        %dma_wait3A_625 = tpu.memref_squeeze %dma_wait3A_624 : memref<1x16x128xf32, #tpu.memory_space<vmem>> -> memref<16x128xf32, #tpu.memory_space<vmem>>
        %dma_wait3A_626 = arith.constant 0 : i32
        %dma_wait3A_627 = arith.constant 0 : i32
        %dma_wait3A_628 = tpu.memref_slice %arg8[%dma_wait3A_626, %dma_wait3A_627] : memref<16384x128xf32, #tpu.memory_space<hbm>> -> memref<16x128xf32, #tpu.memory_space<hbm>>
        tpu.wait_dma2 semaphore(%arg29 : memref<!tpu.dma_semaphore, #tpu.memory_space<semaphore_mem>>) src(%dma_wait3A_628 : memref<16x128xf32, #tpu.memory_space<hbm>>) dst(%dma_wait3A_625 : memref<16x128xf32, #tpu.memory_space<vmem>>)
        %rem3A_629 = arith.constant 0 : i32
        %rem3A_630 = arith.constant 16 : i32
        %rem3A_631 = arith.remsi %rem3A_629, %rem3A_630 : i32
        %jit3A_632 = arith.constant 5 : i32
        %div3A_633 = arith.divsi %rem3A_631, %jit3A_632 : i32
        %sign3A_634 = arith.constant 0 : i32
        %sign3A_635 = arith.cmpi sgt, %rem3A_631, %sign3A_634 : i32
        %sign3A_636 = arith.extui %sign3A_635 : i1 to i32
        %sign3A_637 = arith.constant 0 : i32
        %sign3A_638 = arith.cmpi slt, %rem3A_631, %sign3A_637 : i32
        %sign3A_639 = arith.extui %sign3A_638 : i1 to i32
        %sign3A_640 = arith.subi %sign3A_636, %sign3A_639 : i32
        %sign3A_641 = arith.constant 0 : i32
        %sign3A_642 = arith.cmpi sgt, %jit3A_632, %sign3A_641 : i32
        %sign3A_643 = arith.extui %sign3A_642 : i1 to i32
        %sign3A_644 = arith.constant 0 : i32
        %sign3A_645 = arith.cmpi slt, %jit3A_632, %sign3A_644 : i32
        %sign3A_646 = arith.extui %sign3A_645 : i1 to i32
        %sign3A_647 = arith.subi %sign3A_643, %sign3A_646 : i32
        %ne3A_648 = arith.cmpi ne, %sign3A_640, %sign3A_647 : i32
        %rem3A_649 = arith.remsi %rem3A_631, %jit3A_632 : i32
        %ne3A_650 = arith.constant 0 : i32
        %ne3A_651 = arith.cmpi ne, %rem3A_649, %ne3A_650 : i32
        %and3A_652 = arith.andi %ne3A_648, %ne3A_651 : i1
        %sub3A_653 = arith.constant 1 : i32
        %sub3A_654 = arith.subi %div3A_633, %sub3A_653 : i32
        %select_n3A_655 = arith.select %and3A_652, %sub3A_654, %div3A_633 : i32
        %rem3A_656 = arith.constant 5 : i32
        %rem3A_657 = arith.remsi %rem3A_631, %rem3A_656 : i32
        %mul3A_658 = arith.constant 16 : i32
        %mul3A_659 = arith.muli %rem3A_657, %mul3A_658 : i32
        %dma_wait3A_660 = arith.constant 0 : i32
        %dma_wait3A_661 = tpu.memref_slice %arg23[%select_n3A_655, %mul3A_659, %dma_wait3A_660] : memref<4x80x128xf32, #tpu.memory_space<vmem>> -> memref<1x16x128xf32, #tpu.memory_space<vmem>>
        %dma_wait3A_662 = tpu.memref_squeeze %dma_wait3A_661 : memref<1x16x128xf32, #tpu.memory_space<vmem>> -> memref<16x128xf32, #tpu.memory_space<vmem>>
        %dma_wait3A_663 = arith.constant 0 : i32
        %dma_wait3A_664 = arith.constant 0 : i32
        %dma_wait3A_665 = tpu.memref_slice %arg8[%dma_wait3A_663, %dma_wait3A_664] : memref<16384x128xf32, #tpu.memory_space<hbm>> -> memref<16x128xf32, #tpu.memory_space<hbm>>
        %dma_wait3A_666 = arith.constant 0 : i32
        %dma_wait3A_667 = tpu.memref_slice %arg23[%select_n3A_655, %mul3A_659, %dma_wait3A_666] : memref<4x80x128xf32, #tpu.memory_space<vmem>> -> memref<1x16x128xf32, #tpu.memory_space<vmem>>
        %dma_wait3A_668 = tpu.memref_squeeze %dma_wait3A_667 : memref<1x16x128xf32, #tpu.memory_space<vmem>> -> memref<16x128xf32, #tpu.memory_space<vmem>>
        %dma_wait3A_669 = arith.constant 0 : i32
        %dma_wait3A_670 = arith.constant 0 : i32
        %dma_wait3A_671 = tpu.memref_slice %arg8[%dma_wait3A_669, %dma_wait3A_670] : memref<16384x128xf32, #tpu.memory_space<hbm>> -> memref<16x128xf32, #tpu.memory_space<hbm>>
        tpu.wait_dma2 semaphore(%arg29 : memref<!tpu.dma_semaphore, #tpu.memory_space<semaphore_mem>>) src(%dma_wait3A_671 : memref<16x128xf32, #tpu.memory_space<hbm>>) dst(%dma_wait3A_668 : memref<16x128xf32, #tpu.memory_space<vmem>>)
        %rem3A_672 = arith.constant 0 : i32
        %rem3A_673 = arith.constant 16 : i32
        %rem3A_674 = arith.remsi %rem3A_672, %rem3A_673 : i32
        %jit3A_675 = arith.constant 5 : i32
        %div3A_676 = arith.divsi %rem3A_674, %jit3A_675 : i32
        %sign3A_677 = arith.constant 0 : i32
        %sign3A_678 = arith.cmpi sgt, %rem3A_674, %sign3A_677 : i32
        %sign3A_679 = arith.extui %sign3A_678 : i1 to i32
        %sign3A_680 = arith.constant 0 : i32
        %sign3A_681 = arith.cmpi slt, %rem3A_674, %sign3A_680 : i32
        %sign3A_682 = arith.extui %sign3A_681 : i1 to i32
        %sign3A_683 = arith.subi %sign3A_679, %sign3A_682 : i32
        %sign3A_684 = arith.constant 0 : i32
        %sign3A_685 = arith.cmpi sgt, %jit3A_675, %sign3A_684 : i32
        %sign3A_686 = arith.extui %sign3A_685 : i1 to i32
        %sign3A_687 = arith.constant 0 : i32
        %sign3A_688 = arith.cmpi slt, %jit3A_675, %sign3A_687 : i32
        %sign3A_689 = arith.extui %sign3A_688 : i1 to i32
        %sign3A_690 = arith.subi %sign3A_686, %sign3A_689 : i32
        %ne3A_691 = arith.cmpi ne, %sign3A_683, %sign3A_690 : i32
        %rem3A_692 = arith.remsi %rem3A_674, %jit3A_675 : i32
        %ne3A_693 = arith.constant 0 : i32
        %ne3A_694 = arith.cmpi ne, %rem3A_692, %ne3A_693 : i32
        %and3A_695 = arith.andi %ne3A_691, %ne3A_694 : i1
        %sub3A_696 = arith.constant 1 : i32
        %sub3A_697 = arith.subi %div3A_676, %sub3A_696 : i32
        %select_n3A_698 = arith.select %and3A_695, %sub3A_697, %div3A_676 : i32
        %rem3A_699 = arith.constant 5 : i32
        %rem3A_700 = arith.remsi %rem3A_674, %rem3A_699 : i32
        %mul3A_701 = arith.constant 16 : i32
        %mul3A_702 = arith.muli %rem3A_700, %mul3A_701 : i32
        %dma_wait3A_703 = arith.constant 0 : i32
        %dma_wait3A_704 = tpu.memref_slice %arg23[%select_n3A_698, %mul3A_702, %dma_wait3A_703] : memref<4x80x128xf32, #tpu.memory_space<vmem>> -> memref<1x16x128xf32, #tpu.memory_space<vmem>>
        %dma_wait3A_705 = tpu.memref_squeeze %dma_wait3A_704 : memref<1x16x128xf32, #tpu.memory_space<vmem>> -> memref<16x128xf32, #tpu.memory_space<vmem>>
        %dma_wait3A_706 = arith.constant 0 : i32
        %dma_wait3A_707 = arith.constant 0 : i32
        %dma_wait3A_708 = tpu.memref_slice %arg8[%dma_wait3A_706, %dma_wait3A_707] : memref<16384x128xf32, #tpu.memory_space<hbm>> -> memref<16x128xf32, #tpu.memory_space<hbm>>
        %dma_wait3A_709 = arith.constant 0 : i32
        %dma_wait3A_710 = tpu.memref_slice %arg23[%select_n3A_698, %mul3A_702, %dma_wait3A_709] : memref<4x80x128xf32, #tpu.memory_space<vmem>> -> memref<1x16x128xf32, #tpu.memory_space<vmem>>
        %dma_wait3A_711 = tpu.memref_squeeze %dma_wait3A_710 : memref<1x16x128xf32, #tpu.memory_space<vmem>> -> memref<16x128xf32, #tpu.memory_space<vmem>>
        %dma_wait3A_712 = arith.constant 0 : i32
        %dma_wait3A_713 = arith.constant 0 : i32
        %dma_wait3A_714 = tpu.memref_slice %arg8[%dma_wait3A_712, %dma_wait3A_713] : memref<16384x128xf32, #tpu.memory_space<hbm>> -> memref<16x128xf32, #tpu.memory_space<hbm>>
        tpu.wait_dma2 semaphore(%arg29 : memref<!tpu.dma_semaphore, #tpu.memory_space<semaphore_mem>>) src(%dma_wait3A_714 : memref<16x128xf32, #tpu.memory_space<hbm>>) dst(%dma_wait3A_711 : memref<16x128xf32, #tpu.memory_space<vmem>>)
        %rem3A_715 = arith.constant 0 : i32
        %rem3A_716 = arith.constant 16 : i32
        %rem3A_717 = arith.remsi %rem3A_715, %rem3A_716 : i32
        %jit3A_718 = arith.constant 5 : i32
        %div3A_719 = arith.divsi %rem3A_717, %jit3A_718 : i32
        %sign3A_720 = arith.constant 0 : i32
        %sign3A_721 = arith.cmpi sgt, %rem3A_717, %sign3A_720 : i32
        %sign3A_722 = arith.extui %sign3A_721 : i1 to i32
        %sign3A_723 = arith.constant 0 : i32
        %sign3A_724 = arith.cmpi slt, %rem3A_717, %sign3A_723 : i32
        %sign3A_725 = arith.extui %sign3A_724 : i1 to i32
        %sign3A_726 = arith.subi %sign3A_722, %sign3A_725 : i32
        %sign3A_727 = arith.constant 0 : i32
        %sign3A_728 = arith.cmpi sgt, %jit3A_718, %sign3A_727 : i32
        %sign3A_729 = arith.extui %sign3A_728 : i1 to i32
        %sign3A_730 = arith.constant 0 : i32
        %sign3A_731 = arith.cmpi slt, %jit3A_718, %sign3A_730 : i32
        %sign3A_732 = arith.extui %sign3A_731 : i1 to i32
        %sign3A_733 = arith.subi %sign3A_729, %sign3A_732 : i32
        %ne3A_734 = arith.cmpi ne, %sign3A_726, %sign3A_733 : i32
        %rem3A_735 = arith.remsi %rem3A_717, %jit3A_718 : i32
        %ne3A_736 = arith.constant 0 : i32
        %ne3A_737 = arith.cmpi ne, %rem3A_735, %ne3A_736 : i32
        %and3A_738 = arith.andi %ne3A_734, %ne3A_737 : i1
        %sub3A_739 = arith.constant 1 : i32
        %sub3A_740 = arith.subi %div3A_719, %sub3A_739 : i32
        %select_n3A_741 = arith.select %and3A_738, %sub3A_740, %div3A_719 : i32
        %rem3A_742 = arith.constant 5 : i32
        %rem3A_743 = arith.remsi %rem3A_717, %rem3A_742 : i32
        %mul3A_744 = arith.constant 16 : i32
        %mul3A_745 = arith.muli %rem3A_743, %mul3A_744 : i32
        %dma_wait3A_746 = arith.constant 0 : i32
        %dma_wait3A_747 = tpu.memref_slice %arg23[%select_n3A_741, %mul3A_745, %dma_wait3A_746] : memref<4x80x128xf32, #tpu.memory_space<vmem>> -> memref<1x16x128xf32, #tpu.memory_space<vmem>>
        %dma_wait3A_748 = tpu.memref_squeeze %dma_wait3A_747 : memref<1x16x128xf32, #tpu.memory_space<vmem>> -> memref<16x128xf32, #tpu.memory_space<vmem>>
        %dma_wait3A_749 = arith.constant 0 : i32
        %dma_wait3A_750 = arith.constant 0 : i32
        %dma_wait3A_751 = tpu.memref_slice %arg8[%dma_wait3A_749, %dma_wait3A_750] : memref<16384x128xf32, #tpu.memory_space<hbm>> -> memref<16x128xf32, #tpu.memory_space<hbm>>
        %dma_wait3A_752 = arith.constant 0 : i32
        %dma_wait3A_753 = tpu.memref_slice %arg23[%select_n3A_741, %mul3A_745, %dma_wait3A_752] : memref<4x80x128xf32, #tpu.memory_space<vmem>> -> memref<1x16x128xf32, #tpu.memory_space<vmem>>
        %dma_wait3A_754 = tpu.memref_squeeze %dma_wait3A_753 : memref<1x16x128xf32, #tpu.memory_space<vmem>> -> memref<16x128xf32, #tpu.memory_space<vmem>>
        %dma_wait3A_755 = arith.constant 0 : i32
        %dma_wait3A_756 = arith.constant 0 : i32
        %dma_wait3A_757 = tpu.memref_slice %arg8[%dma_wait3A_755, %dma_wait3A_756] : memref<16384x128xf32, #tpu.memory_space<hbm>> -> memref<16x128xf32, #tpu.memory_space<hbm>>
        tpu.wait_dma2 semaphore(%arg29 : memref<!tpu.dma_semaphore, #tpu.memory_space<semaphore_mem>>) src(%dma_wait3A_757 : memref<16x128xf32, #tpu.memory_space<hbm>>) dst(%dma_wait3A_754 : memref<16x128xf32, #tpu.memory_space<vmem>>)
        %rem3A_758 = arith.constant 0 : i32
        %rem3A_759 = arith.constant 16 : i32
        %rem3A_760 = arith.remsi %rem3A_758, %rem3A_759 : i32
        %jit3A_761 = arith.constant 5 : i32
        %div3A_762 = arith.divsi %rem3A_760, %jit3A_761 : i32
        %sign3A_763 = arith.constant 0 : i32
        %sign3A_764 = arith.cmpi sgt, %rem3A_760, %sign3A_763 : i32
        %sign3A_765 = arith.extui %sign3A_764 : i1 to i32
        %sign3A_766 = arith.constant 0 : i32
        %sign3A_767 = arith.cmpi slt, %rem3A_760, %sign3A_766 : i32
        %sign3A_768 = arith.extui %sign3A_767 : i1 to i32
        %sign3A_769 = arith.subi %sign3A_765, %sign3A_768 : i32
        %sign3A_770 = arith.constant 0 : i32
        %sign3A_771 = arith.cmpi sgt, %jit3A_761, %sign3A_770 : i32
        %sign3A_772 = arith.extui %sign3A_771 : i1 to i32
        %sign3A_773 = arith.constant 0 : i32
        %sign3A_774 = arith.cmpi slt, %jit3A_761, %sign3A_773 : i32
        %sign3A_775 = arith.extui %sign3A_774 : i1 to i32
        %sign3A_776 = arith.subi %sign3A_772, %sign3A_775 : i32
        %ne3A_777 = arith.cmpi ne, %sign3A_769, %sign3A_776 : i32
        %rem3A_778 = arith.remsi %rem3A_760, %jit3A_761 : i32
        %ne3A_779 = arith.constant 0 : i32
        %ne3A_780 = arith.cmpi ne, %rem3A_778, %ne3A_779 : i32
        %and3A_781 = arith.andi %ne3A_777, %ne3A_780 : i1
        %sub3A_782 = arith.constant 1 : i32
        %sub3A_783 = arith.subi %div3A_762, %sub3A_782 : i32
        %select_n3A_784 = arith.select %and3A_781, %sub3A_783, %div3A_762 : i32
        %rem3A_785 = arith.constant 5 : i32
        %rem3A_786 = arith.remsi %rem3A_760, %rem3A_785 : i32
        %mul3A_787 = arith.constant 16 : i32
        %mul3A_788 = arith.muli %rem3A_786, %mul3A_787 : i32
        %dma_wait3A_789 = arith.constant 0 : i32
        %dma_wait3A_790 = tpu.memref_slice %arg23[%select_n3A_784, %mul3A_788, %dma_wait3A_789] : memref<4x80x128xf32, #tpu.memory_space<vmem>> -> memref<1x16x128xf32, #tpu.memory_space<vmem>>
        %dma_wait3A_791 = tpu.memref_squeeze %dma_wait3A_790 : memref<1x16x128xf32, #tpu.memory_space<vmem>> -> memref<16x128xf32, #tpu.memory_space<vmem>>
        %dma_wait3A_792 = arith.constant 0 : i32
        %dma_wait3A_793 = arith.constant 0 : i32
        %dma_wait3A_794 = tpu.memref_slice %arg8[%dma_wait3A_792, %dma_wait3A_793] : memref<16384x128xf32, #tpu.memory_space<hbm>> -> memref<16x128xf32, #tpu.memory_space<hbm>>
        %dma_wait3A_795 = arith.constant 0 : i32
        %dma_wait3A_796 = tpu.memref_slice %arg23[%select_n3A_784, %mul3A_788, %dma_wait3A_795] : memref<4x80x128xf32, #tpu.memory_space<vmem>> -> memref<1x16x128xf32, #tpu.memory_space<vmem>>
        %dma_wait3A_797 = tpu.memref_squeeze %dma_wait3A_796 : memref<1x16x128xf32, #tpu.memory_space<vmem>> -> memref<16x128xf32, #tpu.memory_space<vmem>>
        %dma_wait3A_798 = arith.constant 0 : i32
        %dma_wait3A_799 = arith.constant 0 : i32
        %dma_wait3A_800 = tpu.memref_slice %arg8[%dma_wait3A_798, %dma_wait3A_799] : memref<16384x128xf32, #tpu.memory_space<hbm>> -> memref<16x128xf32, #tpu.memory_space<hbm>>
        tpu.wait_dma2 semaphore(%arg29 : memref<!tpu.dma_semaphore, #tpu.memory_space<semaphore_mem>>) src(%dma_wait3A_800 : memref<16x128xf32, #tpu.memory_space<hbm>>) dst(%dma_wait3A_797 : memref<16x128xf32, #tpu.memory_space<vmem>>)
        %rem3A_801 = arith.constant 0 : i32
        %rem3A_802 = arith.constant 16 : i32
        %rem3A_803 = arith.remsi %rem3A_801, %rem3A_802 : i32
        %jit3A_804 = arith.constant 5 : i32
        %div3A_805 = arith.divsi %rem3A_803, %jit3A_804 : i32
        %sign3A_806 = arith.constant 0 : i32
        %sign3A_807 = arith.cmpi sgt, %rem3A_803, %sign3A_806 : i32
        %sign3A_808 = arith.extui %sign3A_807 : i1 to i32
        %sign3A_809 = arith.constant 0 : i32
        %sign3A_810 = arith.cmpi slt, %rem3A_803, %sign3A_809 : i32
        %sign3A_811 = arith.extui %sign3A_810 : i1 to i32
        %sign3A_812 = arith.subi %sign3A_808, %sign3A_811 : i32
        %sign3A_813 = arith.constant 0 : i32
        %sign3A_814 = arith.cmpi sgt, %jit3A_804, %sign3A_813 : i32
        %sign3A_815 = arith.extui %sign3A_814 : i1 to i32
        %sign3A_816 = arith.constant 0 : i32
        %sign3A_817 = arith.cmpi slt, %jit3A_804, %sign3A_816 : i32
        %sign3A_818 = arith.extui %sign3A_817 : i1 to i32
        %sign3A_819 = arith.subi %sign3A_815, %sign3A_818 : i32
        %ne3A_820 = arith.cmpi ne, %sign3A_812, %sign3A_819 : i32
        %rem3A_821 = arith.remsi %rem3A_803, %jit3A_804 : i32
        %ne3A_822 = arith.constant 0 : i32
        %ne3A_823 = arith.cmpi ne, %rem3A_821, %ne3A_822 : i32
        %and3A_824 = arith.andi %ne3A_820, %ne3A_823 : i1
        %sub3A_825 = arith.constant 1 : i32
        %sub3A_826 = arith.subi %div3A_805, %sub3A_825 : i32
        %select_n3A_827 = arith.select %and3A_824, %sub3A_826, %div3A_805 : i32
        %rem3A_828 = arith.constant 5 : i32
        %rem3A_829 = arith.remsi %rem3A_803, %rem3A_828 : i32
        %mul3A_830 = arith.constant 16 : i32
        %mul3A_831 = arith.muli %rem3A_829, %mul3A_830 : i32
        %dma_wait3A_832 = arith.constant 0 : i32
        %dma_wait3A_833 = tpu.memref_slice %arg23[%select_n3A_827, %mul3A_831, %dma_wait3A_832] : memref<4x80x128xf32, #tpu.memory_space<vmem>> -> memref<1x16x128xf32, #tpu.memory_space<vmem>>
        %dma_wait3A_834 = tpu.memref_squeeze %dma_wait3A_833 : memref<1x16x128xf32, #tpu.memory_space<vmem>> -> memref<16x128xf32, #tpu.memory_space<vmem>>
        %dma_wait3A_835 = arith.constant 0 : i32
        %dma_wait3A_836 = arith.constant 0 : i32
        %dma_wait3A_837 = tpu.memref_slice %arg8[%dma_wait3A_835, %dma_wait3A_836] : memref<16384x128xf32, #tpu.memory_space<hbm>> -> memref<16x128xf32, #tpu.memory_space<hbm>>
        %dma_wait3A_838 = arith.constant 0 : i32
        %dma_wait3A_839 = tpu.memref_slice %arg23[%select_n3A_827, %mul3A_831, %dma_wait3A_838] : memref<4x80x128xf32, #tpu.memory_space<vmem>> -> memref<1x16x128xf32, #tpu.memory_space<vmem>>
        %dma_wait3A_840 = tpu.memref_squeeze %dma_wait3A_839 : memref<1x16x128xf32, #tpu.memory_space<vmem>> -> memref<16x128xf32, #tpu.memory_space<vmem>>
        %dma_wait3A_841 = arith.constant 0 : i32
        %dma_wait3A_842 = arith.constant 0 : i32
        %dma_wait3A_843 = tpu.memref_slice %arg8[%dma_wait3A_841, %dma_wait3A_842] : memref<16384x128xf32, #tpu.memory_space<hbm>> -> memref<16x128xf32, #tpu.memory_space<hbm>>
        tpu.wait_dma2 semaphore(%arg29 : memref<!tpu.dma_semaphore, #tpu.memory_space<semaphore_mem>>) src(%dma_wait3A_843 : memref<16x128xf32, #tpu.memory_space<hbm>>) dst(%dma_wait3A_840 : memref<16x128xf32, #tpu.memory_space<vmem>>)
      } else {
      }
      "tpu.trace_stop"() : () -> ()
      "tpu.trace_start"() <{level = 10 : i32, message = "ph_stage_out"}> : () -> ()
      "tpu.region"() ({
        %run_scoped3A = tpu.sem_alloc : memref<!tpu.dma_semaphore, #tpu.memory_space<semaphore_mem>>
        %dma_start3A_180 = arith.constant 0 : i32
        %dma_start3A_181 = tpu.memref_slice %arg18[%dma_start3A_180] : memref<3200xi32, #tpu.memory_space<vmem>> -> memref<3200xi32, #tpu.memory_space<vmem>>
        %dma_start3A_182 = tpu.memref_slice %arg3[%mul3A_2] : memref<100000xi32, #tpu.memory_space<hbm>> -> memref<3200xi32, #tpu.memory_space<hbm>>
        %dma_start3A_183 = tpu.memref_slice %arg3[%mul3A_2] : memref<100000xi32, #tpu.memory_space<hbm>> -> memref<3200xi32, #tpu.memory_space<hbm>>
        %dma_start3A_184 = arith.constant 0 : i32
        %dma_start3A_185 = tpu.memref_slice %arg18[%dma_start3A_184] : memref<3200xi32, #tpu.memory_space<vmem>> -> memref<3200xi32, #tpu.memory_space<vmem>>
        tpu.enqueue_dma source(%dma_start3A_185 : memref<3200xi32, #tpu.memory_space<vmem>>) target(%dma_start3A_183 : memref<3200xi32, #tpu.memory_space<hbm>>) target_semaphore(%run_scoped3A : memref<!tpu.dma_semaphore, #tpu.memory_space<semaphore_mem>>)
        %dma_wait3A_186 = arith.constant 0 : i32
        %dma_wait3A_187 = tpu.memref_slice %arg18[%dma_wait3A_186] : memref<3200xi32, #tpu.memory_space<vmem>> -> memref<3200xi32, #tpu.memory_space<vmem>>
        %dma_wait3A_188 = tpu.memref_slice %arg3[%mul3A_2] : memref<100000xi32, #tpu.memory_space<hbm>> -> memref<3200xi32, #tpu.memory_space<hbm>>
        %dma_wait3A_189 = tpu.memref_slice %arg3[%mul3A_2] : memref<100000xi32, #tpu.memory_space<hbm>> -> memref<3200xi32, #tpu.memory_space<hbm>>
        %dma_wait3A_190 = arith.constant 0 : i32
        %dma_wait3A_191 = tpu.memref_slice %arg18[%dma_wait3A_190] : memref<3200xi32, #tpu.memory_space<vmem>> -> memref<3200xi32, #tpu.memory_space<vmem>>
        tpu.wait_dma2 semaphore(%run_scoped3A : memref<!tpu.dma_semaphore, #tpu.memory_space<semaphore_mem>>) src(%dma_wait3A_191 : memref<3200xi32, #tpu.memory_space<vmem>>) dst(%dma_wait3A_189 : memref<3200xi32, #tpu.memory_space<hbm>>)
        tpu.yield
      }) : () -> ()
      "tpu.region"() ({
        %run_scoped3A = tpu.sem_alloc : memref<!tpu.dma_semaphore, #tpu.memory_space<semaphore_mem>>
        %dma_start3A_180 = arith.constant 0 : i32
        %dma_start3A_181 = tpu.memref_slice %arg19[%dma_start3A_180] : memref<3200xi32, #tpu.memory_space<vmem>> -> memref<3200xi32, #tpu.memory_space<vmem>>
        %dma_start3A_182 = tpu.memref_slice %arg4[%mul3A_2] : memref<100000xi32, #tpu.memory_space<hbm>> -> memref<3200xi32, #tpu.memory_space<hbm>>
        %dma_start3A_183 = tpu.memref_slice %arg4[%mul3A_2] : memref<100000xi32, #tpu.memory_space<hbm>> -> memref<3200xi32, #tpu.memory_space<hbm>>
        %dma_start3A_184 = arith.constant 0 : i32
        %dma_start3A_185 = tpu.memref_slice %arg19[%dma_start3A_184] : memref<3200xi32, #tpu.memory_space<vmem>> -> memref<3200xi32, #tpu.memory_space<vmem>>
        tpu.enqueue_dma source(%dma_start3A_185 : memref<3200xi32, #tpu.memory_space<vmem>>) target(%dma_start3A_183 : memref<3200xi32, #tpu.memory_space<hbm>>) target_semaphore(%run_scoped3A : memref<!tpu.dma_semaphore, #tpu.memory_space<semaphore_mem>>)
        %dma_wait3A_186 = arith.constant 0 : i32
        %dma_wait3A_187 = tpu.memref_slice %arg19[%dma_wait3A_186] : memref<3200xi32, #tpu.memory_space<vmem>> -> memref<3200xi32, #tpu.memory_space<vmem>>
        %dma_wait3A_188 = tpu.memref_slice %arg4[%mul3A_2] : memref<100000xi32, #tpu.memory_space<hbm>> -> memref<3200xi32, #tpu.memory_space<hbm>>
        %dma_wait3A_189 = tpu.memref_slice %arg4[%mul3A_2] : memref<100000xi32, #tpu.memory_space<hbm>> -> memref<3200xi32, #tpu.memory_space<hbm>>
        %dma_wait3A_190 = arith.constant 0 : i32
        %dma_wait3A_191 = tpu.memref_slice %arg19[%dma_wait3A_190] : memref<3200xi32, #tpu.memory_space<vmem>> -> memref<3200xi32, #tpu.memory_space<vmem>>
        tpu.wait_dma2 semaphore(%run_scoped3A : memref<!tpu.dma_semaphore, #tpu.memory_space<semaphore_mem>>) src(%dma_wait3A_191 : memref<3200xi32, #tpu.memory_space<vmem>>) dst(%dma_wait3A_189 : memref<3200xi32, #tpu.memory_space<hbm>>)
        tpu.yield
      }) : () -> ()
      "tpu.region"() ({
        %run_scoped3A = tpu.sem_alloc : memref<!tpu.dma_semaphore, #tpu.memory_space<semaphore_mem>>
        %dma_start3A_180 = arith.constant 0 : i32
        %dma_start3A_181 = tpu.memref_slice %arg20[%dma_start3A_180] : memref<3200xi32, #tpu.memory_space<vmem>> -> memref<3200xi32, #tpu.memory_space<vmem>>
        %dma_start3A_182 = tpu.memref_slice %arg5[%mul3A_2] : memref<100000xi32, #tpu.memory_space<hbm>> -> memref<3200xi32, #tpu.memory_space<hbm>>
        %dma_start3A_183 = tpu.memref_slice %arg5[%mul3A_2] : memref<100000xi32, #tpu.memory_space<hbm>> -> memref<3200xi32, #tpu.memory_space<hbm>>
        %dma_start3A_184 = arith.constant 0 : i32
        %dma_start3A_185 = tpu.memref_slice %arg20[%dma_start3A_184] : memref<3200xi32, #tpu.memory_space<vmem>> -> memref<3200xi32, #tpu.memory_space<vmem>>
        tpu.enqueue_dma source(%dma_start3A_185 : memref<3200xi32, #tpu.memory_space<vmem>>) target(%dma_start3A_183 : memref<3200xi32, #tpu.memory_space<hbm>>) target_semaphore(%run_scoped3A : memref<!tpu.dma_semaphore, #tpu.memory_space<semaphore_mem>>)
        %dma_wait3A_186 = arith.constant 0 : i32
        %dma_wait3A_187 = tpu.memref_slice %arg20[%dma_wait3A_186] : memref<3200xi32, #tpu.memory_space<vmem>> -> memref<3200xi32, #tpu.memory_space<vmem>>
        %dma_wait3A_188 = tpu.memref_slice %arg5[%mul3A_2] : memref<100000xi32, #tpu.memory_space<hbm>> -> memref<3200xi32, #tpu.memory_space<hbm>>
        %dma_wait3A_189 = tpu.memref_slice %arg5[%mul3A_2] : memref<100000xi32, #tpu.memory_space<hbm>> -> memref<3200xi32, #tpu.memory_space<hbm>>
        %dma_wait3A_190 = arith.constant 0 : i32
        %dma_wait3A_191 = tpu.memref_slice %arg20[%dma_wait3A_190] : memref<3200xi32, #tpu.memory_space<vmem>> -> memref<3200xi32, #tpu.memory_space<vmem>>
        tpu.wait_dma2 semaphore(%run_scoped3A : memref<!tpu.dma_semaphore, #tpu.memory_space<semaphore_mem>>) src(%dma_wait3A_191 : memref<3200xi32, #tpu.memory_space<vmem>>) dst(%dma_wait3A_189 : memref<3200xi32, #tpu.memory_space<hbm>>)
        tpu.yield
      }) : () -> ()
      "tpu.trace_stop"() : () -> ()
    } else {
    }
    %eq3A = arith.constant 31 : i32
    %eq3A_8 = arith.cmpi eq, %add3A, %eq3A : i32
    %convert_element_type3A_9 = arith.extui %eq3A_8 : i1 to i32
    %cond3A_10 = arith.constant 0 : i32
    %cond3A_11 = arith.cmpi ne, %convert_element_type3A_9, %cond3A_10 : i32
    scf.if %cond3A_11 {
      "tpu.trace_start"() <{level = 10 : i32, message = "ph_pre"}> : () -> ()
      tpu.enqueue_dma source(%arg6 : memref<16384xi32, #tpu.memory_space<hbm>>) target(%arg14 : memref<16384xi32, #tpu.memory_space<vmem>>) target_semaphore(%arg24 : memref<!tpu.dma_semaphore, #tpu.memory_space<semaphore_mem>>)
      tpu.enqueue_dma source(%arg7 : memref<16384xi32, #tpu.memory_space<hbm>>) target(%arg15 : memref<16384xi32, #tpu.memory_space<vmem>>) target_semaphore(%arg25 : memref<!tpu.dma_semaphore, #tpu.memory_space<semaphore_mem>>)
      tpu.enqueue_dma source(%arg9 : memref<16384xi32, #tpu.memory_space<hbm>>) target(%arg16 : memref<16384xi32, #tpu.memory_space<vmem>>) target_semaphore(%arg25 : memref<!tpu.dma_semaphore, #tpu.memory_space<semaphore_mem>>)
      %dma_start3A = arith.constant 0 : i32
      %dma_start3A_12 = tpu.memref_slice %arg18[%dma_start3A] : memref<3200xi32, #tpu.memory_space<vmem>> -> memref<800xi32, #tpu.memory_space<vmem>>
      %dma_start3A_13 = tpu.memref_slice %arg3[%mul3A_2] : memref<100000xi32, #tpu.memory_space<hbm>> -> memref<800xi32, #tpu.memory_space<hbm>>
      %dma_start3A_14 = arith.constant 0 : i32
      %dma_start3A_15 = tpu.memref_slice %arg18[%dma_start3A_14] : memref<3200xi32, #tpu.memory_space<vmem>> -> memref<800xi32, #tpu.memory_space<vmem>>
      %dma_start3A_16 = tpu.memref_slice %arg3[%mul3A_2] : memref<100000xi32, #tpu.memory_space<hbm>> -> memref<800xi32, #tpu.memory_space<hbm>>
      tpu.enqueue_dma source(%dma_start3A_16 : memref<800xi32, #tpu.memory_space<hbm>>) target(%dma_start3A_15 : memref<800xi32, #tpu.memory_space<vmem>>) target_semaphore(%arg25 : memref<!tpu.dma_semaphore, #tpu.memory_space<semaphore_mem>>)
      %dma_start3A_17 = arith.constant 0 : i32
      %dma_start3A_18 = tpu.memref_slice %arg19[%dma_start3A_17] : memref<3200xi32, #tpu.memory_space<vmem>> -> memref<800xi32, #tpu.memory_space<vmem>>
      %dma_start3A_19 = tpu.memref_slice %arg4[%mul3A_2] : memref<100000xi32, #tpu.memory_space<hbm>> -> memref<800xi32, #tpu.memory_space<hbm>>
      %dma_start3A_20 = arith.constant 0 : i32
      %dma_start3A_21 = tpu.memref_slice %arg19[%dma_start3A_20] : memref<3200xi32, #tpu.memory_space<vmem>> -> memref<800xi32, #tpu.memory_space<vmem>>
      %dma_start3A_22 = tpu.memref_slice %arg4[%mul3A_2] : memref<100000xi32, #tpu.memory_space<hbm>> -> memref<800xi32, #tpu.memory_space<hbm>>
      tpu.enqueue_dma source(%dma_start3A_22 : memref<800xi32, #tpu.memory_space<hbm>>) target(%dma_start3A_21 : memref<800xi32, #tpu.memory_space<vmem>>) target_semaphore(%arg25 : memref<!tpu.dma_semaphore, #tpu.memory_space<semaphore_mem>>)
      %dma_start3A_23 = arith.constant 0 : i32
      %dma_start3A_24 = tpu.memref_slice %arg20[%dma_start3A_23] : memref<3200xi32, #tpu.memory_space<vmem>> -> memref<800xi32, #tpu.memory_space<vmem>>
      %dma_start3A_25 = tpu.memref_slice %arg5[%mul3A_2] : memref<100000xi32, #tpu.memory_space<hbm>> -> memref<800xi32, #tpu.memory_space<hbm>>
      %dma_start3A_26 = arith.constant 0 : i32
      %dma_start3A_27 = tpu.memref_slice %arg20[%dma_start3A_26] : memref<3200xi32, #tpu.memory_space<vmem>> -> memref<800xi32, #tpu.memory_space<vmem>>
      %dma_start3A_28 = tpu.memref_slice %arg5[%mul3A_2] : memref<100000xi32, #tpu.memory_space<hbm>> -> memref<800xi32, #tpu.memory_space<hbm>>
      tpu.enqueue_dma source(%dma_start3A_28 : memref<800xi32, #tpu.memory_space<hbm>>) target(%dma_start3A_27 : memref<800xi32, #tpu.memory_space<vmem>>) target_semaphore(%arg25 : memref<!tpu.dma_semaphore, #tpu.memory_space<semaphore_mem>>)
      %dma_start3A_29 = arith.constant 0 : i32
      %dma_start3A_30 = arith.constant 0 : i32
      %dma_start3A_31 = arith.constant 0 : i32
      %dma_start3A_32 = tpu.memref_slice %arg23[%dma_start3A_29, %dma_start3A_30, %dma_start3A_31] : memref<4x80x128xf32, #tpu.memory_space<vmem>> -> memref<1x80x128xf32, #tpu.memory_space<vmem>>
      %dma_start3A_33 = tpu.memref_squeeze %dma_start3A_32 : memref<1x80x128xf32, #tpu.memory_space<vmem>> -> memref<80x128xf32, #tpu.memory_space<vmem>>
      %dma_start3A_34 = arith.constant 0 : i32
      %dma_start3A_35 = tpu.memref_slice %arg2[%mul3A_2, %dma_start3A_34] : memref<100000x128xf32, #tpu.memory_space<hbm>> -> memref<80x128xf32, #tpu.memory_space<hbm>>
      %dma_start3A_36 = arith.constant 0 : i32
      %dma_start3A_37 = arith.constant 0 : i32
      %dma_start3A_38 = tpu.memref_slice %arg23[%dma_start3A_29, %dma_start3A_36, %dma_start3A_37] : memref<4x80x128xf32, #tpu.memory_space<vmem>> -> memref<1x80x128xf32, #tpu.memory_space<vmem>>
      %dma_start3A_39 = tpu.memref_squeeze %dma_start3A_38 : memref<1x80x128xf32, #tpu.memory_space<vmem>> -> memref<80x128xf32, #tpu.memory_space<vmem>>
      %dma_start3A_40 = arith.constant 0 : i32
      %dma_start3A_41 = tpu.memref_slice %arg2[%mul3A_2, %dma_start3A_40] : memref<100000x128xf32, #tpu.memory_space<hbm>> -> memref<80x128xf32, #tpu.memory_space<hbm>>
      tpu.enqueue_dma source(%dma_start3A_41 : memref<80x128xf32, #tpu.memory_space<hbm>>) target(%dma_start3A_39 : memref<80x128xf32, #tpu.memory_space<vmem>>) target_semaphore(%arg26 : memref<!tpu.dma_semaphore, #tpu.memory_space<semaphore_mem>>)
      %add3A_42 = arith.constant 80 : i32
      %add3A_43 = arith.addi %mul3A_2, %add3A_42 : i32
      %dma_start3A_44 = arith.constant 1 : i32
      %dma_start3A_45 = arith.constant 0 : i32
      %dma_start3A_46 = arith.constant 0 : i32
      %dma_start3A_47 = tpu.memref_slice %arg23[%dma_start3A_44, %dma_start3A_45, %dma_start3A_46] : memref<4x80x128xf32, #tpu.memory_space<vmem>> -> memref<1x80x128xf32, #tpu.memory_space<vmem>>
      %dma_start3A_48 = tpu.memref_squeeze %dma_start3A_47 : memref<1x80x128xf32, #tpu.memory_space<vmem>> -> memref<80x128xf32, #tpu.memory_space<vmem>>
      %dma_start3A_49 = arith.constant 0 : i32
      %dma_start3A_50 = tpu.memref_slice %arg2[%add3A_43, %dma_start3A_49] : memref<100000x128xf32, #tpu.memory_space<hbm>> -> memref<80x128xf32, #tpu.memory_space<hbm>>
      %dma_start3A_51 = arith.constant 0 : i32
      %dma_start3A_52 = arith.constant 0 : i32
      %dma_start3A_53 = tpu.memref_slice %arg23[%dma_start3A_44, %dma_start3A_51, %dma_start3A_52] : memref<4x80x128xf32, #tpu.memory_space<vmem>> -> memref<1x80x128xf32, #tpu.memory_space<vmem>>
      %dma_start3A_54 = tpu.memref_squeeze %dma_start3A_53 : memref<1x80x128xf32, #tpu.memory_space<vmem>> -> memref<80x128xf32, #tpu.memory_space<vmem>>
      %dma_start3A_55 = arith.constant 0 : i32
      %dma_start3A_56 = tpu.memref_slice %arg2[%add3A_43, %dma_start3A_55] : memref<100000x128xf32, #tpu.memory_space<hbm>> -> memref<80x128xf32, #tpu.memory_space<hbm>>
      tpu.enqueue_dma source(%dma_start3A_56 : memref<80x128xf32, #tpu.memory_space<hbm>>) target(%dma_start3A_54 : memref<80x128xf32, #tpu.memory_space<vmem>>) target_semaphore(%arg26 : memref<!tpu.dma_semaphore, #tpu.memory_space<semaphore_mem>>)
      tpu.wait_dma2 semaphore(%arg24 : memref<!tpu.dma_semaphore, #tpu.memory_space<semaphore_mem>>) src(%arg6 : memref<16384xi32, #tpu.memory_space<hbm>>) dst(%arg14 : memref<16384xi32, #tpu.memory_space<vmem>>)
      %scan3A = arith.constant 0 : i32
      %scan3A_57 = arith.constant 0 : i32
      %scan3A_58 = arith.constant 50 : i32
      %scan3A_59 = arith.addi %scan3A_57, %scan3A_58 : i32
      %scan3A_60 = arith.constant 1 : i32
      scf.for %scan3A_180 = %scan3A_57 to %scan3A_59 step %scan3A_60  : i32 {
        %mul3A_181 = arith.constant 16 : i32
        %mul3A_182 = arith.muli %scan3A_180, %mul3A_181 : i32
        %swap3A = arith.index_cast %mul3A_182 : i32 to index
        %swap3A_183 = tpu.vector_load %arg17[%swap3A] {strides = array<i32>} : memref<3200xi32, #tpu.memory_space<vmem>>, vector<16xi32>,
        tpu.vector_store %arg17[%swap3A], %broadcast_in_dim3A_3 {strides = array<i32>} : memref<3200xi32, #tpu.memory_space<vmem>>, vector<16xi32>,
      }
      %scan3A_61 = arith.constant 50 : i32
      "tpu.trace_stop"() : () -> ()
      "tpu.trace_start"() <{level = 10 : i32, message = "ph_scan_copy"}> : () -> ()
      %scan3A_62 = arith.constant 0 : i32
      %scan3A_63 = arith.constant 0 : i32
      %scan3A_64 = arith.constant 10 : i32
      %scan3A_65 = arith.addi %scan3A_63, %scan3A_64 : i32
      %scan3A_66 = arith.constant 1 : i32
      scf.for %scan3A_180 = %scan3A_63 to %scan3A_65 step %scan3A_66  : i32 {
        %scan3A_181 = arith.constant 0 : i32
        %scan3A_182 = arith.constant 0 : i32
        %scan3A_183 = arith.constant 102 : i32
        %scan3A_184 = arith.addi %scan3A_182, %scan3A_183 : i32
        %scan3A_185 = arith.constant 1 : i32
        scf.for %scan3A_224 = %scan3A_182 to %scan3A_184 step %scan3A_185  : i32 {
          %mul3A_225 = arith.constant 102 : i32
          %mul3A_226 = arith.muli %scan3A_180, %mul3A_225 : i32
          %add3A_227 = arith.addi %mul3A_226, %scan3A_224 : i32
          %mul3A_228 = arith.constant 16 : i32
          %mul3A_229 = arith.muli %add3A_227, %mul3A_228 : i32
          %get3A = arith.index_cast %mul3A_229 : i32 to index
          %get3A_230 = tpu.vector_load %arg14[%get3A] {strides = array<i32>} : memref<16384xi32, #tpu.memory_space<vmem>>, vector<16xi32>,
          %shift_left3A = arith.constant 14 : i32
          %shift_left3A_231 = vector.broadcast %shift_left3A : i32 to vector<16xi32>
          %shift_left3A_232 = arith.shli %get3A_230, %shift_left3A_231 : vector<16xi32>
          %mul3A_233 = arith.constant 16 : i32
          %mul3A_234 = arith.muli %add3A_227, %mul3A_233 : i32
          %add3A_235 = vector.broadcast %mul3A_234 : i32 to vector<16xi32>
          %add3A_236 = arith.addi %iota3A, %add3A_235 : vector<16xi32>
          %or3A = arith.ori %shift_left3A_232, %add3A_236 : vector<16xi32>
          %sort3A = arith.constant dense<true> : vector<16xi1>
          %sort3A_237, %sort3A_238, %sort3A_239 = tpu.sort %or3A, %or3A masked %sort3A : (vector<16xi32>, vector<16xi32>, vector<16xi1>) -> (vector<16xi1>, vector<16xi32>, vector<16xi32>)
          %shift_right_arithmetic3A = arith.constant 14 : i32
          %shift_right_arithmetic3A_240 = vector.broadcast %shift_right_arithmetic3A : i32 to vector<16xi32>
          %shift_right_arithmetic3A_241 = arith.shrsi %sort3A_238, %shift_right_arithmetic3A_240 : vector<16xi32>
          %and3A_242 = arith.constant 16383 : i32
          %and3A_243 = vector.broadcast %and3A_242 : i32 to vector<16xi32>
          %and3A_244 = arith.andi %sort3A_238, %and3A_243 : vector<16xi32>
          %add3A_245 = arith.constant 1 : i32
          %add3A_246 = vector.broadcast %add3A_245 : i32 to vector<16xi32>
          %add3A_247 = arith.addi %iota3A, %add3A_246 : vector<16xi32>
          %min3A = arith.constant 15 : i32
          %min3A_248 = vector.broadcast %min3A : i32 to vector<16xi32>
          %min3A_249 = arith.minsi %add3A_247, %min3A_248 : vector<16xi32>
          %broadcast_in_dim3A_250 = vector.shape_cast %min3A_249 : vector<16xi32> to vector<16x1xi32>
          %gather3A = vector.shape_cast %broadcast_in_dim3A_250 : vector<16x1xi32> to vector<16xi32>
          %gather3A_251 = tpu.dynamic_gather %shift_right_arithmetic3A_241[%gather3A] in [0] : vector<16xi32>, vector<16xi32> -> vector<16xi32>
          %ne3A_252 = arith.cmpi ne, %gather3A_251, %shift_right_arithmetic3A_241 : vector<16xi32>
          %eq3A_253 = arith.constant 15 : i32
          %eq3A_254 = vector.broadcast %eq3A_253 : i32 to vector<16xi32>
          %eq3A_255 = arith.cmpi eq, %iota3A, %eq3A_254 : vector<16xi32>
          %or3A_256 = arith.ori %ne3A_252, %eq3A_255 : vector<16xi1>
          %ge3A = vector.broadcast %mul3A_2 : i32 to vector<16xi32>
          %ge3A_257 = arith.cmpi sge, %shift_right_arithmetic3A_241, %ge3A : vector<16xi32>
          %add3A_258 = arith.constant 800 : i32
          %add3A_259 = arith.addi %mul3A_2, %add3A_258 : i32
          %lt3A_260 = vector.broadcast %add3A_259 : i32 to vector<16xi32>
          %lt3A_261 = arith.cmpi slt, %shift_right_arithmetic3A_241, %lt3A_260 : vector<16xi32>
          %and3A_262 = arith.andi %ge3A_257, %lt3A_261 : vector<16xi1>
          %and3A_263 = arith.andi %or3A_256, %and3A_262 : vector<16xi1>
          %sub3A_264 = vector.broadcast %mul3A_2 : i32 to vector<16xi32>
          %sub3A_265 = arith.subi %shift_right_arithmetic3A_241, %sub3A_264 : vector<16xi32>
          %jit3A_266 = arith.constant 0 : i32
          %broadcast_in_dim3A_267 = vector.broadcast %jit3A_266 : i32 to vector<16xi32>
          %select_n3A_268 = arith.select %and3A_263, %sub3A_265, %broadcast_in_dim3A_267 : vector<16xi1>, vector<16xi32>
          %gather3A_269 = tpu.vector_load_idx %arg17[%select_n3A_268] : memref<3200xi32, #tpu.memory_space<vmem>>[vector<16xi32>], vector<16xi32>,
          %max3A_270 = arith.maxsi %gather3A_269, %and3A_244 : vector<16xi32>
          tpu.vector_store_idx %arg17[%select_n3A_268], %max3A_270 masked %and3A_263 : memref<3200xi32, #tpu.memory_space<vmem>>[vector<16xi32>], vector<16xi32>, vector<16xi1>
        }
        %scan3A_186 = arith.constant 102 : i32
        %rem3A_187 = arith.constant 4 : i32
        %rem3A_188 = arith.remsi %scan3A_180, %rem3A_187 : i32
        %dma_wait3A_189 = arith.constant 0 : i32
        %dma_wait3A_190 = arith.constant 0 : i32
        %dma_wait3A_191 = arith.constant 0 : i32
        %dma_wait3A_192 = tpu.memref_slice %arg23[%dma_wait3A_189, %dma_wait3A_190, %dma_wait3A_191] : memref<4x80x128xf32, #tpu.memory_space<vmem>> -> memref<1x80x128xf32, #tpu.memory_space<vmem>>
        %dma_wait3A_193 = tpu.memref_squeeze %dma_wait3A_192 : memref<1x80x128xf32, #tpu.memory_space<vmem>> -> memref<80x128xf32, #tpu.memory_space<vmem>>
        %dma_wait3A_194 = arith.constant 0 : i32
        %dma_wait3A_195 = tpu.memref_slice %arg2[%mul3A_2, %dma_wait3A_194] : memref<100000x128xf32, #tpu.memory_space<hbm>> -> memref<80x128xf32, #tpu.memory_space<hbm>>
        %dma_wait3A_196 = arith.constant 0 : i32
        %dma_wait3A_197 = arith.constant 0 : i32
        %dma_wait3A_198 = tpu.memref_slice %arg23[%dma_wait3A_189, %dma_wait3A_196, %dma_wait3A_197] : memref<4x80x128xf32, #tpu.memory_space<vmem>> -> memref<1x80x128xf32, #tpu.memory_space<vmem>>
        %dma_wait3A_199 = tpu.memref_squeeze %dma_wait3A_198 : memref<1x80x128xf32, #tpu.memory_space<vmem>> -> memref<80x128xf32, #tpu.memory_space<vmem>>
        %dma_wait3A_200 = arith.constant 0 : i32
        %dma_wait3A_201 = tpu.memref_slice %arg2[%mul3A_2, %dma_wait3A_200] : memref<100000x128xf32, #tpu.memory_space<hbm>> -> memref<80x128xf32, #tpu.memory_space<hbm>>
        tpu.wait_dma2 semaphore(%arg26 : memref<!tpu.dma_semaphore, #tpu.memory_space<semaphore_mem>>) src(%dma_wait3A_201 : memref<80x128xf32, #tpu.memory_space<hbm>>) dst(%dma_wait3A_199 : memref<80x128xf32, #tpu.memory_space<vmem>>)
        %mul3A_202 = arith.constant 80 : i32
        %mul3A_203 = arith.muli %scan3A_180, %mul3A_202 : i32
        %add3A_204 = arith.addi %mul3A_2, %mul3A_203 : i32
        %dma_start3A_205 = arith.constant 0 : i32
        %dma_start3A_206 = arith.constant 0 : i32
        %dma_start3A_207 = tpu.memref_slice %arg23[%rem3A_188, %dma_start3A_205, %dma_start3A_206] : memref<4x80x128xf32, #tpu.memory_space<vmem>> -> memref<1x80x128xf32, #tpu.memory_space<vmem>>
        %dma_start3A_208 = tpu.memref_squeeze %dma_start3A_207 : memref<1x80x128xf32, #tpu.memory_space<vmem>> -> memref<80x128xf32, #tpu.memory_space<vmem>>
        %dma_start3A_209 = arith.constant 0 : i32
        %dma_start3A_210 = tpu.memref_slice %arg10[%add3A_204, %dma_start3A_209] : memref<100000x128xf32, #tpu.memory_space<hbm>> -> memref<80x128xf32, #tpu.memory_space<hbm>>
        %dma_start3A_211 = arith.constant 0 : i32
        %dma_start3A_212 = tpu.memref_slice %arg10[%add3A_204, %dma_start3A_211] : memref<100000x128xf32, #tpu.memory_space<hbm>> -> memref<80x128xf32, #tpu.memory_space<hbm>>
        %dma_start3A_213 = arith.constant 0 : i32
        %dma_start3A_214 = arith.constant 0 : i32
        %dma_start3A_215 = tpu.memref_slice %arg23[%rem3A_188, %dma_start3A_213, %dma_start3A_214] : memref<4x80x128xf32, #tpu.memory_space<vmem>> -> memref<1x80x128xf32, #tpu.memory_space<vmem>>
        %dma_start3A_216 = tpu.memref_squeeze %dma_start3A_215 : memref<1x80x128xf32, #tpu.memory_space<vmem>> -> memref<80x128xf32, #tpu.memory_space<vmem>>
        tpu.enqueue_dma source(%dma_start3A_216 : memref<80x128xf32, #tpu.memory_space<vmem>>) target(%dma_start3A_212 : memref<80x128xf32, #tpu.memory_space<hbm>>) target_semaphore(%arg27 : memref<!tpu.dma_semaphore, #tpu.memory_space<semaphore_mem>>)
        %add3A_217 = arith.constant 2 : i32
        %add3A_218 = arith.addi %scan3A_180, %add3A_217 : i32
        %lt3A_219 = arith.constant 10 : i32
        %lt3A_220 = arith.cmpi slt, %add3A_218, %lt3A_219 : i32
        %convert_element_type3A_221 = arith.extui %lt3A_220 : i1 to i32
        %cond3A_222 = arith.constant 0 : i32
        %cond3A_223 = arith.cmpi ne, %convert_element_type3A_221, %cond3A_222 : i32
        scf.if %cond3A_223 {
          %ge3A = arith.constant 2 : i32
          %ge3A_224 = arith.cmpi sge, %scan3A_180, %ge3A : i32
          %convert_element_type3A_225 = arith.extui %ge3A_224 : i1 to i32
          %cond3A_226 = arith.constant 0 : i32
          %cond3A_227 = arith.cmpi ne, %convert_element_type3A_225, %cond3A_226 : i32
          scf.if %cond3A_227 {
            %dma_wait3A_249 = arith.constant 0 : i32
            %dma_wait3A_250 = arith.constant 0 : i32
            %dma_wait3A_251 = arith.constant 0 : i32
            %dma_wait3A_252 = tpu.memref_slice %arg23[%dma_wait3A_249, %dma_wait3A_250, %dma_wait3A_251] : memref<4x80x128xf32, #tpu.memory_space<vmem>> -> memref<1x80x128xf32, #tpu.memory_space<vmem>>
            %dma_wait3A_253 = tpu.memref_squeeze %dma_wait3A_252 : memref<1x80x128xf32, #tpu.memory_space<vmem>> -> memref<80x128xf32, #tpu.memory_space<vmem>>
            %dma_wait3A_254 = arith.constant 0 : i32
            %dma_wait3A_255 = tpu.memref_slice %arg2[%mul3A_2, %dma_wait3A_254] : memref<100000x128xf32, #tpu.memory_space<hbm>> -> memref<80x128xf32, #tpu.memory_space<hbm>>
            %dma_wait3A_256 = arith.constant 0 : i32
            %dma_wait3A_257 = arith.constant 0 : i32
            %dma_wait3A_258 = tpu.memref_slice %arg23[%dma_wait3A_249, %dma_wait3A_256, %dma_wait3A_257] : memref<4x80x128xf32, #tpu.memory_space<vmem>> -> memref<1x80x128xf32, #tpu.memory_space<vmem>>
            %dma_wait3A_259 = tpu.memref_squeeze %dma_wait3A_258 : memref<1x80x128xf32, #tpu.memory_space<vmem>> -> memref<80x128xf32, #tpu.memory_space<vmem>>
            %dma_wait3A_260 = arith.constant 0 : i32
            %dma_wait3A_261 = tpu.memref_slice %arg2[%mul3A_2, %dma_wait3A_260] : memref<100000x128xf32, #tpu.memory_space<hbm>> -> memref<80x128xf32, #tpu.memory_space<hbm>>
            tpu.wait_dma2 semaphore(%arg27 : memref<!tpu.dma_semaphore, #tpu.memory_space<semaphore_mem>>) src(%dma_wait3A_261 : memref<80x128xf32, #tpu.memory_space<hbm>>) dst(%dma_wait3A_259 : memref<80x128xf32, #tpu.memory_space<vmem>>)
          } else {
          }
          %add3A_228 = arith.constant 2 : i32
          %add3A_229 = arith.addi %scan3A_180, %add3A_228 : i32
          %mul3A_230 = arith.constant 80 : i32
          %mul3A_231 = arith.muli %add3A_229, %mul3A_230 : i32
          %add3A_232 = arith.addi %mul3A_2, %mul3A_231 : i32
          %add3A_233 = arith.constant 2 : i32
          %add3A_234 = arith.addi %scan3A_180, %add3A_233 : i32
          %rem3A_235 = arith.constant 4 : i32
          %rem3A_236 = arith.remsi %add3A_234, %rem3A_235 : i32
          %dma_start3A_237 = arith.constant 0 : i32
          %dma_start3A_238 = arith.constant 0 : i32
          %dma_start3A_239 = tpu.memref_slice %arg23[%rem3A_236, %dma_start3A_237, %dma_start3A_238] : memref<4x80x128xf32, #tpu.memory_space<vmem>> -> memref<1x80x128xf32, #tpu.memory_space<vmem>>
          %dma_start3A_240 = tpu.memref_squeeze %dma_start3A_239 : memref<1x80x128xf32, #tpu.memory_space<vmem>> -> memref<80x128xf32, #tpu.memory_space<vmem>>
          %dma_start3A_241 = arith.constant 0 : i32
          %dma_start3A_242 = tpu.memref_slice %arg2[%add3A_232, %dma_start3A_241] : memref<100000x128xf32, #tpu.memory_space<hbm>> -> memref<80x128xf32, #tpu.memory_space<hbm>>
          %dma_start3A_243 = arith.constant 0 : i32
          %dma_start3A_244 = arith.constant 0 : i32
          %dma_start3A_245 = tpu.memref_slice %arg23[%rem3A_236, %dma_start3A_243, %dma_start3A_244] : memref<4x80x128xf32, #tpu.memory_space<vmem>> -> memref<1x80x128xf32, #tpu.memory_space<vmem>>
          %dma_start3A_246 = tpu.memref_squeeze %dma_start3A_245 : memref<1x80x128xf32, #tpu.memory_space<vmem>> -> memref<80x128xf32, #tpu.memory_space<vmem>>
          %dma_start3A_247 = arith.constant 0 : i32
          %dma_start3A_248 = tpu.memref_slice %arg2[%add3A_232, %dma_start3A_247] : memref<100000x128xf32, #tpu.memory_space<hbm>> -> memref<80x128xf32, #tpu.memory_space<hbm>>
          tpu.enqueue_dma source(%dma_start3A_248 : memref<80x128xf32, #tpu.memory_space<hbm>>) target(%dma_start3A_246 : memref<80x128xf32, #tpu.memory_space<vmem>>) target_semaphore(%arg26 : memref<!tpu.dma_semaphore, #tpu.memory_space<semaphore_mem>>)
        } else {
        }
      }
      %scan3A_67 = arith.constant 10 : i32
      %scan3A_68 = arith.constant 0 : i32
      %scan3A_69 = arith.constant 0 : i32
      %scan3A_70 = arith.constant 4 : i32
      %scan3A_71 = arith.addi %scan3A_69, %scan3A_70 : i32
      %scan3A_72 = arith.constant 1 : i32
      scf.for %scan3A_180 = %scan3A_69 to %scan3A_71 step %scan3A_72  : i32 {
        %add3A_181 = arith.constant 1020 : i32
        %add3A_182 = arith.addi %add3A_181, %scan3A_180 : i32
        %mul3A_183 = arith.constant 16 : i32
        %mul3A_184 = arith.muli %add3A_182, %mul3A_183 : i32
        %get3A = arith.index_cast %mul3A_184 : i32 to index
        %get3A_185 = tpu.vector_load %arg14[%get3A] {strides = array<i32>} : memref<16384xi32, #tpu.memory_space<vmem>>, vector<16xi32>,
        %shift_left3A = arith.constant 14 : i32
        %shift_left3A_186 = vector.broadcast %shift_left3A : i32 to vector<16xi32>
        %shift_left3A_187 = arith.shli %get3A_185, %shift_left3A_186 : vector<16xi32>
        %mul3A_188 = arith.constant 16 : i32
        %mul3A_189 = arith.muli %add3A_182, %mul3A_188 : i32
        %add3A_190 = vector.broadcast %mul3A_189 : i32 to vector<16xi32>
        %add3A_191 = arith.addi %iota3A, %add3A_190 : vector<16xi32>
        %or3A = arith.ori %shift_left3A_187, %add3A_191 : vector<16xi32>
        %sort3A = arith.constant dense<true> : vector<16xi1>
        %sort3A_192, %sort3A_193, %sort3A_194 = tpu.sort %or3A, %or3A masked %sort3A : (vector<16xi32>, vector<16xi32>, vector<16xi1>) -> (vector<16xi1>, vector<16xi32>, vector<16xi32>)
        %shift_right_arithmetic3A = arith.constant 14 : i32
        %shift_right_arithmetic3A_195 = vector.broadcast %shift_right_arithmetic3A : i32 to vector<16xi32>
        %shift_right_arithmetic3A_196 = arith.shrsi %sort3A_193, %shift_right_arithmetic3A_195 : vector<16xi32>
        %and3A_197 = arith.constant 16383 : i32
        %and3A_198 = vector.broadcast %and3A_197 : i32 to vector<16xi32>
        %and3A_199 = arith.andi %sort3A_193, %and3A_198 : vector<16xi32>
        %add3A_200 = arith.constant 1 : i32
        %add3A_201 = vector.broadcast %add3A_200 : i32 to vector<16xi32>
        %add3A_202 = arith.addi %iota3A, %add3A_201 : vector<16xi32>
        %min3A = arith.constant 15 : i32
        %min3A_203 = vector.broadcast %min3A : i32 to vector<16xi32>
        %min3A_204 = arith.minsi %add3A_202, %min3A_203 : vector<16xi32>
        %broadcast_in_dim3A_205 = vector.shape_cast %min3A_204 : vector<16xi32> to vector<16x1xi32>
        %gather3A = vector.shape_cast %broadcast_in_dim3A_205 : vector<16x1xi32> to vector<16xi32>
        %gather3A_206 = tpu.dynamic_gather %shift_right_arithmetic3A_196[%gather3A] in [0] : vector<16xi32>, vector<16xi32> -> vector<16xi32>
        %ne3A_207 = arith.cmpi ne, %gather3A_206, %shift_right_arithmetic3A_196 : vector<16xi32>
        %eq3A_208 = arith.constant 15 : i32
        %eq3A_209 = vector.broadcast %eq3A_208 : i32 to vector<16xi32>
        %eq3A_210 = arith.cmpi eq, %iota3A, %eq3A_209 : vector<16xi32>
        %or3A_211 = arith.ori %ne3A_207, %eq3A_210 : vector<16xi1>
        %ge3A = vector.broadcast %mul3A_2 : i32 to vector<16xi32>
        %ge3A_212 = arith.cmpi sge, %shift_right_arithmetic3A_196, %ge3A : vector<16xi32>
        %add3A_213 = arith.constant 800 : i32
        %add3A_214 = arith.addi %mul3A_2, %add3A_213 : i32
        %lt3A_215 = vector.broadcast %add3A_214 : i32 to vector<16xi32>
        %lt3A_216 = arith.cmpi slt, %shift_right_arithmetic3A_196, %lt3A_215 : vector<16xi32>
        %and3A_217 = arith.andi %ge3A_212, %lt3A_216 : vector<16xi1>
        %and3A_218 = arith.andi %or3A_211, %and3A_217 : vector<16xi1>
        %sub3A_219 = vector.broadcast %mul3A_2 : i32 to vector<16xi32>
        %sub3A_220 = arith.subi %shift_right_arithmetic3A_196, %sub3A_219 : vector<16xi32>
        %jit3A_221 = arith.constant 0 : i32
        %broadcast_in_dim3A_222 = vector.broadcast %jit3A_221 : i32 to vector<16xi32>
        %select_n3A_223 = arith.select %and3A_218, %sub3A_220, %broadcast_in_dim3A_222 : vector<16xi1>, vector<16xi32>
        %gather3A_224 = tpu.vector_load_idx %arg17[%select_n3A_223] : memref<3200xi32, #tpu.memory_space<vmem>>[vector<16xi32>], vector<16xi32>,
        %max3A_225 = arith.maxsi %gather3A_224, %and3A_199 : vector<16xi32>
        tpu.vector_store_idx %arg17[%select_n3A_223], %max3A_225 masked %and3A_218 : memref<3200xi32, #tpu.memory_space<vmem>>[vector<16xi32>], vector<16xi32>, vector<16xi1>
      }
      %scan3A_73 = arith.constant 4 : i32
      "tpu.trace_stop"() : () -> ()
      "tpu.trace_start"() <{level = 10 : i32, message = "ph_mid"}> : () -> ()
      tpu.wait_dma2 semaphore(%arg25 : memref<!tpu.dma_semaphore, #tpu.memory_space<semaphore_mem>>) src(%arg7 : memref<16384xi32, #tpu.memory_space<hbm>>) dst(%arg15 : memref<16384xi32, #tpu.memory_space<vmem>>)
      tpu.wait_dma2 semaphore(%arg25 : memref<!tpu.dma_semaphore, #tpu.memory_space<semaphore_mem>>) src(%arg9 : memref<16384xi32, #tpu.memory_space<hbm>>) dst(%arg16 : memref<16384xi32, #tpu.memory_space<vmem>>)
      %dma_wait3A = arith.constant 0 : i32
      %dma_wait3A_74 = tpu.memref_slice %arg18[%dma_wait3A] : memref<3200xi32, #tpu.memory_space<vmem>> -> memref<800xi32, #tpu.memory_space<vmem>>
      %dma_wait3A_75 = tpu.memref_slice %arg3[%mul3A_2] : memref<100000xi32, #tpu.memory_space<hbm>> -> memref<800xi32, #tpu.memory_space<hbm>>
      %dma_wait3A_76 = arith.constant 0 : i32
      %dma_wait3A_77 = tpu.memref_slice %arg18[%dma_wait3A_76] : memref<3200xi32, #tpu.memory_space<vmem>> -> memref<800xi32, #tpu.memory_space<vmem>>
      %dma_wait3A_78 = tpu.memref_slice %arg3[%mul3A_2] : memref<100000xi32, #tpu.memory_space<hbm>> -> memref<800xi32, #tpu.memory_space<hbm>>
      tpu.wait_dma2 semaphore(%arg25 : memref<!tpu.dma_semaphore, #tpu.memory_space<semaphore_mem>>) src(%dma_wait3A_78 : memref<800xi32, #tpu.memory_space<hbm>>) dst(%dma_wait3A_77 : memref<800xi32, #tpu.memory_space<vmem>>)
      %dma_wait3A_79 = arith.constant 0 : i32
      %dma_wait3A_80 = tpu.memref_slice %arg19[%dma_wait3A_79] : memref<3200xi32, #tpu.memory_space<vmem>> -> memref<800xi32, #tpu.memory_space<vmem>>
      %dma_wait3A_81 = tpu.memref_slice %arg4[%mul3A_2] : memref<100000xi32, #tpu.memory_space<hbm>> -> memref<800xi32, #tpu.memory_space<hbm>>
      %dma_wait3A_82 = arith.constant 0 : i32
      %dma_wait3A_83 = tpu.memref_slice %arg19[%dma_wait3A_82] : memref<3200xi32, #tpu.memory_space<vmem>> -> memref<800xi32, #tpu.memory_space<vmem>>
      %dma_wait3A_84 = tpu.memref_slice %arg4[%mul3A_2] : memref<100000xi32, #tpu.memory_space<hbm>> -> memref<800xi32, #tpu.memory_space<hbm>>
      tpu.wait_dma2 semaphore(%arg25 : memref<!tpu.dma_semaphore, #tpu.memory_space<semaphore_mem>>) src(%dma_wait3A_84 : memref<800xi32, #tpu.memory_space<hbm>>) dst(%dma_wait3A_83 : memref<800xi32, #tpu.memory_space<vmem>>)
      %dma_wait3A_85 = arith.constant 0 : i32
      %dma_wait3A_86 = tpu.memref_slice %arg20[%dma_wait3A_85] : memref<3200xi32, #tpu.memory_space<vmem>> -> memref<800xi32, #tpu.memory_space<vmem>>
      %dma_wait3A_87 = tpu.memref_slice %arg5[%mul3A_2] : memref<100000xi32, #tpu.memory_space<hbm>> -> memref<800xi32, #tpu.memory_space<hbm>>
      %dma_wait3A_88 = arith.constant 0 : i32
      %dma_wait3A_89 = tpu.memref_slice %arg20[%dma_wait3A_88] : memref<3200xi32, #tpu.memory_space<vmem>> -> memref<800xi32, #tpu.memory_space<vmem>>
      %dma_wait3A_90 = tpu.memref_slice %arg5[%mul3A_2] : memref<100000xi32, #tpu.memory_space<hbm>> -> memref<800xi32, #tpu.memory_space<hbm>>
      tpu.wait_dma2 semaphore(%arg25 : memref<!tpu.dma_semaphore, #tpu.memory_space<semaphore_mem>>) src(%dma_wait3A_90 : memref<800xi32, #tpu.memory_space<hbm>>) dst(%dma_wait3A_89 : memref<800xi32, #tpu.memory_space<vmem>>)
      "tpu.trace_stop"() : () -> ()
      "tpu.trace_start"() <{level = 10 : i32, message = "ph_compact"}> : () -> ()
      %scan3A_91 = arith.constant 0 : i32
      %scan3A_92 = arith.constant 0 : i32
      %scan3A_93 = arith.constant 50 : i32
      %scan3A_94 = arith.addi %scan3A_92, %scan3A_93 : i32
      %scan3A_95 = arith.constant 1 : i32
      %scan3A_96 = scf.for %scan3A_180 = %scan3A_92 to %scan3A_94 step %scan3A_95 iter_args(%scan3A_181 = %scan3A_91) -> (i32)  : i32 {
        %mul3A_182 = arith.constant 16 : i32
        %mul3A_183 = arith.muli %scan3A_180, %mul3A_182 : i32
        %get3A = arith.index_cast %mul3A_183 : i32 to index
        %get3A_184 = tpu.vector_load %arg17[%get3A] {strides = array<i32>} : memref<3200xi32, #tpu.memory_space<vmem>>, vector<16xi32>,
        %ge3A = arith.constant 0 : i32
        %ge3A_185 = vector.broadcast %ge3A : i32 to vector<16xi32>
        %ge3A_186 = arith.cmpi sge, %get3A_184, %ge3A_185 : vector<16xi32>
        %mul3A_187 = arith.constant 16 : i32
        %mul3A_188 = arith.muli %scan3A_180, %mul3A_187 : i32
        %add3A_189 = vector.broadcast %mul3A_188 : i32 to vector<16xi32>
        %add3A_190 = arith.addi %iota3A, %add3A_189 : vector<16xi32>
        %jit3A_191 = arith.constant 0 : i32
        %broadcast_in_dim3A_192 = vector.broadcast %jit3A_191 : i32 to vector<16xi32>
        %select_n3A_193 = arith.select %ge3A_186, %get3A_184, %broadcast_in_dim3A_192 : vector<16xi1>, vector<16xi32>
        %gather3A = tpu.vector_load_idx %arg15[%select_n3A_193] : memref<16384xi32, #tpu.memory_space<vmem>>[vector<16xi32>], vector<16xi32>,
        %jit3A_194 = arith.constant 0 : i32
        %broadcast_in_dim3A_195 = vector.broadcast %jit3A_194 : i32 to vector<16xi32>
        %select_n3A_196 = arith.select %ge3A_186, %gather3A, %broadcast_in_dim3A_195 : vector<16xi1>, vector<16xi32>
        %gather3A_197 = tpu.vector_load_idx %arg16[%select_n3A_196] : memref<16384xi32, #tpu.memory_space<vmem>>[vector<16xi32>], vector<16xi32>,
        tpu.vector_store_idx %arg18[%add3A_190], %gather3A_197 masked %ge3A_186 : memref<3200xi32, #tpu.memory_space<vmem>>[vector<16xi32>], vector<16xi32>, vector<16xi1>
        tpu.vector_store_idx %arg19[%add3A_190], %broadcast_in_dim3A_5 masked %ge3A_186 : memref<3200xi32, #tpu.memory_space<vmem>>[vector<16xi32>], vector<16xi32>, vector<16xi1>
        tpu.vector_store_idx %arg20[%add3A_190], %broadcast_in_dim3A_5 masked %ge3A_186 : memref<3200xi32, #tpu.memory_space<vmem>>[vector<16xi32>], vector<16xi32>, vector<16xi1>
        %add3A_198 = vector.broadcast %mul3A_2 : i32 to vector<16xi32>
        %add3A_199 = arith.addi %add3A_190, %add3A_198 : vector<16xi32>
        %swap3A = arith.index_cast %scan3A_181 : i32 to index
        %swap3A_200 = tpu.vector_load %arg21[%swap3A] masked %ge3A_186 {strides = array<i32>} : memref<3360xi32, #tpu.memory_space<vmem>>, vector<16xi32>, vector<16xi1>
        tpu.vector_store %arg21[%swap3A], %add3A_199 masked %ge3A_186 {strides = array<i32>} : memref<3360xi32, #tpu.memory_space<vmem>>, vector<16xi32>, vector<16xi1>
        %swap3A_201 = arith.index_cast %scan3A_181 : i32 to index
        %swap3A_202 = tpu.vector_load %arg22[%swap3A_201] masked %ge3A_186 {strides = array<i32>} : memref<3360xi32, #tpu.memory_space<vmem>>, vector<16xi32>, vector<16xi1>
        tpu.vector_store %arg22[%swap3A_201], %gather3A masked %ge3A_186 {strides = array<i32>} : memref<3360xi32, #tpu.memory_space<vmem>>, vector<16xi32>, vector<16xi1>
        %jit3A_203 = arith.constant 1 : i32
        %jit3A_204 = arith.constant 0 : i32
        %broadcast_in_dim3A_205 = vector.broadcast %jit3A_203 : i32 to vector<16xi32>
        %broadcast_in_dim3A_206 = vector.broadcast %jit3A_204 : i32 to vector<16xi32>
        %select_n3A_207 = arith.select %ge3A_186, %broadcast_in_dim3A_205, %broadcast_in_dim3A_206 : vector<16xi1>, vector<16xi32>
        %reduce_sum3A = arith.constant true
        %reduce_sum3A_208 = vector.broadcast %reduce_sum3A : i1 to vector<16xi1>
        %reduce_sum3A_209 = tpu.scan <sum>, %select_n3A_207 masked %reduce_sum3A_208 : vector<16xi32>, vector<16xi1> -> vector<16xi32>
        %reduce_sum3A_210 = vector.extract %reduce_sum3A_209[15] : i32 from vector<16xi32>
        %add3A_211 = arith.addi %scan3A_181, %reduce_sum3A_210 : i32
        scf.yield %add3A_211 : i32
      }
      %scan3A_97 = arith.constant 50 : i32
      %gt3A = arith.constant 0 : i32
      "tpu.trace_stop"() : () -> ()
      %gt3A_98 = arith.cmpi sgt, %scan3A_96, %gt3A : i32
      %convert_element_type3A_99 = arith.extui %gt3A_98 : i1 to i32
      %cond3A_100 = arith.constant 0 : i32
      %cond3A_101 = arith.cmpi ne, %convert_element_type3A_99, %cond3A_100 : i32
      scf.if %cond3A_101 {
        %broadcast_in_dim3A_180 = arith.constant 0 : i32
        %broadcast_in_dim3A_181 = vector.broadcast %broadcast_in_dim3A_180 : i32 to vector<16xi32>
        %get3A = arith.constant 0 : index
        %get3A_182 = tpu.vector_load %arg21[%get3A] {strides = array<i32>} : memref<3360xi32, #tpu.memory_space<vmem>>, vector<16xi32>,
        %broadcast_in_dim3A_183 = vector.shape_cast %broadcast_in_dim3A_181 : vector<16xi32> to vector<16x1xi32>
        %gather3A = vector.shape_cast %broadcast_in_dim3A_183 : vector<16x1xi32> to vector<16xi32>
        %gather3A_184 = tpu.dynamic_gather %get3A_182[%gather3A] in [0] : vector<16xi32>, vector<16xi32> -> vector<16xi32>
        %get3A_185 = arith.constant 0 : index
        %get3A_186 = tpu.vector_load %arg22[%get3A_185] {strides = array<i32>} : memref<3360xi32, #tpu.memory_space<vmem>>, vector<16xi32>,
        %broadcast_in_dim3A_187 = vector.shape_cast %broadcast_in_dim3A_181 : vector<16xi32> to vector<16x1xi32>
        %gather3A_188 = vector.shape_cast %broadcast_in_dim3A_187 : vector<16x1xi32> to vector<16xi32>
        %gather3A_189 = tpu.dynamic_gather %get3A_186[%gather3A_188] in [0] : vector<16xi32>, vector<16xi32> -> vector<16xi32>
        %scan3A_190 = arith.constant 0 : i32
        %scan3A_191 = arith.constant 0 : i32
        %scan3A_192 = arith.constant 8 : i32
        %scan3A_193 = arith.addi %scan3A_191, %scan3A_192 : i32
        %scan3A_194 = arith.constant 1 : i32
        scf.for %scan3A_196 = %scan3A_191 to %scan3A_193 step %scan3A_194  : i32 {
          %mul3A_197 = arith.constant 16 : i32
          %mul3A_198 = arith.muli %scan3A_196, %mul3A_197 : i32
          %add3A_199 = arith.addi %scan3A_96, %mul3A_198 : i32
          %add3A_200 = vector.broadcast %add3A_199 : i32 to vector<16xi32>
          %add3A_201 = arith.addi %add3A_200, %iota3A : vector<16xi32>
          tpu.vector_store_idx %arg21[%add3A_201], %gather3A_184 : memref<3360xi32, #tpu.memory_space<vmem>>[vector<16xi32>], vector<16xi32>,
          tpu.vector_store_idx %arg22[%add3A_201], %gather3A_189 : memref<3360xi32, #tpu.memory_space<vmem>>[vector<16xi32>], vector<16xi32>,
        }
        %scan3A_195 = arith.constant 8 : i32
      } else {
      }
      %dma_wait3A_102 = arith.constant 0 : i32
      %dma_wait3A_103 = arith.constant 0 : i32
      %dma_wait3A_104 = arith.constant 0 : i32
      %dma_wait3A_105 = tpu.memref_slice %arg23[%dma_wait3A_102, %dma_wait3A_103, %dma_wait3A_104] : memref<4x80x128xf32, #tpu.memory_space<vmem>> -> memref<1x80x128xf32, #tpu.memory_space<vmem>>
      %dma_wait3A_106 = tpu.memref_squeeze %dma_wait3A_105 : memref<1x80x128xf32, #tpu.memory_space<vmem>> -> memref<80x128xf32, #tpu.memory_space<vmem>>
      %dma_wait3A_107 = arith.constant 0 : i32
      %dma_wait3A_108 = tpu.memref_slice %arg2[%mul3A_2, %dma_wait3A_107] : memref<100000x128xf32, #tpu.memory_space<hbm>> -> memref<80x128xf32, #tpu.memory_space<hbm>>
      %dma_wait3A_109 = arith.constant 0 : i32
      %dma_wait3A_110 = arith.constant 0 : i32
      %dma_wait3A_111 = tpu.memref_slice %arg23[%dma_wait3A_102, %dma_wait3A_109, %dma_wait3A_110] : memref<4x80x128xf32, #tpu.memory_space<vmem>> -> memref<1x80x128xf32, #tpu.memory_space<vmem>>
      %dma_wait3A_112 = tpu.memref_squeeze %dma_wait3A_111 : memref<1x80x128xf32, #tpu.memory_space<vmem>> -> memref<80x128xf32, #tpu.memory_space<vmem>>
      %dma_wait3A_113 = arith.constant 0 : i32
      %dma_wait3A_114 = tpu.memref_slice %arg2[%mul3A_2, %dma_wait3A_113] : memref<100000x128xf32, #tpu.memory_space<hbm>> -> memref<80x128xf32, #tpu.memory_space<hbm>>
      tpu.wait_dma2 semaphore(%arg27 : memref<!tpu.dma_semaphore, #tpu.memory_space<semaphore_mem>>) src(%dma_wait3A_114 : memref<80x128xf32, #tpu.memory_space<hbm>>) dst(%dma_wait3A_112 : memref<80x128xf32, #tpu.memory_space<vmem>>)
      %dma_wait3A_115 = arith.constant 0 : i32
      %dma_wait3A_116 = arith.constant 0 : i32
      %dma_wait3A_117 = arith.constant 0 : i32
      %dma_wait3A_118 = tpu.memref_slice %arg23[%dma_wait3A_115, %dma_wait3A_116, %dma_wait3A_117] : memref<4x80x128xf32, #tpu.memory_space<vmem>> -> memref<1x80x128xf32, #tpu.memory_space<vmem>>
      %dma_wait3A_119 = tpu.memref_squeeze %dma_wait3A_118 : memref<1x80x128xf32, #tpu.memory_space<vmem>> -> memref<80x128xf32, #tpu.memory_space<vmem>>
      %dma_wait3A_120 = arith.constant 0 : i32
      %dma_wait3A_121 = tpu.memref_slice %arg2[%mul3A_2, %dma_wait3A_120] : memref<100000x128xf32, #tpu.memory_space<hbm>> -> memref<80x128xf32, #tpu.memory_space<hbm>>
      %dma_wait3A_122 = arith.constant 0 : i32
      %dma_wait3A_123 = arith.constant 0 : i32
      %dma_wait3A_124 = tpu.memref_slice %arg23[%dma_wait3A_115, %dma_wait3A_122, %dma_wait3A_123] : memref<4x80x128xf32, #tpu.memory_space<vmem>> -> memref<1x80x128xf32, #tpu.memory_space<vmem>>
      %dma_wait3A_125 = tpu.memref_squeeze %dma_wait3A_124 : memref<1x80x128xf32, #tpu.memory_space<vmem>> -> memref<80x128xf32, #tpu.memory_space<vmem>>
      %dma_wait3A_126 = arith.constant 0 : i32
      %dma_wait3A_127 = tpu.memref_slice %arg2[%mul3A_2, %dma_wait3A_126] : memref<100000x128xf32, #tpu.memory_space<hbm>> -> memref<80x128xf32, #tpu.memory_space<hbm>>
      tpu.wait_dma2 semaphore(%arg27 : memref<!tpu.dma_semaphore, #tpu.memory_space<semaphore_mem>>) src(%dma_wait3A_127 : memref<80x128xf32, #tpu.memory_space<hbm>>) dst(%dma_wait3A_125 : memref<80x128xf32, #tpu.memory_space<vmem>>)
      %dma_wait3A_128 = arith.constant 0 : i32
      %dma_wait3A_129 = arith.constant 0 : i32
      %dma_wait3A_130 = arith.constant 0 : i32
      %dma_wait3A_131 = tpu.memref_slice %arg23[%dma_wait3A_128, %dma_wait3A_129, %dma_wait3A_130] : memref<4x80x128xf32, #tpu.memory_space<vmem>> -> memref<1x80x128xf32, #tpu.memory_space<vmem>>
      %dma_wait3A_132 = tpu.memref_squeeze %dma_wait3A_131 : memref<1x80x128xf32, #tpu.memory_space<vmem>> -> memref<80x128xf32, #tpu.memory_space<vmem>>
      %dma_wait3A_133 = arith.constant 0 : i32
      %dma_wait3A_134 = tpu.memref_slice %arg2[%mul3A_2, %dma_wait3A_133] : memref<100000x128xf32, #tpu.memory_space<hbm>> -> memref<80x128xf32, #tpu.memory_space<hbm>>
      %dma_wait3A_135 = arith.constant 0 : i32
      %dma_wait3A_136 = arith.constant 0 : i32
      %dma_wait3A_137 = tpu.memref_slice %arg23[%dma_wait3A_128, %dma_wait3A_135, %dma_wait3A_136] : memref<4x80x128xf32, #tpu.memory_space<vmem>> -> memref<1x80x128xf32, #tpu.memory_space<vmem>>
      %dma_wait3A_138 = tpu.memref_squeeze %dma_wait3A_137 : memref<1x80x128xf32, #tpu.memory_space<vmem>> -> memref<80x128xf32, #tpu.memory_space<vmem>>
      %dma_wait3A_139 = arith.constant 0 : i32
      %dma_wait3A_140 = tpu.memref_slice %arg2[%mul3A_2, %dma_wait3A_139] : memref<100000x128xf32, #tpu.memory_space<hbm>> -> memref<80x128xf32, #tpu.memory_space<hbm>>
      tpu.wait_dma2 semaphore(%arg27 : memref<!tpu.dma_semaphore, #tpu.memory_space<semaphore_mem>>) src(%dma_wait3A_140 : memref<80x128xf32, #tpu.memory_space<hbm>>) dst(%dma_wait3A_138 : memref<80x128xf32, #tpu.memory_space<vmem>>)
      %dma_wait3A_141 = arith.constant 0 : i32
      %dma_wait3A_142 = arith.constant 0 : i32
      %dma_wait3A_143 = arith.constant 0 : i32
      %dma_wait3A_144 = tpu.memref_slice %arg23[%dma_wait3A_141, %dma_wait3A_142, %dma_wait3A_143] : memref<4x80x128xf32, #tpu.memory_space<vmem>> -> memref<1x80x128xf32, #tpu.memory_space<vmem>>
      %dma_wait3A_145 = tpu.memref_squeeze %dma_wait3A_144 : memref<1x80x128xf32, #tpu.memory_space<vmem>> -> memref<80x128xf32, #tpu.memory_space<vmem>>
      %dma_wait3A_146 = arith.constant 0 : i32
      %dma_wait3A_147 = tpu.memref_slice %arg2[%mul3A_2, %dma_wait3A_146] : memref<100000x128xf32, #tpu.memory_space<hbm>> -> memref<80x128xf32, #tpu.memory_space<hbm>>
      %dma_wait3A_148 = arith.constant 0 : i32
      %dma_wait3A_149 = arith.constant 0 : i32
      %dma_wait3A_150 = tpu.memref_slice %arg23[%dma_wait3A_141, %dma_wait3A_148, %dma_wait3A_149] : memref<4x80x128xf32, #tpu.memory_space<vmem>> -> memref<1x80x128xf32, #tpu.memory_space<vmem>>
      %dma_wait3A_151 = tpu.memref_squeeze %dma_wait3A_150 : memref<1x80x128xf32, #tpu.memory_space<vmem>> -> memref<80x128xf32, #tpu.memory_space<vmem>>
      %dma_wait3A_152 = arith.constant 0 : i32
      %dma_wait3A_153 = tpu.memref_slice %arg2[%mul3A_2, %dma_wait3A_152] : memref<100000x128xf32, #tpu.memory_space<hbm>> -> memref<80x128xf32, #tpu.memory_space<hbm>>
      tpu.wait_dma2 semaphore(%arg27 : memref<!tpu.dma_semaphore, #tpu.memory_space<semaphore_mem>>) src(%dma_wait3A_153 : memref<80x128xf32, #tpu.memory_space<hbm>>) dst(%dma_wait3A_151 : memref<80x128xf32, #tpu.memory_space<vmem>>)
      %add3A_154 = arith.constant 63 : i32
      %add3A_155 = arith.addi %scan3A_96, %add3A_154 : i32
      %jit3A = arith.constant 64 : i32
      %div3A = arith.divsi %add3A_155, %jit3A : i32
      %sign3A = arith.constant 0 : i32
      %sign3A_156 = arith.cmpi sgt, %add3A_155, %sign3A : i32
      %sign3A_157 = arith.extui %sign3A_156 : i1 to i32
      %sign3A_158 = arith.constant 0 : i32
      %sign3A_159 = arith.cmpi slt, %add3A_155, %sign3A_158 : i32
      %sign3A_160 = arith.extui %sign3A_159 : i1 to i32
      %sign3A_161 = arith.subi %sign3A_157, %sign3A_160 : i32
      %sign3A_162 = arith.constant 0 : i32
      %sign3A_163 = arith.cmpi sgt, %jit3A, %sign3A_162 : i32
      %sign3A_164 = arith.extui %sign3A_163 : i1 to i32
      %sign3A_165 = arith.constant 0 : i32
      %sign3A_166 = arith.cmpi slt, %jit3A, %sign3A_165 : i32
      %sign3A_167 = arith.extui %sign3A_166 : i1 to i32
      %sign3A_168 = arith.subi %sign3A_164, %sign3A_167 : i32
      %ne3A = arith.cmpi ne, %sign3A_161, %sign3A_168 : i32
      %rem3A = arith.remsi %add3A_155, %jit3A : i32
      %ne3A_169 = arith.constant 0 : i32
      %ne3A_170 = arith.cmpi ne, %rem3A, %ne3A_169 : i32
      %and3A = arith.andi %ne3A, %ne3A_170 : i1
      %sub3A = arith.constant 1 : i32
      %sub3A_171 = arith.subi %div3A, %sub3A : i32
      %select_n3A = arith.select %and3A, %sub3A_171, %div3A : i32
      %max3A = arith.constant 2 : i32
      %max3A_172 = arith.maxsi %select_n3A, %max3A : i32
      %mul3A_173 = arith.constant 4 : i32
      %mul3A_174 = arith.muli %max3A_172, %mul3A_173 : i32
      %gt3A_175 = arith.constant 0 : i32
      "tpu.trace_start"() <{level = 10 : i32, message = "ph_rowdma"}> : () -> ()
      %gt3A_176 = arith.cmpi sgt, %scan3A_96, %gt3A_175 : i32
      %convert_element_type3A_177 = arith.extui %gt3A_176 : i1 to i32
      %cond3A_178 = arith.constant 0 : i32
      %cond3A_179 = arith.cmpi ne, %convert_element_type3A_177, %cond3A_178 : i32
      scf.if %cond3A_179 {
        %get3A = arith.constant 0 : index
        %get3A_180 = tpu.vector_load %arg22[%get3A] {strides = array<i32>} : memref<3360xi32, #tpu.memory_space<vmem>>, vector<16xi32>,
        %rem3A_181 = arith.constant 0 : i32
        %rem3A_182 = arith.constant 16 : i32
        %rem3A_183 = arith.remsi %rem3A_181, %rem3A_182 : i32
        %jit3A_184 = arith.constant 5 : i32
        %div3A_185 = arith.divsi %rem3A_183, %jit3A_184 : i32
        %sign3A_186 = arith.constant 0 : i32
        %sign3A_187 = arith.cmpi sgt, %rem3A_183, %sign3A_186 : i32
        %sign3A_188 = arith.extui %sign3A_187 : i1 to i32
        %sign3A_189 = arith.constant 0 : i32
        %sign3A_190 = arith.cmpi slt, %rem3A_183, %sign3A_189 : i32
        %sign3A_191 = arith.extui %sign3A_190 : i1 to i32
        %sign3A_192 = arith.subi %sign3A_188, %sign3A_191 : i32
        %sign3A_193 = arith.constant 0 : i32
        %sign3A_194 = arith.cmpi sgt, %jit3A_184, %sign3A_193 : i32
        %sign3A_195 = arith.extui %sign3A_194 : i1 to i32
        %sign3A_196 = arith.constant 0 : i32
        %sign3A_197 = arith.cmpi slt, %jit3A_184, %sign3A_196 : i32
        %sign3A_198 = arith.extui %sign3A_197 : i1 to i32
        %sign3A_199 = arith.subi %sign3A_195, %sign3A_198 : i32
        %ne3A_200 = arith.cmpi ne, %sign3A_192, %sign3A_199 : i32
        %rem3A_201 = arith.remsi %rem3A_183, %jit3A_184 : i32
        %ne3A_202 = arith.constant 0 : i32
        %ne3A_203 = arith.cmpi ne, %rem3A_201, %ne3A_202 : i32
        %and3A_204 = arith.andi %ne3A_200, %ne3A_203 : i1
        %sub3A_205 = arith.constant 1 : i32
        %sub3A_206 = arith.subi %div3A_185, %sub3A_205 : i32
        %select_n3A_207 = arith.select %and3A_204, %sub3A_206, %div3A_185 : i32
        %rem3A_208 = arith.constant 5 : i32
        %rem3A_209 = arith.remsi %rem3A_183, %rem3A_208 : i32
        %mul3A_210 = arith.constant 16 : i32
        %mul3A_211 = arith.muli %rem3A_209, %mul3A_210 : i32
        %dma_start3A_212 = arith.constant 0 : i32
        %dma_start3A_213 = tpu.memref_slice %arg23[%select_n3A_207, %mul3A_211, %dma_start3A_212] : memref<4x80x128xf32, #tpu.memory_space<vmem>> -> memref<1x16x128xf32, #tpu.memory_space<vmem>>
        %dma_start3A_214 = tpu.memref_squeeze %dma_start3A_213 : memref<1x16x128xf32, #tpu.memory_space<vmem>> -> memref<16x128xf32, #tpu.memory_space<vmem>>
        %dma_start3A_215 = arith.constant 0 : i32
        %dma_start3A_216 = arith.constant 0 : i32
        %dma_start3A_217 = tpu.memref_slice %arg8[%dma_start3A_215, %dma_start3A_216] : memref<16384x128xf32, #tpu.memory_space<hbm>> -> memref<16384x128xf32, #tpu.memory_space<hbm>>
        tpu.enqueue_indirect_dma source(%dma_start3A_217 : memref<16384x128xf32, #tpu.memory_space<hbm>>) target(%dma_start3A_214 : memref<16x128xf32, #tpu.memory_space<vmem>>) offsets(%get3A_180 : vector<16xi32>) semaphore(%arg28 : memref<!tpu.dma_semaphore, #tpu.memory_space<semaphore_mem>>)
        %get3A_218 = arith.constant 16 : index
        %get3A_219 = tpu.vector_load %arg22[%get3A_218] {strides = array<i32>} : memref<3360xi32, #tpu.memory_space<vmem>>, vector<16xi32>,
        %rem3A_220 = arith.constant 1 : i32
        %rem3A_221 = arith.constant 16 : i32
        %rem3A_222 = arith.remsi %rem3A_220, %rem3A_221 : i32
        %jit3A_223 = arith.constant 5 : i32
        %div3A_224 = arith.divsi %rem3A_222, %jit3A_223 : i32
        %sign3A_225 = arith.constant 0 : i32
        %sign3A_226 = arith.cmpi sgt, %rem3A_222, %sign3A_225 : i32
        %sign3A_227 = arith.extui %sign3A_226 : i1 to i32
        %sign3A_228 = arith.constant 0 : i32
        %sign3A_229 = arith.cmpi slt, %rem3A_222, %sign3A_228 : i32
        %sign3A_230 = arith.extui %sign3A_229 : i1 to i32
        %sign3A_231 = arith.subi %sign3A_227, %sign3A_230 : i32
        %sign3A_232 = arith.constant 0 : i32
        %sign3A_233 = arith.cmpi sgt, %jit3A_223, %sign3A_232 : i32
        %sign3A_234 = arith.extui %sign3A_233 : i1 to i32
        %sign3A_235 = arith.constant 0 : i32
        %sign3A_236 = arith.cmpi slt, %jit3A_223, %sign3A_235 : i32
        %sign3A_237 = arith.extui %sign3A_236 : i1 to i32
        %sign3A_238 = arith.subi %sign3A_234, %sign3A_237 : i32
        %ne3A_239 = arith.cmpi ne, %sign3A_231, %sign3A_238 : i32
        %rem3A_240 = arith.remsi %rem3A_222, %jit3A_223 : i32
        %ne3A_241 = arith.constant 0 : i32
        %ne3A_242 = arith.cmpi ne, %rem3A_240, %ne3A_241 : i32
        %and3A_243 = arith.andi %ne3A_239, %ne3A_242 : i1
        %sub3A_244 = arith.constant 1 : i32
        %sub3A_245 = arith.subi %div3A_224, %sub3A_244 : i32
        %select_n3A_246 = arith.select %and3A_243, %sub3A_245, %div3A_224 : i32
        %rem3A_247 = arith.constant 5 : i32
        %rem3A_248 = arith.remsi %rem3A_222, %rem3A_247 : i32
        %mul3A_249 = arith.constant 16 : i32
        %mul3A_250 = arith.muli %rem3A_248, %mul3A_249 : i32
        %dma_start3A_251 = arith.constant 0 : i32
        %dma_start3A_252 = tpu.memref_slice %arg23[%select_n3A_246, %mul3A_250, %dma_start3A_251] : memref<4x80x128xf32, #tpu.memory_space<vmem>> -> memref<1x16x128xf32, #tpu.memory_space<vmem>>
        %dma_start3A_253 = tpu.memref_squeeze %dma_start3A_252 : memref<1x16x128xf32, #tpu.memory_space<vmem>> -> memref<16x128xf32, #tpu.memory_space<vmem>>
        %dma_start3A_254 = arith.constant 0 : i32
        %dma_start3A_255 = arith.constant 0 : i32
        %dma_start3A_256 = tpu.memref_slice %arg8[%dma_start3A_254, %dma_start3A_255] : memref<16384x128xf32, #tpu.memory_space<hbm>> -> memref<16384x128xf32, #tpu.memory_space<hbm>>
        tpu.enqueue_indirect_dma source(%dma_start3A_256 : memref<16384x128xf32, #tpu.memory_space<hbm>>) target(%dma_start3A_253 : memref<16x128xf32, #tpu.memory_space<vmem>>) offsets(%get3A_219 : vector<16xi32>) semaphore(%arg28 : memref<!tpu.dma_semaphore, #tpu.memory_space<semaphore_mem>>)
        %get3A_257 = arith.constant 32 : index
        %get3A_258 = tpu.vector_load %arg22[%get3A_257] {strides = array<i32>} : memref<3360xi32, #tpu.memory_space<vmem>>, vector<16xi32>,
        %rem3A_259 = arith.constant 2 : i32
        %rem3A_260 = arith.constant 16 : i32
        %rem3A_261 = arith.remsi %rem3A_259, %rem3A_260 : i32
        %jit3A_262 = arith.constant 5 : i32
        %div3A_263 = arith.divsi %rem3A_261, %jit3A_262 : i32
        %sign3A_264 = arith.constant 0 : i32
        %sign3A_265 = arith.cmpi sgt, %rem3A_261, %sign3A_264 : i32
        %sign3A_266 = arith.extui %sign3A_265 : i1 to i32
        %sign3A_267 = arith.constant 0 : i32
        %sign3A_268 = arith.cmpi slt, %rem3A_261, %sign3A_267 : i32
        %sign3A_269 = arith.extui %sign3A_268 : i1 to i32
        %sign3A_270 = arith.subi %sign3A_266, %sign3A_269 : i32
        %sign3A_271 = arith.constant 0 : i32
        %sign3A_272 = arith.cmpi sgt, %jit3A_262, %sign3A_271 : i32
        %sign3A_273 = arith.extui %sign3A_272 : i1 to i32
        %sign3A_274 = arith.constant 0 : i32
        %sign3A_275 = arith.cmpi slt, %jit3A_262, %sign3A_274 : i32
        %sign3A_276 = arith.extui %sign3A_275 : i1 to i32
        %sign3A_277 = arith.subi %sign3A_273, %sign3A_276 : i32
        %ne3A_278 = arith.cmpi ne, %sign3A_270, %sign3A_277 : i32
        %rem3A_279 = arith.remsi %rem3A_261, %jit3A_262 : i32
        %ne3A_280 = arith.constant 0 : i32
        %ne3A_281 = arith.cmpi ne, %rem3A_279, %ne3A_280 : i32
        %and3A_282 = arith.andi %ne3A_278, %ne3A_281 : i1
        %sub3A_283 = arith.constant 1 : i32
        %sub3A_284 = arith.subi %div3A_263, %sub3A_283 : i32
        %select_n3A_285 = arith.select %and3A_282, %sub3A_284, %div3A_263 : i32
        %rem3A_286 = arith.constant 5 : i32
        %rem3A_287 = arith.remsi %rem3A_261, %rem3A_286 : i32
        %mul3A_288 = arith.constant 16 : i32
        %mul3A_289 = arith.muli %rem3A_287, %mul3A_288 : i32
        %dma_start3A_290 = arith.constant 0 : i32
        %dma_start3A_291 = tpu.memref_slice %arg23[%select_n3A_285, %mul3A_289, %dma_start3A_290] : memref<4x80x128xf32, #tpu.memory_space<vmem>> -> memref<1x16x128xf32, #tpu.memory_space<vmem>>
        %dma_start3A_292 = tpu.memref_squeeze %dma_start3A_291 : memref<1x16x128xf32, #tpu.memory_space<vmem>> -> memref<16x128xf32, #tpu.memory_space<vmem>>
        %dma_start3A_293 = arith.constant 0 : i32
        %dma_start3A_294 = arith.constant 0 : i32
        %dma_start3A_295 = tpu.memref_slice %arg8[%dma_start3A_293, %dma_start3A_294] : memref<16384x128xf32, #tpu.memory_space<hbm>> -> memref<16384x128xf32, #tpu.memory_space<hbm>>
        tpu.enqueue_indirect_dma source(%dma_start3A_295 : memref<16384x128xf32, #tpu.memory_space<hbm>>) target(%dma_start3A_292 : memref<16x128xf32, #tpu.memory_space<vmem>>) offsets(%get3A_258 : vector<16xi32>) semaphore(%arg28 : memref<!tpu.dma_semaphore, #tpu.memory_space<semaphore_mem>>)
        %get3A_296 = arith.constant 48 : index
        %get3A_297 = tpu.vector_load %arg22[%get3A_296] {strides = array<i32>} : memref<3360xi32, #tpu.memory_space<vmem>>, vector<16xi32>,
        %rem3A_298 = arith.constant 3 : i32
        %rem3A_299 = arith.constant 16 : i32
        %rem3A_300 = arith.remsi %rem3A_298, %rem3A_299 : i32
        %jit3A_301 = arith.constant 5 : i32
        %div3A_302 = arith.divsi %rem3A_300, %jit3A_301 : i32
        %sign3A_303 = arith.constant 0 : i32
        %sign3A_304 = arith.cmpi sgt, %rem3A_300, %sign3A_303 : i32
        %sign3A_305 = arith.extui %sign3A_304 : i1 to i32
        %sign3A_306 = arith.constant 0 : i32
        %sign3A_307 = arith.cmpi slt, %rem3A_300, %sign3A_306 : i32
        %sign3A_308 = arith.extui %sign3A_307 : i1 to i32
        %sign3A_309 = arith.subi %sign3A_305, %sign3A_308 : i32
        %sign3A_310 = arith.constant 0 : i32
        %sign3A_311 = arith.cmpi sgt, %jit3A_301, %sign3A_310 : i32
        %sign3A_312 = arith.extui %sign3A_311 : i1 to i32
        %sign3A_313 = arith.constant 0 : i32
        %sign3A_314 = arith.cmpi slt, %jit3A_301, %sign3A_313 : i32
        %sign3A_315 = arith.extui %sign3A_314 : i1 to i32
        %sign3A_316 = arith.subi %sign3A_312, %sign3A_315 : i32
        %ne3A_317 = arith.cmpi ne, %sign3A_309, %sign3A_316 : i32
        %rem3A_318 = arith.remsi %rem3A_300, %jit3A_301 : i32
        %ne3A_319 = arith.constant 0 : i32
        %ne3A_320 = arith.cmpi ne, %rem3A_318, %ne3A_319 : i32
        %and3A_321 = arith.andi %ne3A_317, %ne3A_320 : i1
        %sub3A_322 = arith.constant 1 : i32
        %sub3A_323 = arith.subi %div3A_302, %sub3A_322 : i32
        %select_n3A_324 = arith.select %and3A_321, %sub3A_323, %div3A_302 : i32
        %rem3A_325 = arith.constant 5 : i32
        %rem3A_326 = arith.remsi %rem3A_300, %rem3A_325 : i32
        %mul3A_327 = arith.constant 16 : i32
        %mul3A_328 = arith.muli %rem3A_326, %mul3A_327 : i32
        %dma_start3A_329 = arith.constant 0 : i32
        %dma_start3A_330 = tpu.memref_slice %arg23[%select_n3A_324, %mul3A_328, %dma_start3A_329] : memref<4x80x128xf32, #tpu.memory_space<vmem>> -> memref<1x16x128xf32, #tpu.memory_space<vmem>>
        %dma_start3A_331 = tpu.memref_squeeze %dma_start3A_330 : memref<1x16x128xf32, #tpu.memory_space<vmem>> -> memref<16x128xf32, #tpu.memory_space<vmem>>
        %dma_start3A_332 = arith.constant 0 : i32
        %dma_start3A_333 = arith.constant 0 : i32
        %dma_start3A_334 = tpu.memref_slice %arg8[%dma_start3A_332, %dma_start3A_333] : memref<16384x128xf32, #tpu.memory_space<hbm>> -> memref<16384x128xf32, #tpu.memory_space<hbm>>
        tpu.enqueue_indirect_dma source(%dma_start3A_334 : memref<16384x128xf32, #tpu.memory_space<hbm>>) target(%dma_start3A_331 : memref<16x128xf32, #tpu.memory_space<vmem>>) offsets(%get3A_297 : vector<16xi32>) semaphore(%arg28 : memref<!tpu.dma_semaphore, #tpu.memory_space<semaphore_mem>>)
        %get3A_335 = arith.constant 64 : index
        %get3A_336 = tpu.vector_load %arg22[%get3A_335] {strides = array<i32>} : memref<3360xi32, #tpu.memory_space<vmem>>, vector<16xi32>,
        %rem3A_337 = arith.constant 4 : i32
        %rem3A_338 = arith.constant 16 : i32
        %rem3A_339 = arith.remsi %rem3A_337, %rem3A_338 : i32
        %jit3A_340 = arith.constant 5 : i32
        %div3A_341 = arith.divsi %rem3A_339, %jit3A_340 : i32
        %sign3A_342 = arith.constant 0 : i32
        %sign3A_343 = arith.cmpi sgt, %rem3A_339, %sign3A_342 : i32
        %sign3A_344 = arith.extui %sign3A_343 : i1 to i32
        %sign3A_345 = arith.constant 0 : i32
        %sign3A_346 = arith.cmpi slt, %rem3A_339, %sign3A_345 : i32
        %sign3A_347 = arith.extui %sign3A_346 : i1 to i32
        %sign3A_348 = arith.subi %sign3A_344, %sign3A_347 : i32
        %sign3A_349 = arith.constant 0 : i32
        %sign3A_350 = arith.cmpi sgt, %jit3A_340, %sign3A_349 : i32
        %sign3A_351 = arith.extui %sign3A_350 : i1 to i32
        %sign3A_352 = arith.constant 0 : i32
        %sign3A_353 = arith.cmpi slt, %jit3A_340, %sign3A_352 : i32
        %sign3A_354 = arith.extui %sign3A_353 : i1 to i32
        %sign3A_355 = arith.subi %sign3A_351, %sign3A_354 : i32
        %ne3A_356 = arith.cmpi ne, %sign3A_348, %sign3A_355 : i32
        %rem3A_357 = arith.remsi %rem3A_339, %jit3A_340 : i32
        %ne3A_358 = arith.constant 0 : i32
        %ne3A_359 = arith.cmpi ne, %rem3A_357, %ne3A_358 : i32
        %and3A_360 = arith.andi %ne3A_356, %ne3A_359 : i1
        %sub3A_361 = arith.constant 1 : i32
        %sub3A_362 = arith.subi %div3A_341, %sub3A_361 : i32
        %select_n3A_363 = arith.select %and3A_360, %sub3A_362, %div3A_341 : i32
        %rem3A_364 = arith.constant 5 : i32
        %rem3A_365 = arith.remsi %rem3A_339, %rem3A_364 : i32
        %mul3A_366 = arith.constant 16 : i32
        %mul3A_367 = arith.muli %rem3A_365, %mul3A_366 : i32
        %dma_start3A_368 = arith.constant 0 : i32
        %dma_start3A_369 = tpu.memref_slice %arg23[%select_n3A_363, %mul3A_367, %dma_start3A_368] : memref<4x80x128xf32, #tpu.memory_space<vmem>> -> memref<1x16x128xf32, #tpu.memory_space<vmem>>
        %dma_start3A_370 = tpu.memref_squeeze %dma_start3A_369 : memref<1x16x128xf32, #tpu.memory_space<vmem>> -> memref<16x128xf32, #tpu.memory_space<vmem>>
        %dma_start3A_371 = arith.constant 0 : i32
        %dma_start3A_372 = arith.constant 0 : i32
        %dma_start3A_373 = tpu.memref_slice %arg8[%dma_start3A_371, %dma_start3A_372] : memref<16384x128xf32, #tpu.memory_space<hbm>> -> memref<16384x128xf32, #tpu.memory_space<hbm>>
        tpu.enqueue_indirect_dma source(%dma_start3A_373 : memref<16384x128xf32, #tpu.memory_space<hbm>>) target(%dma_start3A_370 : memref<16x128xf32, #tpu.memory_space<vmem>>) offsets(%get3A_336 : vector<16xi32>) semaphore(%arg28 : memref<!tpu.dma_semaphore, #tpu.memory_space<semaphore_mem>>)
        %get3A_374 = arith.constant 80 : index
        %get3A_375 = tpu.vector_load %arg22[%get3A_374] {strides = array<i32>} : memref<3360xi32, #tpu.memory_space<vmem>>, vector<16xi32>,
        %rem3A_376 = arith.constant 5 : i32
        %rem3A_377 = arith.constant 16 : i32
        %rem3A_378 = arith.remsi %rem3A_376, %rem3A_377 : i32
        %jit3A_379 = arith.constant 5 : i32
        %div3A_380 = arith.divsi %rem3A_378, %jit3A_379 : i32
        %sign3A_381 = arith.constant 0 : i32
        %sign3A_382 = arith.cmpi sgt, %rem3A_378, %sign3A_381 : i32
        %sign3A_383 = arith.extui %sign3A_382 : i1 to i32
        %sign3A_384 = arith.constant 0 : i32
        %sign3A_385 = arith.cmpi slt, %rem3A_378, %sign3A_384 : i32
        %sign3A_386 = arith.extui %sign3A_385 : i1 to i32
        %sign3A_387 = arith.subi %sign3A_383, %sign3A_386 : i32
        %sign3A_388 = arith.constant 0 : i32
        %sign3A_389 = arith.cmpi sgt, %jit3A_379, %sign3A_388 : i32
        %sign3A_390 = arith.extui %sign3A_389 : i1 to i32
        %sign3A_391 = arith.constant 0 : i32
        %sign3A_392 = arith.cmpi slt, %jit3A_379, %sign3A_391 : i32
        %sign3A_393 = arith.extui %sign3A_392 : i1 to i32
        %sign3A_394 = arith.subi %sign3A_390, %sign3A_393 : i32
        %ne3A_395 = arith.cmpi ne, %sign3A_387, %sign3A_394 : i32
        %rem3A_396 = arith.remsi %rem3A_378, %jit3A_379 : i32
        %ne3A_397 = arith.constant 0 : i32
        %ne3A_398 = arith.cmpi ne, %rem3A_396, %ne3A_397 : i32
        %and3A_399 = arith.andi %ne3A_395, %ne3A_398 : i1
        %sub3A_400 = arith.constant 1 : i32
        %sub3A_401 = arith.subi %div3A_380, %sub3A_400 : i32
        %select_n3A_402 = arith.select %and3A_399, %sub3A_401, %div3A_380 : i32
        %rem3A_403 = arith.constant 5 : i32
        %rem3A_404 = arith.remsi %rem3A_378, %rem3A_403 : i32
        %mul3A_405 = arith.constant 16 : i32
        %mul3A_406 = arith.muli %rem3A_404, %mul3A_405 : i32
        %dma_start3A_407 = arith.constant 0 : i32
        %dma_start3A_408 = tpu.memref_slice %arg23[%select_n3A_402, %mul3A_406, %dma_start3A_407] : memref<4x80x128xf32, #tpu.memory_space<vmem>> -> memref<1x16x128xf32, #tpu.memory_space<vmem>>
        %dma_start3A_409 = tpu.memref_squeeze %dma_start3A_408 : memref<1x16x128xf32, #tpu.memory_space<vmem>> -> memref<16x128xf32, #tpu.memory_space<vmem>>
        %dma_start3A_410 = arith.constant 0 : i32
        %dma_start3A_411 = arith.constant 0 : i32
        %dma_start3A_412 = tpu.memref_slice %arg8[%dma_start3A_410, %dma_start3A_411] : memref<16384x128xf32, #tpu.memory_space<hbm>> -> memref<16384x128xf32, #tpu.memory_space<hbm>>
        tpu.enqueue_indirect_dma source(%dma_start3A_412 : memref<16384x128xf32, #tpu.memory_space<hbm>>) target(%dma_start3A_409 : memref<16x128xf32, #tpu.memory_space<vmem>>) offsets(%get3A_375 : vector<16xi32>) semaphore(%arg28 : memref<!tpu.dma_semaphore, #tpu.memory_space<semaphore_mem>>)
        %get3A_413 = arith.constant 96 : index
        %get3A_414 = tpu.vector_load %arg22[%get3A_413] {strides = array<i32>} : memref<3360xi32, #tpu.memory_space<vmem>>, vector<16xi32>,
        %rem3A_415 = arith.constant 6 : i32
        %rem3A_416 = arith.constant 16 : i32
        %rem3A_417 = arith.remsi %rem3A_415, %rem3A_416 : i32
        %jit3A_418 = arith.constant 5 : i32
        %div3A_419 = arith.divsi %rem3A_417, %jit3A_418 : i32
        %sign3A_420 = arith.constant 0 : i32
        %sign3A_421 = arith.cmpi sgt, %rem3A_417, %sign3A_420 : i32
        %sign3A_422 = arith.extui %sign3A_421 : i1 to i32
        %sign3A_423 = arith.constant 0 : i32
        %sign3A_424 = arith.cmpi slt, %rem3A_417, %sign3A_423 : i32
        %sign3A_425 = arith.extui %sign3A_424 : i1 to i32
        %sign3A_426 = arith.subi %sign3A_422, %sign3A_425 : i32
        %sign3A_427 = arith.constant 0 : i32
        %sign3A_428 = arith.cmpi sgt, %jit3A_418, %sign3A_427 : i32
        %sign3A_429 = arith.extui %sign3A_428 : i1 to i32
        %sign3A_430 = arith.constant 0 : i32
        %sign3A_431 = arith.cmpi slt, %jit3A_418, %sign3A_430 : i32
        %sign3A_432 = arith.extui %sign3A_431 : i1 to i32
        %sign3A_433 = arith.subi %sign3A_429, %sign3A_432 : i32
        %ne3A_434 = arith.cmpi ne, %sign3A_426, %sign3A_433 : i32
        %rem3A_435 = arith.remsi %rem3A_417, %jit3A_418 : i32
        %ne3A_436 = arith.constant 0 : i32
        %ne3A_437 = arith.cmpi ne, %rem3A_435, %ne3A_436 : i32
        %and3A_438 = arith.andi %ne3A_434, %ne3A_437 : i1
        %sub3A_439 = arith.constant 1 : i32
        %sub3A_440 = arith.subi %div3A_419, %sub3A_439 : i32
        %select_n3A_441 = arith.select %and3A_438, %sub3A_440, %div3A_419 : i32
        %rem3A_442 = arith.constant 5 : i32
        %rem3A_443 = arith.remsi %rem3A_417, %rem3A_442 : i32
        %mul3A_444 = arith.constant 16 : i32
        %mul3A_445 = arith.muli %rem3A_443, %mul3A_444 : i32
        %dma_start3A_446 = arith.constant 0 : i32
        %dma_start3A_447 = tpu.memref_slice %arg23[%select_n3A_441, %mul3A_445, %dma_start3A_446] : memref<4x80x128xf32, #tpu.memory_space<vmem>> -> memref<1x16x128xf32, #tpu.memory_space<vmem>>
        %dma_start3A_448 = tpu.memref_squeeze %dma_start3A_447 : memref<1x16x128xf32, #tpu.memory_space<vmem>> -> memref<16x128xf32, #tpu.memory_space<vmem>>
        %dma_start3A_449 = arith.constant 0 : i32
        %dma_start3A_450 = arith.constant 0 : i32
        %dma_start3A_451 = tpu.memref_slice %arg8[%dma_start3A_449, %dma_start3A_450] : memref<16384x128xf32, #tpu.memory_space<hbm>> -> memref<16384x128xf32, #tpu.memory_space<hbm>>
        tpu.enqueue_indirect_dma source(%dma_start3A_451 : memref<16384x128xf32, #tpu.memory_space<hbm>>) target(%dma_start3A_448 : memref<16x128xf32, #tpu.memory_space<vmem>>) offsets(%get3A_414 : vector<16xi32>) semaphore(%arg28 : memref<!tpu.dma_semaphore, #tpu.memory_space<semaphore_mem>>)
        %get3A_452 = arith.constant 112 : index
        %get3A_453 = tpu.vector_load %arg22[%get3A_452] {strides = array<i32>} : memref<3360xi32, #tpu.memory_space<vmem>>, vector<16xi32>,
        %rem3A_454 = arith.constant 7 : i32
        %rem3A_455 = arith.constant 16 : i32
        %rem3A_456 = arith.remsi %rem3A_454, %rem3A_455 : i32
        %jit3A_457 = arith.constant 5 : i32
        %div3A_458 = arith.divsi %rem3A_456, %jit3A_457 : i32
        %sign3A_459 = arith.constant 0 : i32
        %sign3A_460 = arith.cmpi sgt, %rem3A_456, %sign3A_459 : i32
        %sign3A_461 = arith.extui %sign3A_460 : i1 to i32
        %sign3A_462 = arith.constant 0 : i32
        %sign3A_463 = arith.cmpi slt, %rem3A_456, %sign3A_462 : i32
        %sign3A_464 = arith.extui %sign3A_463 : i1 to i32
        %sign3A_465 = arith.subi %sign3A_461, %sign3A_464 : i32
        %sign3A_466 = arith.constant 0 : i32
        %sign3A_467 = arith.cmpi sgt, %jit3A_457, %sign3A_466 : i32
        %sign3A_468 = arith.extui %sign3A_467 : i1 to i32
        %sign3A_469 = arith.constant 0 : i32
        %sign3A_470 = arith.cmpi slt, %jit3A_457, %sign3A_469 : i32
        %sign3A_471 = arith.extui %sign3A_470 : i1 to i32
        %sign3A_472 = arith.subi %sign3A_468, %sign3A_471 : i32
        %ne3A_473 = arith.cmpi ne, %sign3A_465, %sign3A_472 : i32
        %rem3A_474 = arith.remsi %rem3A_456, %jit3A_457 : i32
        %ne3A_475 = arith.constant 0 : i32
        %ne3A_476 = arith.cmpi ne, %rem3A_474, %ne3A_475 : i32
        %and3A_477 = arith.andi %ne3A_473, %ne3A_476 : i1
        %sub3A_478 = arith.constant 1 : i32
        %sub3A_479 = arith.subi %div3A_458, %sub3A_478 : i32
        %select_n3A_480 = arith.select %and3A_477, %sub3A_479, %div3A_458 : i32
        %rem3A_481 = arith.constant 5 : i32
        %rem3A_482 = arith.remsi %rem3A_456, %rem3A_481 : i32
        %mul3A_483 = arith.constant 16 : i32
        %mul3A_484 = arith.muli %rem3A_482, %mul3A_483 : i32
        %dma_start3A_485 = arith.constant 0 : i32
        %dma_start3A_486 = tpu.memref_slice %arg23[%select_n3A_480, %mul3A_484, %dma_start3A_485] : memref<4x80x128xf32, #tpu.memory_space<vmem>> -> memref<1x16x128xf32, #tpu.memory_space<vmem>>
        %dma_start3A_487 = tpu.memref_squeeze %dma_start3A_486 : memref<1x16x128xf32, #tpu.memory_space<vmem>> -> memref<16x128xf32, #tpu.memory_space<vmem>>
        %dma_start3A_488 = arith.constant 0 : i32
        %dma_start3A_489 = arith.constant 0 : i32
        %dma_start3A_490 = tpu.memref_slice %arg8[%dma_start3A_488, %dma_start3A_489] : memref<16384x128xf32, #tpu.memory_space<hbm>> -> memref<16384x128xf32, #tpu.memory_space<hbm>>
        tpu.enqueue_indirect_dma source(%dma_start3A_490 : memref<16384x128xf32, #tpu.memory_space<hbm>>) target(%dma_start3A_487 : memref<16x128xf32, #tpu.memory_space<vmem>>) offsets(%get3A_453 : vector<16xi32>) semaphore(%arg28 : memref<!tpu.dma_semaphore, #tpu.memory_space<semaphore_mem>>)
        %while3A = arith.constant 0 : i32
        %while3A_491 = arith.constant 0 : i32
        %while3A_492 = arith.subi %mul3A_174, %while3A_491 : i32
        %while3A_493 = arith.addi %while3A_491, %while3A_492 : i32
        %while3A_494 = arith.constant 1 : i32
        %while3A_495 = arith.divsi %while3A_492, %while3A_494 : i32
        %while3A_496 = arith.muli %while3A_495, %while3A_494 : i32
        %while3A_497 = arith.addi %while3A_491, %while3A_496 : i32
        %while3A_498 = arith.constant 1 : i32
        scf.for %while3A_844 = %while3A_491 to %while3A_497 step %while3A_498  : i32 {
          %rem3A_845 = arith.constant 0 : i32
          %rem3A_846 = arith.constant 16 : i32
          %rem3A_847 = arith.remsi %rem3A_845, %rem3A_846 : i32
          %jit3A_848 = arith.constant 5 : i32
          %div3A_849 = arith.divsi %rem3A_847, %jit3A_848 : i32
          %sign3A_850 = arith.constant 0 : i32
          %sign3A_851 = arith.cmpi sgt, %rem3A_847, %sign3A_850 : i32
          %sign3A_852 = arith.extui %sign3A_851 : i1 to i32
          %sign3A_853 = arith.constant 0 : i32
          %sign3A_854 = arith.cmpi slt, %rem3A_847, %sign3A_853 : i32
          %sign3A_855 = arith.extui %sign3A_854 : i1 to i32
          %sign3A_856 = arith.subi %sign3A_852, %sign3A_855 : i32
          %sign3A_857 = arith.constant 0 : i32
          %sign3A_858 = arith.cmpi sgt, %jit3A_848, %sign3A_857 : i32
          %sign3A_859 = arith.extui %sign3A_858 : i1 to i32
          %sign3A_860 = arith.constant 0 : i32
          %sign3A_861 = arith.cmpi slt, %jit3A_848, %sign3A_860 : i32
          %sign3A_862 = arith.extui %sign3A_861 : i1 to i32
          %sign3A_863 = arith.subi %sign3A_859, %sign3A_862 : i32
          %ne3A_864 = arith.cmpi ne, %sign3A_856, %sign3A_863 : i32
          %rem3A_865 = arith.remsi %rem3A_847, %jit3A_848 : i32
          %ne3A_866 = arith.constant 0 : i32
          %ne3A_867 = arith.cmpi ne, %rem3A_865, %ne3A_866 : i32
          %and3A_868 = arith.andi %ne3A_864, %ne3A_867 : i1
          %sub3A_869 = arith.constant 1 : i32
          %sub3A_870 = arith.subi %div3A_849, %sub3A_869 : i32
          %select_n3A_871 = arith.select %and3A_868, %sub3A_870, %div3A_849 : i32
          %rem3A_872 = arith.constant 5 : i32
          %rem3A_873 = arith.remsi %rem3A_847, %rem3A_872 : i32
          %mul3A_874 = arith.constant 16 : i32
          %mul3A_875 = arith.muli %rem3A_873, %mul3A_874 : i32
          %dma_wait3A_876 = arith.constant 0 : i32
          %dma_wait3A_877 = tpu.memref_slice %arg23[%select_n3A_871, %mul3A_875, %dma_wait3A_876] : memref<4x80x128xf32, #tpu.memory_space<vmem>> -> memref<1x16x128xf32, #tpu.memory_space<vmem>>
          %dma_wait3A_878 = tpu.memref_squeeze %dma_wait3A_877 : memref<1x16x128xf32, #tpu.memory_space<vmem>> -> memref<16x128xf32, #tpu.memory_space<vmem>>
          %dma_wait3A_879 = arith.constant 0 : i32
          %dma_wait3A_880 = arith.constant 0 : i32
          %dma_wait3A_881 = tpu.memref_slice %arg8[%dma_wait3A_879, %dma_wait3A_880] : memref<16384x128xf32, #tpu.memory_space<hbm>> -> memref<16x128xf32, #tpu.memory_space<hbm>>
          %dma_wait3A_882 = arith.constant 0 : i32
          %dma_wait3A_883 = tpu.memref_slice %arg23[%select_n3A_871, %mul3A_875, %dma_wait3A_882] : memref<4x80x128xf32, #tpu.memory_space<vmem>> -> memref<1x16x128xf32, #tpu.memory_space<vmem>>
          %dma_wait3A_884 = tpu.memref_squeeze %dma_wait3A_883 : memref<1x16x128xf32, #tpu.memory_space<vmem>> -> memref<16x128xf32, #tpu.memory_space<vmem>>
          %dma_wait3A_885 = arith.constant 0 : i32
          %dma_wait3A_886 = arith.constant 0 : i32
          %dma_wait3A_887 = tpu.memref_slice %arg8[%dma_wait3A_885, %dma_wait3A_886] : memref<16384x128xf32, #tpu.memory_space<hbm>> -> memref<16x128xf32, #tpu.memory_space<hbm>>
          tpu.wait_dma2 semaphore(%arg28 : memref<!tpu.dma_semaphore, #tpu.memory_space<semaphore_mem>>) src(%dma_wait3A_887 : memref<16x128xf32, #tpu.memory_space<hbm>>) dst(%dma_wait3A_884 : memref<16x128xf32, #tpu.memory_space<vmem>>)
          %mul3A_888 = arith.constant 16 : i32
          %mul3A_889 = arith.muli %while3A_844, %mul3A_888 : i32
          %get3A_890 = arith.index_cast %mul3A_889 : i32 to index
          %get3A_891 = tpu.vector_load %arg21[%get3A_890] {strides = array<i32>} : memref<3360xi32, #tpu.memory_space<vmem>>, vector<16xi32>,
          %rem3A_892 = arith.constant 16 : i32
          %rem3A_893 = arith.remsi %while3A_844, %rem3A_892 : i32
          %jit3A_894 = arith.constant 5 : i32
          %div3A_895 = arith.divsi %rem3A_893, %jit3A_894 : i32
          %sign3A_896 = arith.constant 0 : i32
          %sign3A_897 = arith.cmpi sgt, %rem3A_893, %sign3A_896 : i32
          %sign3A_898 = arith.extui %sign3A_897 : i1 to i32
          %sign3A_899 = arith.constant 0 : i32
          %sign3A_900 = arith.cmpi slt, %rem3A_893, %sign3A_899 : i32
          %sign3A_901 = arith.extui %sign3A_900 : i1 to i32
          %sign3A_902 = arith.subi %sign3A_898, %sign3A_901 : i32
          %sign3A_903 = arith.constant 0 : i32
          %sign3A_904 = arith.cmpi sgt, %jit3A_894, %sign3A_903 : i32
          %sign3A_905 = arith.extui %sign3A_904 : i1 to i32
          %sign3A_906 = arith.constant 0 : i32
          %sign3A_907 = arith.cmpi slt, %jit3A_894, %sign3A_906 : i32
          %sign3A_908 = arith.extui %sign3A_907 : i1 to i32
          %sign3A_909 = arith.subi %sign3A_905, %sign3A_908 : i32
          %ne3A_910 = arith.cmpi ne, %sign3A_902, %sign3A_909 : i32
          %rem3A_911 = arith.remsi %rem3A_893, %jit3A_894 : i32
          %ne3A_912 = arith.constant 0 : i32
          %ne3A_913 = arith.cmpi ne, %rem3A_911, %ne3A_912 : i32
          %and3A_914 = arith.andi %ne3A_910, %ne3A_913 : i1
          %sub3A_915 = arith.constant 1 : i32
          %sub3A_916 = arith.subi %div3A_895, %sub3A_915 : i32
          %select_n3A_917 = arith.select %and3A_914, %sub3A_916, %div3A_895 : i32
          %rem3A_918 = arith.constant 5 : i32
          %rem3A_919 = arith.remsi %rem3A_893, %rem3A_918 : i32
          %mul3A_920 = arith.constant 16 : i32
          %mul3A_921 = arith.muli %rem3A_919, %mul3A_920 : i32
          %dma_start3A_922 = arith.constant 0 : i32
          %dma_start3A_923 = tpu.memref_slice %arg23[%select_n3A_917, %mul3A_921, %dma_start3A_922] : memref<4x80x128xf32, #tpu.memory_space<vmem>> -> memref<1x16x128xf32, #tpu.memory_space<vmem>>
          %dma_start3A_924 = tpu.memref_squeeze %dma_start3A_923 : memref<1x16x128xf32, #tpu.memory_space<vmem>> -> memref<16x128xf32, #tpu.memory_space<vmem>>
          %dma_start3A_925 = arith.constant 0 : i32
          %dma_start3A_926 = arith.constant 0 : i32
          %dma_start3A_927 = tpu.memref_slice %arg10[%dma_start3A_925, %dma_start3A_926] : memref<100000x128xf32, #tpu.memory_space<hbm>> -> memref<100000x128xf32, #tpu.memory_space<hbm>>
          tpu.enqueue_indirect_dma source(%dma_start3A_924 : memref<16x128xf32, #tpu.memory_space<vmem>>) target(%dma_start3A_927 : memref<100000x128xf32, #tpu.memory_space<hbm>>) offsets(%get3A_891 : vector<16xi32>) semaphore(%arg29 : memref<!tpu.dma_semaphore, #tpu.memory_space<semaphore_mem>>)
          %ge3A = arith.constant 8 : i32
          %ge3A_928 = arith.cmpi sge, %while3A_844, %ge3A : i32
          %convert_element_type3A_929 = arith.extui %ge3A_928 : i1 to i32
          %cond3A_930 = arith.constant 0 : i32
          %cond3A_931 = arith.cmpi ne, %convert_element_type3A_929, %cond3A_930 : i32
          scf.if %cond3A_931 {
            %rem3A_938 = arith.constant 0 : i32
            %rem3A_939 = arith.constant 16 : i32
            %rem3A_940 = arith.remsi %rem3A_938, %rem3A_939 : i32
            %jit3A_941 = arith.constant 5 : i32
            %div3A_942 = arith.divsi %rem3A_940, %jit3A_941 : i32
            %sign3A_943 = arith.constant 0 : i32
            %sign3A_944 = arith.cmpi sgt, %rem3A_940, %sign3A_943 : i32
            %sign3A_945 = arith.extui %sign3A_944 : i1 to i32
            %sign3A_946 = arith.constant 0 : i32
            %sign3A_947 = arith.cmpi slt, %rem3A_940, %sign3A_946 : i32
            %sign3A_948 = arith.extui %sign3A_947 : i1 to i32
            %sign3A_949 = arith.subi %sign3A_945, %sign3A_948 : i32
            %sign3A_950 = arith.constant 0 : i32
            %sign3A_951 = arith.cmpi sgt, %jit3A_941, %sign3A_950 : i32
            %sign3A_952 = arith.extui %sign3A_951 : i1 to i32
            %sign3A_953 = arith.constant 0 : i32
            %sign3A_954 = arith.cmpi slt, %jit3A_941, %sign3A_953 : i32
            %sign3A_955 = arith.extui %sign3A_954 : i1 to i32
            %sign3A_956 = arith.subi %sign3A_952, %sign3A_955 : i32
            %ne3A_957 = arith.cmpi ne, %sign3A_949, %sign3A_956 : i32
            %rem3A_958 = arith.remsi %rem3A_940, %jit3A_941 : i32
            %ne3A_959 = arith.constant 0 : i32
            %ne3A_960 = arith.cmpi ne, %rem3A_958, %ne3A_959 : i32
            %and3A_961 = arith.andi %ne3A_957, %ne3A_960 : i1
            %sub3A_962 = arith.constant 1 : i32
            %sub3A_963 = arith.subi %div3A_942, %sub3A_962 : i32
            %select_n3A_964 = arith.select %and3A_961, %sub3A_963, %div3A_942 : i32
            %rem3A_965 = arith.constant 5 : i32
            %rem3A_966 = arith.remsi %rem3A_940, %rem3A_965 : i32
            %mul3A_967 = arith.constant 16 : i32
            %mul3A_968 = arith.muli %rem3A_966, %mul3A_967 : i32
            %dma_wait3A_969 = arith.constant 0 : i32
            %dma_wait3A_970 = tpu.memref_slice %arg23[%select_n3A_964, %mul3A_968, %dma_wait3A_969] : memref<4x80x128xf32, #tpu.memory_space<vmem>> -> memref<1x16x128xf32, #tpu.memory_space<vmem>>
            %dma_wait3A_971 = tpu.memref_squeeze %dma_wait3A_970 : memref<1x16x128xf32, #tpu.memory_space<vmem>> -> memref<16x128xf32, #tpu.memory_space<vmem>>
            %dma_wait3A_972 = arith.constant 0 : i32
            %dma_wait3A_973 = arith.constant 0 : i32
            %dma_wait3A_974 = tpu.memref_slice %arg8[%dma_wait3A_972, %dma_wait3A_973] : memref<16384x128xf32, #tpu.memory_space<hbm>> -> memref<16x128xf32, #tpu.memory_space<hbm>>
            %dma_wait3A_975 = arith.constant 0 : i32
            %dma_wait3A_976 = tpu.memref_slice %arg23[%select_n3A_964, %mul3A_968, %dma_wait3A_975] : memref<4x80x128xf32, #tpu.memory_space<vmem>> -> memref<1x16x128xf32, #tpu.memory_space<vmem>>
            %dma_wait3A_977 = tpu.memref_squeeze %dma_wait3A_976 : memref<1x16x128xf32, #tpu.memory_space<vmem>> -> memref<16x128xf32, #tpu.memory_space<vmem>>
            %dma_wait3A_978 = arith.constant 0 : i32
            %dma_wait3A_979 = arith.constant 0 : i32
            %dma_wait3A_980 = tpu.memref_slice %arg8[%dma_wait3A_978, %dma_wait3A_979] : memref<16384x128xf32, #tpu.memory_space<hbm>> -> memref<16x128xf32, #tpu.memory_space<hbm>>
            tpu.wait_dma2 semaphore(%arg29 : memref<!tpu.dma_semaphore, #tpu.memory_space<semaphore_mem>>) src(%dma_wait3A_980 : memref<16x128xf32, #tpu.memory_space<hbm>>) dst(%dma_wait3A_977 : memref<16x128xf32, #tpu.memory_space<vmem>>)
          } else {
          }
          %add3A_932 = arith.constant 8 : i32
          %add3A_933 = arith.addi %while3A_844, %add3A_932 : i32
          %lt3A_934 = arith.cmpi slt, %add3A_933, %mul3A_174 : i32
          %convert_element_type3A_935 = arith.extui %lt3A_934 : i1 to i32
          %cond3A_936 = arith.constant 0 : i32
          %cond3A_937 = arith.cmpi ne, %convert_element_type3A_935, %cond3A_936 : i32
          scf.if %cond3A_937 {
            %add3A_938 = arith.constant 8 : i32
            %add3A_939 = arith.addi %while3A_844, %add3A_938 : i32
            %mul3A_940 = arith.constant 16 : i32
            %mul3A_941 = arith.muli %add3A_939, %mul3A_940 : i32
            %get3A_942 = arith.index_cast %mul3A_941 : i32 to index
            %get3A_943 = tpu.vector_load %arg22[%get3A_942] {strides = array<i32>} : memref<3360xi32, #tpu.memory_space<vmem>>, vector<16xi32>,
            %rem3A_944 = arith.constant 16 : i32
            %rem3A_945 = arith.remsi %add3A_939, %rem3A_944 : i32
            %jit3A_946 = arith.constant 5 : i32
            %div3A_947 = arith.divsi %rem3A_945, %jit3A_946 : i32
            %sign3A_948 = arith.constant 0 : i32
            %sign3A_949 = arith.cmpi sgt, %rem3A_945, %sign3A_948 : i32
            %sign3A_950 = arith.extui %sign3A_949 : i1 to i32
            %sign3A_951 = arith.constant 0 : i32
            %sign3A_952 = arith.cmpi slt, %rem3A_945, %sign3A_951 : i32
            %sign3A_953 = arith.extui %sign3A_952 : i1 to i32
            %sign3A_954 = arith.subi %sign3A_950, %sign3A_953 : i32
            %sign3A_955 = arith.constant 0 : i32
            %sign3A_956 = arith.cmpi sgt, %jit3A_946, %sign3A_955 : i32
            %sign3A_957 = arith.extui %sign3A_956 : i1 to i32
            %sign3A_958 = arith.constant 0 : i32
            %sign3A_959 = arith.cmpi slt, %jit3A_946, %sign3A_958 : i32
            %sign3A_960 = arith.extui %sign3A_959 : i1 to i32
            %sign3A_961 = arith.subi %sign3A_957, %sign3A_960 : i32
            %ne3A_962 = arith.cmpi ne, %sign3A_954, %sign3A_961 : i32
            %rem3A_963 = arith.remsi %rem3A_945, %jit3A_946 : i32
            %ne3A_964 = arith.constant 0 : i32
            %ne3A_965 = arith.cmpi ne, %rem3A_963, %ne3A_964 : i32
            %and3A_966 = arith.andi %ne3A_962, %ne3A_965 : i1
            %sub3A_967 = arith.constant 1 : i32
            %sub3A_968 = arith.subi %div3A_947, %sub3A_967 : i32
            %select_n3A_969 = arith.select %and3A_966, %sub3A_968, %div3A_947 : i32
            %rem3A_970 = arith.constant 5 : i32
            %rem3A_971 = arith.remsi %rem3A_945, %rem3A_970 : i32
            %mul3A_972 = arith.constant 16 : i32
            %mul3A_973 = arith.muli %rem3A_971, %mul3A_972 : i32
            %dma_start3A_974 = arith.constant 0 : i32
            %dma_start3A_975 = tpu.memref_slice %arg23[%select_n3A_969, %mul3A_973, %dma_start3A_974] : memref<4x80x128xf32, #tpu.memory_space<vmem>> -> memref<1x16x128xf32, #tpu.memory_space<vmem>>
            %dma_start3A_976 = tpu.memref_squeeze %dma_start3A_975 : memref<1x16x128xf32, #tpu.memory_space<vmem>> -> memref<16x128xf32, #tpu.memory_space<vmem>>
            %dma_start3A_977 = arith.constant 0 : i32
            %dma_start3A_978 = arith.constant 0 : i32
            %dma_start3A_979 = tpu.memref_slice %arg8[%dma_start3A_977, %dma_start3A_978] : memref<16384x128xf32, #tpu.memory_space<hbm>> -> memref<16384x128xf32, #tpu.memory_space<hbm>>
            tpu.enqueue_indirect_dma source(%dma_start3A_979 : memref<16384x128xf32, #tpu.memory_space<hbm>>) target(%dma_start3A_976 : memref<16x128xf32, #tpu.memory_space<vmem>>) offsets(%get3A_943 : vector<16xi32>) semaphore(%arg28 : memref<!tpu.dma_semaphore, #tpu.memory_space<semaphore_mem>>)
          } else {
          }
        }
        %while3A_499 = arith.constant 1 : i32
        scf.for %while3A_844 = %while3A_497 to %while3A_493 step %while3A_499  : i32 {
          %rem3A_845 = arith.constant 0 : i32
          %rem3A_846 = arith.constant 16 : i32
          %rem3A_847 = arith.remsi %rem3A_845, %rem3A_846 : i32
          %jit3A_848 = arith.constant 5 : i32
          %div3A_849 = arith.divsi %rem3A_847, %jit3A_848 : i32
          %sign3A_850 = arith.constant 0 : i32
          %sign3A_851 = arith.cmpi sgt, %rem3A_847, %sign3A_850 : i32
          %sign3A_852 = arith.extui %sign3A_851 : i1 to i32
          %sign3A_853 = arith.constant 0 : i32
          %sign3A_854 = arith.cmpi slt, %rem3A_847, %sign3A_853 : i32
          %sign3A_855 = arith.extui %sign3A_854 : i1 to i32
          %sign3A_856 = arith.subi %sign3A_852, %sign3A_855 : i32
          %sign3A_857 = arith.constant 0 : i32
          %sign3A_858 = arith.cmpi sgt, %jit3A_848, %sign3A_857 : i32
          %sign3A_859 = arith.extui %sign3A_858 : i1 to i32
          %sign3A_860 = arith.constant 0 : i32
          %sign3A_861 = arith.cmpi slt, %jit3A_848, %sign3A_860 : i32
          %sign3A_862 = arith.extui %sign3A_861 : i1 to i32
          %sign3A_863 = arith.subi %sign3A_859, %sign3A_862 : i32
          %ne3A_864 = arith.cmpi ne, %sign3A_856, %sign3A_863 : i32
          %rem3A_865 = arith.remsi %rem3A_847, %jit3A_848 : i32
          %ne3A_866 = arith.constant 0 : i32
          %ne3A_867 = arith.cmpi ne, %rem3A_865, %ne3A_866 : i32
          %and3A_868 = arith.andi %ne3A_864, %ne3A_867 : i1
          %sub3A_869 = arith.constant 1 : i32
          %sub3A_870 = arith.subi %div3A_849, %sub3A_869 : i32
          %select_n3A_871 = arith.select %and3A_868, %sub3A_870, %div3A_849 : i32
          %rem3A_872 = arith.constant 5 : i32
          %rem3A_873 = arith.remsi %rem3A_847, %rem3A_872 : i32
          %mul3A_874 = arith.constant 16 : i32
          %mul3A_875 = arith.muli %rem3A_873, %mul3A_874 : i32
          %dma_wait3A_876 = arith.constant 0 : i32
          %dma_wait3A_877 = tpu.memref_slice %arg23[%select_n3A_871, %mul3A_875, %dma_wait3A_876] : memref<4x80x128xf32, #tpu.memory_space<vmem>> -> memref<1x16x128xf32, #tpu.memory_space<vmem>>
          %dma_wait3A_878 = tpu.memref_squeeze %dma_wait3A_877 : memref<1x16x128xf32, #tpu.memory_space<vmem>> -> memref<16x128xf32, #tpu.memory_space<vmem>>
          %dma_wait3A_879 = arith.constant 0 : i32
          %dma_wait3A_880 = arith.constant 0 : i32
          %dma_wait3A_881 = tpu.memref_slice %arg8[%dma_wait3A_879, %dma_wait3A_880] : memref<16384x128xf32, #tpu.memory_space<hbm>> -> memref<16x128xf32, #tpu.memory_space<hbm>>
          %dma_wait3A_882 = arith.constant 0 : i32
          %dma_wait3A_883 = tpu.memref_slice %arg23[%select_n3A_871, %mul3A_875, %dma_wait3A_882] : memref<4x80x128xf32, #tpu.memory_space<vmem>> -> memref<1x16x128xf32, #tpu.memory_space<vmem>>
          %dma_wait3A_884 = tpu.memref_squeeze %dma_wait3A_883 : memref<1x16x128xf32, #tpu.memory_space<vmem>> -> memref<16x128xf32, #tpu.memory_space<vmem>>
          %dma_wait3A_885 = arith.constant 0 : i32
          %dma_wait3A_886 = arith.constant 0 : i32
          %dma_wait3A_887 = tpu.memref_slice %arg8[%dma_wait3A_885, %dma_wait3A_886] : memref<16384x128xf32, #tpu.memory_space<hbm>> -> memref<16x128xf32, #tpu.memory_space<hbm>>
          tpu.wait_dma2 semaphore(%arg28 : memref<!tpu.dma_semaphore, #tpu.memory_space<semaphore_mem>>) src(%dma_wait3A_887 : memref<16x128xf32, #tpu.memory_space<hbm>>) dst(%dma_wait3A_884 : memref<16x128xf32, #tpu.memory_space<vmem>>)
          %mul3A_888 = arith.constant 16 : i32
          %mul3A_889 = arith.muli %while3A_844, %mul3A_888 : i32
          %get3A_890 = arith.index_cast %mul3A_889 : i32 to index
          %get3A_891 = tpu.vector_load %arg21[%get3A_890] {strides = array<i32>} : memref<3360xi32, #tpu.memory_space<vmem>>, vector<16xi32>,
          %rem3A_892 = arith.constant 16 : i32
          %rem3A_893 = arith.remsi %while3A_844, %rem3A_892 : i32
          %jit3A_894 = arith.constant 5 : i32
          %div3A_895 = arith.divsi %rem3A_893, %jit3A_894 : i32
          %sign3A_896 = arith.constant 0 : i32
          %sign3A_897 = arith.cmpi sgt, %rem3A_893, %sign3A_896 : i32
          %sign3A_898 = arith.extui %sign3A_897 : i1 to i32
          %sign3A_899 = arith.constant 0 : i32
          %sign3A_900 = arith.cmpi slt, %rem3A_893, %sign3A_899 : i32
          %sign3A_901 = arith.extui %sign3A_900 : i1 to i32
          %sign3A_902 = arith.subi %sign3A_898, %sign3A_901 : i32
          %sign3A_903 = arith.constant 0 : i32
          %sign3A_904 = arith.cmpi sgt, %jit3A_894, %sign3A_903 : i32
          %sign3A_905 = arith.extui %sign3A_904 : i1 to i32
          %sign3A_906 = arith.constant 0 : i32
          %sign3A_907 = arith.cmpi slt, %jit3A_894, %sign3A_906 : i32
          %sign3A_908 = arith.extui %sign3A_907 : i1 to i32
          %sign3A_909 = arith.subi %sign3A_905, %sign3A_908 : i32
          %ne3A_910 = arith.cmpi ne, %sign3A_902, %sign3A_909 : i32
          %rem3A_911 = arith.remsi %rem3A_893, %jit3A_894 : i32
          %ne3A_912 = arith.constant 0 : i32
          %ne3A_913 = arith.cmpi ne, %rem3A_911, %ne3A_912 : i32
          %and3A_914 = arith.andi %ne3A_910, %ne3A_913 : i1
          %sub3A_915 = arith.constant 1 : i32
          %sub3A_916 = arith.subi %div3A_895, %sub3A_915 : i32
          %select_n3A_917 = arith.select %and3A_914, %sub3A_916, %div3A_895 : i32
          %rem3A_918 = arith.constant 5 : i32
          %rem3A_919 = arith.remsi %rem3A_893, %rem3A_918 : i32
          %mul3A_920 = arith.constant 16 : i32
          %mul3A_921 = arith.muli %rem3A_919, %mul3A_920 : i32
          %dma_start3A_922 = arith.constant 0 : i32
          %dma_start3A_923 = tpu.memref_slice %arg23[%select_n3A_917, %mul3A_921, %dma_start3A_922] : memref<4x80x128xf32, #tpu.memory_space<vmem>> -> memref<1x16x128xf32, #tpu.memory_space<vmem>>
          %dma_start3A_924 = tpu.memref_squeeze %dma_start3A_923 : memref<1x16x128xf32, #tpu.memory_space<vmem>> -> memref<16x128xf32, #tpu.memory_space<vmem>>
          %dma_start3A_925 = arith.constant 0 : i32
          %dma_start3A_926 = arith.constant 0 : i32
          %dma_start3A_927 = tpu.memref_slice %arg10[%dma_start3A_925, %dma_start3A_926] : memref<100000x128xf32, #tpu.memory_space<hbm>> -> memref<100000x128xf32, #tpu.memory_space<hbm>>
          tpu.enqueue_indirect_dma source(%dma_start3A_924 : memref<16x128xf32, #tpu.memory_space<vmem>>) target(%dma_start3A_927 : memref<100000x128xf32, #tpu.memory_space<hbm>>) offsets(%get3A_891 : vector<16xi32>) semaphore(%arg29 : memref<!tpu.dma_semaphore, #tpu.memory_space<semaphore_mem>>)
          %ge3A = arith.constant 8 : i32
          %ge3A_928 = arith.cmpi sge, %while3A_844, %ge3A : i32
          %convert_element_type3A_929 = arith.extui %ge3A_928 : i1 to i32
          %cond3A_930 = arith.constant 0 : i32
          %cond3A_931 = arith.cmpi ne, %convert_element_type3A_929, %cond3A_930 : i32
          scf.if %cond3A_931 {
            %rem3A_938 = arith.constant 0 : i32
            %rem3A_939 = arith.constant 16 : i32
            %rem3A_940 = arith.remsi %rem3A_938, %rem3A_939 : i32
            %jit3A_941 = arith.constant 5 : i32
            %div3A_942 = arith.divsi %rem3A_940, %jit3A_941 : i32
            %sign3A_943 = arith.constant 0 : i32
            %sign3A_944 = arith.cmpi sgt, %rem3A_940, %sign3A_943 : i32
            %sign3A_945 = arith.extui %sign3A_944 : i1 to i32
            %sign3A_946 = arith.constant 0 : i32
            %sign3A_947 = arith.cmpi slt, %rem3A_940, %sign3A_946 : i32
            %sign3A_948 = arith.extui %sign3A_947 : i1 to i32
            %sign3A_949 = arith.subi %sign3A_945, %sign3A_948 : i32
            %sign3A_950 = arith.constant 0 : i32
            %sign3A_951 = arith.cmpi sgt, %jit3A_941, %sign3A_950 : i32
            %sign3A_952 = arith.extui %sign3A_951 : i1 to i32
            %sign3A_953 = arith.constant 0 : i32
            %sign3A_954 = arith.cmpi slt, %jit3A_941, %sign3A_953 : i32
            %sign3A_955 = arith.extui %sign3A_954 : i1 to i32
            %sign3A_956 = arith.subi %sign3A_952, %sign3A_955 : i32
            %ne3A_957 = arith.cmpi ne, %sign3A_949, %sign3A_956 : i32
            %rem3A_958 = arith.remsi %rem3A_940, %jit3A_941 : i32
            %ne3A_959 = arith.constant 0 : i32
            %ne3A_960 = arith.cmpi ne, %rem3A_958, %ne3A_959 : i32
            %and3A_961 = arith.andi %ne3A_957, %ne3A_960 : i1
            %sub3A_962 = arith.constant 1 : i32
            %sub3A_963 = arith.subi %div3A_942, %sub3A_962 : i32
            %select_n3A_964 = arith.select %and3A_961, %sub3A_963, %div3A_942 : i32
            %rem3A_965 = arith.constant 5 : i32
            %rem3A_966 = arith.remsi %rem3A_940, %rem3A_965 : i32
            %mul3A_967 = arith.constant 16 : i32
            %mul3A_968 = arith.muli %rem3A_966, %mul3A_967 : i32
            %dma_wait3A_969 = arith.constant 0 : i32
            %dma_wait3A_970 = tpu.memref_slice %arg23[%select_n3A_964, %mul3A_968, %dma_wait3A_969] : memref<4x80x128xf32, #tpu.memory_space<vmem>> -> memref<1x16x128xf32, #tpu.memory_space<vmem>>
            %dma_wait3A_971 = tpu.memref_squeeze %dma_wait3A_970 : memref<1x16x128xf32, #tpu.memory_space<vmem>> -> memref<16x128xf32, #tpu.memory_space<vmem>>
            %dma_wait3A_972 = arith.constant 0 : i32
            %dma_wait3A_973 = arith.constant 0 : i32
            %dma_wait3A_974 = tpu.memref_slice %arg8[%dma_wait3A_972, %dma_wait3A_973] : memref<16384x128xf32, #tpu.memory_space<hbm>> -> memref<16x128xf32, #tpu.memory_space<hbm>>
            %dma_wait3A_975 = arith.constant 0 : i32
            %dma_wait3A_976 = tpu.memref_slice %arg23[%select_n3A_964, %mul3A_968, %dma_wait3A_975] : memref<4x80x128xf32, #tpu.memory_space<vmem>> -> memref<1x16x128xf32, #tpu.memory_space<vmem>>
            %dma_wait3A_977 = tpu.memref_squeeze %dma_wait3A_976 : memref<1x16x128xf32, #tpu.memory_space<vmem>> -> memref<16x128xf32, #tpu.memory_space<vmem>>
            %dma_wait3A_978 = arith.constant 0 : i32
            %dma_wait3A_979 = arith.constant 0 : i32
            %dma_wait3A_980 = tpu.memref_slice %arg8[%dma_wait3A_978, %dma_wait3A_979] : memref<16384x128xf32, #tpu.memory_space<hbm>> -> memref<16x128xf32, #tpu.memory_space<hbm>>
            tpu.wait_dma2 semaphore(%arg29 : memref<!tpu.dma_semaphore, #tpu.memory_space<semaphore_mem>>) src(%dma_wait3A_980 : memref<16x128xf32, #tpu.memory_space<hbm>>) dst(%dma_wait3A_977 : memref<16x128xf32, #tpu.memory_space<vmem>>)
          } else {
          }
          %add3A_932 = arith.constant 8 : i32
          %add3A_933 = arith.addi %while3A_844, %add3A_932 : i32
          %lt3A_934 = arith.cmpi slt, %add3A_933, %mul3A_174 : i32
          %convert_element_type3A_935 = arith.extui %lt3A_934 : i1 to i32
          %cond3A_936 = arith.constant 0 : i32
          %cond3A_937 = arith.cmpi ne, %convert_element_type3A_935, %cond3A_936 : i32
          scf.if %cond3A_937 {
            %add3A_938 = arith.constant 8 : i32
            %add3A_939 = arith.addi %while3A_844, %add3A_938 : i32
            %mul3A_940 = arith.constant 16 : i32
            %mul3A_941 = arith.muli %add3A_939, %mul3A_940 : i32
            %get3A_942 = arith.index_cast %mul3A_941 : i32 to index
            %get3A_943 = tpu.vector_load %arg22[%get3A_942] {strides = array<i32>} : memref<3360xi32, #tpu.memory_space<vmem>>, vector<16xi32>,
            %rem3A_944 = arith.constant 16 : i32
            %rem3A_945 = arith.remsi %add3A_939, %rem3A_944 : i32
            %jit3A_946 = arith.constant 5 : i32
            %div3A_947 = arith.divsi %rem3A_945, %jit3A_946 : i32
            %sign3A_948 = arith.constant 0 : i32
            %sign3A_949 = arith.cmpi sgt, %rem3A_945, %sign3A_948 : i32
            %sign3A_950 = arith.extui %sign3A_949 : i1 to i32
            %sign3A_951 = arith.constant 0 : i32
            %sign3A_952 = arith.cmpi slt, %rem3A_945, %sign3A_951 : i32
            %sign3A_953 = arith.extui %sign3A_952 : i1 to i32
            %sign3A_954 = arith.subi %sign3A_950, %sign3A_953 : i32
            %sign3A_955 = arith.constant 0 : i32
            %sign3A_956 = arith.cmpi sgt, %jit3A_946, %sign3A_955 : i32
            %sign3A_957 = arith.extui %sign3A_956 : i1 to i32
            %sign3A_958 = arith.constant 0 : i32
            %sign3A_959 = arith.cmpi slt, %jit3A_946, %sign3A_958 : i32
            %sign3A_960 = arith.extui %sign3A_959 : i1 to i32
            %sign3A_961 = arith.subi %sign3A_957, %sign3A_960 : i32
            %ne3A_962 = arith.cmpi ne, %sign3A_954, %sign3A_961 : i32
            %rem3A_963 = arith.remsi %rem3A_945, %jit3A_946 : i32
            %ne3A_964 = arith.constant 0 : i32
            %ne3A_965 = arith.cmpi ne, %rem3A_963, %ne3A_964 : i32
            %and3A_966 = arith.andi %ne3A_962, %ne3A_965 : i1
            %sub3A_967 = arith.constant 1 : i32
            %sub3A_968 = arith.subi %div3A_947, %sub3A_967 : i32
            %select_n3A_969 = arith.select %and3A_966, %sub3A_968, %div3A_947 : i32
            %rem3A_970 = arith.constant 5 : i32
            %rem3A_971 = arith.remsi %rem3A_945, %rem3A_970 : i32
            %mul3A_972 = arith.constant 16 : i32
            %mul3A_973 = arith.muli %rem3A_971, %mul3A_972 : i32
            %dma_start3A_974 = arith.constant 0 : i32
            %dma_start3A_975 = tpu.memref_slice %arg23[%select_n3A_969, %mul3A_973, %dma_start3A_974] : memref<4x80x128xf32, #tpu.memory_space<vmem>> -> memref<1x16x128xf32, #tpu.memory_space<vmem>>
            %dma_start3A_976 = tpu.memref_squeeze %dma_start3A_975 : memref<1x16x128xf32, #tpu.memory_space<vmem>> -> memref<16x128xf32, #tpu.memory_space<vmem>>
            %dma_start3A_977 = arith.constant 0 : i32
            %dma_start3A_978 = arith.constant 0 : i32
            %dma_start3A_979 = tpu.memref_slice %arg8[%dma_start3A_977, %dma_start3A_978] : memref<16384x128xf32, #tpu.memory_space<hbm>> -> memref<16384x128xf32, #tpu.memory_space<hbm>>
            tpu.enqueue_indirect_dma source(%dma_start3A_979 : memref<16384x128xf32, #tpu.memory_space<hbm>>) target(%dma_start3A_976 : memref<16x128xf32, #tpu.memory_space<vmem>>) offsets(%get3A_943 : vector<16xi32>) semaphore(%arg28 : memref<!tpu.dma_semaphore, #tpu.memory_space<semaphore_mem>>)
          } else {
          }
        }
        %rem3A_500 = arith.constant 0 : i32
        %rem3A_501 = arith.constant 16 : i32
        %rem3A_502 = arith.remsi %rem3A_500, %rem3A_501 : i32
        %jit3A_503 = arith.constant 5 : i32
        %div3A_504 = arith.divsi %rem3A_502, %jit3A_503 : i32
        %sign3A_505 = arith.constant 0 : i32
        %sign3A_506 = arith.cmpi sgt, %rem3A_502, %sign3A_505 : i32
        %sign3A_507 = arith.extui %sign3A_506 : i1 to i32
        %sign3A_508 = arith.constant 0 : i32
        %sign3A_509 = arith.cmpi slt, %rem3A_502, %sign3A_508 : i32
        %sign3A_510 = arith.extui %sign3A_509 : i1 to i32
        %sign3A_511 = arith.subi %sign3A_507, %sign3A_510 : i32
        %sign3A_512 = arith.constant 0 : i32
        %sign3A_513 = arith.cmpi sgt, %jit3A_503, %sign3A_512 : i32
        %sign3A_514 = arith.extui %sign3A_513 : i1 to i32
        %sign3A_515 = arith.constant 0 : i32
        %sign3A_516 = arith.cmpi slt, %jit3A_503, %sign3A_515 : i32
        %sign3A_517 = arith.extui %sign3A_516 : i1 to i32
        %sign3A_518 = arith.subi %sign3A_514, %sign3A_517 : i32
        %ne3A_519 = arith.cmpi ne, %sign3A_511, %sign3A_518 : i32
        %rem3A_520 = arith.remsi %rem3A_502, %jit3A_503 : i32
        %ne3A_521 = arith.constant 0 : i32
        %ne3A_522 = arith.cmpi ne, %rem3A_520, %ne3A_521 : i32
        %and3A_523 = arith.andi %ne3A_519, %ne3A_522 : i1
        %sub3A_524 = arith.constant 1 : i32
        %sub3A_525 = arith.subi %div3A_504, %sub3A_524 : i32
        %select_n3A_526 = arith.select %and3A_523, %sub3A_525, %div3A_504 : i32
        %rem3A_527 = arith.constant 5 : i32
        %rem3A_528 = arith.remsi %rem3A_502, %rem3A_527 : i32
        %mul3A_529 = arith.constant 16 : i32
        %mul3A_530 = arith.muli %rem3A_528, %mul3A_529 : i32
        %dma_wait3A_531 = arith.constant 0 : i32
        %dma_wait3A_532 = tpu.memref_slice %arg23[%select_n3A_526, %mul3A_530, %dma_wait3A_531] : memref<4x80x128xf32, #tpu.memory_space<vmem>> -> memref<1x16x128xf32, #tpu.memory_space<vmem>>
        %dma_wait3A_533 = tpu.memref_squeeze %dma_wait3A_532 : memref<1x16x128xf32, #tpu.memory_space<vmem>> -> memref<16x128xf32, #tpu.memory_space<vmem>>
        %dma_wait3A_534 = arith.constant 0 : i32
        %dma_wait3A_535 = arith.constant 0 : i32
        %dma_wait3A_536 = tpu.memref_slice %arg8[%dma_wait3A_534, %dma_wait3A_535] : memref<16384x128xf32, #tpu.memory_space<hbm>> -> memref<16x128xf32, #tpu.memory_space<hbm>>
        %dma_wait3A_537 = arith.constant 0 : i32
        %dma_wait3A_538 = tpu.memref_slice %arg23[%select_n3A_526, %mul3A_530, %dma_wait3A_537] : memref<4x80x128xf32, #tpu.memory_space<vmem>> -> memref<1x16x128xf32, #tpu.memory_space<vmem>>
        %dma_wait3A_539 = tpu.memref_squeeze %dma_wait3A_538 : memref<1x16x128xf32, #tpu.memory_space<vmem>> -> memref<16x128xf32, #tpu.memory_space<vmem>>
        %dma_wait3A_540 = arith.constant 0 : i32
        %dma_wait3A_541 = arith.constant 0 : i32
        %dma_wait3A_542 = tpu.memref_slice %arg8[%dma_wait3A_540, %dma_wait3A_541] : memref<16384x128xf32, #tpu.memory_space<hbm>> -> memref<16x128xf32, #tpu.memory_space<hbm>>
        tpu.wait_dma2 semaphore(%arg29 : memref<!tpu.dma_semaphore, #tpu.memory_space<semaphore_mem>>) src(%dma_wait3A_542 : memref<16x128xf32, #tpu.memory_space<hbm>>) dst(%dma_wait3A_539 : memref<16x128xf32, #tpu.memory_space<vmem>>)
        %rem3A_543 = arith.constant 0 : i32
        %rem3A_544 = arith.constant 16 : i32
        %rem3A_545 = arith.remsi %rem3A_543, %rem3A_544 : i32
        %jit3A_546 = arith.constant 5 : i32
        %div3A_547 = arith.divsi %rem3A_545, %jit3A_546 : i32
        %sign3A_548 = arith.constant 0 : i32
        %sign3A_549 = arith.cmpi sgt, %rem3A_545, %sign3A_548 : i32
        %sign3A_550 = arith.extui %sign3A_549 : i1 to i32
        %sign3A_551 = arith.constant 0 : i32
        %sign3A_552 = arith.cmpi slt, %rem3A_545, %sign3A_551 : i32
        %sign3A_553 = arith.extui %sign3A_552 : i1 to i32
        %sign3A_554 = arith.subi %sign3A_550, %sign3A_553 : i32
        %sign3A_555 = arith.constant 0 : i32
        %sign3A_556 = arith.cmpi sgt, %jit3A_546, %sign3A_555 : i32
        %sign3A_557 = arith.extui %sign3A_556 : i1 to i32
        %sign3A_558 = arith.constant 0 : i32
        %sign3A_559 = arith.cmpi slt, %jit3A_546, %sign3A_558 : i32
        %sign3A_560 = arith.extui %sign3A_559 : i1 to i32
        %sign3A_561 = arith.subi %sign3A_557, %sign3A_560 : i32
        %ne3A_562 = arith.cmpi ne, %sign3A_554, %sign3A_561 : i32
        %rem3A_563 = arith.remsi %rem3A_545, %jit3A_546 : i32
        %ne3A_564 = arith.constant 0 : i32
        %ne3A_565 = arith.cmpi ne, %rem3A_563, %ne3A_564 : i32
        %and3A_566 = arith.andi %ne3A_562, %ne3A_565 : i1
        %sub3A_567 = arith.constant 1 : i32
        %sub3A_568 = arith.subi %div3A_547, %sub3A_567 : i32
        %select_n3A_569 = arith.select %and3A_566, %sub3A_568, %div3A_547 : i32
        %rem3A_570 = arith.constant 5 : i32
        %rem3A_571 = arith.remsi %rem3A_545, %rem3A_570 : i32
        %mul3A_572 = arith.constant 16 : i32
        %mul3A_573 = arith.muli %rem3A_571, %mul3A_572 : i32
        %dma_wait3A_574 = arith.constant 0 : i32
        %dma_wait3A_575 = tpu.memref_slice %arg23[%select_n3A_569, %mul3A_573, %dma_wait3A_574] : memref<4x80x128xf32, #tpu.memory_space<vmem>> -> memref<1x16x128xf32, #tpu.memory_space<vmem>>
        %dma_wait3A_576 = tpu.memref_squeeze %dma_wait3A_575 : memref<1x16x128xf32, #tpu.memory_space<vmem>> -> memref<16x128xf32, #tpu.memory_space<vmem>>
        %dma_wait3A_577 = arith.constant 0 : i32
        %dma_wait3A_578 = arith.constant 0 : i32
        %dma_wait3A_579 = tpu.memref_slice %arg8[%dma_wait3A_577, %dma_wait3A_578] : memref<16384x128xf32, #tpu.memory_space<hbm>> -> memref<16x128xf32, #tpu.memory_space<hbm>>
        %dma_wait3A_580 = arith.constant 0 : i32
        %dma_wait3A_581 = tpu.memref_slice %arg23[%select_n3A_569, %mul3A_573, %dma_wait3A_580] : memref<4x80x128xf32, #tpu.memory_space<vmem>> -> memref<1x16x128xf32, #tpu.memory_space<vmem>>
        %dma_wait3A_582 = tpu.memref_squeeze %dma_wait3A_581 : memref<1x16x128xf32, #tpu.memory_space<vmem>> -> memref<16x128xf32, #tpu.memory_space<vmem>>
        %dma_wait3A_583 = arith.constant 0 : i32
        %dma_wait3A_584 = arith.constant 0 : i32
        %dma_wait3A_585 = tpu.memref_slice %arg8[%dma_wait3A_583, %dma_wait3A_584] : memref<16384x128xf32, #tpu.memory_space<hbm>> -> memref<16x128xf32, #tpu.memory_space<hbm>>
        tpu.wait_dma2 semaphore(%arg29 : memref<!tpu.dma_semaphore, #tpu.memory_space<semaphore_mem>>) src(%dma_wait3A_585 : memref<16x128xf32, #tpu.memory_space<hbm>>) dst(%dma_wait3A_582 : memref<16x128xf32, #tpu.memory_space<vmem>>)
        %rem3A_586 = arith.constant 0 : i32
        %rem3A_587 = arith.constant 16 : i32
        %rem3A_588 = arith.remsi %rem3A_586, %rem3A_587 : i32
        %jit3A_589 = arith.constant 5 : i32
        %div3A_590 = arith.divsi %rem3A_588, %jit3A_589 : i32
        %sign3A_591 = arith.constant 0 : i32
        %sign3A_592 = arith.cmpi sgt, %rem3A_588, %sign3A_591 : i32
        %sign3A_593 = arith.extui %sign3A_592 : i1 to i32
        %sign3A_594 = arith.constant 0 : i32
        %sign3A_595 = arith.cmpi slt, %rem3A_588, %sign3A_594 : i32
        %sign3A_596 = arith.extui %sign3A_595 : i1 to i32
        %sign3A_597 = arith.subi %sign3A_593, %sign3A_596 : i32
        %sign3A_598 = arith.constant 0 : i32
        %sign3A_599 = arith.cmpi sgt, %jit3A_589, %sign3A_598 : i32
        %sign3A_600 = arith.extui %sign3A_599 : i1 to i32
        %sign3A_601 = arith.constant 0 : i32
        %sign3A_602 = arith.cmpi slt, %jit3A_589, %sign3A_601 : i32
        %sign3A_603 = arith.extui %sign3A_602 : i1 to i32
        %sign3A_604 = arith.subi %sign3A_600, %sign3A_603 : i32
        %ne3A_605 = arith.cmpi ne, %sign3A_597, %sign3A_604 : i32
        %rem3A_606 = arith.remsi %rem3A_588, %jit3A_589 : i32
        %ne3A_607 = arith.constant 0 : i32
        %ne3A_608 = arith.cmpi ne, %rem3A_606, %ne3A_607 : i32
        %and3A_609 = arith.andi %ne3A_605, %ne3A_608 : i1
        %sub3A_610 = arith.constant 1 : i32
        %sub3A_611 = arith.subi %div3A_590, %sub3A_610 : i32
        %select_n3A_612 = arith.select %and3A_609, %sub3A_611, %div3A_590 : i32
        %rem3A_613 = arith.constant 5 : i32
        %rem3A_614 = arith.remsi %rem3A_588, %rem3A_613 : i32
        %mul3A_615 = arith.constant 16 : i32
        %mul3A_616 = arith.muli %rem3A_614, %mul3A_615 : i32
        %dma_wait3A_617 = arith.constant 0 : i32
        %dma_wait3A_618 = tpu.memref_slice %arg23[%select_n3A_612, %mul3A_616, %dma_wait3A_617] : memref<4x80x128xf32, #tpu.memory_space<vmem>> -> memref<1x16x128xf32, #tpu.memory_space<vmem>>
        %dma_wait3A_619 = tpu.memref_squeeze %dma_wait3A_618 : memref<1x16x128xf32, #tpu.memory_space<vmem>> -> memref<16x128xf32, #tpu.memory_space<vmem>>
        %dma_wait3A_620 = arith.constant 0 : i32
        %dma_wait3A_621 = arith.constant 0 : i32
        %dma_wait3A_622 = tpu.memref_slice %arg8[%dma_wait3A_620, %dma_wait3A_621] : memref<16384x128xf32, #tpu.memory_space<hbm>> -> memref<16x128xf32, #tpu.memory_space<hbm>>
        %dma_wait3A_623 = arith.constant 0 : i32
        %dma_wait3A_624 = tpu.memref_slice %arg23[%select_n3A_612, %mul3A_616, %dma_wait3A_623] : memref<4x80x128xf32, #tpu.memory_space<vmem>> -> memref<1x16x128xf32, #tpu.memory_space<vmem>>
        %dma_wait3A_625 = tpu.memref_squeeze %dma_wait3A_624 : memref<1x16x128xf32, #tpu.memory_space<vmem>> -> memref<16x128xf32, #tpu.memory_space<vmem>>
        %dma_wait3A_626 = arith.constant 0 : i32
        %dma_wait3A_627 = arith.constant 0 : i32
        %dma_wait3A_628 = tpu.memref_slice %arg8[%dma_wait3A_626, %dma_wait3A_627] : memref<16384x128xf32, #tpu.memory_space<hbm>> -> memref<16x128xf32, #tpu.memory_space<hbm>>
        tpu.wait_dma2 semaphore(%arg29 : memref<!tpu.dma_semaphore, #tpu.memory_space<semaphore_mem>>) src(%dma_wait3A_628 : memref<16x128xf32, #tpu.memory_space<hbm>>) dst(%dma_wait3A_625 : memref<16x128xf32, #tpu.memory_space<vmem>>)
        %rem3A_629 = arith.constant 0 : i32
        %rem3A_630 = arith.constant 16 : i32
        %rem3A_631 = arith.remsi %rem3A_629, %rem3A_630 : i32
        %jit3A_632 = arith.constant 5 : i32
        %div3A_633 = arith.divsi %rem3A_631, %jit3A_632 : i32
        %sign3A_634 = arith.constant 0 : i32
        %sign3A_635 = arith.cmpi sgt, %rem3A_631, %sign3A_634 : i32
        %sign3A_636 = arith.extui %sign3A_635 : i1 to i32
        %sign3A_637 = arith.constant 0 : i32
        %sign3A_638 = arith.cmpi slt, %rem3A_631, %sign3A_637 : i32
        %sign3A_639 = arith.extui %sign3A_638 : i1 to i32
        %sign3A_640 = arith.subi %sign3A_636, %sign3A_639 : i32
        %sign3A_641 = arith.constant 0 : i32
        %sign3A_642 = arith.cmpi sgt, %jit3A_632, %sign3A_641 : i32
        %sign3A_643 = arith.extui %sign3A_642 : i1 to i32
        %sign3A_644 = arith.constant 0 : i32
        %sign3A_645 = arith.cmpi slt, %jit3A_632, %sign3A_644 : i32
        %sign3A_646 = arith.extui %sign3A_645 : i1 to i32
        %sign3A_647 = arith.subi %sign3A_643, %sign3A_646 : i32
        %ne3A_648 = arith.cmpi ne, %sign3A_640, %sign3A_647 : i32
        %rem3A_649 = arith.remsi %rem3A_631, %jit3A_632 : i32
        %ne3A_650 = arith.constant 0 : i32
        %ne3A_651 = arith.cmpi ne, %rem3A_649, %ne3A_650 : i32
        %and3A_652 = arith.andi %ne3A_648, %ne3A_651 : i1
        %sub3A_653 = arith.constant 1 : i32
        %sub3A_654 = arith.subi %div3A_633, %sub3A_653 : i32
        %select_n3A_655 = arith.select %and3A_652, %sub3A_654, %div3A_633 : i32
        %rem3A_656 = arith.constant 5 : i32
        %rem3A_657 = arith.remsi %rem3A_631, %rem3A_656 : i32
        %mul3A_658 = arith.constant 16 : i32
        %mul3A_659 = arith.muli %rem3A_657, %mul3A_658 : i32
        %dma_wait3A_660 = arith.constant 0 : i32
        %dma_wait3A_661 = tpu.memref_slice %arg23[%select_n3A_655, %mul3A_659, %dma_wait3A_660] : memref<4x80x128xf32, #tpu.memory_space<vmem>> -> memref<1x16x128xf32, #tpu.memory_space<vmem>>
        %dma_wait3A_662 = tpu.memref_squeeze %dma_wait3A_661 : memref<1x16x128xf32, #tpu.memory_space<vmem>> -> memref<16x128xf32, #tpu.memory_space<vmem>>
        %dma_wait3A_663 = arith.constant 0 : i32
        %dma_wait3A_664 = arith.constant 0 : i32
        %dma_wait3A_665 = tpu.memref_slice %arg8[%dma_wait3A_663, %dma_wait3A_664] : memref<16384x128xf32, #tpu.memory_space<hbm>> -> memref<16x128xf32, #tpu.memory_space<hbm>>
        %dma_wait3A_666 = arith.constant 0 : i32
        %dma_wait3A_667 = tpu.memref_slice %arg23[%select_n3A_655, %mul3A_659, %dma_wait3A_666] : memref<4x80x128xf32, #tpu.memory_space<vmem>> -> memref<1x16x128xf32, #tpu.memory_space<vmem>>
        %dma_wait3A_668 = tpu.memref_squeeze %dma_wait3A_667 : memref<1x16x128xf32, #tpu.memory_space<vmem>> -> memref<16x128xf32, #tpu.memory_space<vmem>>
        %dma_wait3A_669 = arith.constant 0 : i32
        %dma_wait3A_670 = arith.constant 0 : i32
        %dma_wait3A_671 = tpu.memref_slice %arg8[%dma_wait3A_669, %dma_wait3A_670] : memref<16384x128xf32, #tpu.memory_space<hbm>> -> memref<16x128xf32, #tpu.memory_space<hbm>>
        tpu.wait_dma2 semaphore(%arg29 : memref<!tpu.dma_semaphore, #tpu.memory_space<semaphore_mem>>) src(%dma_wait3A_671 : memref<16x128xf32, #tpu.memory_space<hbm>>) dst(%dma_wait3A_668 : memref<16x128xf32, #tpu.memory_space<vmem>>)
        %rem3A_672 = arith.constant 0 : i32
        %rem3A_673 = arith.constant 16 : i32
        %rem3A_674 = arith.remsi %rem3A_672, %rem3A_673 : i32
        %jit3A_675 = arith.constant 5 : i32
        %div3A_676 = arith.divsi %rem3A_674, %jit3A_675 : i32
        %sign3A_677 = arith.constant 0 : i32
        %sign3A_678 = arith.cmpi sgt, %rem3A_674, %sign3A_677 : i32
        %sign3A_679 = arith.extui %sign3A_678 : i1 to i32
        %sign3A_680 = arith.constant 0 : i32
        %sign3A_681 = arith.cmpi slt, %rem3A_674, %sign3A_680 : i32
        %sign3A_682 = arith.extui %sign3A_681 : i1 to i32
        %sign3A_683 = arith.subi %sign3A_679, %sign3A_682 : i32
        %sign3A_684 = arith.constant 0 : i32
        %sign3A_685 = arith.cmpi sgt, %jit3A_675, %sign3A_684 : i32
        %sign3A_686 = arith.extui %sign3A_685 : i1 to i32
        %sign3A_687 = arith.constant 0 : i32
        %sign3A_688 = arith.cmpi slt, %jit3A_675, %sign3A_687 : i32
        %sign3A_689 = arith.extui %sign3A_688 : i1 to i32
        %sign3A_690 = arith.subi %sign3A_686, %sign3A_689 : i32
        %ne3A_691 = arith.cmpi ne, %sign3A_683, %sign3A_690 : i32
        %rem3A_692 = arith.remsi %rem3A_674, %jit3A_675 : i32
        %ne3A_693 = arith.constant 0 : i32
        %ne3A_694 = arith.cmpi ne, %rem3A_692, %ne3A_693 : i32
        %and3A_695 = arith.andi %ne3A_691, %ne3A_694 : i1
        %sub3A_696 = arith.constant 1 : i32
        %sub3A_697 = arith.subi %div3A_676, %sub3A_696 : i32
        %select_n3A_698 = arith.select %and3A_695, %sub3A_697, %div3A_676 : i32
        %rem3A_699 = arith.constant 5 : i32
        %rem3A_700 = arith.remsi %rem3A_674, %rem3A_699 : i32
        %mul3A_701 = arith.constant 16 : i32
        %mul3A_702 = arith.muli %rem3A_700, %mul3A_701 : i32
        %dma_wait3A_703 = arith.constant 0 : i32
        %dma_wait3A_704 = tpu.memref_slice %arg23[%select_n3A_698, %mul3A_702, %dma_wait3A_703] : memref<4x80x128xf32, #tpu.memory_space<vmem>> -> memref<1x16x128xf32, #tpu.memory_space<vmem>>
        %dma_wait3A_705 = tpu.memref_squeeze %dma_wait3A_704 : memref<1x16x128xf32, #tpu.memory_space<vmem>> -> memref<16x128xf32, #tpu.memory_space<vmem>>
        %dma_wait3A_706 = arith.constant 0 : i32
        %dma_wait3A_707 = arith.constant 0 : i32
        %dma_wait3A_708 = tpu.memref_slice %arg8[%dma_wait3A_706, %dma_wait3A_707] : memref<16384x128xf32, #tpu.memory_space<hbm>> -> memref<16x128xf32, #tpu.memory_space<hbm>>
        %dma_wait3A_709 = arith.constant 0 : i32
        %dma_wait3A_710 = tpu.memref_slice %arg23[%select_n3A_698, %mul3A_702, %dma_wait3A_709] : memref<4x80x128xf32, #tpu.memory_space<vmem>> -> memref<1x16x128xf32, #tpu.memory_space<vmem>>
        %dma_wait3A_711 = tpu.memref_squeeze %dma_wait3A_710 : memref<1x16x128xf32, #tpu.memory_space<vmem>> -> memref<16x128xf32, #tpu.memory_space<vmem>>
        %dma_wait3A_712 = arith.constant 0 : i32
        %dma_wait3A_713 = arith.constant 0 : i32
        %dma_wait3A_714 = tpu.memref_slice %arg8[%dma_wait3A_712, %dma_wait3A_713] : memref<16384x128xf32, #tpu.memory_space<hbm>> -> memref<16x128xf32, #tpu.memory_space<hbm>>
        tpu.wait_dma2 semaphore(%arg29 : memref<!tpu.dma_semaphore, #tpu.memory_space<semaphore_mem>>) src(%dma_wait3A_714 : memref<16x128xf32, #tpu.memory_space<hbm>>) dst(%dma_wait3A_711 : memref<16x128xf32, #tpu.memory_space<vmem>>)
        %rem3A_715 = arith.constant 0 : i32
        %rem3A_716 = arith.constant 16 : i32
        %rem3A_717 = arith.remsi %rem3A_715, %rem3A_716 : i32
        %jit3A_718 = arith.constant 5 : i32
        %div3A_719 = arith.divsi %rem3A_717, %jit3A_718 : i32
        %sign3A_720 = arith.constant 0 : i32
        %sign3A_721 = arith.cmpi sgt, %rem3A_717, %sign3A_720 : i32
        %sign3A_722 = arith.extui %sign3A_721 : i1 to i32
        %sign3A_723 = arith.constant 0 : i32
        %sign3A_724 = arith.cmpi slt, %rem3A_717, %sign3A_723 : i32
        %sign3A_725 = arith.extui %sign3A_724 : i1 to i32
        %sign3A_726 = arith.subi %sign3A_722, %sign3A_725 : i32
        %sign3A_727 = arith.constant 0 : i32
        %sign3A_728 = arith.cmpi sgt, %jit3A_718, %sign3A_727 : i32
        %sign3A_729 = arith.extui %sign3A_728 : i1 to i32
        %sign3A_730 = arith.constant 0 : i32
        %sign3A_731 = arith.cmpi slt, %jit3A_718, %sign3A_730 : i32
        %sign3A_732 = arith.extui %sign3A_731 : i1 to i32
        %sign3A_733 = arith.subi %sign3A_729, %sign3A_732 : i32
        %ne3A_734 = arith.cmpi ne, %sign3A_726, %sign3A_733 : i32
        %rem3A_735 = arith.remsi %rem3A_717, %jit3A_718 : i32
        %ne3A_736 = arith.constant 0 : i32
        %ne3A_737 = arith.cmpi ne, %rem3A_735, %ne3A_736 : i32
        %and3A_738 = arith.andi %ne3A_734, %ne3A_737 : i1
        %sub3A_739 = arith.constant 1 : i32
        %sub3A_740 = arith.subi %div3A_719, %sub3A_739 : i32
        %select_n3A_741 = arith.select %and3A_738, %sub3A_740, %div3A_719 : i32
        %rem3A_742 = arith.constant 5 : i32
        %rem3A_743 = arith.remsi %rem3A_717, %rem3A_742 : i32
        %mul3A_744 = arith.constant 16 : i32
        %mul3A_745 = arith.muli %rem3A_743, %mul3A_744 : i32
        %dma_wait3A_746 = arith.constant 0 : i32
        %dma_wait3A_747 = tpu.memref_slice %arg23[%select_n3A_741, %mul3A_745, %dma_wait3A_746] : memref<4x80x128xf32, #tpu.memory_space<vmem>> -> memref<1x16x128xf32, #tpu.memory_space<vmem>>
        %dma_wait3A_748 = tpu.memref_squeeze %dma_wait3A_747 : memref<1x16x128xf32, #tpu.memory_space<vmem>> -> memref<16x128xf32, #tpu.memory_space<vmem>>
        %dma_wait3A_749 = arith.constant 0 : i32
        %dma_wait3A_750 = arith.constant 0 : i32
        %dma_wait3A_751 = tpu.memref_slice %arg8[%dma_wait3A_749, %dma_wait3A_750] : memref<16384x128xf32, #tpu.memory_space<hbm>> -> memref<16x128xf32, #tpu.memory_space<hbm>>
        %dma_wait3A_752 = arith.constant 0 : i32
        %dma_wait3A_753 = tpu.memref_slice %arg23[%select_n3A_741, %mul3A_745, %dma_wait3A_752] : memref<4x80x128xf32, #tpu.memory_space<vmem>> -> memref<1x16x128xf32, #tpu.memory_space<vmem>>
        %dma_wait3A_754 = tpu.memref_squeeze %dma_wait3A_753 : memref<1x16x128xf32, #tpu.memory_space<vmem>> -> memref<16x128xf32, #tpu.memory_space<vmem>>
        %dma_wait3A_755 = arith.constant 0 : i32
        %dma_wait3A_756 = arith.constant 0 : i32
        %dma_wait3A_757 = tpu.memref_slice %arg8[%dma_wait3A_755, %dma_wait3A_756] : memref<16384x128xf32, #tpu.memory_space<hbm>> -> memref<16x128xf32, #tpu.memory_space<hbm>>
        tpu.wait_dma2 semaphore(%arg29 : memref<!tpu.dma_semaphore, #tpu.memory_space<semaphore_mem>>) src(%dma_wait3A_757 : memref<16x128xf32, #tpu.memory_space<hbm>>) dst(%dma_wait3A_754 : memref<16x128xf32, #tpu.memory_space<vmem>>)
        %rem3A_758 = arith.constant 0 : i32
        %rem3A_759 = arith.constant 16 : i32
        %rem3A_760 = arith.remsi %rem3A_758, %rem3A_759 : i32
        %jit3A_761 = arith.constant 5 : i32
        %div3A_762 = arith.divsi %rem3A_760, %jit3A_761 : i32
        %sign3A_763 = arith.constant 0 : i32
        %sign3A_764 = arith.cmpi sgt, %rem3A_760, %sign3A_763 : i32
        %sign3A_765 = arith.extui %sign3A_764 : i1 to i32
        %sign3A_766 = arith.constant 0 : i32
        %sign3A_767 = arith.cmpi slt, %rem3A_760, %sign3A_766 : i32
        %sign3A_768 = arith.extui %sign3A_767 : i1 to i32
        %sign3A_769 = arith.subi %sign3A_765, %sign3A_768 : i32
        %sign3A_770 = arith.constant 0 : i32
        %sign3A_771 = arith.cmpi sgt, %jit3A_761, %sign3A_770 : i32
        %sign3A_772 = arith.extui %sign3A_771 : i1 to i32
        %sign3A_773 = arith.constant 0 : i32
        %sign3A_774 = arith.cmpi slt, %jit3A_761, %sign3A_773 : i32
        %sign3A_775 = arith.extui %sign3A_774 : i1 to i32
        %sign3A_776 = arith.subi %sign3A_772, %sign3A_775 : i32
        %ne3A_777 = arith.cmpi ne, %sign3A_769, %sign3A_776 : i32
        %rem3A_778 = arith.remsi %rem3A_760, %jit3A_761 : i32
        %ne3A_779 = arith.constant 0 : i32
        %ne3A_780 = arith.cmpi ne, %rem3A_778, %ne3A_779 : i32
        %and3A_781 = arith.andi %ne3A_777, %ne3A_780 : i1
        %sub3A_782 = arith.constant 1 : i32
        %sub3A_783 = arith.subi %div3A_762, %sub3A_782 : i32
        %select_n3A_784 = arith.select %and3A_781, %sub3A_783, %div3A_762 : i32
        %rem3A_785 = arith.constant 5 : i32
        %rem3A_786 = arith.remsi %rem3A_760, %rem3A_785 : i32
        %mul3A_787 = arith.constant 16 : i32
        %mul3A_788 = arith.muli %rem3A_786, %mul3A_787 : i32
        %dma_wait3A_789 = arith.constant 0 : i32
        %dma_wait3A_790 = tpu.memref_slice %arg23[%select_n3A_784, %mul3A_788, %dma_wait3A_789] : memref<4x80x128xf32, #tpu.memory_space<vmem>> -> memref<1x16x128xf32, #tpu.memory_space<vmem>>
        %dma_wait3A_791 = tpu.memref_squeeze %dma_wait3A_790 : memref<1x16x128xf32, #tpu.memory_space<vmem>> -> memref<16x128xf32, #tpu.memory_space<vmem>>
        %dma_wait3A_792 = arith.constant 0 : i32
        %dma_wait3A_793 = arith.constant 0 : i32
        %dma_wait3A_794 = tpu.memref_slice %arg8[%dma_wait3A_792, %dma_wait3A_793] : memref<16384x128xf32, #tpu.memory_space<hbm>> -> memref<16x128xf32, #tpu.memory_space<hbm>>
        %dma_wait3A_795 = arith.constant 0 : i32
        %dma_wait3A_796 = tpu.memref_slice %arg23[%select_n3A_784, %mul3A_788, %dma_wait3A_795] : memref<4x80x128xf32, #tpu.memory_space<vmem>> -> memref<1x16x128xf32, #tpu.memory_space<vmem>>
        %dma_wait3A_797 = tpu.memref_squeeze %dma_wait3A_796 : memref<1x16x128xf32, #tpu.memory_space<vmem>> -> memref<16x128xf32, #tpu.memory_space<vmem>>
        %dma_wait3A_798 = arith.constant 0 : i32
        %dma_wait3A_799 = arith.constant 0 : i32
        %dma_wait3A_800 = tpu.memref_slice %arg8[%dma_wait3A_798, %dma_wait3A_799] : memref<16384x128xf32, #tpu.memory_space<hbm>> -> memref<16x128xf32, #tpu.memory_space<hbm>>
        tpu.wait_dma2 semaphore(%arg29 : memref<!tpu.dma_semaphore, #tpu.memory_space<semaphore_mem>>) src(%dma_wait3A_800 : memref<16x128xf32, #tpu.memory_space<hbm>>) dst(%dma_wait3A_797 : memref<16x128xf32, #tpu.memory_space<vmem>>)
        %rem3A_801 = arith.constant 0 : i32
        %rem3A_802 = arith.constant 16 : i32
        %rem3A_803 = arith.remsi %rem3A_801, %rem3A_802 : i32
        %jit3A_804 = arith.constant 5 : i32
        %div3A_805 = arith.divsi %rem3A_803, %jit3A_804 : i32
        %sign3A_806 = arith.constant 0 : i32
        %sign3A_807 = arith.cmpi sgt, %rem3A_803, %sign3A_806 : i32
        %sign3A_808 = arith.extui %sign3A_807 : i1 to i32
        %sign3A_809 = arith.constant 0 : i32
        %sign3A_810 = arith.cmpi slt, %rem3A_803, %sign3A_809 : i32
        %sign3A_811 = arith.extui %sign3A_810 : i1 to i32
        %sign3A_812 = arith.subi %sign3A_808, %sign3A_811 : i32
        %sign3A_813 = arith.constant 0 : i32
        %sign3A_814 = arith.cmpi sgt, %jit3A_804, %sign3A_813 : i32
        %sign3A_815 = arith.extui %sign3A_814 : i1 to i32
        %sign3A_816 = arith.constant 0 : i32
        %sign3A_817 = arith.cmpi slt, %jit3A_804, %sign3A_816 : i32
        %sign3A_818 = arith.extui %sign3A_817 : i1 to i32
        %sign3A_819 = arith.subi %sign3A_815, %sign3A_818 : i32
        %ne3A_820 = arith.cmpi ne, %sign3A_812, %sign3A_819 : i32
        %rem3A_821 = arith.remsi %rem3A_803, %jit3A_804 : i32
        %ne3A_822 = arith.constant 0 : i32
        %ne3A_823 = arith.cmpi ne, %rem3A_821, %ne3A_822 : i32
        %and3A_824 = arith.andi %ne3A_820, %ne3A_823 : i1
        %sub3A_825 = arith.constant 1 : i32
        %sub3A_826 = arith.subi %div3A_805, %sub3A_825 : i32
        %select_n3A_827 = arith.select %and3A_824, %sub3A_826, %div3A_805 : i32
        %rem3A_828 = arith.constant 5 : i32
        %rem3A_829 = arith.remsi %rem3A_803, %rem3A_828 : i32
        %mul3A_830 = arith.constant 16 : i32
        %mul3A_831 = arith.muli %rem3A_829, %mul3A_830 : i32
        %dma_wait3A_832 = arith.constant 0 : i32
        %dma_wait3A_833 = tpu.memref_slice %arg23[%select_n3A_827, %mul3A_831, %dma_wait3A_832] : memref<4x80x128xf32, #tpu.memory_space<vmem>> -> memref<1x16x128xf32, #tpu.memory_space<vmem>>
        %dma_wait3A_834 = tpu.memref_squeeze %dma_wait3A_833 : memref<1x16x128xf32, #tpu.memory_space<vmem>> -> memref<16x128xf32, #tpu.memory_space<vmem>>
        %dma_wait3A_835 = arith.constant 0 : i32
        %dma_wait3A_836 = arith.constant 0 : i32
        %dma_wait3A_837 = tpu.memref_slice %arg8[%dma_wait3A_835, %dma_wait3A_836] : memref<16384x128xf32, #tpu.memory_space<hbm>> -> memref<16x128xf32, #tpu.memory_space<hbm>>
        %dma_wait3A_838 = arith.constant 0 : i32
        %dma_wait3A_839 = tpu.memref_slice %arg23[%select_n3A_827, %mul3A_831, %dma_wait3A_838] : memref<4x80x128xf32, #tpu.memory_space<vmem>> -> memref<1x16x128xf32, #tpu.memory_space<vmem>>
        %dma_wait3A_840 = tpu.memref_squeeze %dma_wait3A_839 : memref<1x16x128xf32, #tpu.memory_space<vmem>> -> memref<16x128xf32, #tpu.memory_space<vmem>>
        %dma_wait3A_841 = arith.constant 0 : i32
        %dma_wait3A_842 = arith.constant 0 : i32
        %dma_wait3A_843 = tpu.memref_slice %arg8[%dma_wait3A_841, %dma_wait3A_842] : memref<16384x128xf32, #tpu.memory_space<hbm>> -> memref<16x128xf32, #tpu.memory_space<hbm>>
        tpu.wait_dma2 semaphore(%arg29 : memref<!tpu.dma_semaphore, #tpu.memory_space<semaphore_mem>>) src(%dma_wait3A_843 : memref<16x128xf32, #tpu.memory_space<hbm>>) dst(%dma_wait3A_840 : memref<16x128xf32, #tpu.memory_space<vmem>>)
      } else {
      }
      "tpu.trace_stop"() : () -> ()
      "tpu.trace_start"() <{level = 10 : i32, message = "ph_stage_out"}> : () -> ()
      "tpu.region"() ({
        %run_scoped3A = tpu.sem_alloc : memref<!tpu.dma_semaphore, #tpu.memory_space<semaphore_mem>>
        %dma_start3A_180 = arith.constant 0 : i32
        %dma_start3A_181 = tpu.memref_slice %arg18[%dma_start3A_180] : memref<3200xi32, #tpu.memory_space<vmem>> -> memref<800xi32, #tpu.memory_space<vmem>>
        %dma_start3A_182 = tpu.memref_slice %arg3[%mul3A_2] : memref<100000xi32, #tpu.memory_space<hbm>> -> memref<800xi32, #tpu.memory_space<hbm>>
        %dma_start3A_183 = tpu.memref_slice %arg3[%mul3A_2] : memref<100000xi32, #tpu.memory_space<hbm>> -> memref<800xi32, #tpu.memory_space<hbm>>
        %dma_start3A_184 = arith.constant 0 : i32
        %dma_start3A_185 = tpu.memref_slice %arg18[%dma_start3A_184] : memref<3200xi32, #tpu.memory_space<vmem>> -> memref<800xi32, #tpu.memory_space<vmem>>
        tpu.enqueue_dma source(%dma_start3A_185 : memref<800xi32, #tpu.memory_space<vmem>>) target(%dma_start3A_183 : memref<800xi32, #tpu.memory_space<hbm>>) target_semaphore(%run_scoped3A : memref<!tpu.dma_semaphore, #tpu.memory_space<semaphore_mem>>)
        %dma_wait3A_186 = arith.constant 0 : i32
        %dma_wait3A_187 = tpu.memref_slice %arg18[%dma_wait3A_186] : memref<3200xi32, #tpu.memory_space<vmem>> -> memref<800xi32, #tpu.memory_space<vmem>>
        %dma_wait3A_188 = tpu.memref_slice %arg3[%mul3A_2] : memref<100000xi32, #tpu.memory_space<hbm>> -> memref<800xi32, #tpu.memory_space<hbm>>
        %dma_wait3A_189 = tpu.memref_slice %arg3[%mul3A_2] : memref<100000xi32, #tpu.memory_space<hbm>> -> memref<800xi32, #tpu.memory_space<hbm>>
        %dma_wait3A_190 = arith.constant 0 : i32
        %dma_wait3A_191 = tpu.memref_slice %arg18[%dma_wait3A_190] : memref<3200xi32, #tpu.memory_space<vmem>> -> memref<800xi32, #tpu.memory_space<vmem>>
        tpu.wait_dma2 semaphore(%run_scoped3A : memref<!tpu.dma_semaphore, #tpu.memory_space<semaphore_mem>>) src(%dma_wait3A_191 : memref<800xi32, #tpu.memory_space<vmem>>) dst(%dma_wait3A_189 : memref<800xi32, #tpu.memory_space<hbm>>)
        tpu.yield
      }) : () -> ()
      "tpu.region"() ({
        %run_scoped3A = tpu.sem_alloc : memref<!tpu.dma_semaphore, #tpu.memory_space<semaphore_mem>>
        %dma_start3A_180 = arith.constant 0 : i32
        %dma_start3A_181 = tpu.memref_slice %arg19[%dma_start3A_180] : memref<3200xi32, #tpu.memory_space<vmem>> -> memref<800xi32, #tpu.memory_space<vmem>>
        %dma_start3A_182 = tpu.memref_slice %arg4[%mul3A_2] : memref<100000xi32, #tpu.memory_space<hbm>> -> memref<800xi32, #tpu.memory_space<hbm>>
        %dma_start3A_183 = tpu.memref_slice %arg4[%mul3A_2] : memref<100000xi32, #tpu.memory_space<hbm>> -> memref<800xi32, #tpu.memory_space<hbm>>
        %dma_start3A_184 = arith.constant 0 : i32
        %dma_start3A_185 = tpu.memref_slice %arg19[%dma_start3A_184] : memref<3200xi32, #tpu.memory_space<vmem>> -> memref<800xi32, #tpu.memory_space<vmem>>
        tpu.enqueue_dma source(%dma_start3A_185 : memref<800xi32, #tpu.memory_space<vmem>>) target(%dma_start3A_183 : memref<800xi32, #tpu.memory_space<hbm>>) target_semaphore(%run_scoped3A : memref<!tpu.dma_semaphore, #tpu.memory_space<semaphore_mem>>)
        %dma_wait3A_186 = arith.constant 0 : i32
        %dma_wait3A_187 = tpu.memref_slice %arg19[%dma_wait3A_186] : memref<3200xi32, #tpu.memory_space<vmem>> -> memref<800xi32, #tpu.memory_space<vmem>>
        %dma_wait3A_188 = tpu.memref_slice %arg4[%mul3A_2] : memref<100000xi32, #tpu.memory_space<hbm>> -> memref<800xi32, #tpu.memory_space<hbm>>
        %dma_wait3A_189 = tpu.memref_slice %arg4[%mul3A_2] : memref<100000xi32, #tpu.memory_space<hbm>> -> memref<800xi32, #tpu.memory_space<hbm>>
        %dma_wait3A_190 = arith.constant 0 : i32
        %dma_wait3A_191 = tpu.memref_slice %arg19[%dma_wait3A_190] : memref<3200xi32, #tpu.memory_space<vmem>> -> memref<800xi32, #tpu.memory_space<vmem>>
        tpu.wait_dma2 semaphore(%run_scoped3A : memref<!tpu.dma_semaphore, #tpu.memory_space<semaphore_mem>>) src(%dma_wait3A_191 : memref<800xi32, #tpu.memory_space<vmem>>) dst(%dma_wait3A_189 : memref<800xi32, #tpu.memory_space<hbm>>)
        tpu.yield
      }) : () -> ()
      "tpu.region"() ({
        %run_scoped3A = tpu.sem_alloc : memref<!tpu.dma_semaphore, #tpu.memory_space<semaphore_mem>>
        %dma_start3A_180 = arith.constant 0 : i32
        %dma_start3A_181 = tpu.memref_slice %arg20[%dma_start3A_180] : memref<3200xi32, #tpu.memory_space<vmem>> -> memref<800xi32, #tpu.memory_space<vmem>>
        %dma_start3A_182 = tpu.memref_slice %arg5[%mul3A_2] : memref<100000xi32, #tpu.memory_space<hbm>> -> memref<800xi32, #tpu.memory_space<hbm>>
        %dma_start3A_183 = tpu.memref_slice %arg5[%mul3A_2] : memref<100000xi32, #tpu.memory_space<hbm>> -> memref<800xi32, #tpu.memory_space<hbm>>
        %dma_start3A_184 = arith.constant 0 : i32
        %dma_start3A_185 = tpu.memref_slice %arg20[%dma_start3A_184] : memref<3200xi32, #tpu.memory_space<vmem>> -> memref<800xi32, #tpu.memory_space<vmem>>
        tpu.enqueue_dma source(%dma_start3A_185 : memref<800xi32, #tpu.memory_space<vmem>>) target(%dma_start3A_183 : memref<800xi32, #tpu.memory_space<hbm>>) target_semaphore(%run_scoped3A : memref<!tpu.dma_semaphore, #tpu.memory_space<semaphore_mem>>)
        %dma_wait3A_186 = arith.constant 0 : i32
        %dma_wait3A_187 = tpu.memref_slice %arg20[%dma_wait3A_186] : memref<3200xi32, #tpu.memory_space<vmem>> -> memref<800xi32, #tpu.memory_space<vmem>>
        %dma_wait3A_188 = tpu.memref_slice %arg5[%mul3A_2] : memref<100000xi32, #tpu.memory_space<hbm>> -> memref<800xi32, #tpu.memory_space<hbm>>
        %dma_wait3A_189 = tpu.memref_slice %arg5[%mul3A_2] : memref<100000xi32, #tpu.memory_space<hbm>> -> memref<800xi32, #tpu.memory_space<hbm>>
        %dma_wait3A_190 = arith.constant 0 : i32
        %dma_wait3A_191 = tpu.memref_slice %arg20[%dma_wait3A_190] : memref<3200xi32, #tpu.memory_space<vmem>> -> memref<800xi32, #tpu.memory_space<vmem>>
        tpu.wait_dma2 semaphore(%run_scoped3A : memref<!tpu.dma_semaphore, #tpu.memory_space<semaphore_mem>>) src(%dma_wait3A_191 : memref<800xi32, #tpu.memory_space<vmem>>) dst(%dma_wait3A_189 : memref<800xi32, #tpu.memory_space<hbm>>)
        tpu.yield
      }) : () -> ()
      "tpu.trace_stop"() : () -> ()
    } else {
    }
    return
  }
}

</mosaic_0001>

<sc_bundles>
// kernel: kernel.3.cloned.1.call-start
scs
__scs_entry_jumppad:
0x0: {  	(pc) =	sbr.rel $0x88, $3  }
0x1: {  	(tag) =	ssettag $0x0;
	lr =	simm.s32 $0x1  }
0x2: {  	[smem:$0x3F99] =	sst lr;
	_ =	strace $0xD0000000  }
0x3: {  	_ = 	snop  }
0x4: {  	_ = 	snop  }
0x5: {  	_ = 	snop  }
0x6: {  	_ = 	snop  }
0x7: {  	_ = 	snop  }
__scs_overlays_trampoline_lowered:
0x8: {  	[smem:$0x3FA8] =	sst s0  }
0x9: {  	[smem:$0x3FA9] =	sst s1  }
0xa: {  	[smem:$0x3FAA] =	sst s2  }
0xb: {  	[smem:$0x3FAB] =	sst s3  }
0xc: {  	[smem:$0x3FAC] =	sst s4  }
0xd: {  	[smem:$0x3FAD] =	sst s5  }
0xe: {  	[smem:$0x3FAE] =	sst s6  }
0xf: {  	[smem:$0x3FAF] =	sst s7  }
0x10: {  	[smem:$0x3FB0] =	sst s8  }
0x11: {  	[smem:$0x3FB1] =	sst s9;
	s0 =	simm.s32 @!p0 $0x0  }
0x12: {  	s1 =	sld [smem:$0x3F97];
	s0 =	simm.s32 @p0 $0x1  }
0x13: {  	[smem:$0x3FB2] =	sst s0;
	s0 =	simm.s32 @!p1 $0x0  }
0x14: {  	s2 =	sld [smem:$0x3F96];
	s0 =	simm.s32 @p1 $0x1  }
0x15: {  	[smem:$0x3FB3] =	sst s0;
	s0 =	simm.s32 @!p2 $0x0  }
0x16: {  	s3 =	sld [smem:$0x3FDB];
	s0 =	simm.s32 @p2 $0x1  }
0x17: {  	s4 =	simm.s32 $0x1BF5;
	[smem:$0x3FB5] =	sst s0  }
0x18: {  	s0 =	sld [smem:$0x3F98];
	_ =	swait.ge [sflag:s4], $0x0  }
0x19: {  	s7 =	sld [smem:$0x3F99]  }
0x1a: {  	s8 =	sadd.s32 $0xFFFFE003, lr  }
0x1b: {  	s9 =	sadd.s32 $0xFFFFFEF7, lr;
	s5 =	simm.s32 $0xFFFFFFFF;
	p2 =	slt.u32 s8, $0xFFFFF086  }
0x1c: {  	p1 =	slt.u32 s9, $0xF7A;
	s5 =	simm.s32 @!p2 $0x0  }
0x1d: {  	s5 =	simm.s32 @p1 $0x1;
	p0 =	seq.s32 s7, s2  }
0x1e: {  	s7 =	smul.u32 @!p0 $0xF7A, s2;
	p2 =	seq.s32 @!p0 s5, $0x0  }
0x1f: {  	s9 =	smul.u32 $0xF7A, s1;
	s8 =	simm.s32 @!p0 $0x1BF5;
	p2 =	por !p2, p0  }
0x20: {  	[sflag:s8] =	ssyncset.s32 @!p0 $0xFFFFF086;
	s6 =	sadd.s32 @!p0 s3, s7;
	s7 =	simm.s32 @!p0 $0x108  }
0x21: {  	s3 =	sadd.s32 s3, s9;
	s6 =	sadd.s32 @!p0 $0x88, s6;
	s7 =	simm.s32 @p2 $0x1082  }
0x22: {  	[simem:s7], [sflag:s8] =	dma.local @!p0 [hbm:s6], $0xF7A  }
0x23: {  	s9 =	sor.u32 $0xD0000000, s2;
	s6 =	simm.s32 $0x108;
	_ =	swait.ge @!p0 [sflag:s8], $0x0  }
0x24: {  	s3 =	sadd.s32 $0x88, s3;
	s6 =	simm.s32 @!p1 $0x1082;
	[sflag:s4] =	ssyncset.s32 $0xFFFFF086  }
0x25: {  	[simem:s6], [sflag:s4] =	dma.local [hbm:s3], $0xF7A  }
0x26: {  	[smem:$0x3F99] =	sst s1;
	(tag) =	ssettag s2;
	_ =	strace s9  }
0x27: {  	s1 =	sld [smem:$0x3FA9]  }
0x28: {  	s2 =	sld [smem:$0x3FAA]  }
0x29: {  	s4 =	sld [smem:$0x3FAC]  }
0x2a: {  	p0 =	seq.s32 s5, $0x0;
	s5 =	sld [smem:$0x3FAD]  }
0x2b: {  	s6 =	sld [smem:$0x3FAE]  }
0x2c: {  	s7 =	sld [smem:$0x3FAF]  }
0x2d: {  	s3 =	simm.s32 $0x108;
	s8 =	sld [smem:$0x3FB0]  }
0x2e: {  	s3 =	simm.s32 @!p0 $0x1082;
	s9 =	sld [smem:$0x3FB1]  }
0x2f: {  	lr =	sadd.s32 s0, s3;
	s0 =	sld [smem:$0x3FA8]  }
0x30: {  	s3 =	sld [smem:$0x3FAB]  }
0x31: {  	[smem:$0x3FB4] =	sst s10  }
0x32: {  	s10 =	sld [smem:$0x3FB2];
	_ =	sdelay $0x3  }
0x33: {  	p0 =	seq.s32 s10, $0x1;
	s10 =	sld [smem:$0x3FB4];
	_ =	sdelay $0x3  }
0x34: {  	[smem:$0x3FB4] =	sst s10  }
0x35: {  	s10 =	sld [smem:$0x3FB3];
	_ =	sdelay $0x3  }
0x36: {  	p1 =	seq.s32 s10, $0x1;
	s10 =	sld [smem:$0x3FB4];
	_ =	sdelay $0x3  }
0x37: {  	[smem:$0x3FB4] =	sst s10  }
0x38: {  	s10 =	sld [smem:$0x3FB5]  }
0x39: {  	_ = 	snop;
	(pc) =	sbr.ind lr, $3  }
0x3a: {  	_ = 	snop  }
0x3b: {  	_ = 	snop  }
0x3c: {  	p2 =	seq.s32 s10, $0x1;
	s10 =	sld [smem:$0x3FB4]  }
0x3d: {  	_ =	shalt  }
0x3e: {  	_ =	shalt  }
0x3f: {  	_ =	shalt  }
0x40: {  	_ =	shalt  }
0x41: {  	_ =	shalt  }
0x42: {  	_ =	shalt  }
0x43: {  	_ =	shalt  }
0x44: {  	_ =	shalt  }
0x45: {  	_ =	shalt  }
0x46: {  	_ =	shalt  }
0x47: {  	_ =	shalt  }
0x48: {  	_ =	shalt  }
0x49: {  	_ =	shalt  }
0x4a: {  	_ =	shalt  }
0x4b: {  	_ =	shalt  }
0x4c: {  	_ =	shalt  }
0x4d: {  	_ =	shalt  }
0x4e: {  	_ =	shalt  }
0x4f: {  	_ =	shalt  }
0x50: {  	_ =	shalt  }
0x51: {  	_ =	shalt  }
0x52: {  	_ =	shalt  }
0x53: {  	_ =	shalt  }
0x54: {  	_ =	shalt  }
0x55: {  	_ =	shalt  }
0x56: {  	_ =	shalt  }
0x57: {  	_ =	shalt  }
0x58: {  	_ =	shalt  }
0x59: {  	_ =	shalt  }
0x5a: {  	_ =	shalt  }
0x5b: {  	_ =	shalt  }
0x5c: {  	_ =	shalt  }
0x5d: {  	_ =	shalt  }
0x5e: {  	_ =	shalt  }
0x5f: {  	_ =	shalt  }
0x60: {  	_ =	shalt  }
0x61: {  	_ =	shalt  }
0x62: {  	_ =	shalt  }
0x63: {  	_ =	shalt  }
0x64: {  	_ =	shalt  }
0x65: {  	_ =	shalt  }
0x66: {  	_ =	shalt  }
0x67: {  	_ =	shalt  }
0x68: {  	_ =	shalt  }
0x69: {  	_ =	shalt  }
0x6a: {  	_ =	shalt  }
0x6b: {  	_ =	shalt  }
0x6c: {  	_ =	shalt  }
0x6d: {  	_ =	shalt  }
0x6e: {  	_ =	shalt  }
0x6f: {  	_ =	shalt  }
0x70: {  	_ =	shalt  }
0x71: {  	_ =	shalt  }
0x72: {  	_ =	shalt  }
0x73: {  	_ =	shalt  }
0x74: {  	_ =	shalt  }
0x75: {  	_ =	shalt  }
0x76: {  	_ =	shalt  }
0x77: {  	_ =	shalt  }
0x78: {  	_ =	shalt  }
0x79: {  	_ =	shalt  }
0x7a: {  	_ =	shalt  }
0x7b: {  	_ =	shalt  }
0x7c: {  	_ =	shalt  }
0x7d: {  	_ =	shalt  }
0x7e: {  	_ =	shalt  }
0x7f: {  	_ =	shalt  }
0x80: {  	_ =	shalt  }
0x81: {  	_ =	shalt  }
0x82: {  	_ =	shalt  }
0x83: {  	_ =	shalt  }
0x84: {  	_ =	shalt  }
0x85: {  	_ =	shalt  }
0x86: {  	_ =	shalt  }
0x87: {  	_ =	shalt  }
.Lfunc_end0:
.L_simem_size_0:
called_computation_lowered:
.L_overlay_start_0:
0x88: {  	s2 =	sld [smem:$0x3FD9]  }
0x89: {  	s3 =	sld [smem:$0x3FFE];
	_ =	sdelay $0x1  }
0x8a: {  	s1 =	srdreg.scid  }
0x8b: {  	s0 =	sand.u32 $0x1, s1  }
0x8c: {  	s15 =	sshll.u32 s0, $0xA;
	s2 =	sadd.s32 s3, s2  }
0x8d: {  	s2 =	sadd.s32 s2, s15  }
0x8e: {  	[smem:$0x3FC0] =	sst s2  }
0x8f: {  	_ = 	snop  }
0x90: {  	s2 =	sld [smem:$0x3FC9]  }
0x91: {  	s16 =	sld [smem:$0x3FC5]  }
0x92: {  	s4 =	sld [smem:$0x3FD0]  }
0x93: {  	s5 =	sld [smem:$0x3FC4]  }
0x94: {  	s6 =	sld [smem:$0x3FC3]  }
0x95: {  	s8 =	simm.s32 $0xA;
	s9 =	simm.s32 $0x10;
	s7 =	sld [smem:$0x3FC2]  }
0x96: {  	[smem:s9], [sflag:s8] =	dma.local [hbm:s4], $0x1  }
0x97: {  	_ =	swait.eq [sflag:s8], $0x1  }
0x98: {  	s17 =	sld [smem:$0x10]  }
0x99: {  	s18 =	sld [smem:$0x11];
	[sflag:s8] =	ssyncset.done $0x0  }
0x9a: {  	s10 =	sld [smem:$0x12];
	[sflag:s8] =	ssyncadd.s32 $0xFFFFFFFF  }
0x9b: {  	s19 =	sld [smem:$0x13];
	(tm) =	ssettm $0x1  }
0x9c: {  	s11 =	sld [smem:$0x3FFB];
	_ =	sdelay $0x3  }
0x9d: {  	_ =	strace s11  }
0x9e: {  	s11 =	sld [smem:$0x3FFC];
	_ =	sdelay $0x3  }
0x9f: {  	_ =	strace s11  }
0xa0: {  	s11 =	sld [smem:$0x3FFD];
	_ =	sdelay $0x3  }
0xa1: {  	_ =	strace s11  }
0xa2: {  	_ =	strace $0x8FFFFFFF  }
0xa3: {  	s20 =	sld [smem:$0x3FDB];
	_ =	sdelay $0x1  }
0xa4: {  	s12 =	simm.s32 $_scs_section_size  }
0xa5: {  	s13 =	simm.s32 $_size__tile_overlayer_lowered;
	s14 =	simm.s32 $_tile_overlayer_lowered  }
0xa6: {  	s23 =	simm.s32 $0x1BFF;
	s22 =	sshll.u32 s14, $0x1;
	s11 =	sadd.s32 s12, s20  }
0xa7: {  	s21 =	sshll.u32 s13, $0x1;
	s15 =	simm.s32 $0x0;
	s13 =	sadd.s32 s22, s11  }
0xa8: {  	[timem:s15], [sflag:s23] =	dma.local [hbm:s13], s21  }
0xa9: {  	_ =	swait.ge [sflag:s23], s21  }
0xaa: {  	s12 =	ssub.s32 $0x0, s21;
	[sflag:s23] =	ssyncset.done $0x0  }
0xab: {  	[sflag:s23] =	ssyncadd.s32 s12;
	_ =	sdelay $0x1  }
0xac: {  	s24 =	simm.s32 $0x1B8B  }
0xad: {  	_ =	swait.ge [sflag:s24], $0x1  }
0xae: {  	[sflag:s24] =	ssyncset.done $0x0  }
0xaf: {  	s25 =	simm.s32 $0x1B8E;
	[sflag:s24] =	ssyncadd.s32 $0xFFFFFFFF  }
0xb0: {  	s26 =	simm.s32 $execute0_lowered;
	[smem:$0x3FD2] =	sst s25  }
0xb1: {  	s12 =	sshll.u32 s26, $0x1;
	_ =	strace $0x80000046;
	[dreg:$0x1] =	wrdreg $0xFFFFFFFF  }
0xb2: {  	s28 =	simm.s32 $_size_execute0_lowered;
	s11 =	sadd.s32 s11, s12;
	[dreg:$0x0] =	wrdreg $0x0  }
0xb3: {  	s12 =	sshll.u32 s28, $0x1;
	[dreg:$0x2] =	wrdreg s11  }
0xb4: {  	[dreg:$0x3] =	wrdreg s12  }
0xb5: {  	[dreg:$0x4] =	wrdreg $0xC0  }
0xb6: {  	_ =	task [dreg:s15], $0x5FFFF  }
0xb7: {  	[dreg:$0x1] =	wrdreg $0xFFFFFFFF  }
0xb8: {  	[dreg:$0x0] =	wrdreg $0x60  }
0xb9: {  	[dreg:$0x2] =	wrdreg s2  }
0xba: {  	[dreg:$0x3] =	wrdreg s18  }
0xbb: {  	[dreg:$0x4] =	wrdreg s10  }
0xbc: {  	[dreg:$0x5] =	wrdreg s19  }
0xbd: {  	[dreg:$0x6] =	wrdreg s16  }
0xbe: {  	[dreg:$0x7] =	wrdreg s5  }
0xbf: {  	[dreg:$0x8] =	wrdreg s6  }
0xc0: {  	[dreg:$0x9] =	wrdreg s7  }
0xc1: {  	[dreg:$0xa] =	wrdreg s17  }
0xc2: {  	[dreg:$0xb] =	wrdreg $0x9  }
0xc3: {  	_ =	task.clear_ibuf [dreg:s15], $0xCFFFF;
	_ =	strace $0x90000046  }
0xc4: {  	s29 =	simm.s32 $0x9;
	_ =	strace $0x80000054  }
0xc5: {  	_ =	swait.ge [sflag:s29], $0x1  }
0xc6: {  	[sflag:s29] =	ssyncadd.s32 $0xFFFFFFFF  }
0xc7: {  	_ =	strace $0x90000054  }
0xc8: {  	_ =	sfence  }
0xc9: {  	s30 =	sld [smem:$0x0];
	_ =	sdelay $0x2  }
0xca: {  	s31 =	sshll.u32 s1, $0xD;
	s1 =	sshrl.u32 s1, $0x2  }
0xcb: {  	s3 =	sand.u32 $0x4000, s31;
	s1 =	sadd.s32 s1, s30  }
0xcc: {  	s0 =	sor.u32 s3, s0;
	s1 =	sshll.u32 s1, $0x11  }
0xcd: {  	s0 =	sor.u32 s1, s0  }
0xce: {  	s0 =	sadd.s32 $0x8F2B, s0  }
0xcf: {  	[sflag:s0] =	ssyncadd.remote.s32 $0x1  }
0xd0: {  	_ =	sfence.sel $0xFFFF  }
0xd1: {  	[dreg:$0x0] =	wrdreg $0xFFFFFFFF;
	(pc) =	sbr.abs _section_cstart, $3  }
0xd2: {  	[dreg:$0x1] =	wrdreg $0xFFFFFFFF  }
0xd3: {  	_ =	task.clear_ibuf [dreg:s15], $0x2FFFF;
	_ =	strace $0x9FFFFFFF  }
0xd4: {  	(tm) =	ssettm $0x7FFFFFFF  }
0xd5: {  	_ =	shalt  }
tec
execute0_lowered:
.L_overlay_start_1:
0x0: {  	(tag) =	ssettag $0x1  }
0x1: {  	s0 =	rddreg [dreg:$0x0]  }
0x2: {  	s1 =	rddreg [dreg:$0x1]  }
0x3: {  	s2 =	rddreg [dreg:$0x2]  }
0x4: {  	s3 =	rddreg [dreg:$0x3]  }
0x5: {  	s4 =	rddreg [dreg:$0x6];
	s5 =	srdreg.scid  }
0x6: {  	s6 =	stileid.u32;
	s7 =	rddreg [dreg:$0x8]  }
0x7: {  	s8 =	simm.s32 $0x0;
	s21 =	simm.s32 $0x4000;
	s22 =	simm.s32 $0x8000  }
0x8: {  	s23 =	simm.s32 $0xCC80;
	s24 =	simm.s32 $0xD900;
	s29 =	simm.s32 $0x1  }
0x9: {  	s30 =	simm.s32 $0xC000;
	s31 =	simm.s32 $0x3;
	s13 =	simm.s32 $0x0  }
0xa: {  	s5 =	sand.u32 $0x1, s5;
	s6 =	sshll.u32 s6, $0x1;
	s25 =	sadd.s32 $0x183800, s0  }
0xb: {  	[smem:$0x7FF] =	sst s8;
	s26 =	sadd.s32 $0x183D00, s0;
	s18 =	sadd.s32 $0x3070, s2  }
0xc: {  	s19 =	sadd.s32 $0x3070, s3;
	s6 =	sor.u32 s5, s6;
	s5 =	ssub.s32 $0x2, s5  }
0xd: {  	_ =	strace $0x80000047;
	[dreg:$0xf] =	wrdreg s25;
	s9 =	smul.u32 $0xC80, s6  }
0xe: {  	[dreg:$0x10] =	wrdreg s26;
	s25 =	simm.s32 $0xE580;
	s12 =	smul.u32 $0xC800, s6  }
0xf: {  	v0 =	vimm.s32 $0xFFEDCBA9;
	v1 =	vimm.s32 $0x87654321;
	s10 =	sshrl.u32 s5, $0x1;
	p0 =	seq.s32 s6, $0x1F;
	s6 =	simm.s32 $0x7  }
0x10: {  	v0 =	vunpack.c.l.s4.s8 v0;
	v1 =	vunpack.c.l.s4.s8 v1;
	s5 =	ssub.s32 s5, s10;
	s14 =	sshrl.u32 s9, $0x3;
	s16 =	sadd.s32 s0, s12  }
0x11: {  	v3 =	vlaneseq.u32;
	s17 =	sadd.s32 $0xC80, s9;
	s28 =	sadd.s32 $0x320, s9;
	s20 =	smax.u32 s5, $0x1  }
.Ltmp0:
0x12: {  	vm0 =	vcmask $0x3F3C;
	v4 =	vunpack.c.0.s8.s32 v0;
	v5 =	vunpack.c.0.s8.s32 v1;
	s11 =	sadd.s32 s1, s14;
	[dreg:$0xc] =	wrdreg s16;
	(pc) =	sbr.rel .LBB2_1-.Ltmp0, $4  }
0x13: {  	v11 =	vimm.s32 $0x0;
	vm1 =	vmmov $0xffff;
	v6 =	vor.u32 $0x3FC0, v3;
	s5 =	simm.s32 $0x2;
	s15 =	sadd.s32 s2, s14;
	[dreg:$0xa] =	wrdreg s11  }
0x14: {  	v8 =	vor.u32 $0x3FD0, v3;
	v9 =	vor.u32 $0x3FE0, v3;
	v4 =	vcombine.low v5, v4;
	s1 =	sadd.s32 $0x3070, s1;
	s2 =	simm.s32 $0x4;
	[dreg:$0xb] =	wrdreg s15  }
0x15: {  	v10 =	vor.u32 $0x3FF0, v3;
	v2 =	vmov s9;
	v5 =	vimm.s32 $0xFFFFFFFF;
	s11 =	sadd.s32 $0x500, s16;
	[dreg:$0xe] =	wrdreg s1;
	s15 =	sadd.s32 s3, s14  }
0x16: {  	v0 =	vmov s17;
	v1 =	vmov s28;
	v7 =	vand.u32 $0xF, v4;
	s1 =	simm.s32 $0x5;
	s3 =	simm.s32 $0x6;
	[dreg:$0xd] =	wrdreg s11  }
.LBB2_28:
0x17: {  	_ =	sdelay $0x3  }
0x18: {  	[tilespmem:s28], [sflag:$0x5] =	stream.indirect_vreg.gather @!p1 [hbm4b:s4+s10], $0x80, v12, vm2, $0x2000b8;
	[tilespmem:$0x1AD00] =	vst v63  }
0x19: {  	_ =	swait.ge [sflag:s3], $0x800  }
0x1a: {  	[sflag:s3] =	ssyncset.done $0x0  }
0x1b: {  	[sflag:s3] =	ssyncadd.s32 $0xFFFFF800  }
0x1c: {  	_ =	swait.ge [sflag:s3], $0x800  }
0x1d: {  	[sflag:s3] =	ssyncset.done $0x0  }
0x1e: {  	[sflag:s3] =	ssyncadd.s32 $0xFFFFF800  }
0x1f: {  	_ =	swait.ge [sflag:s3], $0x800  }
0x20: {  	[sflag:s3] =	ssyncset.done $0x0  }
0x21: {  	[sflag:s3] =	ssyncadd.s32 $0xFFFFF800  }
0x22: {  	_ =	swait.ge [sflag:s3], $0x800  }
0x23: {  	[sflag:s3] =	ssyncset.done $0x0  }
0x24: {  	[sflag:s3] =	ssyncadd.s32 $0xFFFFF800  }
0x25: {  	_ =	swait.ge [sflag:s3], $0x800  }
0x26: {  	[sflag:s3] =	ssyncset.done $0x0  }
0x27: {  	[sflag:s3] =	ssyncadd.s32 $0xFFFFF800  }
0x28: {  	_ =	swait.ge [sflag:s3], $0x800  }
0x29: {  	[sflag:s3] =	ssyncset.done $0x0  }
0x2a: {  	[sflag:s3] =	ssyncadd.s32 $0xFFFFF800  }
0x2b: {  	_ =	swait.ge [sflag:s3], $0x800  }
0x2c: {  	[sflag:s3] =	ssyncset.done $0x0  }
0x2d: {  	[sflag:s3] =	ssyncadd.s32 $0xFFFFF800  }
0x2e: {  	_ =	swait.ge [sflag:s3], $0x800  }
0x2f: {  	[sflag:s3] =	ssyncset.done $0x0  }
0x30: {  	[sflag:s3] =	ssyncadd.s32 $0xFFFFF800  }
.LBB2_29:
0x31: {  	_ =	strace $0x90000052  }
0x32: {  	_ =	strace $0x80000053  }
0x33: {  	s10 =	rddreg [dreg:$0xe]  }
0x34: {  	[hbm4b:s10+s8] =	stream.linear.scatter [tilespmem:s23], [sflag:$0x7], $0x320, $0x200038;
	[tilespmem:$0x1AD00] =	vst v63  }
0x35: {  	_ =	swait.ge [sflag:s6], $0x320  }
0x36: {  	[sflag:s6] =	ssyncset.done $0x0  }
0x37: {  	[sflag:s6] =	ssyncadd.s32 $0xFFFFFCE0  }
0x38: {  	[hbm4b:s18+s8] =	stream.linear.scatter [tilespmem:s24], [sflag:$0x7], $0x320, $0x200038;
	[tilespmem:$0x1AD00] =	vst v63  }
0x39: {  	_ =	swait.ge [sflag:s6], $0x320  }
0x3a: {  	[sflag:s6] =	ssyncset.done $0x0  }
0x3b: {  	[sflag:s6] =	ssyncadd.s32 $0xFFFFFCE0  }
0x3c: {  	[hbm4b:s19+s8] =	stream.linear.scatter [tilespmem:s25], [sflag:$0x7], $0x320, $0x200038;
	[tilespmem:$0x1AD00] =	vst v63  }
0x3d: {  	_ =	swait.ge [sflag:s6], $0x320  }
0x3e: {  	[sflag:s6] =	ssyncset.done $0x0  }
0x3f: {  	[sflag:s6] =	ssyncadd.s32 $0xFFFFFCE0  }
0x40: {  	_ =	strace $0x90000053  }
.LBB2_30:
0x41: {  	s13 =	sadd.s32 $0x1, s13  }
0x42: {  	p1 =	sne.s32 s13, s20  }
.Ltmp1:
0x43: {  	_ = 	snop;
	(pc) =	sbr.rel @!p1 .LBB2_31-.Ltmp1, $1  }
0x44: {  	_ =	sdelay $0x3  }
.LBB2_1:
.Ltmp2:
0x45: {  	(pc) =	sbr.rel @!p0 .LBB2_2-.Ltmp2, $1  }
0x46: {  	_ =	sdelay $0x3  }
0x47: {  	_ =	strace $0x8000004E  }
0x48: {  	s10 =	simm.s32 $0x0;
	s11 =	rddreg [dreg:$0x4]  }
0x49: {  	[tilespmem:s10], [sflag:$0x1] =	stream.linear.gather [hbm4b:s11+s10], $0x4000, $0x200038;
	[tilespmem:$0x1AD00] =	vst v63  }
0x4a: {  	s12 =	rddreg [dreg:$0x5]  }
0x4b: {  	[tilespmem:s21], [sflag:$0x2] =	stream.linear.gather [hbm4b:s12+s10], $0x4000, $0x200038;
	[tilespmem:$0x1AD00] =	vst v63  }
0x4c: {  	s14 =	rddreg [dreg:$0x7]  }
0x4d: {  	[tilespmem:s22], [sflag:$0x2] =	stream.linear.gather [hbm4b:s14+s10], $0x4000, $0x200038;
	[tilespmem:$0x1AD00] =	vst v63  }
0x4e: {  	s16 =	rddreg [dreg:$0xe]  }
0x4f: {  	[tilespmem:s23], [sflag:$0x2] =	stream.linear.gather [hbm4b:s16+s10], $0x320, $0x200038;
	[tilespmem:$0x1AD00] =	vst v63  }
0x50: {  	_ = 	snop  }
0x51: {  	[tilespmem:s24], [sflag:$0x2] =	stream.linear.gather [hbm4b:s18+s10], $0x320, $0x200038;
	[tilespmem:$0x1AD00] =	vst v63  }
0x52: {  	_ = 	snop  }
0x53: {  	[tilespmem:s25], [sflag:$0x2] =	stream.linear.gather [hbm4b:s19+s10], $0x320, $0x200038;
	[tilespmem:$0x1AD00] =	vst v63  }
0x54: {  	s17 =	rddreg [dreg:$0xf];
	s12 =	simm.s32 $0x10D00  }
0x55: {  	[tilespmem:s12], [sflag:$0x3] =	stream.linear.gather [hbm4b:s17+s10], $0x2800, $0x200038;
	[tilespmem:$0x1AD00] =	vst v63  }
0x56: {  	s28 =	simm.s32 $0x13500;
	s26 =	rddreg [dreg:$0x10]  }
0x57: {  	[tilespmem:s28], [sflag:$0x3] =	stream.linear.gather [hbm4b:s26+s10], $0x2800, $0x200038;
	[tilespmem:$0x1AD00] =	vst v63  }
0x58: {  	_ =	swait.ge [sflag:s29], $0x4000  }
0x59: {  	[sflag:s29] =	ssyncset.done $0x0  }
0x5a: {  	s12 =	simm.s32 $0x0;
	s10 =	simm.s32 $0x40;
	[sflag:s29] =	ssyncadd.s32 $0xFFFFC000  }
.LBB2_18:
0x5b: {  	p1 =	sne.s32 s10, $0xC40;
	[tilespmem:s12+$0xC000] =	vst v5;
	s11 =	smov.u32 s10;
	s10 =	sadd.s32 $0x40, s10  }
.Ltmp3:
0x5c: {  	(pc) =	sbr.rel @p1 .LBB2_18-.Ltmp3, $2  }
0x5d: {  	_ =	sdelay $0x2  }
0x5e: {  	s12 =	sshra.s32 s11, $0x2  }
0x5f: {  	[tilespmem:s12+$0xC000] =	vst v5  }
0x60: {  	s16 =	simm.s32 $0x0;
	_ =	strace $0x9000004E  }
0x61: {  	s17 =	simm.s32 $0x0;
	s12 =	simm.s32 $0x0;
	_ =	strace $0x8000004F  }
.LBB2_20:
0x62: {  	v12 =	vmov s17;
	_ =	sdelay $0x3  }
0x63: {  	s10 =	simm.s32 $0x0  }
0x64: {  	v13 =	vld.idx.msk [tilespmem:v12+s10+$0x0 ss:$0x1], $0xffff;
	_ =	sdelay $0x4  }
0x65: {  	v13 =	vshll.u32 v13, $0xE  }
0x66: {  	v13 =	vor.u32 s16, v13  }
0x67: {  	v13 =	vor.u32 v3, v13  }
0x68: {  	(xrf1) =	vsort.ascd.msk.u32 $0xffff, v13, v13;
	_ =	sdelay $0xd  }
0x69: {  	v13, _, _ =	vpop (xrf1)  }
0x6a: {  	v14 =	vshra.s32 v13, $0xE  }
0x6b: {  	v15 =	vperm.xlane v14, v4;
	_ =	sdelay $0x1  }
0x6c: {  	vm3 =	vge.s32 v14, v2;
	vm4 =	vlt.s32 v14, v1;
	vm2 =	vne.s32 v15, v14  }
0x6d: {  	vm3 =	vmand vm3, vm4;
	vm2 =	vmor vm2, vm0  }
0x6e: {  	v14 =	vsub.s32 v14, v2;
	vm2 =	vmand vm2, vm3  }
0x6f: {  	v14 =	vnsel vm2, $0x0, v14;
	_ =	sdelay $0x4  }
0x70: {  	v15 =	vld.idx.msk [tilespmem:v14+s30+$0x0], $0xffff;
	_ =	sdelay $0x3  }
0x71: {  	v13 =	vand.u32 $0x3FFF, v13  }
0x72: {  	vm3 =	vgt.s32 v15, v13  }
0x73: {  	v13 =	vsel vm3, v15, v13  }
0x74: {  	s28 =	simm.s32 $0x80;
	s26 =	smov.u32 s16;
	s10 =	simm.s32 $0x10;
	[tilespmem:v14+s30+$0x0] =	vst.idx.msk vm2, v13  }
.LBB2_21:
0x75: {  	p1 =	sne.s32 s28, $0x1940;
	v13 =	vld.idx.msk [tilespmem:v12+s10+$0x0 ss:$0x1], $0xffff;
	_ =	sdelay $0x5  }
0x76: {  	s26 =	sadd.s32 $0x10, s26;
	v13 =	vshll.u32 v13, $0xE  }
0x77: {  	v13 =	vor.u32 s26, v13  }
0x78: {  	v13 =	vor.u32 v3, v13  }
0x79: {  	(xrf1) =	vsort.ascd.msk.u32 $0xffff, v13, v13;
	_ =	sdelay $0xd  }
0x7a: {  	v13, _, _ =	vpop (xrf1)  }
0x7b: {  	v14 =	vshra.s32 v13, $0xE  }
0x7c: {  	v15 =	vperm.xlane v14, v4;
	_ =	sdelay $0x1  }
0x7d: {  	vm3 =	vge.s32 v14, v2;
	vm4 =	vlt.s32 v14, v1;
	vm2 =	vne.s32 v15, v14  }
0x7e: {  	vm3 =	vmand vm3, vm4;
	vm2 =	vmor vm2, vm0  }
0x7f: {  	v14 =	vsub.s32 v14, v2;
	vm2 =	vmand vm2, vm3  }
0x80: {  	v14 =	vnsel vm2, $0x0, v14;
	_ =	sdelay $0x4  }
0x81: {  	v15 =	vld.idx.msk [tilespmem:v14+s30+$0x0], $0xffff;
	_ =	sdelay $0x3  }
.Ltmp4:
0x82: {  	(pc) =	sbr.rel @p1 .LBB2_21-.Ltmp4, $4  }
0x83: {  	v13 =	vand.u32 $0x3FFF, v13  }
0x84: {  	vm3 =	vgt.s32 v15, v13  }
0x85: {  	v13 =	vsel vm3, v15, v13  }
0x86: {  	s10 =	sshra.s32 s28, $0x2;
	s28 =	sadd.s32 $0x40, s28;
	[tilespmem:v14+s30+$0x0] =	vst.idx.msk vm2, v13  }
0x87: {  	_ =	sdelay $0x3  }
0x88: {  	v12 =	vld.idx.msk [tilespmem:v12+s10+$0x0 ss:$0x1], $0xffff;
	_ =	sdelay $0x4  }
0x89: {  	s26 =	sadd.s32 $0x10, s26;
	v12 =	vshll.u32 v12, $0xE  }
0x8a: {  	v12 =	vor.u32 s26, v12  }
0x8b: {  	v12 =	vor.u32 v3, v12  }
0x8c: {  	(xrf1) =	vsort.ascd.msk.u32 $0xffff, v12, v12;
	_ =	sdelay $0xd  }
0x8d: {  	v12, _, _ =	vpop (xrf1)  }
0x8e: {  	v13 =	vshra.s32 v12, $0xE  }
0x8f: {  	v14 =	vperm.xlane v13, v4;
	_ =	sdelay $0x1  }
0x90: {  	vm3 =	vge.s32 v13, v2;
	vm4 =	vlt.s32 v13, v1;
	vm2 =	vne.s32 v14, v13  }
0x91: {  	vm3 =	vmand vm3, vm4;
	vm2 =	vmor vm2, vm0  }
0x92: {  	v13 =	vsub.s32 v13, v2;
	vm2 =	vmand vm2, vm3  }
0x93: {  	v13 =	vnsel vm2, $0x0, v13;
	_ =	sdelay $0x4  }
0x94: {  	v63 =	vld.idx.msk [tilespmem:v13+s30+$0x0], $0xffff;
	_ =	sdelay $0x3  }
0x95: {  	v12 =	vand.u32 $0x3FFF, v12  }
0x96: {  	vm3 =	vgt.s32 v63, v12  }
0x97: {  	s28 =	sand.u32 $0x3, s12;
	s11 =	smul.u32 $0x2800, s12;
	v12 =	vsel vm3, v63, v12  }
0x98: {  	p1 =	sgt.u32 s12, $0x7;
	s10 =	smul.u32 $0xA000, s28;
	[tilespmem:v13+s30+$0x0] =	vst.idx.msk vm2, v12  }
0x99: {  	p2 =	slt.u32 @!p1 s12, $0x2;
	s11 =	sshrl.u32 s11, $0x3;
	_ =	swait.ge [sflag:s31], $0x2800  }
0x9a: {  	s10 =	sshrl.u32 s10, $0x2;
	s11 =	sadd.s32 s7, s11;
	[sflag:s31] =	ssyncset.done $0x0  }
0x9b: {  	s10 =	sadd.s32 $0x10D00, s10;
	s11 =	sadd.s32 $0x183800, s11;
	[sflag:s31] =	ssyncadd.s32 $0xFFFFD800  }
0x9c: {  	[hbm4b:s11+s8] =	stream.linear.scatter [tilespmem:s10], [sflag:$0x4], $0x2800, $0x200038;
	[tilespmem:$0x1AD00] =	vst v63  }
0x9d: {  	p2 =	por p2, p1;
	s10 =	sadd.s32 $0x2, s12  }
0x9e: {  	s11 =	simm.s32 @!p2 $0x4;
	s14 =	smul.u32 @!p1 $0x2800, s10;
	s10 =	sand.u32 @!p1 $0x3, s10  }
0x9f: {  	_ =	swait.ge @!p2 [sflag:s11], $0x2800;
	s10 =	smul.u32 @!p1 $0xA000, s10  }
0xa0: {  	s12 =	sadd.s32 $0x1, s12;
	[sflag:s11] =	ssyncset.done @!p2 $0x0;
	s14 =	sshrl.u32 @!p1 s14, $0x3  }
0xa1: {  	[sflag:s11] =	ssyncadd.s32 @!p2 $0xFFFFD800;
	s10 =	sshrl.u32 @!p1 s10, $0x2;
	s11 =	sadd.s32 @!p1 s0, s14  }
0xa2: {  	s14 =	simm.s32 @!p1 $0x0;
	s10 =	sadd.s32 @!p1 $0x10D00, s10;
	s11 =	sadd.s32 @!p1 $0x183800, s11  }
0xa3: {  	[tilespmem:s10], [sflag:$0x3] =	stream.linear.gather @!p1 [hbm4b:s11+s14], $0x2800, $0x200038;
	[tilespmem:$0x1AD00] =	vst v63  }
0xa4: {  	p1 =	sne.s32 s12, $0xA  }
.Ltmp5:
0xa5: {  	_ = 	snop;
	(pc) =	sbr.rel @p1 .LBB2_20-.Ltmp5, $2  }
0xa6: {  	_ =	sdelay $0x2  }
0xa7: {  	s17 =	sadd.s32 $0x660, s17;
	s16 =	sadd.s32 $0x660, s16  }
0xa8: {  	v12 =	vld [tilespmem:$0x3FC0];
	_ =	sdelay $0x4  }
0xa9: {  	v12 =	vshll.u32 v12, $0xE  }
0xaa: {  	v12 =	vor.u32 v6, v12  }
0xab: {  	(xrf1) =	vsort.ascd.msk.u32 $0xffff, v12, v12;
	_ =	sdelay $0xd  }
0xac: {  	v12, _, _ =	vpop (xrf1)  }
0xad: {  	v13 =	vshra.s32 v12, $0xE  }
0xae: {  	v14 =	vperm.xlane v13, v7;
	_ =	sdelay $0x1  }
0xaf: {  	vm3 =	vge.s32 v13, v2;
	vm4 =	vlt.s32 v13, v1;
	vm2 =	vne.s32 v14, v13  }
0xb0: {  	vm3 =	vmand vm3, vm4;
	vm2 =	vmor vm2, vm0  }
0xb1: {  	v13 =	vsub.s32 v13, v2;
	vm2 =	vmand vm2, vm3  }
0xb2: {  	v13 =	vnsel vm2, $0x0, v13;
	_ =	sdelay $0x3  }
0xb3: {  	s16 =	simm.s32 $0xC000  }
0xb4: {  	v14 =	vld.idx.msk [tilespmem:v13+s16+$0x0], $0xffff;
	_ =	sdelay $0x3  }
0xb5: {  	v12 =	vand.u32 $0x3FFF, v12  }
0xb6: {  	vm3 =	vgt.s32 v14, v12  }
0xb7: {  	v12 =	vsel vm3, v14, v12  }
0xb8: {  	[tilespmem:v13+s16+$0x0] =	vst.idx.msk vm2, v12  }
0xb9: {  	v12 =	vld [tilespmem:$0x3FD0];
	_ =	sdelay $0x4  }
0xba: {  	v12 =	vshll.u32 v12, $0xE  }
0xbb: {  	v12 =	vor.u32 v8, v12  }
0xbc: {  	(xrf1) =	vsort.ascd.msk.u32 $0xffff, v12, v12;
	_ =	sdelay $0xd  }
0xbd: {  	v12, _, _ =	vpop (xrf1)  }
0xbe: {  	v13 =	vshra.s32 v12, $0xE  }
0xbf: {  	v14 =	vperm.xlane v13, v7;
	_ =	sdelay $0x1  }
0xc0: {  	vm3 =	vge.s32 v13, v2;
	vm13 =	vlt.s32 v13, v1;
	vm2 =	vne.s32 v14, v13  }
0xc1: {  	vm3 =	vmand vm3, vm13;
	vm2 =	vmor vm2, vm0  }
0xc2: {  	v13 =	vsub.s32 v13, v2;
	vm2 =	vmand vm2, vm3  }
0xc3: {  	v13 =	vnsel vm2, $0x0, v13;
	_ =	sdelay $0x4  }
0xc4: {  	v14 =	vld.idx.msk [tilespmem:v13+s16+$0x0], $0xffff;
	_ =	sdelay $0x3  }
0xc5: {  	v12 =	vand.u32 $0x3FFF, v12  }
0xc6: {  	vm3 =	vgt.s32 v14, v12  }
0xc7: {  	v12 =	vsel vm3, v14, v12  }
0xc8: {  	[tilespmem:v13+s16+$0x0] =	vst.idx.msk vm2, v12  }
0xc9: {  	v12 =	vld [tilespmem:$0x3FE0];
	_ =	sdelay $0x4  }
0xca: {  	v12 =	vshll.u32 v12, $0xE  }
0xcb: {  	v12 =	vor.u32 v9, v12  }
0xcc: {  	(xrf1) =	vsort.ascd.msk.u32 $0xffff, v12, v12;
	_ =	sdelay $0xd  }
0xcd: {  	v12, _, _ =	vpop (xrf1)  }
0xce: {  	v13 =	vshra.s32 v12, $0xE  }
0xcf: {  	v14 =	vperm.xlane v13, v7;
	_ =	sdelay $0x1  }
0xd0: {  	vm3 =	vge.s32 v13, v2;
	vm14 =	vlt.s32 v13, v1;
	vm2 =	vne.s32 v14, v13  }
0xd1: {  	vm3 =	vmand vm3, vm14;
	vm2 =	vmor vm2, vm0  }
0xd2: {  	v13 =	vsub.s32 v13, v2;
	vm2 =	vmand vm2, vm3  }
0xd3: {  	v13 =	vnsel vm2, $0x0, v13;
	_ =	sdelay $0x4  }
0xd4: {  	v14 =	vld.idx.msk [tilespmem:v13+s16+$0x0], $0xffff;
	_ =	sdelay $0x3  }
0xd5: {  	v12 =	vand.u32 $0x3FFF, v12  }
0xd6: {  	vm3 =	vgt.s32 v14, v12  }
0xd7: {  	v12 =	vsel vm3, v14, v12  }
0xd8: {  	[tilespmem:v13+s16+$0x0] =	vst.idx.msk vm2, v12  }
0xd9: {  	v12 =	vld [tilespmem:$0x3FF0];
	_ =	sdelay $0x4  }
0xda: {  	v12 =	vshll.u32 v12, $0xE  }
0xdb: {  	v12 =	vor.u32 v10, v12  }
0xdc: {  	(xrf1) =	vsort.ascd.msk.u32 $0xffff, v12, v12;
	_ =	sdelay $0xd  }
0xdd: {  	v12, _, _ =	vpop (xrf1)  }
0xde: {  	v13 =	vshra.s32 v12, $0xE  }
0xdf: {  	v14 =	vperm.xlane v13, v7;
	_ =	sdelay $0x1  }
0xe0: {  	vm3 =	vge.s32 v13, v2;
	vm15 =	vlt.s32 v13, v1;
	vm2 =	vne.s32 v14, v13  }
0xe1: {  	vm3 =	vmand vm3, vm15;
	vm2 =	vmor vm2, vm0  }
0xe2: {  	v13 =	vsub.s32 v13, v2;
	vm2 =	vmand vm2, vm3  }
0xe3: {  	v13 =	vnsel vm2, $0x0, v13;
	_ =	sdelay $0x4  }
0xe4: {  	v14 =	vld.idx.msk [tilespmem:v13+s16+$0x0], $0xffff;
	_ =	sdelay $0x3  }
0xe5: {  	v12 =	vand.u32 $0x3FFF, v12  }
0xe6: {  	vm3 =	vgt.s32 v14, v12  }
0xe7: {  	v12 =	vsel vm3, v14, v12  }
0xe8: {  	[tilespmem:v13+s16+$0x0] =	vst.idx.msk vm2, v12  }
0xe9: {  	_ =	strace $0x9000004F  }
0xea: {  	_ =	strace $0x80000050  }
0xeb: {  	_ =	swait.ge [sflag:s5], $0x4000  }
0xec: {  	[sflag:s5] =	ssyncset.done $0x0  }
0xed: {  	[sflag:s5] =	ssyncadd.s32 $0xFFFFC000  }
0xee: {  	_ =	swait.ge [sflag:s5], $0x4000  }
0xef: {  	[sflag:s5] =	ssyncset.done $0x0  }
0xf0: {  	[sflag:s5] =	ssyncadd.s32 $0xFFFFC000  }
0xf1: {  	_ =	swait.ge [sflag:s5], $0x320  }
0xf2: {  	[sflag:s5] =	ssyncset.done $0x0  }
0xf3: {  	[sflag:s5] =	ssyncadd.s32 $0xFFFFFCE0  }
0xf4: {  	_ =	swait.ge [sflag:s5], $0x320  }
0xf5: {  	[sflag:s5] =	ssyncset.done $0x0  }
0xf6: {  	[sflag:s5] =	ssyncadd.s32 $0xFFFFFCE0  }
0xf7: {  	_ =	swait.ge [sflag:s5], $0x320  }
0xf8: {  	[sflag:s5] =	ssyncset.done $0x0  }
0xf9: {  	[sflag:s5] =	ssyncadd.s32 $0xFFFFFCE0  }
0xfa: {  	_ =	strace $0x90000050  }
0xfb: {  	_ =	strace $0x80000051  }
0xfc: {  	v12 =	vld [tilespmem:s16+$0x0];
	_ =	sdelay $0x4  }
0xfd: {  	vm3 =	vgt.s32 v12, $0x0;
	vm2 =	vgt.s32 v12, $0xFFFFFFFF  }
0xfe: {  	v12 =	vnsel vm3, $0x0, v12;
	v13 =	vsel vm2, $0x1, v11  }
0xff: {  	(xrf0) =	vadd.scan.msk.s32 $0xffff, v13;
	_ =	sdelay $0x3  }
0x100: {  	v12 =	vld.idx.msk [tilespmem:v12+s21+$0x0], $0xffff;
	_ =	sdelay $0x1  }
0x101: {  	v13, _, _ =	vpop (xrf0)  }
0x102: {  	(v2sf) =	vpush v13, $0xF;
	_ =	sdelay $0x1  }
0x103: {  	v13 =	vnsel vm2, $0x0, v12;
	_ =	sdelay $0x3  }
0x104: {  	s12 =	simm.s32 $0x0  }
0x105: {  	v14 =	vor.u32 s12, v3;
	v13 =	vld.idx.msk [tilespmem:v13+s22+$0x0], $0xffff;
	_ =	sdelay $0x4  }
0x106: {  	[tilespmem:v14+s23+$0x0] =	vst.idx.msk vm2, v13  }
0x107: {  	[tilespmem:v14+s24+$0x0] =	vst.idx.msk vm2, v11  }
0x108: {  	v13 =	vadd.s32 v2, v14;
	[tilespmem:v14+s25+$0x0] =	vst.idx.msk vm2, v11  }
0x109: {  	s17 =	simm.s32 $0x10;
	[tilespmem:s12+$0xF200] =	vst.msk vm2, v13;
	s10 =	spop (v2sf)  }
.LBB2_24:
0x10a: {  	p1 =	sne.s32 s17, $0x310;
	[tilespmem:s12+$0xFF80] =	vst.msk vm2, v12;
	s12 =	sadd.s32 s12, s10;
	s16 =	sadd.s32 $0x10, s16  }
0x10b: {  	s10 =	smov.u32 s17;
	s17 =	sadd.s32 $0x10, s17;
	v12 =	vld [tilespmem:s16+$0x0];
	_ =	sdelay $0x4  }
0x10c: {  	vm2 =	vgt.s32 v12, $0x0  }
0x10d: {  	v13 =	vnsel vm2, $0x0, v12  }
0x10e: {  	vm2 =	vgt.s32 v12, $0xFFFFFFFF  }
0x10f: {  	v12 =	vsel vm2, $0x1, v11  }
0x110: {  	(xrf0) =	vadd.scan.msk.s32 $0xffff, v12;
	_ =	sdelay $0x1  }
0x111: {  	v12 =	vld.idx.msk [tilespmem:v13+s21+$0x0], $0xffff;
	_ =	sdelay $0x3  }
0x112: {  	v13, _, _ =	vpop (xrf0)  }
0x113: {  	(v2sf) =	vpush v13, $0xF  }
0x114: {  	v13 =	vnsel vm2, $0x0, v12;
	_ =	sdelay $0x4  }
0x115: {  	v13 =	vld.idx.msk [tilespmem:v13+s22+$0x0], $0xffff  }
0x116: {  	v14 =	vor.u32 s10, v3;
	_ =	sdelay $0x3  }
.Ltmp6:
0x117: {  	(pc) =	sbr.rel @p1 .LBB2_24-.Ltmp6, $4  }
0x118: {  	[tilespmem:v14+s23+$0x0] =	vst.idx.msk vm2, v13  }
0x119: {  	[tilespmem:v14+s24+$0x0] =	vst.idx.msk vm2, v11  }
0x11a: {  	v13 =	vadd.s32 v2, v14;
	[tilespmem:v14+s25+$0x0] =	vst.idx.msk vm2, v11  }
0x11b: {  	[tilespmem:s12+$0xF200] =	vst.msk vm2, v13;
	s10 =	spop (v2sf)  }
0x11c: {  	[tilespmem:s12+$0xFF80] =	vst.msk vm2, v12;
	s12 =	sadd.s32 s12, s10  }
0x11d: {  	_ =	strace $0x90000051;
	p1 =	slt.s32 s12, $0x1  }
0x11e: {  	v12 =	vld @!p1 [tilespmem:$0xF200]  }
0x11f: {  	v13 =	vld @!p1 [tilespmem:$0xFF80];
	v14 =	vlaneseq.u32 @!p1  }
0x120: {  	v15 =	vadd.s32 @!p1 s12, v14  }
0x121: {  	s10 =	sadd.s32 @!p1 $0x10, s12  }
0x122: {  	v16 =	vimm.s32 @!p1 $0x0;
	v17 =	vadd.s32 @!p1 s10, v14  }
0x123: {  	s10 =	sadd.s32 @!p1 $0x20, s12;
	v12 =	vperm.xlane @!p1 v12, v16  }
0x124: {  	s11 =	simm.s32 @!p1 $0xF200;
	v13 =	vperm.xlane @!p1 v13, v16;
	v16 =	vadd.s32 @!p1 s10, v14  }
0x125: {  	s14 =	sadd.s32 @!p1 $0x30, s12;
	s10 =	simm.s32 @!p1 $0xFF80;
	[tilespmem:v15+s11+$0x0] =	vst.idx.msk @!p1 $0xffff, v12  }
0x126: {  	[tilespmem:v15+s10+$0x0] =	vst.idx.msk @!p1 $0xffff, v13;
	v15 =	vadd.s32 @!p1 s14, v14  }
0x127: {  	s14 =	sadd.s32 @!p1 $0x40, s12;
	[tilespmem:v17+s11+$0x0] =	vst.idx.msk @!p1 $0xffff, v12  }
0x128: {  	[tilespmem:v17+s10+$0x0] =	vst.idx.msk @!p1 $0xffff, v13;
	v17 =	vadd.s32 @!p1 s14, v14  }
0x129: {  	s14 =	sadd.s32 @!p1 $0x50, s12;
	[tilespmem:v16+s11+$0x0] =	vst.idx.msk @!p1 $0xffff, v12  }
0x12a: {  	[tilespmem:v16+s10+$0x0] =	vst.idx.msk @!p1 $0xffff, v13;
	v16 =	vadd.s32 @!p1 s14, v14  }
0x12b: {  	s14 =	sadd.s32 @!p1 $0x60, s12;
	[tilespmem:v15+s11+$0x0] =	vst.idx.msk @!p1 $0xffff, v12  }
0x12c: {  	[tilespmem:v15+s10+$0x0] =	vst.idx.msk @!p1 $0xffff, v13;
	v15 =	vadd.s32 @!p1 s14, v14  }
0x12d: {  	s14 =	sadd.s32 @!p1 $0x70, s12;
	[tilespmem:v17+s11+$0x0] =	vst.idx.msk @!p1 $0xffff, v12  }
0x12e: {  	v14 =	vadd.s32 @!p1 s14, v14;
	[tilespmem:v17+s10+$0x0] =	vst.idx.msk @!p1 $0xffff, v13  }
0x12f: {  	[tilespmem:v16+s11+$0x0] =	vst.idx.msk @!p1 $0xffff, v12  }
0x130: {  	[tilespmem:v16+s10+$0x0] =	vst.idx.msk @!p1 $0xffff, v13  }
0x131: {  	[tilespmem:v15+s11+$0x0] =	vst.idx.msk @!p1 $0xffff, v12  }
0x132: {  	[tilespmem:v15+s10+$0x0] =	vst.idx.msk @!p1 $0xffff, v13  }
0x133: {  	[tilespmem:v14+s11+$0x0] =	vst.idx.msk @!p1 $0xffff, v12  }
0x134: {  	[tilespmem:v14+s10+$0x0] =	vst.idx.msk @!p1 $0xffff, v13  }
0x135: {  	_ =	swait.ge [sflag:s2], $0x2800  }
0x136: {  	[sflag:s2] =	ssyncset.done $0x0  }
0x137: {  	[sflag:s2] =	ssyncadd.s32 $0xFFFFD800  }
0x138: {  	_ =	swait.ge [sflag:s2], $0x2800  }
0x139: {  	[sflag:s2] =	ssyncset.done $0x0  }
0x13a: {  	[sflag:s2] =	ssyncadd.s32 $0xFFFFD800  }
0x13b: {  	_ =	swait.ge [sflag:s2], $0x2800  }
0x13c: {  	[sflag:s2] =	ssyncset.done $0x0  }
.Ltmp7:
0x13d: {  	[sflag:s2] =	ssyncadd.s32 $0xFFFFD800;
	(pc) =	sbr.rel @p1 .LBB2_29-.Ltmp7, $4  }
0x13e: {  	_ =	swait.ge [sflag:s2], $0x2800  }
0x13f: {  	[sflag:s2] =	ssyncset.done $0x0  }
0x140: {  	[sflag:s2] =	ssyncadd.s32 $0xFFFFD800  }
0x141: {  	_ =	strace $0x80000052  }
0x142: {  	v12 =	vld [tilespmem:$0xFF80];
	_ =	sdelay $0x6  }
0x143: {  	s10 =	simm.s32 $0x0;
	s11 =	simm.s32 $0x10D00  }
0x144: {  	[tilespmem:s11], [sflag:$0x5] =	stream.indirect_vreg.gather [hbm4b:s4+s10], $0x80, v12, vm1, $0x2000b8;
	[tilespmem:$0x1AD00] =	vst v63  }
0x145: {  	v12 =	vld [tilespmem:$0xFF90];
	_ =	sdelay $0x6  }
0x146: {  	s16 =	simm.s32 $0x11500  }
0x147: {  	[tilespmem:s16], [sflag:$0x5] =	stream.indirect_vreg.gather [hbm4b:s4+s10], $0x80, v12, vm1, $0x2000b8;
	[tilespmem:$0x1AD00] =	vst v63  }
0x148: {  	v12 =	vld [tilespmem:$0xFFA0];
	_ =	sdelay $0x6  }
0x149: {  	s17 =	simm.s32 $0x11D00  }
0x14a: {  	[tilespmem:s17], [sflag:$0x5] =	stream.indirect_vreg.gather [hbm4b:s4+s10], $0x80, v12, vm1, $0x2000b8;
	[tilespmem:$0x1AD00] =	vst v63  }
0x14b: {  	v12 =	vld [tilespmem:$0xFFB0];
	_ =	sdelay $0x6  }
0x14c: {  	s26 =	simm.s32 $0x12500  }
0x14d: {  	[tilespmem:s26], [sflag:$0x5] =	stream.indirect_vreg.gather [hbm4b:s4+s10], $0x80, v12, vm1, $0x2000b8;
	[tilespmem:$0x1AD00] =	vst v63  }
0x14e: {  	v12 =	vld [tilespmem:$0xFFC0];
	_ =	sdelay $0x6  }
0x14f: {  	s14 =	simm.s32 $0x12D00  }
0x150: {  	[tilespmem:s14], [sflag:$0x5] =	stream.indirect_vreg.gather [hbm4b:s4+s10], $0x80, v12, vm1, $0x2000b8;
	[tilespmem:$0x1AD00] =	vst v63  }
0x151: {  	v12 =	vld [tilespmem:$0xFFD0];
	_ =	sdelay $0x6  }
0x152: {  	s16 =	simm.s32 $0x13500  }
0x153: {  	[tilespmem:s16], [sflag:$0x5] =	stream.indirect_vreg.gather [hbm4b:s4+s10], $0x80, v12, vm1, $0x2000b8;
	[tilespmem:$0x1AD00] =	vst v63  }
0x154: {  	v12 =	vld [tilespmem:$0xFFE0];
	_ =	sdelay $0x6  }
0x155: {  	s17 =	simm.s32 $0x13D00  }
0x156: {  	[tilespmem:s17], [sflag:$0x5] =	stream.indirect_vreg.gather [hbm4b:s4+s10], $0x80, v12, vm1, $0x2000b8;
	[tilespmem:$0x1AD00] =	vst v63  }
0x157: {  	v12 =	vld [tilespmem:$0xFFF0];
	_ =	sdelay $0x2  }
0x158: {  	s26 =	sadd.s32 $0x3F, s12  }
0x159: {  	s12 =	sshra.s32 s26, $0x1F  }
0x15a: {  	p1 =	slt.s32 s26, $0x1;
	s12 =	sshrl.u32 s12, $0x1A;
	s14 =	sand.u32 $0x3F, s26  }
0x15b: {  	s11 =	sadd.s32 s12, s26;
	s12 =	simm.s32 $0x1;
	p2 =	sne.s32 s14, $0x0  }
0x15c: {  	s11 =	sshra.s32 s11, $0x6;
	p1 =	por !p1, !p2;
	s16 =	simm.s32 $0x14500  }
0x15d: {  	[tilespmem:s16], [sflag:$0x5] =	stream.indirect_vreg.gather [hbm4b:s4+s10], $0x80, v12, vm1, $0x2000b8;
	[tilespmem:$0x1AD00] =	vst v63  }
0x15e: {  	p1 =	por !p1, !p1;
	s10 =	sand.u32 $0xF, s10;
	_ =	swait.ge [sflag:s1], $0x800  }
0x15f: {  	s12 =	simm.s32 @!p1 $0x0;
	s17 =	smul.u32 $0x34, s10;
	[sflag:s1] =	ssyncset.done $0x0  }
0x160: {  	s11 =	ssub.s32 s11, s12;
	s12 =	simm.s32 $0xF200;
	[sflag:s1] =	ssyncadd.s32 $0xFFFFF800  }
0x161: {  	s14 =	sshrl.u32 s17, $0x8;
	v12 =	vld [tilespmem:s12+$0x0]  }
0x162: {  	p1 =	sgt.s32 s11, $0x2;
	s26 =	smul.u32 $0x5, s14  }
0x163: {  	s11 =	simm.s32 @!p1 $0x2  }
0x164: {  	s16 =	sshll.u32 s11, $0x2;
	s14 =	smul.u32 $0xA000, s14;
	s10 =	ssub.s32 s10, s26  }
0x165: {  	p1 =	sle.u32 s16, $0x8;
	s10 =	sand.u32 $0xFF, s10  }
0x166: {  	s17 =	simm.s32 $0x8;
	s14 =	sshrl.u32 s14, $0x2;
	s10 =	sshll.u32 s10, $0xB  }
0x167: {  	s11 =	sand.u32 @!p1 $0xF, s17;
	s10 =	sadd.s32 s10, s14  }
0x168: {  	p2 =	por $0x1, $0x1;
	s17 =	smul.u32 @!p1 $0x34, s11;
	s10 =	sadd.s32 $0x10D00, s10  }
0x169: {  	[hbm4b:s7+s8] =	stream.indirect_vreg.scatter [tilespmem:s10], [sflag:$0x6], $0x80, v12, vm1, $0x2000b8;
	[tilespmem:$0x1AD00] =	vst v63  }
0x16a: {  	s14 =	sshrl.u32 @!p1 s17, $0x8;
	s10 =	simm.s32 @!p2 $0x6  }
0x16b: {  	s17 =	smul.u32 @!p1 $0x5, s14;
	_ =	swait.ge @!p2 [sflag:s10], $0x800  }
0x16c: {  	p3 =	sne.s32 s16, $0x1;
	s14 =	smul.u32 @!p1 $0xA000, s14;
	[sflag:s10] =	ssyncset.done @!p2 $0x0  }
0x16d: {  	s11 =	ssub.s32 @!p1 s11, s17;
	s17 =	simm.s32 $0x10000;
	[sflag:s10] =	ssyncadd.s32 @!p2 $0xFFFFF800  }
.Ltmp8:
0x16e: {  	v12 =	vld @!p1 [tilespmem:s17+$0x0];
	(pc) =	sbr.rel @!p3 .LBB2_28-.Ltmp8, $4  }
0x16f: {  	s11 =	sand.u32 @!p1 $0xFF, s11  }
0x170: {  	s14 =	sshrl.u32 @!p1 s14, $0x2;
	s11 =	sshll.u32 @!p1 s11, $0xB  }
0x171: {  	s10 =	sadd.s32 @!p1 s11, s14  }
0x172: {  	vm2 =	vmmov @!p1 $0xffff;
	s26 =	simm.s32 $0x1;
	s28 =	sadd.s32 @!p1 $0x10D00, s10;
	s10 =	simm.s32 @!p1 $0x0  }
.LBB2_27:
0x173: {  	s17 =	sadd.s32 $0x10, s17;
	s12 =	sadd.s32 $0x10, s12  }
0x174: {  	s11 =	sand.u32 $0xF, s26  }
0x175: {  	s14 =	smul.u32 $0x34, s11  }
0x176: {  	[tilespmem:s28], [sflag:$0x5] =	stream.indirect_vreg.gather @!p1 [hbm4b:s4+s10], $0x80, v12, vm2, $0x2000b8;
	[tilespmem:$0x1AD00] =	vst v63  }
0x177: {  	s10 =	sshrl.u32 s14, $0x8;
	_ =	swait.ge [sflag:s1], $0x800  }
0x178: {  	s14 =	smul.u32 $0x5, s10;
	[sflag:s1] =	ssyncset.done $0x0  }
0x179: {  	s10 =	smul.u32 $0xA000, s10;
	[sflag:s1] =	ssyncadd.s32 $0xFFFFF800  }
0x17a: {  	s11 =	ssub.s32 s11, s14;
	v12 =	vld [tilespmem:s12+$0x0]  }
0x17b: {  	s11 =	sand.u32 $0xFF, s11  }
0x17c: {  	s10 =	sshrl.u32 s10, $0x2;
	s11 =	sshll.u32 s11, $0xB  }
0x17d: {  	s10 =	sadd.s32 s11, s10  }
0x17e: {  	p3 =	slt.u32 s26, $0x8;
	s11 =	sadd.s32 $0x8, s26;
	s10 =	sadd.s32 $0x10D00, s10  }
0x17f: {  	p1 =	sge.u32 s11, s16;
	s26 =	sadd.s32 $0xFFFFFFF9, s11  }
0x180: {  	s14 =	simm.s32 @!p3 $0x6;
	s11 =	sand.u32 @!p1 $0xF, s11;
	p2 =	sne.s32 s26, s16  }
0x181: {  	s28 =	smul.u32 @!p1 $0x34, s11  }
0x182: {  	[hbm4b:s7+s8] =	stream.indirect_vreg.scatter [tilespmem:s10], [sflag:$0x6], $0x80, v12, vm1, $0x2000b8;
	[tilespmem:$0x1AD00] =	vst v63  }
0x183: {  	s10 =	sshrl.u32 @!p1 s28, $0x8;
	_ =	swait.ge @!p3 [sflag:s14], $0x800  }
0x184: {  	s28 =	smul.u32 @!p1 $0x5, s10;
	[sflag:s14] =	ssyncset.done @!p3 $0x0  }
0x185: {  	s10 =	smul.u32 @!p1 $0xA000, s10;
	[sflag:s14] =	ssyncadd.s32 @!p3 $0xFFFFF800  }
.Ltmp9:
0x186: {  	s11 =	ssub.s32 @!p1 s11, s28;
	v12 =	vld @!p1 [tilespmem:s17+$0x0];
	(pc) =	sbr.rel @p2 .LBB2_27-.Ltmp9, $4  }
0x187: {  	s10 =	sshrl.u32 @!p1 s10, $0x2;
	s11 =	sand.u32 @!p1 $0xFF, s11  }
0x188: {  	s11 =	sshll.u32 @!p1 s11, $0xB  }
0x189: {  	s10 =	sadd.s32 @!p1 s11, s10  }
0x18a: {  	vm2 =	vmmov @!p1 $0xffff;
	s28 =	sadd.s32 @!p1 $0x10D00, s10;
	s10 =	simm.s32 @!p1 $0x0  }
.Ltmp10:
0x18b: {  	_ = 	snop;
	(pc) =	sbr.rel .LBB2_28-.Ltmp10, $1  }
0x18c: {  	_ =	sdelay $0x3  }
.LBB2_2:
0x18d: {  	_ =	strace $0x80000048  }
0x18e: {  	s10 =	simm.s32 $0x0;
	s11 =	rddreg [dreg:$0x4]  }
0x18f: {  	[tilespmem:s10], [sflag:$0x1] =	stream.linear.gather [hbm4b:s11+s10], $0x4000, $0x200038;
	[tilespmem:$0x1AD00] =	vst v63  }
0x190: {  	s28 =	rddreg [dreg:$0x5]  }
0x191: {  	[tilespmem:s21], [sflag:$0x2] =	stream.linear.gather [hbm4b:s28+s10], $0x4000, $0x200038;
	[tilespmem:$0x1AD00] =	vst v63  }
0x192: {  	s12 =	rddreg [dreg:$0x7]  }
0x193: {  	[tilespmem:s22], [sflag:$0x2] =	stream.linear.gather [hbm4b:s12+s10], $0x4000, $0x200038;
	[tilespmem:$0x1AD00] =	vst v63  }
0x194: {  	s14 =	rddreg [dreg:$0xa]  }
0x195: {  	[tilespmem:s23], [sflag:$0x2] =	stream.linear.gather [hbm4b:s14+s10], $0xC80, $0x200038;
	[tilespmem:$0x1AD00] =	vst v63  }
0x196: {  	s16 =	rddreg [dreg:$0xb]  }
0x197: {  	[tilespmem:s24], [sflag:$0x2] =	stream.linear.gather [hbm4b:s16+s10], $0xC80, $0x200038;
	[tilespmem:$0x1AD00] =	vst v63  }
0x198: {  	_ = 	snop  }
0x199: {  	[tilespmem:s25], [sflag:$0x2] =	stream.linear.gather [hbm4b:s15+s10], $0xC80, $0x200038;
	[tilespmem:$0x1AD00] =	vst v63  }
0x19a: {  	s17 =	rddreg [dreg:$0xc];
	s12 =	simm.s32 $0x10D00  }
0x19b: {  	[tilespmem:s12], [sflag:$0x3] =	stream.linear.gather [hbm4b:s17+s10], $0x2800, $0x200038;
	[tilespmem:$0x1AD00] =	vst v63  }
0x19c: {  	s26 =	rddreg [dreg:$0xd];
	s28 =	simm.s32 $0x13500  }
0x19d: {  	[tilespmem:s28], [sflag:$0x3] =	stream.linear.gather [hbm4b:s26+s10], $0x2800, $0x200038;
	[tilespmem:$0x1AD00] =	vst v63  }
0x19e: {  	_ =	swait.ge [sflag:s29], $0x4000  }
0x19f: {  	[sflag:s29] =	ssyncset.done $0x0  }
0x1a0: {  	s12 =	simm.s32 $0x0;
	s10 =	simm.s32 $0x40;
	[sflag:s29] =	ssyncadd.s32 $0xFFFFC000  }
.LBB2_3:
0x1a1: {  	p1 =	sne.s32 s10, $0x31C0;
	[tilespmem:s12+$0xC000] =	vst v5;
	s12 =	smov.u32 s10;
	s10 =	sadd.s32 $0x40, s10  }
.Ltmp11:
0x1a2: {  	(pc) =	sbr.rel @p1 .LBB2_3-.Ltmp11, $2  }
0x1a3: {  	_ =	sdelay $0x2  }
0x1a4: {  	s12 =	sshra.s32 s12, $0x2  }
0x1a5: {  	[tilespmem:s12+$0xC000] =	vst v5  }
0x1a6: {  	s26 =	simm.s32 $0x0;
	_ =	strace $0x90000048  }
0x1a7: {  	s17 =	simm.s32 $0x0;
	s12 =	simm.s32 $0x0;
	_ =	strace $0x80000049  }
.LBB2_5:
0x1a8: {  	v12 =	vmov s17;
	_ =	sdelay $0x3  }
0x1a9: {  	s10 =	simm.s32 $0x0  }
0x1aa: {  	v13 =	vld.idx.msk [tilespmem:v12+s10+$0x0 ss:$0x1], $0xffff;
	_ =	sdelay $0x4  }
0x1ab: {  	v13 =	vshll.u32 v13, $0xE  }
0x1ac: {  	v13 =	vor.u32 s26, v13  }
0x1ad: {  	v13 =	vor.u32 v3, v13  }
0x1ae: {  	(xrf1) =	vsort.ascd.msk.u32 $0xffff, v13, v13;
	_ =	sdelay $0xd  }
0x1af: {  	v13, _, _ =	vpop (xrf1)  }
0x1b0: {  	v14 =	vshra.s32 v13, $0xE  }
0x1b1: {  	v15 =	vperm.xlane v14, v4;
	_ =	sdelay $0x1  }
0x1b2: {  	vm3 =	vge.s32 v14, v2;
	vm4 =	vlt.s32 v14, v0;
	vm2 =	vne.s32 v15, v14  }
0x1b3: {  	vm3 =	vmand vm3, vm4;
	vm2 =	vmor vm2, vm0  }
0x1b4: {  	v14 =	vsub.s32 v14, v2;
	vm2 =	vmand vm2, vm3  }
0x1b5: {  	v14 =	vnsel vm2, $0x0, v14;
	_ =	sdelay $0x4  }
0x1b6: {  	v15 =	vld.idx.msk [tilespmem:v14+s30+$0x0], $0xffff;
	_ =	sdelay $0x3  }
0x1b7: {  	v13 =	vand.u32 $0x3FFF, v13  }
0x1b8: {  	vm3 =	vgt.s32 v15, v13  }
0x1b9: {  	v13 =	vsel vm3, v15, v13  }
0x1ba: {  	s28 =	simm.s32 $0x80;
	s16 =	smov.u32 s26;
	s10 =	simm.s32 $0x10;
	[tilespmem:v14+s30+$0x0] =	vst.idx.msk vm2, v13  }
.LBB2_6:
0x1bb: {  	p1 =	sne.s32 s28, $0x600;
	v13 =	vld.idx.msk [tilespmem:v12+s10+$0x0 ss:$0x1], $0xffff;
	_ =	sdelay $0x5  }
0x1bc: {  	s16 =	sadd.s32 $0x10, s16;
	v13 =	vshll.u32 v13, $0xE  }
0x1bd: {  	v13 =	vor.u32 s16, v13  }
0x1be: {  	v13 =	vor.u32 v3, v13  }
0x1bf: {  	(xrf1) =	vsort.ascd.msk.u32 $0xffff, v13, v13;
	_ =	sdelay $0xd  }
0x1c0: {  	v13, _, _ =	vpop (xrf1)  }
0x1c1: {  	v14 =	vshra.s32 v13, $0xE  }
0x1c2: {  	v15 =	vperm.xlane v14, v4;
	_ =	sdelay $0x1  }
0x1c3: {  	vm3 =	vge.s32 v14, v2;
	vm4 =	vlt.s32 v14, v0;
	vm2 =	vne.s32 v15, v14  }
0x1c4: {  	vm3 =	vmand vm3, vm4;
	vm2 =	vmor vm2, vm0  }
0x1c5: {  	v14 =	vsub.s32 v14, v2;
	vm2 =	vmand vm2, vm3  }
0x1c6: {  	v14 =	vnsel vm2, $0x0, v14;
	_ =	sdelay $0x4  }
0x1c7: {  	v15 =	vld.idx.msk [tilespmem:v14+s30+$0x0], $0xffff;
	_ =	sdelay $0x3  }
.Ltmp12:
0x1c8: {  	(pc) =	sbr.rel @p1 .LBB2_6-.Ltmp12, $4  }
0x1c9: {  	v13 =	vand.u32 $0x3FFF, v13  }
0x1ca: {  	vm3 =	vgt.s32 v15, v13  }
0x1cb: {  	v13 =	vsel vm3, v15, v13  }
0x1cc: {  	s10 =	sshra.s32 s28, $0x2;
	s28 =	sadd.s32 $0x40, s28;
	[tilespmem:v14+s30+$0x0] =	vst.idx.msk vm2, v13  }
0x1cd: {  	_ =	sdelay $0x3  }
0x1ce: {  	v12 =	vld.idx.msk [tilespmem:v12+s10+$0x0 ss:$0x1], $0xffff;
	_ =	sdelay $0x4  }
0x1cf: {  	s14 =	sadd.s32 $0x10, s16;
	v12 =	vshll.u32 v12, $0xE  }
0x1d0: {  	v12 =	vor.u32 s14, v12  }
0x1d1: {  	v12 =	vor.u32 v3, v12  }
0x1d2: {  	(xrf1) =	vsort.ascd.msk.u32 $0xffff, v12, v12;
	_ =	sdelay $0xd  }
0x1d3: {  	v12, _, _ =	vpop (xrf1)  }
0x1d4: {  	v13 =	vshra.s32 v12, $0xE  }
0x1d5: {  	v14 =	vperm.xlane v13, v4;
	_ =	sdelay $0x1  }
0x1d6: {  	vm3 =	vge.s32 v13, v2;
	vm4 =	vlt.s32 v13, v0;
	vm2 =	vne.s32 v14, v13  }
0x1d7: {  	vm3 =	vmand vm3, vm4;
	vm2 =	vmor vm2, vm0  }
0x1d8: {  	v13 =	vsub.s32 v13, v2;
	vm2 =	vmand vm2, vm3  }
0x1d9: {  	v13 =	vnsel vm2, $0x0, v13;
	_ =	sdelay $0x4  }
0x1da: {  	v63 =	vld.idx.msk [tilespmem:v13+s30+$0x0], $0xffff;
	_ =	sdelay $0x3  }
0x1db: {  	v12 =	vand.u32 $0x3FFF, v12  }
0x1dc: {  	vm3 =	vgt.s32 v63, v12  }
0x1dd: {  	s16 =	sand.u32 $0x3, s12;
	s28 =	smul.u32 $0x50, s12;
	v12 =	vsel vm3, v63, v12  }
0x1de: {  	p1 =	sgt.u32 s12, $0x25;
	s10 =	smul.u32 $0xA000, s16;
	[tilespmem:v13+s30+$0x0] =	vst.idx.msk vm2, v12  }
0x1df: {  	p2 =	slt.u32 @!p1 s12, $0x2;
	s16 =	sadd.s32 s9, s28;
	_ =	swait.ge [sflag:s31], $0x2800  }
0x1e0: {  	s10 =	sshrl.u32 s10, $0x2;
	s16 =	sshll.u32 s16, $0x4;
	[sflag:s31] =	ssyncset.done $0x0  }
0x1e1: {  	s10 =	sadd.s32 $0x10D00, s10;
	s16 =	sadd.s32 s7, s16;
	[sflag:s31] =	ssyncadd.s32 $0xFFFFD800  }
0x1e2: {  	[hbm4b:s16+s8] =	stream.linear.scatter [tilespmem:s10], [sflag:$0x4], $0x2800, $0x200038;
	[tilespmem:$0x1AD00] =	vst v63  }
0x1e3: {  	p2 =	por p2, p1;
	s10 =	sadd.s32 $0x2, s12  }
0x1e4: {  	s16 =	simm.s32 @!p2 $0x4;
	s28 =	sand.u32 @!p1 $0x3, s10;
	s10 =	smul.u32 @!p1 $0x50, s10  }
0x1e5: {  	_ =	swait.ge @!p2 [sflag:s16], $0x2800;
	s28 =	smul.u32 @!p1 $0xA000, s28  }
0x1e6: {  	s12 =	sadd.s32 $0x1, s12;
	[sflag:s16] =	ssyncset.done @!p2 $0x0;
	s10 =	sadd.s32 @!p1 s9, s10  }
0x1e7: {  	[sflag:s16] =	ssyncadd.s32 @!p2 $0xFFFFD800;
	s16 =	sshrl.u32 @!p1 s28, $0x2;
	s10 =	sshll.u32 @!p1 s10, $0x4  }
0x1e8: {  	s28 =	simm.s32 @!p1 $0x0;
	s16 =	sadd.s32 @!p1 $0x10D00, s16;
	s10 =	sadd.s32 @!p1 s0, s10  }
0x1e9: {  	[tilespmem:s16], [sflag:$0x3] =	stream.linear.gather @!p1 [hbm4b:s10+s28], $0x2800, $0x200038;
	[tilespmem:$0x1AD00] =	vst v63  }
0x1ea: {  	p1 =	sne.s32 s12, $0x28  }
.Ltmp13:
0x1eb: {  	_ = 	snop;
	(pc) =	sbr.rel @p1 .LBB2_5-.Ltmp13, $2  }
0x1ec: {  	_ =	sdelay $0x2  }
0x1ed: {  	s17 =	sadd.s32 $0x190, s17;
	s26 =	sadd.s32 $0x190, s26  }
0x1ee: {  	s10 =	simm.s32 $0x0;
	s12 =	simm.s32 $0x3E80  }
0x1ef: {  	s16 =	sand.u32 $0x7F80, s12;
	s10 =	sand.u32 $0x70, s10  }
0x1f0: {  	s10 =	sor.u32 s10, s16  }
0x1f1: {  	v12 =	vld [tilespmem:s10+$0x0];
	_ =	sdelay $0x4  }
0x1f2: {  	v12 =	vshll.u32 v12, $0xE  }
0x1f3: {  	v12 =	vor.u32 s12, v12  }
0x1f4: {  	v12 =	vor.u32 v3, v12  }
0x1f5: {  	(xrf1) =	vsort.ascd.msk.u32 $0xffff, v12, v12;
	_ =	sdelay $0xd  }
0x1f6: {  	v14, _, _ =	vpop (xrf1)  }
0x1f7: {  	v12 =	vshra.s32 v14, $0xE  }
0x1f8: {  	v13 =	vperm.xlane v12, v4;
	_ =	sdelay $0x1  }
0x1f9: {  	vm3 =	vge.s32 v12, v2;
	vm4 =	vlt.s32 v12, v0;
	vm2 =	vne.s32 v13, v12  }
0x1fa: {  	vm3 =	vmand vm3, vm4;
	vm2 =	vmor vm2, vm0  }
0x1fb: {  	v12 =	vsub.s32 v12, v2;
	vm2 =	vmand vm2, vm3  }
0x1fc: {  	v12 =	vnsel vm2, $0x0, v12;
	_ =	sdelay $0x4  }
0x1fd: {  	v13 =	vld.idx.msk [tilespmem:v12+s30+$0x0], $0xffff;
	_ =	sdelay $0x3  }
0x1fe: {  	v14 =	vand.u32 $0x3FFF, v14  }
0x1ff: {  	s17 =	simm.s32 $0x3E90;
	s16 =	simm.s32 $0x10;
	s12 =	simm.s32 $0x20;
	vm3 =	vgt.s32 v13, v14  }
.LBB2_9:
0x200: {  	p1 =	sne.s32 s12, $0x170;
	s10 =	sand.u32 $0x7F80, s17;
	s16 =	sand.u32 $0x70, s16;
	v13 =	vsel vm3, v13, v14  }
0x201: {  	s10 =	sor.u32 s16, s10;
	[tilespmem:v12+s30+$0x0] =	vst.idx.msk vm2, v13;
	s16 =	smov.u32 s12  }
0x202: {  	v12 =	vld [tilespmem:s10+$0x0];
	_ =	sdelay $0x4  }
0x203: {  	v12 =	vshll.u32 v12, $0xE  }
0x204: {  	v12 =	vor.u32 s17, v12  }
0x205: {  	v12 =	vor.u32 v3, v12  }
0x206: {  	(xrf1) =	vsort.ascd.msk.u32 $0xffff, v12, v12;
	_ =	sdelay $0xd  }
0x207: {  	v14, _, _ =	vpop (xrf1)  }
0x208: {  	v12 =	vshra.s32 v14, $0xE  }
0x209: {  	v13 =	vperm.xlane v12, v4;
	_ =	sdelay $0x1  }
0x20a: {  	vm3 =	vge.s32 v12, v2;
	vm4 =	vlt.s32 v12, v0;
	vm2 =	vne.s32 v13, v12  }
0x20b: {  	vm3 =	vmand vm3, vm4;
	vm2 =	vmor vm2, vm0  }
0x20c: {  	v12 =	vsub.s32 v12, v2;
	vm2 =	vmand vm2, vm3  }
0x20d: {  	v12 =	vnsel vm2, $0x0, v12;
	_ =	sdelay $0x4  }
0x20e: {  	v13 =	vld.idx.msk [tilespmem:v12+s30+$0x0], $0xffff;
	_ =	sdelay $0x1  }
.Ltmp14:
0x20f: {  	(pc) =	sbr.rel @p1 .LBB2_9-.Ltmp14, $3  }
0x210: {  	_ =	sdelay $0x1  }
0x211: {  	v14 =	vand.u32 $0x3FFF, v14  }
0x212: {  	s12 =	sadd.s32 $0x10, s12;
	s17 =	sadd.s32 $0x3E80, s16;
	vm3 =	vgt.s32 v13, v14  }
0x213: {  	_ =	sdelay $0x3  }
0x214: {  	s10 =	sand.u32 $0x7F80, s17;
	s12 =	sand.u32 $0x70, s16;
	v13 =	vsel vm3, v13, v14  }
0x215: {  	s10 =	sor.u32 s12, s10;
	[tilespmem:v12+s30+$0x0] =	vst.idx.msk vm2, v13  }
0x216: {  	v12 =	vld [tilespmem:s10+$0x0];
	_ =	sdelay $0x4  }
0x217: {  	v12 =	vshll.u32 v12, $0xE  }
0x218: {  	v12 =	vor.u32 s17, v12  }
0x219: {  	v12 =	vor.u32 v3, v12  }
0x21a: {  	(xrf1) =	vsort.ascd.msk.u32 $0xffff, v12, v12;
	_ =	sdelay $0xd  }
0x21b: {  	v12, _, _ =	vpop (xrf1)  }
0x21c: {  	v13 =	vshra.s32 v12, $0xE  }
0x21d: {  	v14 =	vperm.xlane v13, v4;
	_ =	sdelay $0x1  }
0x21e: {  	vm3 =	vge.s32 v13, v2;
	vm4 =	vlt.s32 v13, v0;
	vm2 =	vne.s32 v14, v13  }
0x21f: {  	vm3 =	vmand vm3, vm4;
	vm2 =	vmor vm2, vm0  }
0x220: {  	v13 =	vsub.s32 v13, v2;
	vm2 =	vmand vm2, vm3  }
0x221: {  	v13 =	vnsel vm2, $0x0, v13;
	_ =	sdelay $0x4  }
0x222: {  	v14 =	vld.idx.msk [tilespmem:v13+s30+$0x0], $0xffff;
	_ =	sdelay $0x3  }
0x223: {  	v12 =	vand.u32 $0x3FFF, v12  }
0x224: {  	vm3 =	vgt.s32 v14, v12  }
0x225: {  	v12 =	vsel vm3, v14, v12  }
0x226: {  	[tilespmem:v13+s30+$0x0] =	vst.idx.msk vm2, v12  }
0x227: {  	_ =	strace $0x90000049  }
0x228: {  	_ =	strace $0x8000004A  }
0x229: {  	_ =	swait.ge [sflag:s5], $0x4000  }
0x22a: {  	[sflag:s5] =	ssyncset.done $0x0  }
0x22b: {  	[sflag:s5] =	ssyncadd.s32 $0xFFFFC000  }
0x22c: {  	_ =	swait.ge [sflag:s5], $0x4000  }
0x22d: {  	[sflag:s5] =	ssyncset.done $0x0  }
0x22e: {  	[sflag:s5] =	ssyncadd.s32 $0xFFFFC000  }
0x22f: {  	_ =	swait.ge [sflag:s5], $0xC80  }
0x230: {  	[sflag:s5] =	ssyncset.done $0x0  }
0x231: {  	[sflag:s5] =	ssyncadd.s32 $0xFFFFF380  }
0x232: {  	_ =	swait.ge [sflag:s5], $0xC80  }
0x233: {  	[sflag:s5] =	ssyncset.done $0x0  }
0x234: {  	[sflag:s5] =	ssyncadd.s32 $0xFFFFF380  }
0x235: {  	_ =	swait.ge [sflag:s5], $0xC80  }
0x236: {  	[sflag:s5] =	ssyncset.done $0x0  }
0x237: {  	[sflag:s5] =	ssyncadd.s32 $0xFFFFF380  }
0x238: {  	_ =	strace $0x9000004A  }
0x239: {  	s12 =	simm.s32 $0xC000;
	_ =	strace $0x8000004B  }
0x23a: {  	v12 =	vld [tilespmem:s12+$0x0];
	_ =	sdelay $0x4  }
0x23b: {  	vm3 =	vgt.s32 v12, $0x0;
	vm2 =	vgt.s32 v12, $0xFFFFFFFF  }
0x23c: {  	v12 =	vnsel vm3, $0x0, v12;
	v13 =	vsel vm2, $0x1, v11  }
0x23d: {  	(xrf0) =	vadd.scan.msk.s32 $0xffff, v13;
	_ =	sdelay $0x3  }
0x23e: {  	v12 =	vld.idx.msk [tilespmem:v12+s21+$0x0], $0xffff;
	_ =	sdelay $0x1  }
0x23f: {  	v13, _, _ =	vpop (xrf0)  }
0x240: {  	(v2sf) =	vpush v13, $0xF;
	_ =	sdelay $0x1  }
0x241: {  	v13 =	vnsel vm2, $0x0, v12;
	_ =	sdelay $0x3  }
0x242: {  	s16 =	simm.s32 $0x0  }
0x243: {  	v14 =	vor.u32 s16, v3;
	v13 =	vld.idx.msk [tilespmem:v13+s22+$0x0], $0xffff;
	_ =	sdelay $0x4  }
0x244: {  	[tilespmem:v14+s23+$0x0] =	vst.idx.msk vm2, v13  }
0x245: {  	[tilespmem:v14+s24+$0x0] =	vst.idx.msk vm2, v11  }
0x246: {  	v13 =	vadd.s32 v2, v14;
	[tilespmem:v14+s25+$0x0] =	vst.idx.msk vm2, v11  }
0x247: {  	s17 =	simm.s32 $0x10;
	[tilespmem:s16+$0xF200] =	vst.msk vm2, v13;
	s10 =	spop (v2sf)  }
.LBB2_11:
0x248: {  	p1 =	sne.s32 s17, $0xC70;
	[tilespmem:s16+$0xFF80] =	vst.msk vm2, v12;
	s16 =	sadd.s32 s16, s10;
	s12 =	sadd.s32 $0x10, s12  }
0x249: {  	s10 =	smov.u32 s17;
	s17 =	sadd.s32 $0x10, s17;
	v12 =	vld [tilespmem:s12+$0x0];
	_ =	sdelay $0x4  }
0x24a: {  	vm2 =	vgt.s32 v12, $0x0  }
0x24b: {  	v13 =	vnsel vm2, $0x0, v12  }
0x24c: {  	vm2 =	vgt.s32 v12, $0xFFFFFFFF  }
0x24d: {  	v12 =	vsel vm2, $0x1, v11  }
0x24e: {  	(xrf0) =	vadd.scan.msk.s32 $0xffff, v12;
	_ =	sdelay $0x1  }
0x24f: {  	v12 =	vld.idx.msk [tilespmem:v13+s21+$0x0], $0xffff;
	_ =	sdelay $0x3  }
0x250: {  	v13, _, _ =	vpop (xrf0)  }
0x251: {  	(v2sf) =	vpush v13, $0xF  }
0x252: {  	v13 =	vnsel vm2, $0x0, v12;
	_ =	sdelay $0x4  }
0x253: {  	v13 =	vld.idx.msk [tilespmem:v13+s22+$0x0], $0xffff  }
0x254: {  	v14 =	vor.u32 s10, v3;
	_ =	sdelay $0x3  }
.Ltmp15:
0x255: {  	(pc) =	sbr.rel @p1 .LBB2_11-.Ltmp15, $4  }
0x256: {  	[tilespmem:v14+s23+$0x0] =	vst.idx.msk vm2, v13  }
0x257: {  	[tilespmem:v14+s24+$0x0] =	vst.idx.msk vm2, v11  }
0x258: {  	v13 =	vadd.s32 v2, v14;
	[tilespmem:v14+s25+$0x0] =	vst.idx.msk vm2, v11  }
0x259: {  	[tilespmem:s16+$0xF200] =	vst.msk vm2, v13;
	s10 =	spop (v2sf)  }
0x25a: {  	[tilespmem:s16+$0xFF80] =	vst.msk vm2, v12;
	s12 =	sadd.s32 s16, s10  }
0x25b: {  	_ =	strace $0x9000004B;
	p1 =	slt.s32 s12, $0x1  }
0x25c: {  	v12 =	vld @!p1 [tilespmem:$0xF200]  }
0x25d: {  	v13 =	vld @!p1 [tilespmem:$0xFF80];
	v14 =	vlaneseq.u32 @!p1  }
0x25e: {  	v15 =	vadd.s32 @!p1 s12, v14  }
0x25f: {  	s10 =	sadd.s32 @!p1 $0x10, s12  }
0x260: {  	v16 =	vimm.s32 @!p1 $0x0;
	v17 =	vadd.s32 @!p1 s10, v14  }
0x261: {  	s10 =	sadd.s32 @!p1 $0x20, s12;
	v12 =	vperm.xlane @!p1 v12, v16  }
0x262: {  	s16 =	simm.s32 @!p1 $0xF200;
	v13 =	vperm.xlane @!p1 v13, v16;
	v16 =	vadd.s32 @!p1 s10, v14  }
0x263: {  	s17 =	sadd.s32 @!p1 $0x30, s12;
	s10 =	simm.s32 @!p1 $0xFF80;
	[tilespmem:v15+s16+$0x0] =	vst.idx.msk @!p1 $0xffff, v12  }
0x264: {  	[tilespmem:v15+s10+$0x0] =	vst.idx.msk @!p1 $0xffff, v13;
	v15 =	vadd.s32 @!p1 s17, v14  }
0x265: {  	s17 =	sadd.s32 @!p1 $0x40, s12;
	[tilespmem:v17+s16+$0x0] =	vst.idx.msk @!p1 $0xffff, v12  }
0x266: {  	[tilespmem:v17+s10+$0x0] =	vst.idx.msk @!p1 $0xffff, v13;
	v17 =	vadd.s32 @!p1 s17, v14  }
0x267: {  	s17 =	sadd.s32 @!p1 $0x50, s12;
	[tilespmem:v16+s16+$0x0] =	vst.idx.msk @!p1 $0xffff, v12  }
0x268: {  	[tilespmem:v16+s10+$0x0] =	vst.idx.msk @!p1 $0xffff, v13;
	v16 =	vadd.s32 @!p1 s17, v14  }
0x269: {  	s17 =	sadd.s32 @!p1 $0x60, s12;
	[tilespmem:v15+s16+$0x0] =	vst.idx.msk @!p1 $0xffff, v12  }
0x26a: {  	[tilespmem:v15+s10+$0x0] =	vst.idx.msk @!p1 $0xffff, v13;
	v15 =	vadd.s32 @!p1 s17, v14  }
0x26b: {  	s17 =	sadd.s32 @!p1 $0x70, s12;
	[tilespmem:v17+s16+$0x0] =	vst.idx.msk @!p1 $0xffff, v12  }
0x26c: {  	v14 =	vadd.s32 @!p1 s17, v14;
	[tilespmem:v17+s10+$0x0] =	vst.idx.msk @!p1 $0xffff, v13  }
0x26d: {  	[tilespmem:v16+s16+$0x0] =	vst.idx.msk @!p1 $0xffff, v12  }
0x26e: {  	[tilespmem:v16+s10+$0x0] =	vst.idx.msk @!p1 $0xffff, v13  }
0x26f: {  	[tilespmem:v15+s16+$0x0] =	vst.idx.msk @!p1 $0xffff, v12  }
0x270: {  	[tilespmem:v15+s10+$0x0] =	vst.idx.msk @!p1 $0xffff, v13  }
0x271: {  	[tilespmem:v14+s16+$0x0] =	vst.idx.msk @!p1 $0xffff, v12  }
0x272: {  	[tilespmem:v14+s10+$0x0] =	vst.idx.msk @!p1 $0xffff, v13  }
0x273: {  	_ =	swait.ge [sflag:s2], $0x2800  }
0x274: {  	[sflag:s2] =	ssyncset.done $0x0  }
0x275: {  	[sflag:s2] =	ssyncadd.s32 $0xFFFFD800  }
0x276: {  	_ =	swait.ge [sflag:s2], $0x2800  }
0x277: {  	[sflag:s2] =	ssyncset.done $0x0  }
0x278: {  	[sflag:s2] =	ssyncadd.s32 $0xFFFFD800  }
0x279: {  	_ =	swait.ge [sflag:s2], $0x2800  }
0x27a: {  	[sflag:s2] =	ssyncset.done $0x0  }
.Ltmp16:
0x27b: {  	[sflag:s2] =	ssyncadd.s32 $0xFFFFD800;
	(pc) =	sbr.rel @p1 .LBB2_16-.Ltmp16, $4  }
0x27c: {  	_ =	swait.ge [sflag:s2], $0x2800  }
0x27d: {  	[sflag:s2] =	ssyncset.done $0x0  }
0x27e: {  	[sflag:s2] =	ssyncadd.s32 $0xFFFFD800  }
0x27f: {  	_ =	strace $0x8000004C  }
0x280: {  	v12 =	vld [tilespmem:$0xFF80];
	_ =	sdelay $0x6  }
0x281: {  	s10 =	simm.s32 $0x0;
	s11 =	simm.s32 $0x10D00  }
0x282: {  	[tilespmem:s11], [sflag:$0x5] =	stream.indirect_vreg.gather [hbm4b:s4+s10], $0x80, v12, vm1, $0x2000b8;
	[tilespmem:$0x1AD00] =	vst v63  }
0x283: {  	v12 =	vld [tilespmem:$0xFF90];
	_ =	sdelay $0x6  }
0x284: {  	s14 =	simm.s32 $0x11500  }
0x285: {  	[tilespmem:s14], [sflag:$0x5] =	stream.indirect_vreg.gather [hbm4b:s4+s10], $0x80, v12, vm1, $0x2000b8;
	[tilespmem:$0x1AD00] =	vst v63  }
0x286: {  	v12 =	vld [tilespmem:$0xFFA0];
	_ =	sdelay $0x6  }
0x287: {  	s16 =	simm.s32 $0x11D00  }
0x288: {  	[tilespmem:s16], [sflag:$0x5] =	stream.indirect_vreg.gather [hbm4b:s4+s10], $0x80, v12, vm1, $0x2000b8;
	[tilespmem:$0x1AD00] =	vst v63  }
0x289: {  	v12 =	vld [tilespmem:$0xFFB0];
	_ =	sdelay $0x6  }
0x28a: {  	s17 =	simm.s32 $0x12500  }
0x28b: {  	[tilespmem:s17], [sflag:$0x5] =	stream.indirect_vreg.gather [hbm4b:s4+s10], $0x80, v12, vm1, $0x2000b8;
	[tilespmem:$0x1AD00] =	vst v63  }
0x28c: {  	v12 =	vld [tilespmem:$0xFFC0];
	_ =	sdelay $0x6  }
0x28d: {  	s26 =	simm.s32 $0x12D00  }
0x28e: {  	[tilespmem:s26], [sflag:$0x5] =	stream.indirect_vreg.gather [hbm4b:s4+s10], $0x80, v12, vm1, $0x2000b8;
	[tilespmem:$0x1AD00] =	vst v63  }
0x28f: {  	v12 =	vld [tilespmem:$0xFFD0];
	_ =	sdelay $0x6  }
0x290: {  	s14 =	simm.s32 $0x13500  }
0x291: {  	[tilespmem:s14], [sflag:$0x5] =	stream.indirect_vreg.gather [hbm4b:s4+s10], $0x80, v12, vm1, $0x2000b8;
	[tilespmem:$0x1AD00] =	vst v63  }
0x292: {  	v12 =	vld [tilespmem:$0xFFE0];
	_ =	sdelay $0x6  }
0x293: {  	s16 =	simm.s32 $0x13D00  }
0x294: {  	[tilespmem:s16], [sflag:$0x5] =	stream.indirect_vreg.gather [hbm4b:s4+s10], $0x80, v12, vm1, $0x2000b8;
	[tilespmem:$0x1AD00] =	vst v63  }
0x295: {  	v12 =	vld [tilespmem:$0xFFF0];
	_ =	sdelay $0x2  }
0x296: {  	s12 =	sadd.s32 $0x3F, s12  }
0x297: {  	s17 =	sand.u32 $0x3F, s12  }
0x298: {  	p1 =	slt.s32 s12, $0x1;
	p2 =	sne.s32 s17, $0x0;
	s16 =	sshra.s32 s12, $0x1F  }
0x299: {  	s17 =	simm.s32 $0x14500;
	p1 =	por !p1, !p2;
	s16 =	sshrl.u32 s16, $0x1A  }
0x29a: {  	p1 =	por !p1, !p1;
	s12 =	sadd.s32 s16, s12;
	s16 =	simm.s32 $0x1  }
0x29b: {  	[tilespmem:s17], [sflag:$0x5] =	stream.indirect_vreg.gather [hbm4b:s4+s10], $0x80, v12, vm1, $0x2000b8;
	[tilespmem:$0x1AD00] =	vst v63  }
0x29c: {  	s12 =	sshra.s32 s12, $0x6;
	s10 =	sand.u32 $0xF, s10;
	_ =	swait.ge [sflag:s1], $0x800  }
0x29d: {  	s16 =	simm.s32 @!p1 $0x0;
	s26 =	smul.u32 $0x34, s10;
	[sflag:s1] =	ssyncset.done $0x0  }
0x29e: {  	s16 =	ssub.s32 s12, s16;
	s12 =	simm.s32 $0xF200;
	[sflag:s1] =	ssyncadd.s32 $0xFFFFF800  }
0x29f: {  	s17 =	sshrl.u32 s26, $0x8;
	v12 =	vld [tilespmem:s12+$0x0]  }
0x2a0: {  	s26 =	smul.u32 $0x5, s17  }
0x2a1: {  	p1 =	sgt.s32 s16, $0x2  }
0x2a2: {  	s16 =	simm.s32 @!p1 $0x2;
	s17 =	smul.u32 $0xA000, s17;
	s10 =	ssub.s32 s10, s26  }
0x2a3: {  	s28 =	simm.s32 $0x8;
	s16 =	sshll.u32 s16, $0x2;
	s10 =	sand.u32 $0xFF, s10  }
0x2a4: {  	p1 =	sle.u32 s16, $0x8;
	s17 =	sshrl.u32 s17, $0x2;
	s10 =	sshll.u32 s10, $0xB  }
0x2a5: {  	s26 =	sand.u32 @!p1 $0xF, s28;
	s10 =	sadd.s32 s10, s17  }
0x2a6: {  	p2 =	por $0x1, $0x1;
	s28 =	smul.u32 @!p1 $0x34, s26;
	s10 =	sadd.s32 $0x10D00, s10  }
0x2a7: {  	[hbm4b:s7+s8] =	stream.indirect_vreg.scatter [tilespmem:s10], [sflag:$0x6], $0x80, v12, vm1, $0x2000b8;
	[tilespmem:$0x1AD00] =	vst v63  }
0x2a8: {  	s10 =	simm.s32 @!p2 $0x6  }
0x2a9: {  	s17 =	sshrl.u32 @!p1 s28, $0x8;
	_ =	swait.ge @!p2 [sflag:s10], $0x800  }
0x2aa: {  	p3 =	sne.s32 s16, $0x1;
	s28 =	smul.u32 @!p1 $0x5, s17;
	[sflag:s10] =	ssyncset.done @!p2 $0x0  }
0x2ab: {  	s11 =	smul.u32 @!p1 $0xA000, s17;
	s17 =	simm.s32 $0x10000;
	[sflag:s10] =	ssyncadd.s32 @!p2 $0xFFFFF800  }
.Ltmp17:
0x2ac: {  	s26 =	ssub.s32 @!p1 s26, s28;
	v12 =	vld @!p1 [tilespmem:s17+$0x0];
	(pc) =	sbr.rel @!p3 .LBB2_15-.Ltmp17, $4  }
0x2ad: {  	s26 =	sand.u32 @!p1 $0xFF, s26  }
0x2ae: {  	s11 =	sshrl.u32 @!p1 s11, $0x2;
	s26 =	sshll.u32 @!p1 s26, $0xB  }
0x2af: {  	s10 =	sadd.s32 @!p1 s26, s11  }
0x2b0: {  	vm2 =	vmmov @!p1 $0xffff;
	s26 =	simm.s32 $0x1;
	s28 =	sadd.s32 @!p1 $0x10D00, s10;
	s10 =	simm.s32 @!p1 $0x0  }
.LBB2_14:
0x2b1: {  	s17 =	sadd.s32 $0x10, s17;
	s12 =	sadd.s32 $0x10, s12  }
0x2b2: {  	s11 =	sand.u32 $0xF, s26  }
0x2b3: {  	s14 =	smul.u32 $0x34, s11  }
0x2b4: {  	[tilespmem:s28], [sflag:$0x5] =	stream.indirect_vreg.gather @!p1 [hbm4b:s4+s10], $0x80, v12, vm2, $0x2000b8;
	[tilespmem:$0x1AD00] =	vst v63  }
0x2b5: {  	s10 =	sshrl.u32 s14, $0x8;
	_ =	swait.ge [sflag:s1], $0x800  }
0x2b6: {  	s14 =	smul.u32 $0x5, s10;
	[sflag:s1] =	ssyncset.done $0x0  }
0x2b7: {  	s10 =	smul.u32 $0xA000, s10;
	[sflag:s1] =	ssyncadd.s32 $0xFFFFF800  }
0x2b8: {  	s11 =	ssub.s32 s11, s14;
	v12 =	vld [tilespmem:s12+$0x0]  }
0x2b9: {  	s11 =	sand.u32 $0xFF, s11  }
0x2ba: {  	s10 =	sshrl.u32 s10, $0x2;
	s11 =	sshll.u32 s11, $0xB  }
0x2bb: {  	s10 =	sadd.s32 s11, s10  }
0x2bc: {  	p3 =	slt.u32 s26, $0x8;
	s11 =	sadd.s32 $0x8, s26;
	s10 =	sadd.s32 $0x10D00, s10  }
0x2bd: {  	p1 =	sge.u32 s11, s16;
	s26 =	sadd.s32 $0xFFFFFFF9, s11  }
0x2be: {  	s14 =	simm.s32 @!p3 $0x6;
	s11 =	sand.u32 @!p1 $0xF, s11;
	p2 =	sne.s32 s26, s16  }
0x2bf: {  	s28 =	smul.u32 @!p1 $0x34, s11  }
0x2c0: {  	[hbm4b:s7+s8] =	stream.indirect_vreg.scatter [tilespmem:s10], [sflag:$0x6], $0x80, v12, vm1, $0x2000b8;
	[tilespmem:$0x1AD00] =	vst v63  }
0x2c1: {  	s10 =	sshrl.u32 @!p1 s28, $0x8;
	_ =	swait.ge @!p3 [sflag:s14], $0x800  }
0x2c2: {  	s28 =	smul.u32 @!p1 $0x5, s10;
	[sflag:s14] =	ssyncset.done @!p3 $0x0  }
0x2c3: {  	s10 =	smul.u32 @!p1 $0xA000, s10;
	[sflag:s14] =	ssyncadd.s32 @!p3 $0xFFFFF800  }
.Ltmp18:
0x2c4: {  	s11 =	ssub.s32 @!p1 s11, s28;
	v12 =	vld @!p1 [tilespmem:s17+$0x0];
	(pc) =	sbr.rel @p2 .LBB2_14-.Ltmp18, $4  }
0x2c5: {  	s10 =	sshrl.u32 @!p1 s10, $0x2;
	s11 =	sand.u32 @!p1 $0xFF, s11  }
0x2c6: {  	s11 =	sshll.u32 @!p1 s11, $0xB  }
0x2c7: {  	s10 =	sadd.s32 @!p1 s11, s10  }
0x2c8: {  	vm2 =	vmmov @!p1 $0xffff;
	s28 =	sadd.s32 @!p1 $0x10D00, s10;
	s10 =	simm.s32 @!p1 $0x0  }
.LBB2_15:
0x2c9: {  	_ =	sdelay $0x3  }
0x2ca: {  	[tilespmem:s28], [sflag:$0x5] =	stream.indirect_vreg.gather @!p1 [hbm4b:s4+s10], $0x80, v12, vm2, $0x2000b8;
	[tilespmem:$0x1AD00] =	vst v63  }
0x2cb: {  	_ =	swait.ge [sflag:s3], $0x800  }
0x2cc: {  	[sflag:s3] =	ssyncset.done $0x0  }
0x2cd: {  	[sflag:s3] =	ssyncadd.s32 $0xFFFFF800  }
0x2ce: {  	_ =	swait.ge [sflag:s3], $0x800  }
0x2cf: {  	[sflag:s3] =	ssyncset.done $0x0  }
0x2d0: {  	[sflag:s3] =	ssyncadd.s32 $0xFFFFF800  }
0x2d1: {  	_ =	swait.ge [sflag:s3], $0x800  }
0x2d2: {  	[sflag:s3] =	ssyncset.done $0x0  }
0x2d3: {  	[sflag:s3] =	ssyncadd.s32 $0xFFFFF800  }
0x2d4: {  	_ =	swait.ge [sflag:s3], $0x800  }
0x2d5: {  	[sflag:s3] =	ssyncset.done $0x0  }
0x2d6: {  	[sflag:s3] =	ssyncadd.s32 $0xFFFFF800  }
0x2d7: {  	_ =	swait.ge [sflag:s3], $0x800  }
0x2d8: {  	[sflag:s3] =	ssyncset.done $0x0  }
0x2d9: {  	[sflag:s3] =	ssyncadd.s32 $0xFFFFF800  }
0x2da: {  	_ =	swait.ge [sflag:s3], $0x800  }
0x2db: {  	[sflag:s3] =	ssyncset.done $0x0  }
0x2dc: {  	[sflag:s3] =	ssyncadd.s32 $0xFFFFF800  }
0x2dd: {  	_ =	swait.ge [sflag:s3], $0x800  }
0x2de: {  	[sflag:s3] =	ssyncset.done $0x0  }
0x2df: {  	[sflag:s3] =	ssyncadd.s32 $0xFFFFF800  }
0x2e0: {  	_ =	swait.ge [sflag:s3], $0x800  }
0x2e1: {  	[sflag:s3] =	ssyncset.done $0x0  }
0x2e2: {  	[sflag:s3] =	ssyncadd.s32 $0xFFFFF800  }
.LBB2_16:
0x2e3: {  	_ =	strace $0x9000004C  }
0x2e4: {  	_ =	strace $0x8000004D  }
0x2e5: {  	s10 =	rddreg [dreg:$0xa]  }
0x2e6: {  	[hbm4b:s10+s8] =	stream.linear.scatter [tilespmem:s23], [sflag:$0x7], $0xC80, $0x200038;
	[tilespmem:$0x1AD00] =	vst v63  }
0x2e7: {  	_ =	swait.ge [sflag:s6], $0xC80  }
0x2e8: {  	[sflag:s6] =	ssyncset.done $0x0  }
0x2e9: {  	s28 =	rddreg [dreg:$0xb];
	[sflag:s6] =	ssyncadd.s32 $0xFFFFF380  }
0x2ea: {  	[hbm4b:s28+s8] =	stream.linear.scatter [tilespmem:s24], [sflag:$0x7], $0xC80, $0x200038;
	[tilespmem:$0x1AD00] =	vst v63  }
0x2eb: {  	_ =	swait.ge [sflag:s6], $0xC80  }
0x2ec: {  	[sflag:s6] =	ssyncset.done $0x0  }
0x2ed: {  	[sflag:s6] =	ssyncadd.s32 $0xFFFFF380  }
0x2ee: {  	[hbm4b:s15+s8] =	stream.linear.scatter [tilespmem:s25], [sflag:$0x7], $0xC80, $0x200038;
	[tilespmem:$0x1AD00] =	vst v63  }
.Ltmp19:
0x2ef: {  	_ = 	snop;
	(pc) =	sbr.rel .LBB2_30-.Ltmp19, $4  }
0x2f0: {  	_ =	swait.ge [sflag:s6], $0xC80  }
0x2f1: {  	[sflag:s6] =	ssyncset.done $0x0  }
0x2f2: {  	[sflag:s6] =	ssyncadd.s32 $0xFFFFF380  }
0x2f3: {  	_ =	strace $0x9000004D  }
.LBB2_31:
0x2f4: {  	_ =	sfence.sel $0x180000  }
0x2f5: {  	[bflag:$0x0] =	sbarrier.arrive $0xFFFF  }
0x2f6: {  	_ =	strace $0x90000047  }
0x2f7: {  	s0 =	stileid.u32;
	[bflag:$0x2] =	sbarrier.arrive $0xFFFF  }
0x2f8: {  	p0 =	sne.s32 s0, $0x0;
	s0 =	rddreg [dreg:$0x9]  }
0x2f9: {  	s0 =	sadd.s32 @!p0 $0x100000, s0  }
0x2fa: {  	[sflag:s0] =	ssyncadd.tile.s32 @!p0 $0x1;
	_ =	shalt  }
.Lfunc_end2:
_tile_overlayer_lowered:
.L_overlay_start_2:
0x2fb: {  	(tag) =	ssettag $0x2  }
0x2fc: {  	s0 =	rddreg [dreg:$0x0];
	s2 =	stileid.u32  }
0x2fd: {  	s1 =	rddreg [dreg:$0x1];
	p0 =	sne.s32 s2, $0x0  }
0x2fe: {  	s3 =	rddreg [dreg:$0x2];
	[bflag:$0x3] =	sbarrier.arrive $0xFFFF;
	s2 =	simm.s32 @!p0 $0x1C07  }
0x2ff: {  	[timem:s3], [sflag:s2] =	dma.local @!p0 [hbm:s0], s1  }
0x300: {  	s0 =	simm.s32 @!p0 $0x7  }
0x301: {  	_ =	swait.ge @!p0 [sflag:s0], s1  }
0x302: {  	s1 =	ssub.s32 @!p0 $0x0, s1;
	[sflag:s0] =	ssyncset.done @!p0 $0x0  }
0x303: {  	[sflag:s0] =	ssyncadd.s32 @!p0 s1  }
0x304: {  	[bflag:$0x3] =	sbarrier.arrive $0xFFFF  }
0x305: {  	_ =	shalt  }

</sc_bundles>
